<compile_context>
chip_gen: v7x
topology: tpu7x:2x2x1
jax: 0.10.2.dev20260603
libtpu: 0.0.44.dev20260713+nightly
codegen_flags: <defaults>
</compile_context>

<pallas_src>
import jax
import jax.numpy as jnp
from jax import lax
from jax.experimental import pallas as pl
from jax.experimental.pallas import tpu as pltpu
from jax.experimental.pallas import tpu_sc as plsc

KMER = 1024
B, L = 4096, 200
LP = 205
NW = 32
QB = B // NW
CHL = 40
NCHL = L // CHL


def _sc_body(idx_hbm, mask_hbm, w4_hbm, t5_hbm,
             rates_hbm, csp_hbm,
             idx_p, mask_p, wt_v0, wt_v1, rates_v0, rates_v1,
             t5_tab,
             sin0, sin1, scsp0, scsp1, srat0, srat1):
    bt = lax.axis_index("s") * 2 + lax.axis_index("c")

    wts = [wt_v0, wt_v1]
    rvs = [rates_v0, rates_v1]
    sins = [sin0, sin1]
    scsps = [scsp0, scsp1]
    srats = [srat0, srat1]

    iota205 = lax.iota(jnp.int32, 16) * LP

    def in_copy(c, b):
        return pltpu.async_copy(
            w4_hbm.at[pl.ds(c * CHL, CHL), bt], wts[b], sins[b])

    def out_copies(c, b):
        return (pltpu.async_copy(
                    wts[b], csp_hbm.at[pl.ds(c * CHL, CHL), bt], scsps[b]),
                pltpu.async_copy(
                    rvs[b], rates_hbm.at[pl.ds(c * CHL // 8, CHL // 8), bt],
                    srats[b]))

    in_h = {0: in_copy(0, 0), 1: in_copy(1, 1)}
    pltpu.sync_copy(t5_hbm, t5_tab)

    QQ = QB // 4

    def stage(tmp_i, tmp_f):
        for q in range(4):
            hi = pltpu.async_copy(
                idx_hbm.at[pl.ds(bt * QB + q * QQ, QQ), :], tmp_i, scsp0)
            hm = pltpu.async_copy(
                mask_hbm.at[pl.ds(bt * QB + q * QQ, QQ), :], tmp_f, scsp1)
            hi.wait()
            hm.wait()

            @plsc.parallel_loop(0, QQ, unroll=2)
            def rp(r):
                base = (q * QQ + r) * LP
                for j in range(13):
                    l0 = 16 * j if j < 12 else L - 16
                    idx_p[pl.ds(base + l0, 16)] = tmp_i[r, pl.ds(l0, 16)]
                    mask_p[pl.ds(base + l0, 16)] = tmp_f[r, pl.ds(l0, 16)]

    pl.run_scoped(stage,
                  pltpu.VMEM((QB // 4, L), jnp.int32),
                  pltpu.VMEM((QB // 4, L), jnp.float32))

    out_h = {}
    for c in range(NCHL):
        b = c % 2
        if c + 1 < NCHL:
            if c >= 1:
                for h in out_h.pop(c - 1):
                    h.wait()
            in_h[c + 1] = in_copy(c + 1, 1 - b)
        in_h.pop(c).wait()

        wt_v = wts[b]
        rates_v = rvs[b]

        @plsc.parallel_loop(0, CHL * (QB // 16), unroll=4)
        def body(n):
            l_loc = n >> 3
            k16 = (n & 7) * 16
            lt = l_loc >> 3
            s = l_loc & 7
            pos = iota205 + (k16 * LP + l_loc + c * CHL)
            idx = plsc.load_gather(idx_p, [pos])
            m = plsc.load_gather(mask_p, [pos])
            idx5 = idx * 5
            r = plsc.load_gather(t5_tab, [idx5 + 4])
            rates_v[lt, s, pl.ds(k16, 16)] = jnp.exp(r * m)
            for cc in range(4):
                s_c = plsc.load_gather(t5_tab, [idx5 + cc])
                plsc.addupdate(
                    wt_v.at[l_loc, cc, pl.ds(k16, 16)], s_c * m)

        out_h[c] = out_copies(c, b)

    for c in (NCHL - 2, NCHL - 1):
        for h in out_h.pop(c, ()):
            h.wait()


@jax.jit
def _run(idx2, mask2, w4, t5):
    mesh = plsc.VectorSubcoreMesh(core_axis_name="c", subcore_axis_name="s")
    return pl.kernel(
        _sc_body,
        out_type=[jax.ShapeDtypeStruct((L // 8, NW, 8, QB), jnp.float32),
                  jax.ShapeDtypeStruct((L, NW, 4, QB), jnp.float32)],
        mesh=mesh,
        compiler_params=pltpu.CompilerParams(needs_layout_passes=False),
        scratch_types=[
            pltpu.VMEM((QB * LP,), jnp.int32),
            pltpu.VMEM((QB * LP,), jnp.float32),
            pltpu.VMEM((CHL, 4, QB), jnp.float32),
            pltpu.VMEM((CHL, 4, QB), jnp.float32),
            pltpu.VMEM((CHL // 8, 8, QB), jnp.float32),
            pltpu.VMEM((CHL // 8, 8, QB), jnp.float32),
            pltpu.VMEM((KMER * 5,), jnp.float32),
            pltpu.SemaphoreType.DMA,
            pltpu.SemaphoreType.DMA,
            pltpu.SemaphoreType.DMA,
            pltpu.SemaphoreType.DMA,
            pltpu.SemaphoreType.DMA,
            pltpu.SemaphoreType.DMA,
        ],
    )(idx2, mask2, w4, t5)


def kernel(encoded_parents, masks, wt_base_modifier, r_table, s_table):
    idx2 = encoded_parents.astype(jnp.int32)
    w4 = wt_base_modifier.reshape(NW, QB, L, 4).transpose(2, 0, 3, 1)
    t5 = jnp.concatenate([s_table, r_table], axis=1).reshape(-1)
    rates5, csp4 = _run(idx2, masks, w4, t5)
    rates = rates5.transpose(0, 2, 1, 3).reshape(L, B).T
    csp = csp4.transpose(1, 3, 0, 2).reshape(B, L, 4)
    return rates, csp

# --- scband reference (transcript-rebuilt; emitter-appended) ---
"""Pipeline reference for scband-rsfivemer-model-28071906247127 (READ-ONLY COPY).

The authoritative reference and input builder live on the scoring server;
editing this copy changes nothing except your own understanding.
"""

import jax, jax.numpy as jnp
import numpy as np

KMER_COUNT = 1024
B, L = 4096, 200

def setup_inputs(seed: int = 0) -> dict:
    key = jax.random.key(seed)
    k1, k2, k3, k4, k5 = jax.random.split(key, 5)
    encoded_parents = jax.random.randint(k1, (B, L), 0, KMER_COUNT, dtype=jnp.int64 if jax.config.jax_enable_x64 else jnp.int32)
    masks = jax.random.uniform(k2, (B, L), dtype=jnp.float32)
    wt_base_modifier = jax.random.normal(k3, (B, L, 4), dtype=jnp.float32)
    # learned parameters (embedding tables), nn.Embedding default init ~ N(0,1)
    r_table = jax.random.normal(k4, (KMER_COUNT, 1), dtype=jnp.float32)
    s_table = jax.random.normal(k5, (KMER_COUNT, 4), dtype=jnp.float32)
    return {"encoded_parents": encoded_parents, "masks": masks, "wt_base_modifier": wt_base_modifier, "r_table": r_table, "s_table": s_table}

def reference(encoded_parents, masks, wt_base_modifier, r_table, s_table):
    # log_kmer_rates = r_kmer_embedding(encoded_parents).squeeze(-1)
    log_kmer_rates = jnp.take(r_table, encoded_parents, axis=0).squeeze(-1)  # [B, L]
    rates = jnp.exp(log_kmer_rates * masks)                                  # [B, L]
    # csp_logits = s_kmer_embedding(encoded_parents)
    csp_logits = jnp.take(s_table, encoded_parents, axis=0)                  # [B, L, 4]
    csp_logits = csp_logits * masks[..., None]
    csp_logits = csp_logits + wt_base_modifier
    return (rates, csp_logits)

if __name__ == "__main__":
    import jax
    _d = setup_inputs()
    print(jax.jit(kernel)(*tuple(_d.values())))

</pallas_src>

<mosaic_0001>
#map = affine_map<(d0, d1) -> (0, 0)>
#map1 = affine_map<(d0, d1) -> (0, 0, 0, 0)>
#map2 = affine_map<(d0, d1) -> (0)>
module attributes {stable_mosaic.version = 14 : i64} {
  func.func @_sc_body(%arg0: i32, %arg1: i32, %arg2: memref<4096x200xi32, #tpu.memory_space<hbm>>, %arg3: memref<4096x200xf32, #tpu.memory_space<hbm>>, %arg4: memref<200x32x4x128xf32, #tpu.memory_space<hbm>>, %arg5: memref<5120xf32, #tpu.memory_space<hbm>>, %arg6: memref<25x32x8x128xf32, #tpu.memory_space<hbm>>, %arg7: memref<200x32x4x128xf32, #tpu.memory_space<hbm>>, %arg8: memref<26240xi32, #tpu.memory_space<vmem>>, %arg9: memref<26240xf32, #tpu.memory_space<vmem>>, %arg10: memref<40x4x128xf32, #tpu.memory_space<vmem>>, %arg11: memref<40x4x128xf32, #tpu.memory_space<vmem>>, %arg12: memref<5x8x128xf32, #tpu.memory_space<vmem>>, %arg13: memref<5x8x128xf32, #tpu.memory_space<vmem>>, %arg14: memref<5120xf32, #tpu.memory_space<vmem>>, %arg15: memref<!tpu.dma_semaphore, #tpu.memory_space<semaphore_mem>>, %arg16: memref<!tpu.dma_semaphore, #tpu.memory_space<semaphore_mem>>, %arg17: memref<!tpu.dma_semaphore, #tpu.memory_space<semaphore_mem>>, %arg18: memref<!tpu.dma_semaphore, #tpu.memory_space<semaphore_mem>>, %arg19: memref<!tpu.dma_semaphore, #tpu.memory_space<semaphore_mem>>, %arg20: memref<!tpu.dma_semaphore, #tpu.memory_space<semaphore_mem>>) attributes {dimension_semantics = [#tpu.dimension_semantics<core_parallel>, #tpu.dimension_semantics<subcore_parallel>], iteration_bounds = array<i64: 2, 16>, scalar_prefetch = 0 : i64, scratch_operands = 13 : i64, tpu.core_type = #tpu.core_type<sc_vector_subcore>, window_params = [{transform_indices = #map}, {transform_indices = #map}, {transform_indices = #map1}, {transform_indices = #map2}, {transform_indices = #map1}, {transform_indices = #map1}]} {
    %mul3A = arith.constant 2 : i32
    %mul3A_0 = arith.muli %arg1, %mul3A : i32
    %add3A = arith.addi %mul3A_0, %arg0 : i32
    %iota3A = tpu.iota {dimensions = array<i32: 0>} : vector<16xi32>
    %mul3A_1 = arith.constant 205 : i32
    %mul3A_2 = vector.broadcast %mul3A_1 : i32 to vector<16xi32>
    %mul3A_3 = arith.muli %iota3A, %mul3A_2 : vector<16xi32>
    %dma_start3A = arith.constant 0 : i32
    %dma_start3A_4 = arith.constant 0 : i32
    %dma_start3A_5 = arith.constant 0 : i32
    %dma_start3A_6 = tpu.memref_slice %arg4[%dma_start3A, %add3A, %dma_start3A_4, %dma_start3A_5] : memref<200x32x4x128xf32, #tpu.memory_space<hbm>> -> memref<40x1x4x128xf32, #tpu.memory_space<hbm>>
    %dma_start3A_7 = tpu.memref_squeeze %dma_start3A_6 : memref<40x1x4x128xf32, #tpu.memory_space<hbm>> -> memref<40x4x128xf32, #tpu.memory_space<hbm>>
    %dma_start3A_8 = arith.constant 0 : i32
    %dma_start3A_9 = arith.constant 0 : i32
    %dma_start3A_10 = arith.constant 0 : i32
    %dma_start3A_11 = tpu.memref_slice %arg4[%dma_start3A_8, %add3A, %dma_start3A_9, %dma_start3A_10] : memref<200x32x4x128xf32, #tpu.memory_space<hbm>> -> memref<40x1x4x128xf32, #tpu.memory_space<hbm>>
    %dma_start3A_12 = tpu.memref_squeeze %dma_start3A_11 : memref<40x1x4x128xf32, #tpu.memory_space<hbm>> -> memref<40x4x128xf32, #tpu.memory_space<hbm>>
    tpu.enqueue_dma source(%dma_start3A_12 : memref<40x4x128xf32, #tpu.memory_space<hbm>>) target(%arg10 : memref<40x4x128xf32, #tpu.memory_space<vmem>>) target_semaphore(%arg15 : memref<!tpu.dma_semaphore, #tpu.memory_space<semaphore_mem>>)
    %dma_start3A_13 = arith.constant 40 : i32
    %dma_start3A_14 = arith.constant 0 : i32
    %dma_start3A_15 = arith.constant 0 : i32
    %dma_start3A_16 = tpu.memref_slice %arg4[%dma_start3A_13, %add3A, %dma_start3A_14, %dma_start3A_15] : memref<200x32x4x128xf32, #tpu.memory_space<hbm>> -> memref<40x1x4x128xf32, #tpu.memory_space<hbm>>
    %dma_start3A_17 = tpu.memref_squeeze %dma_start3A_16 : memref<40x1x4x128xf32, #tpu.memory_space<hbm>> -> memref<40x4x128xf32, #tpu.memory_space<hbm>>
    %dma_start3A_18 = arith.constant 40 : i32
    %dma_start3A_19 = arith.constant 0 : i32
    %dma_start3A_20 = arith.constant 0 : i32
    %dma_start3A_21 = tpu.memref_slice %arg4[%dma_start3A_18, %add3A, %dma_start3A_19, %dma_start3A_20] : memref<200x32x4x128xf32, #tpu.memory_space<hbm>> -> memref<40x1x4x128xf32, #tpu.memory_space<hbm>>
    %dma_start3A_22 = tpu.memref_squeeze %dma_start3A_21 : memref<40x1x4x128xf32, #tpu.memory_space<hbm>> -> memref<40x4x128xf32, #tpu.memory_space<hbm>>
    tpu.enqueue_dma source(%dma_start3A_22 : memref<40x4x128xf32, #tpu.memory_space<hbm>>) target(%arg11 : memref<40x4x128xf32, #tpu.memory_space<vmem>>) target_semaphore(%arg16 : memref<!tpu.dma_semaphore, #tpu.memory_space<semaphore_mem>>)
    "tpu.region"() ({
      %run_scoped3A = tpu.sem_alloc : memref<!tpu.dma_semaphore, #tpu.memory_space<semaphore_mem>>
      tpu.enqueue_dma source(%arg5 : memref<5120xf32, #tpu.memory_space<hbm>>) target(%arg14 : memref<5120xf32, #tpu.memory_space<vmem>>) target_semaphore(%run_scoped3A : memref<!tpu.dma_semaphore, #tpu.memory_space<semaphore_mem>>)
      tpu.wait_dma2 semaphore(%run_scoped3A : memref<!tpu.dma_semaphore, #tpu.memory_space<semaphore_mem>>) src(%arg5 : memref<5120xf32, #tpu.memory_space<hbm>>) dst(%arg14 : memref<5120xf32, #tpu.memory_space<vmem>>)
      tpu.yield
    }) : () -> ()
    "tpu.region"() ({
      %run_scoped3A = memref.alloca() : memref<32x200xi32, #tpu.memory_space<vmem>>
      %run_scoped3A_326 = memref.alloca() : memref<32x200xf32, #tpu.memory_space<vmem>>
      %mul3A_327 = arith.constant 128 : i32
      %mul3A_328 = arith.muli %add3A, %mul3A_327 : i32
      %add3A_329 = arith.constant 0 : i32
      %add3A_330 = arith.addi %mul3A_328, %add3A_329 : i32
      %dma_start3A_331 = arith.constant 0 : i32
      %dma_start3A_332 = tpu.memref_slice %arg2[%add3A_330, %dma_start3A_331] : memref<4096x200xi32, #tpu.memory_space<hbm>> -> memref<32x200xi32, #tpu.memory_space<hbm>>
      %dma_start3A_333 = arith.constant 0 : i32
      %dma_start3A_334 = tpu.memref_slice %arg2[%add3A_330, %dma_start3A_333] : memref<4096x200xi32, #tpu.memory_space<hbm>> -> memref<32x200xi32, #tpu.memory_space<hbm>>
      tpu.enqueue_dma source(%dma_start3A_334 : memref<32x200xi32, #tpu.memory_space<hbm>>) target(%run_scoped3A : memref<32x200xi32, #tpu.memory_space<vmem>>) target_semaphore(%arg17 : memref<!tpu.dma_semaphore, #tpu.memory_space<semaphore_mem>>)
      %mul3A_335 = arith.constant 128 : i32
      %mul3A_336 = arith.muli %add3A, %mul3A_335 : i32
      %add3A_337 = arith.constant 0 : i32
      %add3A_338 = arith.addi %mul3A_336, %add3A_337 : i32
      %dma_start3A_339 = arith.constant 0 : i32
      %dma_start3A_340 = tpu.memref_slice %arg3[%add3A_338, %dma_start3A_339] : memref<4096x200xf32, #tpu.memory_space<hbm>> -> memref<32x200xf32, #tpu.memory_space<hbm>>
      %dma_start3A_341 = arith.constant 0 : i32
      %dma_start3A_342 = tpu.memref_slice %arg3[%add3A_338, %dma_start3A_341] : memref<4096x200xf32, #tpu.memory_space<hbm>> -> memref<32x200xf32, #tpu.memory_space<hbm>>
      tpu.enqueue_dma source(%dma_start3A_342 : memref<32x200xf32, #tpu.memory_space<hbm>>) target(%run_scoped3A_326 : memref<32x200xf32, #tpu.memory_space<vmem>>) target_semaphore(%arg18 : memref<!tpu.dma_semaphore, #tpu.memory_space<semaphore_mem>>)
      %dma_wait3A_343 = arith.constant 0 : i32
      %dma_wait3A_344 = tpu.memref_slice %arg2[%add3A_330, %dma_wait3A_343] : memref<4096x200xi32, #tpu.memory_space<hbm>> -> memref<32x200xi32, #tpu.memory_space<hbm>>
      %dma_wait3A_345 = arith.constant 0 : i32
      %dma_wait3A_346 = tpu.memref_slice %arg2[%add3A_330, %dma_wait3A_345] : memref<4096x200xi32, #tpu.memory_space<hbm>> -> memref<32x200xi32, #tpu.memory_space<hbm>>
      tpu.wait_dma2 semaphore(%arg17 : memref<!tpu.dma_semaphore, #tpu.memory_space<semaphore_mem>>) src(%dma_wait3A_346 : memref<32x200xi32, #tpu.memory_space<hbm>>) dst(%run_scoped3A : memref<32x200xi32, #tpu.memory_space<vmem>>)
      %dma_wait3A_347 = arith.constant 0 : i32
      %dma_wait3A_348 = tpu.memref_slice %arg3[%add3A_338, %dma_wait3A_347] : memref<4096x200xf32, #tpu.memory_space<hbm>> -> memref<32x200xf32, #tpu.memory_space<hbm>>
      %dma_wait3A_349 = arith.constant 0 : i32
      %dma_wait3A_350 = tpu.memref_slice %arg3[%add3A_338, %dma_wait3A_349] : memref<4096x200xf32, #tpu.memory_space<hbm>> -> memref<32x200xf32, #tpu.memory_space<hbm>>
      tpu.wait_dma2 semaphore(%arg18 : memref<!tpu.dma_semaphore, #tpu.memory_space<semaphore_mem>>) src(%dma_wait3A_350 : memref<32x200xf32, #tpu.memory_space<hbm>>) dst(%run_scoped3A_326 : memref<32x200xf32, #tpu.memory_space<vmem>>)
      %parallel_loop3A_351 = arith.constant 0 : i32
      %parallel_loop3A_352 = arith.constant 32 : i32
      %parallel_loop3A_353 = arith.constant 1 : i32
      scf.for %parallel_loop3A_435 = %parallel_loop3A_351 to %parallel_loop3A_352 step %parallel_loop3A_353  : i32 {
        %parallel_loop3A_436 = arith.constant 0 : i32
        %parallel_loop3A_437 = arith.addi %parallel_loop3A_436, %parallel_loop3A_435 : i32
        %parallel_loop3A_438 = arith.constant 205 : i32
        %parallel_loop3A_439 = arith.muli %parallel_loop3A_437, %parallel_loop3A_438 : i32
        %parallel_loop3A_440 = arith.index_cast %parallel_loop3A_435 : i32 to index
        %parallel_loop3A_441 = arith.constant 0 : index
        %parallel_loop3A_442 = tpu.vector_load %run_scoped3A[%parallel_loop3A_440, %parallel_loop3A_441] {strides = array<i32>} : memref<32x200xi32, #tpu.memory_space<vmem>>, vector<16xi32>,
        %parallel_loop3A_443 = arith.constant 0 : i32
        %parallel_loop3A_444 = arith.addi %parallel_loop3A_439, %parallel_loop3A_443 : i32
        %parallel_loop3A_445 = arith.index_cast %parallel_loop3A_444 : i32 to index
        %parallel_loop3A_446 = tpu.vector_load %arg8[%parallel_loop3A_445] {strides = array<i32>} : memref<26240xi32, #tpu.memory_space<vmem>>, vector<16xi32>,
        tpu.vector_store %arg8[%parallel_loop3A_445], %parallel_loop3A_442 {strides = array<i32>} : memref<26240xi32, #tpu.memory_space<vmem>>, vector<16xi32>,
        %parallel_loop3A_447 = arith.index_cast %parallel_loop3A_435 : i32 to index
        %parallel_loop3A_448 = arith.constant 0 : index
        %parallel_loop3A_449 = tpu.vector_load %run_scoped3A_326[%parallel_loop3A_447, %parallel_loop3A_448] {strides = array<i32>} : memref<32x200xf32, #tpu.memory_space<vmem>>, vector<16xf32>,
        %parallel_loop3A_450 = arith.constant 0 : i32
        %parallel_loop3A_451 = arith.addi %parallel_loop3A_439, %parallel_loop3A_450 : i32
        %parallel_loop3A_452 = arith.index_cast %parallel_loop3A_451 : i32 to index
        %parallel_loop3A_453 = tpu.vector_load %arg9[%parallel_loop3A_452] {strides = array<i32>} : memref<26240xf32, #tpu.memory_space<vmem>>, vector<16xf32>,
        tpu.vector_store %arg9[%parallel_loop3A_452], %parallel_loop3A_449 {strides = array<i32>} : memref<26240xf32, #tpu.memory_space<vmem>>, vector<16xf32>,
        %parallel_loop3A_454 = arith.index_cast %parallel_loop3A_435 : i32 to index
        %parallel_loop3A_455 = arith.constant 16 : index
        %parallel_loop3A_456 = tpu.vector_load %run_scoped3A[%parallel_loop3A_454, %parallel_loop3A_455] {strides = array<i32>} : memref<32x200xi32, #tpu.memory_space<vmem>>, vector<16xi32>,
        %parallel_loop3A_457 = arith.constant 16 : i32
        %parallel_loop3A_458 = arith.addi %parallel_loop3A_439, %parallel_loop3A_457 : i32
        %parallel_loop3A_459 = arith.index_cast %parallel_loop3A_458 : i32 to index
        %parallel_loop3A_460 = tpu.vector_load %arg8[%parallel_loop3A_459] {strides = array<i32>} : memref<26240xi32, #tpu.memory_space<vmem>>, vector<16xi32>,
        tpu.vector_store %arg8[%parallel_loop3A_459], %parallel_loop3A_456 {strides = array<i32>} : memref<26240xi32, #tpu.memory_space<vmem>>, vector<16xi32>,
        %parallel_loop3A_461 = arith.index_cast %parallel_loop3A_435 : i32 to index
        %parallel_loop3A_462 = arith.constant 16 : index
        %parallel_loop3A_463 = tpu.vector_load %run_scoped3A_326[%parallel_loop3A_461, %parallel_loop3A_462] {strides = array<i32>} : memref<32x200xf32, #tpu.memory_space<vmem>>, vector<16xf32>,
        %parallel_loop3A_464 = arith.constant 16 : i32
        %parallel_loop3A_465 = arith.addi %parallel_loop3A_439, %parallel_loop3A_464 : i32
        %parallel_loop3A_466 = arith.index_cast %parallel_loop3A_465 : i32 to index
        %parallel_loop3A_467 = tpu.vector_load %arg9[%parallel_loop3A_466] {strides = array<i32>} : memref<26240xf32, #tpu.memory_space<vmem>>, vector<16xf32>,
        tpu.vector_store %arg9[%parallel_loop3A_466], %parallel_loop3A_463 {strides = array<i32>} : memref<26240xf32, #tpu.memory_space<vmem>>, vector<16xf32>,
        %parallel_loop3A_468 = arith.index_cast %parallel_loop3A_435 : i32 to index
        %parallel_loop3A_469 = arith.constant 32 : index
        %parallel_loop3A_470 = tpu.vector_load %run_scoped3A[%parallel_loop3A_468, %parallel_loop3A_469] {strides = array<i32>} : memref<32x200xi32, #tpu.memory_space<vmem>>, vector<16xi32>,
        %parallel_loop3A_471 = arith.constant 32 : i32
        %parallel_loop3A_472 = arith.addi %parallel_loop3A_439, %parallel_loop3A_471 : i32
        %parallel_loop3A_473 = arith.index_cast %parallel_loop3A_472 : i32 to index
        %parallel_loop3A_474 = tpu.vector_load %arg8[%parallel_loop3A_473] {strides = array<i32>} : memref<26240xi32, #tpu.memory_space<vmem>>, vector<16xi32>,
        tpu.vector_store %arg8[%parallel_loop3A_473], %parallel_loop3A_470 {strides = array<i32>} : memref<26240xi32, #tpu.memory_space<vmem>>, vector<16xi32>,
        %parallel_loop3A_475 = arith.index_cast %parallel_loop3A_435 : i32 to index
        %parallel_loop3A_476 = arith.constant 32 : index
        %parallel_loop3A_477 = tpu.vector_load %run_scoped3A_326[%parallel_loop3A_475, %parallel_loop3A_476] {strides = array<i32>} : memref<32x200xf32, #tpu.memory_space<vmem>>, vector<16xf32>,
        %parallel_loop3A_478 = arith.constant 32 : i32
        %parallel_loop3A_479 = arith.addi %parallel_loop3A_439, %parallel_loop3A_478 : i32
        %parallel_loop3A_480 = arith.index_cast %parallel_loop3A_479 : i32 to index
        %parallel_loop3A_481 = tpu.vector_load %arg9[%parallel_loop3A_480] {strides = array<i32>} : memref<26240xf32, #tpu.memory_space<vmem>>, vector<16xf32>,
        tpu.vector_store %arg9[%parallel_loop3A_480], %parallel_loop3A_477 {strides = array<i32>} : memref<26240xf32, #tpu.memory_space<vmem>>, vector<16xf32>,
        %parallel_loop3A_482 = arith.index_cast %parallel_loop3A_435 : i32 to index
        %parallel_loop3A_483 = arith.constant 48 : index
        %parallel_loop3A_484 = tpu.vector_load %run_scoped3A[%parallel_loop3A_482, %parallel_loop3A_483] {strides = array<i32>} : memref<32x200xi32, #tpu.memory_space<vmem>>, vector<16xi32>,
        %parallel_loop3A_485 = arith.constant 48 : i32
        %parallel_loop3A_486 = arith.addi %parallel_loop3A_439, %parallel_loop3A_485 : i32
        %parallel_loop3A_487 = arith.index_cast %parallel_loop3A_486 : i32 to index
        %parallel_loop3A_488 = tpu.vector_load %arg8[%parallel_loop3A_487] {strides = array<i32>} : memref<26240xi32, #tpu.memory_space<vmem>>, vector<16xi32>,
        tpu.vector_store %arg8[%parallel_loop3A_487], %parallel_loop3A_484 {strides = array<i32>} : memref<26240xi32, #tpu.memory_space<vmem>>, vector<16xi32>,
        %parallel_loop3A_489 = arith.index_cast %parallel_loop3A_435 : i32 to index
        %parallel_loop3A_490 = arith.constant 48 : index
        %parallel_loop3A_491 = tpu.vector_load %run_scoped3A_326[%parallel_loop3A_489, %parallel_loop3A_490] {strides = array<i32>} : memref<32x200xf32, #tpu.memory_space<vmem>>, vector<16xf32>,
        %parallel_loop3A_492 = arith.constant 48 : i32
        %parallel_loop3A_493 = arith.addi %parallel_loop3A_439, %parallel_loop3A_492 : i32
        %parallel_loop3A_494 = arith.index_cast %parallel_loop3A_493 : i32 to index
        %parallel_loop3A_495 = tpu.vector_load %arg9[%parallel_loop3A_494] {strides = array<i32>} : memref<26240xf32, #tpu.memory_space<vmem>>, vector<16xf32>,
        tpu.vector_store %arg9[%parallel_loop3A_494], %parallel_loop3A_491 {strides = array<i32>} : memref<26240xf32, #tpu.memory_space<vmem>>, vector<16xf32>,
        %parallel_loop3A_496 = arith.index_cast %parallel_loop3A_435 : i32 to index
        %parallel_loop3A_497 = arith.constant 64 : index
        %parallel_loop3A_498 = tpu.vector_load %run_scoped3A[%parallel_loop3A_496, %parallel_loop3A_497] {strides = array<i32>} : memref<32x200xi32, #tpu.memory_space<vmem>>, vector<16xi32>,
        %parallel_loop3A_499 = arith.constant 64 : i32
        %parallel_loop3A_500 = arith.addi %parallel_loop3A_439, %parallel_loop3A_499 : i32
        %parallel_loop3A_501 = arith.index_cast %parallel_loop3A_500 : i32 to index
        %parallel_loop3A_502 = tpu.vector_load %arg8[%parallel_loop3A_501] {strides = array<i32>} : memref<26240xi32, #tpu.memory_space<vmem>>, vector<16xi32>,
        tpu.vector_store %arg8[%parallel_loop3A_501], %parallel_loop3A_498 {strides = array<i32>} : memref<26240xi32, #tpu.memory_space<vmem>>, vector<16xi32>,
        %parallel_loop3A_503 = arith.index_cast %parallel_loop3A_435 : i32 to index
        %parallel_loop3A_504 = arith.constant 64 : index
        %parallel_loop3A_505 = tpu.vector_load %run_scoped3A_326[%parallel_loop3A_503, %parallel_loop3A_504] {strides = array<i32>} : memref<32x200xf32, #tpu.memory_space<vmem>>, vector<16xf32>,
        %parallel_loop3A_506 = arith.constant 64 : i32
        %parallel_loop3A_507 = arith.addi %parallel_loop3A_439, %parallel_loop3A_506 : i32
        %parallel_loop3A_508 = arith.index_cast %parallel_loop3A_507 : i32 to index
        %parallel_loop3A_509 = tpu.vector_load %arg9[%parallel_loop3A_508] {strides = array<i32>} : memref<26240xf32, #tpu.memory_space<vmem>>, vector<16xf32>,
        tpu.vector_store %arg9[%parallel_loop3A_508], %parallel_loop3A_505 {strides = array<i32>} : memref<26240xf32, #tpu.memory_space<vmem>>, vector<16xf32>,
        %parallel_loop3A_510 = arith.index_cast %parallel_loop3A_435 : i32 to index
        %parallel_loop3A_511 = arith.constant 80 : index
        %parallel_loop3A_512 = tpu.vector_load %run_scoped3A[%parallel_loop3A_510, %parallel_loop3A_511] {strides = array<i32>} : memref<32x200xi32, #tpu.memory_space<vmem>>, vector<16xi32>,
        %parallel_loop3A_513 = arith.constant 80 : i32
        %parallel_loop3A_514 = arith.addi %parallel_loop3A_439, %parallel_loop3A_513 : i32
        %parallel_loop3A_515 = arith.index_cast %parallel_loop3A_514 : i32 to index
        %parallel_loop3A_516 = tpu.vector_load %arg8[%parallel_loop3A_515] {strides = array<i32>} : memref<26240xi32, #tpu.memory_space<vmem>>, vector<16xi32>,
        tpu.vector_store %arg8[%parallel_loop3A_515], %parallel_loop3A_512 {strides = array<i32>} : memref<26240xi32, #tpu.memory_space<vmem>>, vector<16xi32>,
        %parallel_loop3A_517 = arith.index_cast %parallel_loop3A_435 : i32 to index
        %parallel_loop3A_518 = arith.constant 80 : index
        %parallel_loop3A_519 = tpu.vector_load %run_scoped3A_326[%parallel_loop3A_517, %parallel_loop3A_518] {strides = array<i32>} : memref<32x200xf32, #tpu.memory_space<vmem>>, vector<16xf32>,
        %parallel_loop3A_520 = arith.constant 80 : i32
        %parallel_loop3A_521 = arith.addi %parallel_loop3A_439, %parallel_loop3A_520 : i32
        %parallel_loop3A_522 = arith.index_cast %parallel_loop3A_521 : i32 to index
        %parallel_loop3A_523 = tpu.vector_load %arg9[%parallel_loop3A_522] {strides = array<i32>} : memref<26240xf32, #tpu.memory_space<vmem>>, vector<16xf32>,
        tpu.vector_store %arg9[%parallel_loop3A_522], %parallel_loop3A_519 {strides = array<i32>} : memref<26240xf32, #tpu.memory_space<vmem>>, vector<16xf32>,
        %parallel_loop3A_524 = arith.index_cast %parallel_loop3A_435 : i32 to index
        %parallel_loop3A_525 = arith.constant 96 : index
        %parallel_loop3A_526 = tpu.vector_load %run_scoped3A[%parallel_loop3A_524, %parallel_loop3A_525] {strides = array<i32>} : memref<32x200xi32, #tpu.memory_space<vmem>>, vector<16xi32>,
        %parallel_loop3A_527 = arith.constant 96 : i32
        %parallel_loop3A_528 = arith.addi %parallel_loop3A_439, %parallel_loop3A_527 : i32
        %parallel_loop3A_529 = arith.index_cast %parallel_loop3A_528 : i32 to index
        %parallel_loop3A_530 = tpu.vector_load %arg8[%parallel_loop3A_529] {strides = array<i32>} : memref<26240xi32, #tpu.memory_space<vmem>>, vector<16xi32>,
        tpu.vector_store %arg8[%parallel_loop3A_529], %parallel_loop3A_526 {strides = array<i32>} : memref<26240xi32, #tpu.memory_space<vmem>>, vector<16xi32>,
        %parallel_loop3A_531 = arith.index_cast %parallel_loop3A_435 : i32 to index
        %parallel_loop3A_532 = arith.constant 96 : index
        %parallel_loop3A_533 = tpu.vector_load %run_scoped3A_326[%parallel_loop3A_531, %parallel_loop3A_532] {strides = array<i32>} : memref<32x200xf32, #tpu.memory_space<vmem>>, vector<16xf32>,
        %parallel_loop3A_534 = arith.constant 96 : i32
        %parallel_loop3A_535 = arith.addi %parallel_loop3A_439, %parallel_loop3A_534 : i32
        %parallel_loop3A_536 = arith.index_cast %parallel_loop3A_535 : i32 to index
        %parallel_loop3A_537 = tpu.vector_load %arg9[%parallel_loop3A_536] {strides = array<i32>} : memref<26240xf32, #tpu.memory_space<vmem>>, vector<16xf32>,
        tpu.vector_store %arg9[%parallel_loop3A_536], %parallel_loop3A_533 {strides = array<i32>} : memref<26240xf32, #tpu.memory_space<vmem>>, vector<16xf32>,
        %parallel_loop3A_538 = arith.index_cast %parallel_loop3A_435 : i32 to index
        %parallel_loop3A_539 = arith.constant 112 : index
        %parallel_loop3A_540 = tpu.vector_load %run_scoped3A[%parallel_loop3A_538, %parallel_loop3A_539] {strides = array<i32>} : memref<32x200xi32, #tpu.memory_space<vmem>>, vector<16xi32>,
        %parallel_loop3A_541 = arith.constant 112 : i32
        %parallel_loop3A_542 = arith.addi %parallel_loop3A_439, %parallel_loop3A_541 : i32
        %parallel_loop3A_543 = arith.index_cast %parallel_loop3A_542 : i32 to index
        %parallel_loop3A_544 = tpu.vector_load %arg8[%parallel_loop3A_543] {strides = array<i32>} : memref<26240xi32, #tpu.memory_space<vmem>>, vector<16xi32>,
        tpu.vector_store %arg8[%parallel_loop3A_543], %parallel_loop3A_540 {strides = array<i32>} : memref<26240xi32, #tpu.memory_space<vmem>>, vector<16xi32>,
        %parallel_loop3A_545 = arith.index_cast %parallel_loop3A_435 : i32 to index
        %parallel_loop3A_546 = arith.constant 112 : index
        %parallel_loop3A_547 = tpu.vector_load %run_scoped3A_326[%parallel_loop3A_545, %parallel_loop3A_546] {strides = array<i32>} : memref<32x200xf32, #tpu.memory_space<vmem>>, vector<16xf32>,
        %parallel_loop3A_548 = arith.constant 112 : i32
        %parallel_loop3A_549 = arith.addi %parallel_loop3A_439, %parallel_loop3A_548 : i32
        %parallel_loop3A_550 = arith.index_cast %parallel_loop3A_549 : i32 to index
        %parallel_loop3A_551 = tpu.vector_load %arg9[%parallel_loop3A_550] {strides = array<i32>} : memref<26240xf32, #tpu.memory_space<vmem>>, vector<16xf32>,
        tpu.vector_store %arg9[%parallel_loop3A_550], %parallel_loop3A_547 {strides = array<i32>} : memref<26240xf32, #tpu.memory_space<vmem>>, vector<16xf32>,
        %parallel_loop3A_552 = arith.index_cast %parallel_loop3A_435 : i32 to index
        %parallel_loop3A_553 = arith.constant 128 : index
        %parallel_loop3A_554 = tpu.vector_load %run_scoped3A[%parallel_loop3A_552, %parallel_loop3A_553] {strides = array<i32>} : memref<32x200xi32, #tpu.memory_space<vmem>>, vector<16xi32>,
        %parallel_loop3A_555 = arith.constant 128 : i32
        %parallel_loop3A_556 = arith.addi %parallel_loop3A_439, %parallel_loop3A_555 : i32
        %parallel_loop3A_557 = arith.index_cast %parallel_loop3A_556 : i32 to index
        %parallel_loop3A_558 = tpu.vector_load %arg8[%parallel_loop3A_557] {strides = array<i32>} : memref<26240xi32, #tpu.memory_space<vmem>>, vector<16xi32>,
        tpu.vector_store %arg8[%parallel_loop3A_557], %parallel_loop3A_554 {strides = array<i32>} : memref<26240xi32, #tpu.memory_space<vmem>>, vector<16xi32>,
        %parallel_loop3A_559 = arith.index_cast %parallel_loop3A_435 : i32 to index
        %parallel_loop3A_560 = arith.constant 128 : index
        %parallel_loop3A_561 = tpu.vector_load %run_scoped3A_326[%parallel_loop3A_559, %parallel_loop3A_560] {strides = array<i32>} : memref<32x200xf32, #tpu.memory_space<vmem>>, vector<16xf32>,
        %parallel_loop3A_562 = arith.constant 128 : i32
        %parallel_loop3A_563 = arith.addi %parallel_loop3A_439, %parallel_loop3A_562 : i32
        %parallel_loop3A_564 = arith.index_cast %parallel_loop3A_563 : i32 to index
        %parallel_loop3A_565 = tpu.vector_load %arg9[%parallel_loop3A_564] {strides = array<i32>} : memref<26240xf32, #tpu.memory_space<vmem>>, vector<16xf32>,
        tpu.vector_store %arg9[%parallel_loop3A_564], %parallel_loop3A_561 {strides = array<i32>} : memref<26240xf32, #tpu.memory_space<vmem>>, vector<16xf32>,
        %parallel_loop3A_566 = arith.index_cast %parallel_loop3A_435 : i32 to index
        %parallel_loop3A_567 = arith.constant 144 : index
        %parallel_loop3A_568 = tpu.vector_load %run_scoped3A[%parallel_loop3A_566, %parallel_loop3A_567] {strides = array<i32>} : memref<32x200xi32, #tpu.memory_space<vmem>>, vector<16xi32>,
        %parallel_loop3A_569 = arith.constant 144 : i32
        %parallel_loop3A_570 = arith.addi %parallel_loop3A_439, %parallel_loop3A_569 : i32
        %parallel_loop3A_571 = arith.index_cast %parallel_loop3A_570 : i32 to index
        %parallel_loop3A_572 = tpu.vector_load %arg8[%parallel_loop3A_571] {strides = array<i32>} : memref<26240xi32, #tpu.memory_space<vmem>>, vector<16xi32>,
        tpu.vector_store %arg8[%parallel_loop3A_571], %parallel_loop3A_568 {strides = array<i32>} : memref<26240xi32, #tpu.memory_space<vmem>>, vector<16xi32>,
        %parallel_loop3A_573 = arith.index_cast %parallel_loop3A_435 : i32 to index
        %parallel_loop3A_574 = arith.constant 144 : index
        %parallel_loop3A_575 = tpu.vector_load %run_scoped3A_326[%parallel_loop3A_573, %parallel_loop3A_574] {strides = array<i32>} : memref<32x200xf32, #tpu.memory_space<vmem>>, vector<16xf32>,
        %parallel_loop3A_576 = arith.constant 144 : i32
        %parallel_loop3A_577 = arith.addi %parallel_loop3A_439, %parallel_loop3A_576 : i32
        %parallel_loop3A_578 = arith.index_cast %parallel_loop3A_577 : i32 to index
        %parallel_loop3A_579 = tpu.vector_load %arg9[%parallel_loop3A_578] {strides = array<i32>} : memref<26240xf32, #tpu.memory_space<vmem>>, vector<16xf32>,
        tpu.vector_store %arg9[%parallel_loop3A_578], %parallel_loop3A_575 {strides = array<i32>} : memref<26240xf32, #tpu.memory_space<vmem>>, vector<16xf32>,
        %parallel_loop3A_580 = arith.index_cast %parallel_loop3A_435 : i32 to index
        %parallel_loop3A_581 = arith.constant 160 : index
        %parallel_loop3A_582 = tpu.vector_load %run_scoped3A[%parallel_loop3A_580, %parallel_loop3A_581] {strides = array<i32>} : memref<32x200xi32, #tpu.memory_space<vmem>>, vector<16xi32>,
        %parallel_loop3A_583 = arith.constant 160 : i32
        %parallel_loop3A_584 = arith.addi %parallel_loop3A_439, %parallel_loop3A_583 : i32
        %parallel_loop3A_585 = arith.index_cast %parallel_loop3A_584 : i32 to index
        %parallel_loop3A_586 = tpu.vector_load %arg8[%parallel_loop3A_585] {strides = array<i32>} : memref<26240xi32, #tpu.memory_space<vmem>>, vector<16xi32>,
        tpu.vector_store %arg8[%parallel_loop3A_585], %parallel_loop3A_582 {strides = array<i32>} : memref<26240xi32, #tpu.memory_space<vmem>>, vector<16xi32>,
        %parallel_loop3A_587 = arith.index_cast %parallel_loop3A_435 : i32 to index
        %parallel_loop3A_588 = arith.constant 160 : index
        %parallel_loop3A_589 = tpu.vector_load %run_scoped3A_326[%parallel_loop3A_587, %parallel_loop3A_588] {strides = array<i32>} : memref<32x200xf32, #tpu.memory_space<vmem>>, vector<16xf32>,
        %parallel_loop3A_590 = arith.constant 160 : i32
        %parallel_loop3A_591 = arith.addi %parallel_loop3A_439, %parallel_loop3A_590 : i32
        %parallel_loop3A_592 = arith.index_cast %parallel_loop3A_591 : i32 to index
        %parallel_loop3A_593 = tpu.vector_load %arg9[%parallel_loop3A_592] {strides = array<i32>} : memref<26240xf32, #tpu.memory_space<vmem>>, vector<16xf32>,
        tpu.vector_store %arg9[%parallel_loop3A_592], %parallel_loop3A_589 {strides = array<i32>} : memref<26240xf32, #tpu.memory_space<vmem>>, vector<16xf32>,
        %parallel_loop3A_594 = arith.index_cast %parallel_loop3A_435 : i32 to index
        %parallel_loop3A_595 = arith.constant 176 : index
        %parallel_loop3A_596 = tpu.vector_load %run_scoped3A[%parallel_loop3A_594, %parallel_loop3A_595] {strides = array<i32>} : memref<32x200xi32, #tpu.memory_space<vmem>>, vector<16xi32>,
        %parallel_loop3A_597 = arith.constant 176 : i32
        %parallel_loop3A_598 = arith.addi %parallel_loop3A_439, %parallel_loop3A_597 : i32
        %parallel_loop3A_599 = arith.index_cast %parallel_loop3A_598 : i32 to index
        %parallel_loop3A_600 = tpu.vector_load %arg8[%parallel_loop3A_599] {strides = array<i32>} : memref<26240xi32, #tpu.memory_space<vmem>>, vector<16xi32>,
        tpu.vector_store %arg8[%parallel_loop3A_599], %parallel_loop3A_596 {strides = array<i32>} : memref<26240xi32, #tpu.memory_space<vmem>>, vector<16xi32>,
        %parallel_loop3A_601 = arith.index_cast %parallel_loop3A_435 : i32 to index
        %parallel_loop3A_602 = arith.constant 176 : index
        %parallel_loop3A_603 = tpu.vector_load %run_scoped3A_326[%parallel_loop3A_601, %parallel_loop3A_602] {strides = array<i32>} : memref<32x200xf32, #tpu.memory_space<vmem>>, vector<16xf32>,
        %parallel_loop3A_604 = arith.constant 176 : i32
        %parallel_loop3A_605 = arith.addi %parallel_loop3A_439, %parallel_loop3A_604 : i32
        %parallel_loop3A_606 = arith.index_cast %parallel_loop3A_605 : i32 to index
        %parallel_loop3A_607 = tpu.vector_load %arg9[%parallel_loop3A_606] {strides = array<i32>} : memref<26240xf32, #tpu.memory_space<vmem>>, vector<16xf32>,
        tpu.vector_store %arg9[%parallel_loop3A_606], %parallel_loop3A_603 {strides = array<i32>} : memref<26240xf32, #tpu.memory_space<vmem>>, vector<16xf32>,
        %parallel_loop3A_608 = arith.index_cast %parallel_loop3A_435 : i32 to index
        %parallel_loop3A_609 = arith.constant 184 : index
        %parallel_loop3A_610 = tpu.vector_load %run_scoped3A[%parallel_loop3A_608, %parallel_loop3A_609] {strides = array<i32>} : memref<32x200xi32, #tpu.memory_space<vmem>>, vector<16xi32>,
        %parallel_loop3A_611 = arith.constant 184 : i32
        %parallel_loop3A_612 = arith.addi %parallel_loop3A_439, %parallel_loop3A_611 : i32
        %parallel_loop3A_613 = arith.index_cast %parallel_loop3A_612 : i32 to index
        %parallel_loop3A_614 = tpu.vector_load %arg8[%parallel_loop3A_613] {strides = array<i32>} : memref<26240xi32, #tpu.memory_space<vmem>>, vector<16xi32>,
        tpu.vector_store %arg8[%parallel_loop3A_613], %parallel_loop3A_610 {strides = array<i32>} : memref<26240xi32, #tpu.memory_space<vmem>>, vector<16xi32>,
        %parallel_loop3A_615 = arith.index_cast %parallel_loop3A_435 : i32 to index
        %parallel_loop3A_616 = arith.constant 184 : index
        %parallel_loop3A_617 = tpu.vector_load %run_scoped3A_326[%parallel_loop3A_615, %parallel_loop3A_616] {strides = array<i32>} : memref<32x200xf32, #tpu.memory_space<vmem>>, vector<16xf32>,
        %parallel_loop3A_618 = arith.constant 184 : i32
        %parallel_loop3A_619 = arith.addi %parallel_loop3A_439, %parallel_loop3A_618 : i32
        %parallel_loop3A_620 = arith.index_cast %parallel_loop3A_619 : i32 to index
        %parallel_loop3A_621 = tpu.vector_load %arg9[%parallel_loop3A_620] {strides = array<i32>} : memref<26240xf32, #tpu.memory_space<vmem>>, vector<16xf32>,
        tpu.vector_store %arg9[%parallel_loop3A_620], %parallel_loop3A_617 {strides = array<i32>} : memref<26240xf32, #tpu.memory_space<vmem>>, vector<16xf32>,
      } {sc.loop_unroll_factor = 2 : i64, sc.parallel_access}
      %mul3A_354 = arith.constant 128 : i32
      %mul3A_355 = arith.muli %add3A, %mul3A_354 : i32
      %add3A_356 = arith.constant 32 : i32
      %add3A_357 = arith.addi %mul3A_355, %add3A_356 : i32
      %dma_start3A_358 = arith.constant 0 : i32
      %dma_start3A_359 = tpu.memref_slice %arg2[%add3A_357, %dma_start3A_358] : memref<4096x200xi32, #tpu.memory_space<hbm>> -> memref<32x200xi32, #tpu.memory_space<hbm>>
      %dma_start3A_360 = arith.constant 0 : i32
      %dma_start3A_361 = tpu.memref_slice %arg2[%add3A_357, %dma_start3A_360] : memref<4096x200xi32, #tpu.memory_space<hbm>> -> memref<32x200xi32, #tpu.memory_space<hbm>>
      tpu.enqueue_dma source(%dma_start3A_361 : memref<32x200xi32, #tpu.memory_space<hbm>>) target(%run_scoped3A : memref<32x200xi32, #tpu.memory_space<vmem>>) target_semaphore(%arg17 : memref<!tpu.dma_semaphore, #tpu.memory_space<semaphore_mem>>)
      %mul3A_362 = arith.constant 128 : i32
      %mul3A_363 = arith.muli %add3A, %mul3A_362 : i32
      %add3A_364 = arith.constant 32 : i32
      %add3A_365 = arith.addi %mul3A_363, %add3A_364 : i32
      %dma_start3A_366 = arith.constant 0 : i32
      %dma_start3A_367 = tpu.memref_slice %arg3[%add3A_365, %dma_start3A_366] : memref<4096x200xf32, #tpu.memory_space<hbm>> -> memref<32x200xf32, #tpu.memory_space<hbm>>
      %dma_start3A_368 = arith.constant 0 : i32
      %dma_start3A_369 = tpu.memref_slice %arg3[%add3A_365, %dma_start3A_368] : memref<4096x200xf32, #tpu.memory_space<hbm>> -> memref<32x200xf32, #tpu.memory_space<hbm>>
      tpu.enqueue_dma source(%dma_start3A_369 : memref<32x200xf32, #tpu.memory_space<hbm>>) target(%run_scoped3A_326 : memref<32x200xf32, #tpu.memory_space<vmem>>) target_semaphore(%arg18 : memref<!tpu.dma_semaphore, #tpu.memory_space<semaphore_mem>>)
      %dma_wait3A_370 = arith.constant 0 : i32
      %dma_wait3A_371 = tpu.memref_slice %arg2[%add3A_357, %dma_wait3A_370] : memref<4096x200xi32, #tpu.memory_space<hbm>> -> memref<32x200xi32, #tpu.memory_space<hbm>>
      %dma_wait3A_372 = arith.constant 0 : i32
      %dma_wait3A_373 = tpu.memref_slice %arg2[%add3A_357, %dma_wait3A_372] : memref<4096x200xi32, #tpu.memory_space<hbm>> -> memref<32x200xi32, #tpu.memory_space<hbm>>
      tpu.wait_dma2 semaphore(%arg17 : memref<!tpu.dma_semaphore, #tpu.memory_space<semaphore_mem>>) src(%dma_wait3A_373 : memref<32x200xi32, #tpu.memory_space<hbm>>) dst(%run_scoped3A : memref<32x200xi32, #tpu.memory_space<vmem>>)
      %dma_wait3A_374 = arith.constant 0 : i32
      %dma_wait3A_375 = tpu.memref_slice %arg3[%add3A_365, %dma_wait3A_374] : memref<4096x200xf32, #tpu.memory_space<hbm>> -> memref<32x200xf32, #tpu.memory_space<hbm>>
      %dma_wait3A_376 = arith.constant 0 : i32
      %dma_wait3A_377 = tpu.memref_slice %arg3[%add3A_365, %dma_wait3A_376] : memref<4096x200xf32, #tpu.memory_space<hbm>> -> memref<32x200xf32, #tpu.memory_space<hbm>>
      tpu.wait_dma2 semaphore(%arg18 : memref<!tpu.dma_semaphore, #tpu.memory_space<semaphore_mem>>) src(%dma_wait3A_377 : memref<32x200xf32, #tpu.memory_space<hbm>>) dst(%run_scoped3A_326 : memref<32x200xf32, #tpu.memory_space<vmem>>)
      %parallel_loop3A_378 = arith.constant 0 : i32
      %parallel_loop3A_379 = arith.constant 32 : i32
      %parallel_loop3A_380 = arith.constant 1 : i32
      scf.for %parallel_loop3A_435 = %parallel_loop3A_378 to %parallel_loop3A_379 step %parallel_loop3A_380  : i32 {
        %parallel_loop3A_436 = arith.constant 32 : i32
        %parallel_loop3A_437 = arith.addi %parallel_loop3A_436, %parallel_loop3A_435 : i32
        %parallel_loop3A_438 = arith.constant 205 : i32
        %parallel_loop3A_439 = arith.muli %parallel_loop3A_437, %parallel_loop3A_438 : i32
        %parallel_loop3A_440 = arith.index_cast %parallel_loop3A_435 : i32 to index
        %parallel_loop3A_441 = arith.constant 0 : index
        %parallel_loop3A_442 = tpu.vector_load %run_scoped3A[%parallel_loop3A_440, %parallel_loop3A_441] {strides = array<i32>} : memref<32x200xi32, #tpu.memory_space<vmem>>, vector<16xi32>,
        %parallel_loop3A_443 = arith.constant 0 : i32
        %parallel_loop3A_444 = arith.addi %parallel_loop3A_439, %parallel_loop3A_443 : i32
        %parallel_loop3A_445 = arith.index_cast %parallel_loop3A_444 : i32 to index
        %parallel_loop3A_446 = tpu.vector_load %arg8[%parallel_loop3A_445] {strides = array<i32>} : memref<26240xi32, #tpu.memory_space<vmem>>, vector<16xi32>,
        tpu.vector_store %arg8[%parallel_loop3A_445], %parallel_loop3A_442 {strides = array<i32>} : memref<26240xi32, #tpu.memory_space<vmem>>, vector<16xi32>,
        %parallel_loop3A_447 = arith.index_cast %parallel_loop3A_435 : i32 to index
        %parallel_loop3A_448 = arith.constant 0 : index
        %parallel_loop3A_449 = tpu.vector_load %run_scoped3A_326[%parallel_loop3A_447, %parallel_loop3A_448] {strides = array<i32>} : memref<32x200xf32, #tpu.memory_space<vmem>>, vector<16xf32>,
        %parallel_loop3A_450 = arith.constant 0 : i32
        %parallel_loop3A_451 = arith.addi %parallel_loop3A_439, %parallel_loop3A_450 : i32
        %parallel_loop3A_452 = arith.index_cast %parallel_loop3A_451 : i32 to index
        %parallel_loop3A_453 = tpu.vector_load %arg9[%parallel_loop3A_452] {strides = array<i32>} : memref<26240xf32, #tpu.memory_space<vmem>>, vector<16xf32>,
        tpu.vector_store %arg9[%parallel_loop3A_452], %parallel_loop3A_449 {strides = array<i32>} : memref<26240xf32, #tpu.memory_space<vmem>>, vector<16xf32>,
        %parallel_loop3A_454 = arith.index_cast %parallel_loop3A_435 : i32 to index
        %parallel_loop3A_455 = arith.constant 16 : index
        %parallel_loop3A_456 = tpu.vector_load %run_scoped3A[%parallel_loop3A_454, %parallel_loop3A_455] {strides = array<i32>} : memref<32x200xi32, #tpu.memory_space<vmem>>, vector<16xi32>,
        %parallel_loop3A_457 = arith.constant 16 : i32
        %parallel_loop3A_458 = arith.addi %parallel_loop3A_439, %parallel_loop3A_457 : i32
        %parallel_loop3A_459 = arith.index_cast %parallel_loop3A_458 : i32 to index
        %parallel_loop3A_460 = tpu.vector_load %arg8[%parallel_loop3A_459] {strides = array<i32>} : memref<26240xi32, #tpu.memory_space<vmem>>, vector<16xi32>,
        tpu.vector_store %arg8[%parallel_loop3A_459], %parallel_loop3A_456 {strides = array<i32>} : memref<26240xi32, #tpu.memory_space<vmem>>, vector<16xi32>,
        %parallel_loop3A_461 = arith.index_cast %parallel_loop3A_435 : i32 to index
        %parallel_loop3A_462 = arith.constant 16 : index
        %parallel_loop3A_463 = tpu.vector_load %run_scoped3A_326[%parallel_loop3A_461, %parallel_loop3A_462] {strides = array<i32>} : memref<32x200xf32, #tpu.memory_space<vmem>>, vector<16xf32>,
        %parallel_loop3A_464 = arith.constant 16 : i32
        %parallel_loop3A_465 = arith.addi %parallel_loop3A_439, %parallel_loop3A_464 : i32
        %parallel_loop3A_466 = arith.index_cast %parallel_loop3A_465 : i32 to index
        %parallel_loop3A_467 = tpu.vector_load %arg9[%parallel_loop3A_466] {strides = array<i32>} : memref<26240xf32, #tpu.memory_space<vmem>>, vector<16xf32>,
        tpu.vector_store %arg9[%parallel_loop3A_466], %parallel_loop3A_463 {strides = array<i32>} : memref<26240xf32, #tpu.memory_space<vmem>>, vector<16xf32>,
        %parallel_loop3A_468 = arith.index_cast %parallel_loop3A_435 : i32 to index
        %parallel_loop3A_469 = arith.constant 32 : index
        %parallel_loop3A_470 = tpu.vector_load %run_scoped3A[%parallel_loop3A_468, %parallel_loop3A_469] {strides = array<i32>} : memref<32x200xi32, #tpu.memory_space<vmem>>, vector<16xi32>,
        %parallel_loop3A_471 = arith.constant 32 : i32
        %parallel_loop3A_472 = arith.addi %parallel_loop3A_439, %parallel_loop3A_471 : i32
        %parallel_loop3A_473 = arith.index_cast %parallel_loop3A_472 : i32 to index
        %parallel_loop3A_474 = tpu.vector_load %arg8[%parallel_loop3A_473] {strides = array<i32>} : memref<26240xi32, #tpu.memory_space<vmem>>, vector<16xi32>,
        tpu.vector_store %arg8[%parallel_loop3A_473], %parallel_loop3A_470 {strides = array<i32>} : memref<26240xi32, #tpu.memory_space<vmem>>, vector<16xi32>,
        %parallel_loop3A_475 = arith.index_cast %parallel_loop3A_435 : i32 to index
        %parallel_loop3A_476 = arith.constant 32 : index
        %parallel_loop3A_477 = tpu.vector_load %run_scoped3A_326[%parallel_loop3A_475, %parallel_loop3A_476] {strides = array<i32>} : memref<32x200xf32, #tpu.memory_space<vmem>>, vector<16xf32>,
        %parallel_loop3A_478 = arith.constant 32 : i32
        %parallel_loop3A_479 = arith.addi %parallel_loop3A_439, %parallel_loop3A_478 : i32
        %parallel_loop3A_480 = arith.index_cast %parallel_loop3A_479 : i32 to index
        %parallel_loop3A_481 = tpu.vector_load %arg9[%parallel_loop3A_480] {strides = array<i32>} : memref<26240xf32, #tpu.memory_space<vmem>>, vector<16xf32>,
        tpu.vector_store %arg9[%parallel_loop3A_480], %parallel_loop3A_477 {strides = array<i32>} : memref<26240xf32, #tpu.memory_space<vmem>>, vector<16xf32>,
        %parallel_loop3A_482 = arith.index_cast %parallel_loop3A_435 : i32 to index
        %parallel_loop3A_483 = arith.constant 48 : index
        %parallel_loop3A_484 = tpu.vector_load %run_scoped3A[%parallel_loop3A_482, %parallel_loop3A_483] {strides = array<i32>} : memref<32x200xi32, #tpu.memory_space<vmem>>, vector<16xi32>,
        %parallel_loop3A_485 = arith.constant 48 : i32
        %parallel_loop3A_486 = arith.addi %parallel_loop3A_439, %parallel_loop3A_485 : i32
        %parallel_loop3A_487 = arith.index_cast %parallel_loop3A_486 : i32 to index
        %parallel_loop3A_488 = tpu.vector_load %arg8[%parallel_loop3A_487] {strides = array<i32>} : memref<26240xi32, #tpu.memory_space<vmem>>, vector<16xi32>,
        tpu.vector_store %arg8[%parallel_loop3A_487], %parallel_loop3A_484 {strides = array<i32>} : memref<26240xi32, #tpu.memory_space<vmem>>, vector<16xi32>,
        %parallel_loop3A_489 = arith.index_cast %parallel_loop3A_435 : i32 to index
        %parallel_loop3A_490 = arith.constant 48 : index
        %parallel_loop3A_491 = tpu.vector_load %run_scoped3A_326[%parallel_loop3A_489, %parallel_loop3A_490] {strides = array<i32>} : memref<32x200xf32, #tpu.memory_space<vmem>>, vector<16xf32>,
        %parallel_loop3A_492 = arith.constant 48 : i32
        %parallel_loop3A_493 = arith.addi %parallel_loop3A_439, %parallel_loop3A_492 : i32
        %parallel_loop3A_494 = arith.index_cast %parallel_loop3A_493 : i32 to index
        %parallel_loop3A_495 = tpu.vector_load %arg9[%parallel_loop3A_494] {strides = array<i32>} : memref<26240xf32, #tpu.memory_space<vmem>>, vector<16xf32>,
        tpu.vector_store %arg9[%parallel_loop3A_494], %parallel_loop3A_491 {strides = array<i32>} : memref<26240xf32, #tpu.memory_space<vmem>>, vector<16xf32>,
        %parallel_loop3A_496 = arith.index_cast %parallel_loop3A_435 : i32 to index
        %parallel_loop3A_497 = arith.constant 64 : index
        %parallel_loop3A_498 = tpu.vector_load %run_scoped3A[%parallel_loop3A_496, %parallel_loop3A_497] {strides = array<i32>} : memref<32x200xi32, #tpu.memory_space<vmem>>, vector<16xi32>,
        %parallel_loop3A_499 = arith.constant 64 : i32
        %parallel_loop3A_500 = arith.addi %parallel_loop3A_439, %parallel_loop3A_499 : i32
        %parallel_loop3A_501 = arith.index_cast %parallel_loop3A_500 : i32 to index
        %parallel_loop3A_502 = tpu.vector_load %arg8[%parallel_loop3A_501] {strides = array<i32>} : memref<26240xi32, #tpu.memory_space<vmem>>, vector<16xi32>,
        tpu.vector_store %arg8[%parallel_loop3A_501], %parallel_loop3A_498 {strides = array<i32>} : memref<26240xi32, #tpu.memory_space<vmem>>, vector<16xi32>,
        %parallel_loop3A_503 = arith.index_cast %parallel_loop3A_435 : i32 to index
        %parallel_loop3A_504 = arith.constant 64 : index
        %parallel_loop3A_505 = tpu.vector_load %run_scoped3A_326[%parallel_loop3A_503, %parallel_loop3A_504] {strides = array<i32>} : memref<32x200xf32, #tpu.memory_space<vmem>>, vector<16xf32>,
        %parallel_loop3A_506 = arith.constant 64 : i32
        %parallel_loop3A_507 = arith.addi %parallel_loop3A_439, %parallel_loop3A_506 : i32
        %parallel_loop3A_508 = arith.index_cast %parallel_loop3A_507 : i32 to index
        %parallel_loop3A_509 = tpu.vector_load %arg9[%parallel_loop3A_508] {strides = array<i32>} : memref<26240xf32, #tpu.memory_space<vmem>>, vector<16xf32>,
        tpu.vector_store %arg9[%parallel_loop3A_508], %parallel_loop3A_505 {strides = array<i32>} : memref<26240xf32, #tpu.memory_space<vmem>>, vector<16xf32>,
        %parallel_loop3A_510 = arith.index_cast %parallel_loop3A_435 : i32 to index
        %parallel_loop3A_511 = arith.constant 80 : index
        %parallel_loop3A_512 = tpu.vector_load %run_scoped3A[%parallel_loop3A_510, %parallel_loop3A_511] {strides = array<i32>} : memref<32x200xi32, #tpu.memory_space<vmem>>, vector<16xi32>,
        %parallel_loop3A_513 = arith.constant 80 : i32
        %parallel_loop3A_514 = arith.addi %parallel_loop3A_439, %parallel_loop3A_513 : i32
        %parallel_loop3A_515 = arith.index_cast %parallel_loop3A_514 : i32 to index
        %parallel_loop3A_516 = tpu.vector_load %arg8[%parallel_loop3A_515] {strides = array<i32>} : memref<26240xi32, #tpu.memory_space<vmem>>, vector<16xi32>,
        tpu.vector_store %arg8[%parallel_loop3A_515], %parallel_loop3A_512 {strides = array<i32>} : memref<26240xi32, #tpu.memory_space<vmem>>, vector<16xi32>,
        %parallel_loop3A_517 = arith.index_cast %parallel_loop3A_435 : i32 to index
        %parallel_loop3A_518 = arith.constant 80 : index
        %parallel_loop3A_519 = tpu.vector_load %run_scoped3A_326[%parallel_loop3A_517, %parallel_loop3A_518] {strides = array<i32>} : memref<32x200xf32, #tpu.memory_space<vmem>>, vector<16xf32>,
        %parallel_loop3A_520 = arith.constant 80 : i32
        %parallel_loop3A_521 = arith.addi %parallel_loop3A_439, %parallel_loop3A_520 : i32
        %parallel_loop3A_522 = arith.index_cast %parallel_loop3A_521 : i32 to index
        %parallel_loop3A_523 = tpu.vector_load %arg9[%parallel_loop3A_522] {strides = array<i32>} : memref<26240xf32, #tpu.memory_space<vmem>>, vector<16xf32>,
        tpu.vector_store %arg9[%parallel_loop3A_522], %parallel_loop3A_519 {strides = array<i32>} : memref<26240xf32, #tpu.memory_space<vmem>>, vector<16xf32>,
        %parallel_loop3A_524 = arith.index_cast %parallel_loop3A_435 : i32 to index
        %parallel_loop3A_525 = arith.constant 96 : index
        %parallel_loop3A_526 = tpu.vector_load %run_scoped3A[%parallel_loop3A_524, %parallel_loop3A_525] {strides = array<i32>} : memref<32x200xi32, #tpu.memory_space<vmem>>, vector<16xi32>,
        %parallel_loop3A_527 = arith.constant 96 : i32
        %parallel_loop3A_528 = arith.addi %parallel_loop3A_439, %parallel_loop3A_527 : i32
        %parallel_loop3A_529 = arith.index_cast %parallel_loop3A_528 : i32 to index
        %parallel_loop3A_530 = tpu.vector_load %arg8[%parallel_loop3A_529] {strides = array<i32>} : memref<26240xi32, #tpu.memory_space<vmem>>, vector<16xi32>,
        tpu.vector_store %arg8[%parallel_loop3A_529], %parallel_loop3A_526 {strides = array<i32>} : memref<26240xi32, #tpu.memory_space<vmem>>, vector<16xi32>,
        %parallel_loop3A_531 = arith.index_cast %parallel_loop3A_435 : i32 to index
        %parallel_loop3A_532 = arith.constant 96 : index
        %parallel_loop3A_533 = tpu.vector_load %run_scoped3A_326[%parallel_loop3A_531, %parallel_loop3A_532] {strides = array<i32>} : memref<32x200xf32, #tpu.memory_space<vmem>>, vector<16xf32>,
        %parallel_loop3A_534 = arith.constant 96 : i32
        %parallel_loop3A_535 = arith.addi %parallel_loop3A_439, %parallel_loop3A_534 : i32
        %parallel_loop3A_536 = arith.index_cast %parallel_loop3A_535 : i32 to index
        %parallel_loop3A_537 = tpu.vector_load %arg9[%parallel_loop3A_536] {strides = array<i32>} : memref<26240xf32, #tpu.memory_space<vmem>>, vector<16xf32>,
        tpu.vector_store %arg9[%parallel_loop3A_536], %parallel_loop3A_533 {strides = array<i32>} : memref<26240xf32, #tpu.memory_space<vmem>>, vector<16xf32>,
        %parallel_loop3A_538 = arith.index_cast %parallel_loop3A_435 : i32 to index
        %parallel_loop3A_539 = arith.constant 112 : index
        %parallel_loop3A_540 = tpu.vector_load %run_scoped3A[%parallel_loop3A_538, %parallel_loop3A_539] {strides = array<i32>} : memref<32x200xi32, #tpu.memory_space<vmem>>, vector<16xi32>,
        %parallel_loop3A_541 = arith.constant 112 : i32
        %parallel_loop3A_542 = arith.addi %parallel_loop3A_439, %parallel_loop3A_541 : i32
        %parallel_loop3A_543 = arith.index_cast %parallel_loop3A_542 : i32 to index
        %parallel_loop3A_544 = tpu.vector_load %arg8[%parallel_loop3A_543] {strides = array<i32>} : memref<26240xi32, #tpu.memory_space<vmem>>, vector<16xi32>,
        tpu.vector_store %arg8[%parallel_loop3A_543], %parallel_loop3A_540 {strides = array<i32>} : memref<26240xi32, #tpu.memory_space<vmem>>, vector<16xi32>,
        %parallel_loop3A_545 = arith.index_cast %parallel_loop3A_435 : i32 to index
        %parallel_loop3A_546 = arith.constant 112 : index
        %parallel_loop3A_547 = tpu.vector_load %run_scoped3A_326[%parallel_loop3A_545, %parallel_loop3A_546] {strides = array<i32>} : memref<32x200xf32, #tpu.memory_space<vmem>>, vector<16xf32>,
        %parallel_loop3A_548 = arith.constant 112 : i32
        %parallel_loop3A_549 = arith.addi %parallel_loop3A_439, %parallel_loop3A_548 : i32
        %parallel_loop3A_550 = arith.index_cast %parallel_loop3A_549 : i32 to index
        %parallel_loop3A_551 = tpu.vector_load %arg9[%parallel_loop3A_550] {strides = array<i32>} : memref<26240xf32, #tpu.memory_space<vmem>>, vector<16xf32>,
        tpu.vector_store %arg9[%parallel_loop3A_550], %parallel_loop3A_547 {strides = array<i32>} : memref<26240xf32, #tpu.memory_space<vmem>>, vector<16xf32>,
        %parallel_loop3A_552 = arith.index_cast %parallel_loop3A_435 : i32 to index
        %parallel_loop3A_553 = arith.constant 128 : index
        %parallel_loop3A_554 = tpu.vector_load %run_scoped3A[%parallel_loop3A_552, %parallel_loop3A_553] {strides = array<i32>} : memref<32x200xi32, #tpu.memory_space<vmem>>, vector<16xi32>,
        %parallel_loop3A_555 = arith.constant 128 : i32
        %parallel_loop3A_556 = arith.addi %parallel_loop3A_439, %parallel_loop3A_555 : i32
        %parallel_loop3A_557 = arith.index_cast %parallel_loop3A_556 : i32 to index
        %parallel_loop3A_558 = tpu.vector_load %arg8[%parallel_loop3A_557] {strides = array<i32>} : memref<26240xi32, #tpu.memory_space<vmem>>, vector<16xi32>,
        tpu.vector_store %arg8[%parallel_loop3A_557], %parallel_loop3A_554 {strides = array<i32>} : memref<26240xi32, #tpu.memory_space<vmem>>, vector<16xi32>,
        %parallel_loop3A_559 = arith.index_cast %parallel_loop3A_435 : i32 to index
        %parallel_loop3A_560 = arith.constant 128 : index
        %parallel_loop3A_561 = tpu.vector_load %run_scoped3A_326[%parallel_loop3A_559, %parallel_loop3A_560] {strides = array<i32>} : memref<32x200xf32, #tpu.memory_space<vmem>>, vector<16xf32>,
        %parallel_loop3A_562 = arith.constant 128 : i32
        %parallel_loop3A_563 = arith.addi %parallel_loop3A_439, %parallel_loop3A_562 : i32
        %parallel_loop3A_564 = arith.index_cast %parallel_loop3A_563 : i32 to index
        %parallel_loop3A_565 = tpu.vector_load %arg9[%parallel_loop3A_564] {strides = array<i32>} : memref<26240xf32, #tpu.memory_space<vmem>>, vector<16xf32>,
        tpu.vector_store %arg9[%parallel_loop3A_564], %parallel_loop3A_561 {strides = array<i32>} : memref<26240xf32, #tpu.memory_space<vmem>>, vector<16xf32>,
        %parallel_loop3A_566 = arith.index_cast %parallel_loop3A_435 : i32 to index
        %parallel_loop3A_567 = arith.constant 144 : index
        %parallel_loop3A_568 = tpu.vector_load %run_scoped3A[%parallel_loop3A_566, %parallel_loop3A_567] {strides = array<i32>} : memref<32x200xi32, #tpu.memory_space<vmem>>, vector<16xi32>,
        %parallel_loop3A_569 = arith.constant 144 : i32
        %parallel_loop3A_570 = arith.addi %parallel_loop3A_439, %parallel_loop3A_569 : i32
        %parallel_loop3A_571 = arith.index_cast %parallel_loop3A_570 : i32 to index
        %parallel_loop3A_572 = tpu.vector_load %arg8[%parallel_loop3A_571] {strides = array<i32>} : memref<26240xi32, #tpu.memory_space<vmem>>, vector<16xi32>,
        tpu.vector_store %arg8[%parallel_loop3A_571], %parallel_loop3A_568 {strides = array<i32>} : memref<26240xi32, #tpu.memory_space<vmem>>, vector<16xi32>,
        %parallel_loop3A_573 = arith.index_cast %parallel_loop3A_435 : i32 to index
        %parallel_loop3A_574 = arith.constant 144 : index
        %parallel_loop3A_575 = tpu.vector_load %run_scoped3A_326[%parallel_loop3A_573, %parallel_loop3A_574] {strides = array<i32>} : memref<32x200xf32, #tpu.memory_space<vmem>>, vector<16xf32>,
        %parallel_loop3A_576 = arith.constant 144 : i32
        %parallel_loop3A_577 = arith.addi %parallel_loop3A_439, %parallel_loop3A_576 : i32
        %parallel_loop3A_578 = arith.index_cast %parallel_loop3A_577 : i32 to index
        %parallel_loop3A_579 = tpu.vector_load %arg9[%parallel_loop3A_578] {strides = array<i32>} : memref<26240xf32, #tpu.memory_space<vmem>>, vector<16xf32>,
        tpu.vector_store %arg9[%parallel_loop3A_578], %parallel_loop3A_575 {strides = array<i32>} : memref<26240xf32, #tpu.memory_space<vmem>>, vector<16xf32>,
        %parallel_loop3A_580 = arith.index_cast %parallel_loop3A_435 : i32 to index
        %parallel_loop3A_581 = arith.constant 160 : index
        %parallel_loop3A_582 = tpu.vector_load %run_scoped3A[%parallel_loop3A_580, %parallel_loop3A_581] {strides = array<i32>} : memref<32x200xi32, #tpu.memory_space<vmem>>, vector<16xi32>,
        %parallel_loop3A_583 = arith.constant 160 : i32
        %parallel_loop3A_584 = arith.addi %parallel_loop3A_439, %parallel_loop3A_583 : i32
        %parallel_loop3A_585 = arith.index_cast %parallel_loop3A_584 : i32 to index
        %parallel_loop3A_586 = tpu.vector_load %arg8[%parallel_loop3A_585] {strides = array<i32>} : memref<26240xi32, #tpu.memory_space<vmem>>, vector<16xi32>,
        tpu.vector_store %arg8[%parallel_loop3A_585], %parallel_loop3A_582 {strides = array<i32>} : memref<26240xi32, #tpu.memory_space<vmem>>, vector<16xi32>,
        %parallel_loop3A_587 = arith.index_cast %parallel_loop3A_435 : i32 to index
        %parallel_loop3A_588 = arith.constant 160 : index
        %parallel_loop3A_589 = tpu.vector_load %run_scoped3A_326[%parallel_loop3A_587, %parallel_loop3A_588] {strides = array<i32>} : memref<32x200xf32, #tpu.memory_space<vmem>>, vector<16xf32>,
        %parallel_loop3A_590 = arith.constant 160 : i32
        %parallel_loop3A_591 = arith.addi %parallel_loop3A_439, %parallel_loop3A_590 : i32
        %parallel_loop3A_592 = arith.index_cast %parallel_loop3A_591 : i32 to index
        %parallel_loop3A_593 = tpu.vector_load %arg9[%parallel_loop3A_592] {strides = array<i32>} : memref<26240xf32, #tpu.memory_space<vmem>>, vector<16xf32>,
        tpu.vector_store %arg9[%parallel_loop3A_592], %parallel_loop3A_589 {strides = array<i32>} : memref<26240xf32, #tpu.memory_space<vmem>>, vector<16xf32>,
        %parallel_loop3A_594 = arith.index_cast %parallel_loop3A_435 : i32 to index
        %parallel_loop3A_595 = arith.constant 176 : index
        %parallel_loop3A_596 = tpu.vector_load %run_scoped3A[%parallel_loop3A_594, %parallel_loop3A_595] {strides = array<i32>} : memref<32x200xi32, #tpu.memory_space<vmem>>, vector<16xi32>,
        %parallel_loop3A_597 = arith.constant 176 : i32
        %parallel_loop3A_598 = arith.addi %parallel_loop3A_439, %parallel_loop3A_597 : i32
        %parallel_loop3A_599 = arith.index_cast %parallel_loop3A_598 : i32 to index
        %parallel_loop3A_600 = tpu.vector_load %arg8[%parallel_loop3A_599] {strides = array<i32>} : memref<26240xi32, #tpu.memory_space<vmem>>, vector<16xi32>,
        tpu.vector_store %arg8[%parallel_loop3A_599], %parallel_loop3A_596 {strides = array<i32>} : memref<26240xi32, #tpu.memory_space<vmem>>, vector<16xi32>,
        %parallel_loop3A_601 = arith.index_cast %parallel_loop3A_435 : i32 to index
        %parallel_loop3A_602 = arith.constant 176 : index
        %parallel_loop3A_603 = tpu.vector_load %run_scoped3A_326[%parallel_loop3A_601, %parallel_loop3A_602] {strides = array<i32>} : memref<32x200xf32, #tpu.memory_space<vmem>>, vector<16xf32>,
        %parallel_loop3A_604 = arith.constant 176 : i32
        %parallel_loop3A_605 = arith.addi %parallel_loop3A_439, %parallel_loop3A_604 : i32
        %parallel_loop3A_606 = arith.index_cast %parallel_loop3A_605 : i32 to index
        %parallel_loop3A_607 = tpu.vector_load %arg9[%parallel_loop3A_606] {strides = array<i32>} : memref<26240xf32, #tpu.memory_space<vmem>>, vector<16xf32>,
        tpu.vector_store %arg9[%parallel_loop3A_606], %parallel_loop3A_603 {strides = array<i32>} : memref<26240xf32, #tpu.memory_space<vmem>>, vector<16xf32>,
        %parallel_loop3A_608 = arith.index_cast %parallel_loop3A_435 : i32 to index
        %parallel_loop3A_609 = arith.constant 184 : index
        %parallel_loop3A_610 = tpu.vector_load %run_scoped3A[%parallel_loop3A_608, %parallel_loop3A_609] {strides = array<i32>} : memref<32x200xi32, #tpu.memory_space<vmem>>, vector<16xi32>,
        %parallel_loop3A_611 = arith.constant 184 : i32
        %parallel_loop3A_612 = arith.addi %parallel_loop3A_439, %parallel_loop3A_611 : i32
        %parallel_loop3A_613 = arith.index_cast %parallel_loop3A_612 : i32 to index
        %parallel_loop3A_614 = tpu.vector_load %arg8[%parallel_loop3A_613] {strides = array<i32>} : memref<26240xi32, #tpu.memory_space<vmem>>, vector<16xi32>,
        tpu.vector_store %arg8[%parallel_loop3A_613], %parallel_loop3A_610 {strides = array<i32>} : memref<26240xi32, #tpu.memory_space<vmem>>, vector<16xi32>,
        %parallel_loop3A_615 = arith.index_cast %parallel_loop3A_435 : i32 to index
        %parallel_loop3A_616 = arith.constant 184 : index
        %parallel_loop3A_617 = tpu.vector_load %run_scoped3A_326[%parallel_loop3A_615, %parallel_loop3A_616] {strides = array<i32>} : memref<32x200xf32, #tpu.memory_space<vmem>>, vector<16xf32>,
        %parallel_loop3A_618 = arith.constant 184 : i32
        %parallel_loop3A_619 = arith.addi %parallel_loop3A_439, %parallel_loop3A_618 : i32
        %parallel_loop3A_620 = arith.index_cast %parallel_loop3A_619 : i32 to index
        %parallel_loop3A_621 = tpu.vector_load %arg9[%parallel_loop3A_620] {strides = array<i32>} : memref<26240xf32, #tpu.memory_space<vmem>>, vector<16xf32>,
        tpu.vector_store %arg9[%parallel_loop3A_620], %parallel_loop3A_617 {strides = array<i32>} : memref<26240xf32, #tpu.memory_space<vmem>>, vector<16xf32>,
      } {sc.loop_unroll_factor = 2 : i64, sc.parallel_access}
      %mul3A_381 = arith.constant 128 : i32
      %mul3A_382 = arith.muli %add3A, %mul3A_381 : i32
      %add3A_383 = arith.constant 64 : i32
      %add3A_384 = arith.addi %mul3A_382, %add3A_383 : i32
      %dma_start3A_385 = arith.constant 0 : i32
      %dma_start3A_386 = tpu.memref_slice %arg2[%add3A_384, %dma_start3A_385] : memref<4096x200xi32, #tpu.memory_space<hbm>> -> memref<32x200xi32, #tpu.memory_space<hbm>>
      %dma_start3A_387 = arith.constant 0 : i32
      %dma_start3A_388 = tpu.memref_slice %arg2[%add3A_384, %dma_start3A_387] : memref<4096x200xi32, #tpu.memory_space<hbm>> -> memref<32x200xi32, #tpu.memory_space<hbm>>
      tpu.enqueue_dma source(%dma_start3A_388 : memref<32x200xi32, #tpu.memory_space<hbm>>) target(%run_scoped3A : memref<32x200xi32, #tpu.memory_space<vmem>>) target_semaphore(%arg17 : memref<!tpu.dma_semaphore, #tpu.memory_space<semaphore_mem>>)
      %mul3A_389 = arith.constant 128 : i32
      %mul3A_390 = arith.muli %add3A, %mul3A_389 : i32
      %add3A_391 = arith.constant 64 : i32
      %add3A_392 = arith.addi %mul3A_390, %add3A_391 : i32
      %dma_start3A_393 = arith.constant 0 : i32
      %dma_start3A_394 = tpu.memref_slice %arg3[%add3A_392, %dma_start3A_393] : memref<4096x200xf32, #tpu.memory_space<hbm>> -> memref<32x200xf32, #tpu.memory_space<hbm>>
      %dma_start3A_395 = arith.constant 0 : i32
      %dma_start3A_396 = tpu.memref_slice %arg3[%add3A_392, %dma_start3A_395] : memref<4096x200xf32, #tpu.memory_space<hbm>> -> memref<32x200xf32, #tpu.memory_space<hbm>>
      tpu.enqueue_dma source(%dma_start3A_396 : memref<32x200xf32, #tpu.memory_space<hbm>>) target(%run_scoped3A_326 : memref<32x200xf32, #tpu.memory_space<vmem>>) target_semaphore(%arg18 : memref<!tpu.dma_semaphore, #tpu.memory_space<semaphore_mem>>)
      %dma_wait3A_397 = arith.constant 0 : i32
      %dma_wait3A_398 = tpu.memref_slice %arg2[%add3A_384, %dma_wait3A_397] : memref<4096x200xi32, #tpu.memory_space<hbm>> -> memref<32x200xi32, #tpu.memory_space<hbm>>
      %dma_wait3A_399 = arith.constant 0 : i32
      %dma_wait3A_400 = tpu.memref_slice %arg2[%add3A_384, %dma_wait3A_399] : memref<4096x200xi32, #tpu.memory_space<hbm>> -> memref<32x200xi32, #tpu.memory_space<hbm>>
      tpu.wait_dma2 semaphore(%arg17 : memref<!tpu.dma_semaphore, #tpu.memory_space<semaphore_mem>>) src(%dma_wait3A_400 : memref<32x200xi32, #tpu.memory_space<hbm>>) dst(%run_scoped3A : memref<32x200xi32, #tpu.memory_space<vmem>>)
      %dma_wait3A_401 = arith.constant 0 : i32
      %dma_wait3A_402 = tpu.memref_slice %arg3[%add3A_392, %dma_wait3A_401] : memref<4096x200xf32, #tpu.memory_space<hbm>> -> memref<32x200xf32, #tpu.memory_space<hbm>>
      %dma_wait3A_403 = arith.constant 0 : i32
      %dma_wait3A_404 = tpu.memref_slice %arg3[%add3A_392, %dma_wait3A_403] : memref<4096x200xf32, #tpu.memory_space<hbm>> -> memref<32x200xf32, #tpu.memory_space<hbm>>
      tpu.wait_dma2 semaphore(%arg18 : memref<!tpu.dma_semaphore, #tpu.memory_space<semaphore_mem>>) src(%dma_wait3A_404 : memref<32x200xf32, #tpu.memory_space<hbm>>) dst(%run_scoped3A_326 : memref<32x200xf32, #tpu.memory_space<vmem>>)
      %parallel_loop3A_405 = arith.constant 0 : i32
      %parallel_loop3A_406 = arith.constant 32 : i32
      %parallel_loop3A_407 = arith.constant 1 : i32
      scf.for %parallel_loop3A_435 = %parallel_loop3A_405 to %parallel_loop3A_406 step %parallel_loop3A_407  : i32 {
        %parallel_loop3A_436 = arith.constant 64 : i32
        %parallel_loop3A_437 = arith.addi %parallel_loop3A_436, %parallel_loop3A_435 : i32
        %parallel_loop3A_438 = arith.constant 205 : i32
        %parallel_loop3A_439 = arith.muli %parallel_loop3A_437, %parallel_loop3A_438 : i32
        %parallel_loop3A_440 = arith.index_cast %parallel_loop3A_435 : i32 to index
        %parallel_loop3A_441 = arith.constant 0 : index
        %parallel_loop3A_442 = tpu.vector_load %run_scoped3A[%parallel_loop3A_440, %parallel_loop3A_441] {strides = array<i32>} : memref<32x200xi32, #tpu.memory_space<vmem>>, vector<16xi32>,
        %parallel_loop3A_443 = arith.constant 0 : i32
        %parallel_loop3A_444 = arith.addi %parallel_loop3A_439, %parallel_loop3A_443 : i32
        %parallel_loop3A_445 = arith.index_cast %parallel_loop3A_444 : i32 to index
        %parallel_loop3A_446 = tpu.vector_load %arg8[%parallel_loop3A_445] {strides = array<i32>} : memref<26240xi32, #tpu.memory_space<vmem>>, vector<16xi32>,
        tpu.vector_store %arg8[%parallel_loop3A_445], %parallel_loop3A_442 {strides = array<i32>} : memref<26240xi32, #tpu.memory_space<vmem>>, vector<16xi32>,
        %parallel_loop3A_447 = arith.index_cast %parallel_loop3A_435 : i32 to index
        %parallel_loop3A_448 = arith.constant 0 : index
        %parallel_loop3A_449 = tpu.vector_load %run_scoped3A_326[%parallel_loop3A_447, %parallel_loop3A_448] {strides = array<i32>} : memref<32x200xf32, #tpu.memory_space<vmem>>, vector<16xf32>,
        %parallel_loop3A_450 = arith.constant 0 : i32
        %parallel_loop3A_451 = arith.addi %parallel_loop3A_439, %parallel_loop3A_450 : i32
        %parallel_loop3A_452 = arith.index_cast %parallel_loop3A_451 : i32 to index
        %parallel_loop3A_453 = tpu.vector_load %arg9[%parallel_loop3A_452] {strides = array<i32>} : memref<26240xf32, #tpu.memory_space<vmem>>, vector<16xf32>,
        tpu.vector_store %arg9[%parallel_loop3A_452], %parallel_loop3A_449 {strides = array<i32>} : memref<26240xf32, #tpu.memory_space<vmem>>, vector<16xf32>,
        %parallel_loop3A_454 = arith.index_cast %parallel_loop3A_435 : i32 to index
        %parallel_loop3A_455 = arith.constant 16 : index
        %parallel_loop3A_456 = tpu.vector_load %run_scoped3A[%parallel_loop3A_454, %parallel_loop3A_455] {strides = array<i32>} : memref<32x200xi32, #tpu.memory_space<vmem>>, vector<16xi32>,
        %parallel_loop3A_457 = arith.constant 16 : i32
        %parallel_loop3A_458 = arith.addi %parallel_loop3A_439, %parallel_loop3A_457 : i32
        %parallel_loop3A_459 = arith.index_cast %parallel_loop3A_458 : i32 to index
        %parallel_loop3A_460 = tpu.vector_load %arg8[%parallel_loop3A_459] {strides = array<i32>} : memref<26240xi32, #tpu.memory_space<vmem>>, vector<16xi32>,
        tpu.vector_store %arg8[%parallel_loop3A_459], %parallel_loop3A_456 {strides = array<i32>} : memref<26240xi32, #tpu.memory_space<vmem>>, vector<16xi32>,
        %parallel_loop3A_461 = arith.index_cast %parallel_loop3A_435 : i32 to index
        %parallel_loop3A_462 = arith.constant 16 : index
        %parallel_loop3A_463 = tpu.vector_load %run_scoped3A_326[%parallel_loop3A_461, %parallel_loop3A_462] {strides = array<i32>} : memref<32x200xf32, #tpu.memory_space<vmem>>, vector<16xf32>,
        %parallel_loop3A_464 = arith.constant 16 : i32
        %parallel_loop3A_465 = arith.addi %parallel_loop3A_439, %parallel_loop3A_464 : i32
        %parallel_loop3A_466 = arith.index_cast %parallel_loop3A_465 : i32 to index
        %parallel_loop3A_467 = tpu.vector_load %arg9[%parallel_loop3A_466] {strides = array<i32>} : memref<26240xf32, #tpu.memory_space<vmem>>, vector<16xf32>,
        tpu.vector_store %arg9[%parallel_loop3A_466], %parallel_loop3A_463 {strides = array<i32>} : memref<26240xf32, #tpu.memory_space<vmem>>, vector<16xf32>,
        %parallel_loop3A_468 = arith.index_cast %parallel_loop3A_435 : i32 to index
        %parallel_loop3A_469 = arith.constant 32 : index
        %parallel_loop3A_470 = tpu.vector_load %run_scoped3A[%parallel_loop3A_468, %parallel_loop3A_469] {strides = array<i32>} : memref<32x200xi32, #tpu.memory_space<vmem>>, vector<16xi32>,
        %parallel_loop3A_471 = arith.constant 32 : i32
        %parallel_loop3A_472 = arith.addi %parallel_loop3A_439, %parallel_loop3A_471 : i32
        %parallel_loop3A_473 = arith.index_cast %parallel_loop3A_472 : i32 to index
        %parallel_loop3A_474 = tpu.vector_load %arg8[%parallel_loop3A_473] {strides = array<i32>} : memref<26240xi32, #tpu.memory_space<vmem>>, vector<16xi32>,
        tpu.vector_store %arg8[%parallel_loop3A_473], %parallel_loop3A_470 {strides = array<i32>} : memref<26240xi32, #tpu.memory_space<vmem>>, vector<16xi32>,
        %parallel_loop3A_475 = arith.index_cast %parallel_loop3A_435 : i32 to index
        %parallel_loop3A_476 = arith.constant 32 : index
        %parallel_loop3A_477 = tpu.vector_load %run_scoped3A_326[%parallel_loop3A_475, %parallel_loop3A_476] {strides = array<i32>} : memref<32x200xf32, #tpu.memory_space<vmem>>, vector<16xf32>,
        %parallel_loop3A_478 = arith.constant 32 : i32
        %parallel_loop3A_479 = arith.addi %parallel_loop3A_439, %parallel_loop3A_478 : i32
        %parallel_loop3A_480 = arith.index_cast %parallel_loop3A_479 : i32 to index
        %parallel_loop3A_481 = tpu.vector_load %arg9[%parallel_loop3A_480] {strides = array<i32>} : memref<26240xf32, #tpu.memory_space<vmem>>, vector<16xf32>,
        tpu.vector_store %arg9[%parallel_loop3A_480], %parallel_loop3A_477 {strides = array<i32>} : memref<26240xf32, #tpu.memory_space<vmem>>, vector<16xf32>,
        %parallel_loop3A_482 = arith.index_cast %parallel_loop3A_435 : i32 to index
        %parallel_loop3A_483 = arith.constant 48 : index
        %parallel_loop3A_484 = tpu.vector_load %run_scoped3A[%parallel_loop3A_482, %parallel_loop3A_483] {strides = array<i32>} : memref<32x200xi32, #tpu.memory_space<vmem>>, vector<16xi32>,
        %parallel_loop3A_485 = arith.constant 48 : i32
        %parallel_loop3A_486 = arith.addi %parallel_loop3A_439, %parallel_loop3A_485 : i32
        %parallel_loop3A_487 = arith.index_cast %parallel_loop3A_486 : i32 to index
        %parallel_loop3A_488 = tpu.vector_load %arg8[%parallel_loop3A_487] {strides = array<i32>} : memref<26240xi32, #tpu.memory_space<vmem>>, vector<16xi32>,
        tpu.vector_store %arg8[%parallel_loop3A_487], %parallel_loop3A_484 {strides = array<i32>} : memref<26240xi32, #tpu.memory_space<vmem>>, vector<16xi32>,
        %parallel_loop3A_489 = arith.index_cast %parallel_loop3A_435 : i32 to index
        %parallel_loop3A_490 = arith.constant 48 : index
        %parallel_loop3A_491 = tpu.vector_load %run_scoped3A_326[%parallel_loop3A_489, %parallel_loop3A_490] {strides = array<i32>} : memref<32x200xf32, #tpu.memory_space<vmem>>, vector<16xf32>,
        %parallel_loop3A_492 = arith.constant 48 : i32
        %parallel_loop3A_493 = arith.addi %parallel_loop3A_439, %parallel_loop3A_492 : i32
        %parallel_loop3A_494 = arith.index_cast %parallel_loop3A_493 : i32 to index
        %parallel_loop3A_495 = tpu.vector_load %arg9[%parallel_loop3A_494] {strides = array<i32>} : memref<26240xf32, #tpu.memory_space<vmem>>, vector<16xf32>,
        tpu.vector_store %arg9[%parallel_loop3A_494], %parallel_loop3A_491 {strides = array<i32>} : memref<26240xf32, #tpu.memory_space<vmem>>, vector<16xf32>,
        %parallel_loop3A_496 = arith.index_cast %parallel_loop3A_435 : i32 to index
        %parallel_loop3A_497 = arith.constant 64 : index
        %parallel_loop3A_498 = tpu.vector_load %run_scoped3A[%parallel_loop3A_496, %parallel_loop3A_497] {strides = array<i32>} : memref<32x200xi32, #tpu.memory_space<vmem>>, vector<16xi32>,
        %parallel_loop3A_499 = arith.constant 64 : i32
        %parallel_loop3A_500 = arith.addi %parallel_loop3A_439, %parallel_loop3A_499 : i32
        %parallel_loop3A_501 = arith.index_cast %parallel_loop3A_500 : i32 to index
        %parallel_loop3A_502 = tpu.vector_load %arg8[%parallel_loop3A_501] {strides = array<i32>} : memref<26240xi32, #tpu.memory_space<vmem>>, vector<16xi32>,
        tpu.vector_store %arg8[%parallel_loop3A_501], %parallel_loop3A_498 {strides = array<i32>} : memref<26240xi32, #tpu.memory_space<vmem>>, vector<16xi32>,
        %parallel_loop3A_503 = arith.index_cast %parallel_loop3A_435 : i32 to index
        %parallel_loop3A_504 = arith.constant 64 : index
        %parallel_loop3A_505 = tpu.vector_load %run_scoped3A_326[%parallel_loop3A_503, %parallel_loop3A_504] {strides = array<i32>} : memref<32x200xf32, #tpu.memory_space<vmem>>, vector<16xf32>,
        %parallel_loop3A_506 = arith.constant 64 : i32
        %parallel_loop3A_507 = arith.addi %parallel_loop3A_439, %parallel_loop3A_506 : i32
        %parallel_loop3A_508 = arith.index_cast %parallel_loop3A_507 : i32 to index
        %parallel_loop3A_509 = tpu.vector_load %arg9[%parallel_loop3A_508] {strides = array<i32>} : memref<26240xf32, #tpu.memory_space<vmem>>, vector<16xf32>,
        tpu.vector_store %arg9[%parallel_loop3A_508], %parallel_loop3A_505 {strides = array<i32>} : memref<26240xf32, #tpu.memory_space<vmem>>, vector<16xf32>,
        %parallel_loop3A_510 = arith.index_cast %parallel_loop3A_435 : i32 to index
        %parallel_loop3A_511 = arith.constant 80 : index
        %parallel_loop3A_512 = tpu.vector_load %run_scoped3A[%parallel_loop3A_510, %parallel_loop3A_511] {strides = array<i32>} : memref<32x200xi32, #tpu.memory_space<vmem>>, vector<16xi32>,
        %parallel_loop3A_513 = arith.constant 80 : i32
        %parallel_loop3A_514 = arith.addi %parallel_loop3A_439, %parallel_loop3A_513 : i32
        %parallel_loop3A_515 = arith.index_cast %parallel_loop3A_514 : i32 to index
        %parallel_loop3A_516 = tpu.vector_load %arg8[%parallel_loop3A_515] {strides = array<i32>} : memref<26240xi32, #tpu.memory_space<vmem>>, vector<16xi32>,
        tpu.vector_store %arg8[%parallel_loop3A_515], %parallel_loop3A_512 {strides = array<i32>} : memref<26240xi32, #tpu.memory_space<vmem>>, vector<16xi32>,
        %parallel_loop3A_517 = arith.index_cast %parallel_loop3A_435 : i32 to index
        %parallel_loop3A_518 = arith.constant 80 : index
        %parallel_loop3A_519 = tpu.vector_load %run_scoped3A_326[%parallel_loop3A_517, %parallel_loop3A_518] {strides = array<i32>} : memref<32x200xf32, #tpu.memory_space<vmem>>, vector<16xf32>,
        %parallel_loop3A_520 = arith.constant 80 : i32
        %parallel_loop3A_521 = arith.addi %parallel_loop3A_439, %parallel_loop3A_520 : i32
        %parallel_loop3A_522 = arith.index_cast %parallel_loop3A_521 : i32 to index
        %parallel_loop3A_523 = tpu.vector_load %arg9[%parallel_loop3A_522] {strides = array<i32>} : memref<26240xf32, #tpu.memory_space<vmem>>, vector<16xf32>,
        tpu.vector_store %arg9[%parallel_loop3A_522], %parallel_loop3A_519 {strides = array<i32>} : memref<26240xf32, #tpu.memory_space<vmem>>, vector<16xf32>,
        %parallel_loop3A_524 = arith.index_cast %parallel_loop3A_435 : i32 to index
        %parallel_loop3A_525 = arith.constant 96 : index
        %parallel_loop3A_526 = tpu.vector_load %run_scoped3A[%parallel_loop3A_524, %parallel_loop3A_525] {strides = array<i32>} : memref<32x200xi32, #tpu.memory_space<vmem>>, vector<16xi32>,
        %parallel_loop3A_527 = arith.constant 96 : i32
        %parallel_loop3A_528 = arith.addi %parallel_loop3A_439, %parallel_loop3A_527 : i32
        %parallel_loop3A_529 = arith.index_cast %parallel_loop3A_528 : i32 to index
        %parallel_loop3A_530 = tpu.vector_load %arg8[%parallel_loop3A_529] {strides = array<i32>} : memref<26240xi32, #tpu.memory_space<vmem>>, vector<16xi32>,
        tpu.vector_store %arg8[%parallel_loop3A_529], %parallel_loop3A_526 {strides = array<i32>} : memref<26240xi32, #tpu.memory_space<vmem>>, vector<16xi32>,
        %parallel_loop3A_531 = arith.index_cast %parallel_loop3A_435 : i32 to index
        %parallel_loop3A_532 = arith.constant 96 : index
        %parallel_loop3A_533 = tpu.vector_load %run_scoped3A_326[%parallel_loop3A_531, %parallel_loop3A_532] {strides = array<i32>} : memref<32x200xf32, #tpu.memory_space<vmem>>, vector<16xf32>,
        %parallel_loop3A_534 = arith.constant 96 : i32
        %parallel_loop3A_535 = arith.addi %parallel_loop3A_439, %parallel_loop3A_534 : i32
        %parallel_loop3A_536 = arith.index_cast %parallel_loop3A_535 : i32 to index
        %parallel_loop3A_537 = tpu.vector_load %arg9[%parallel_loop3A_536] {strides = array<i32>} : memref<26240xf32, #tpu.memory_space<vmem>>, vector<16xf32>,
        tpu.vector_store %arg9[%parallel_loop3A_536], %parallel_loop3A_533 {strides = array<i32>} : memref<26240xf32, #tpu.memory_space<vmem>>, vector<16xf32>,
        %parallel_loop3A_538 = arith.index_cast %parallel_loop3A_435 : i32 to index
        %parallel_loop3A_539 = arith.constant 112 : index
        %parallel_loop3A_540 = tpu.vector_load %run_scoped3A[%parallel_loop3A_538, %parallel_loop3A_539] {strides = array<i32>} : memref<32x200xi32, #tpu.memory_space<vmem>>, vector<16xi32>,
        %parallel_loop3A_541 = arith.constant 112 : i32
        %parallel_loop3A_542 = arith.addi %parallel_loop3A_439, %parallel_loop3A_541 : i32
        %parallel_loop3A_543 = arith.index_cast %parallel_loop3A_542 : i32 to index
        %parallel_loop3A_544 = tpu.vector_load %arg8[%parallel_loop3A_543] {strides = array<i32>} : memref<26240xi32, #tpu.memory_space<vmem>>, vector<16xi32>,
        tpu.vector_store %arg8[%parallel_loop3A_543], %parallel_loop3A_540 {strides = array<i32>} : memref<26240xi32, #tpu.memory_space<vmem>>, vector<16xi32>,
        %parallel_loop3A_545 = arith.index_cast %parallel_loop3A_435 : i32 to index
        %parallel_loop3A_546 = arith.constant 112 : index
        %parallel_loop3A_547 = tpu.vector_load %run_scoped3A_326[%parallel_loop3A_545, %parallel_loop3A_546] {strides = array<i32>} : memref<32x200xf32, #tpu.memory_space<vmem>>, vector<16xf32>,
        %parallel_loop3A_548 = arith.constant 112 : i32
        %parallel_loop3A_549 = arith.addi %parallel_loop3A_439, %parallel_loop3A_548 : i32
        %parallel_loop3A_550 = arith.index_cast %parallel_loop3A_549 : i32 to index
        %parallel_loop3A_551 = tpu.vector_load %arg9[%parallel_loop3A_550] {strides = array<i32>} : memref<26240xf32, #tpu.memory_space<vmem>>, vector<16xf32>,
        tpu.vector_store %arg9[%parallel_loop3A_550], %parallel_loop3A_547 {strides = array<i32>} : memref<26240xf32, #tpu.memory_space<vmem>>, vector<16xf32>,
        %parallel_loop3A_552 = arith.index_cast %parallel_loop3A_435 : i32 to index
        %parallel_loop3A_553 = arith.constant 128 : index
        %parallel_loop3A_554 = tpu.vector_load %run_scoped3A[%parallel_loop3A_552, %parallel_loop3A_553] {strides = array<i32>} : memref<32x200xi32, #tpu.memory_space<vmem>>, vector<16xi32>,
        %parallel_loop3A_555 = arith.constant 128 : i32
        %parallel_loop3A_556 = arith.addi %parallel_loop3A_439, %parallel_loop3A_555 : i32
        %parallel_loop3A_557 = arith.index_cast %parallel_loop3A_556 : i32 to index
        %parallel_loop3A_558 = tpu.vector_load %arg8[%parallel_loop3A_557] {strides = array<i32>} : memref<26240xi32, #tpu.memory_space<vmem>>, vector<16xi32>,
        tpu.vector_store %arg8[%parallel_loop3A_557], %parallel_loop3A_554 {strides = array<i32>} : memref<26240xi32, #tpu.memory_space<vmem>>, vector<16xi32>,
        %parallel_loop3A_559 = arith.index_cast %parallel_loop3A_435 : i32 to index
        %parallel_loop3A_560 = arith.constant 128 : index
        %parallel_loop3A_561 = tpu.vector_load %run_scoped3A_326[%parallel_loop3A_559, %parallel_loop3A_560] {strides = array<i32>} : memref<32x200xf32, #tpu.memory_space<vmem>>, vector<16xf32>,
        %parallel_loop3A_562 = arith.constant 128 : i32
        %parallel_loop3A_563 = arith.addi %parallel_loop3A_439, %parallel_loop3A_562 : i32
        %parallel_loop3A_564 = arith.index_cast %parallel_loop3A_563 : i32 to index
        %parallel_loop3A_565 = tpu.vector_load %arg9[%parallel_loop3A_564] {strides = array<i32>} : memref<26240xf32, #tpu.memory_space<vmem>>, vector<16xf32>,
        tpu.vector_store %arg9[%parallel_loop3A_564], %parallel_loop3A_561 {strides = array<i32>} : memref<26240xf32, #tpu.memory_space<vmem>>, vector<16xf32>,
        %parallel_loop3A_566 = arith.index_cast %parallel_loop3A_435 : i32 to index
        %parallel_loop3A_567 = arith.constant 144 : index
        %parallel_loop3A_568 = tpu.vector_load %run_scoped3A[%parallel_loop3A_566, %parallel_loop3A_567] {strides = array<i32>} : memref<32x200xi32, #tpu.memory_space<vmem>>, vector<16xi32>,
        %parallel_loop3A_569 = arith.constant 144 : i32
        %parallel_loop3A_570 = arith.addi %parallel_loop3A_439, %parallel_loop3A_569 : i32
        %parallel_loop3A_571 = arith.index_cast %parallel_loop3A_570 : i32 to index
        %parallel_loop3A_572 = tpu.vector_load %arg8[%parallel_loop3A_571] {strides = array<i32>} : memref<26240xi32, #tpu.memory_space<vmem>>, vector<16xi32>,
        tpu.vector_store %arg8[%parallel_loop3A_571], %parallel_loop3A_568 {strides = array<i32>} : memref<26240xi32, #tpu.memory_space<vmem>>, vector<16xi32>,
        %parallel_loop3A_573 = arith.index_cast %parallel_loop3A_435 : i32 to index
        %parallel_loop3A_574 = arith.constant 144 : index
        %parallel_loop3A_575 = tpu.vector_load %run_scoped3A_326[%parallel_loop3A_573, %parallel_loop3A_574] {strides = array<i32>} : memref<32x200xf32, #tpu.memory_space<vmem>>, vector<16xf32>,
        %parallel_loop3A_576 = arith.constant 144 : i32
        %parallel_loop3A_577 = arith.addi %parallel_loop3A_439, %parallel_loop3A_576 : i32
        %parallel_loop3A_578 = arith.index_cast %parallel_loop3A_577 : i32 to index
        %parallel_loop3A_579 = tpu.vector_load %arg9[%parallel_loop3A_578] {strides = array<i32>} : memref<26240xf32, #tpu.memory_space<vmem>>, vector<16xf32>,
        tpu.vector_store %arg9[%parallel_loop3A_578], %parallel_loop3A_575 {strides = array<i32>} : memref<26240xf32, #tpu.memory_space<vmem>>, vector<16xf32>,
        %parallel_loop3A_580 = arith.index_cast %parallel_loop3A_435 : i32 to index
        %parallel_loop3A_581 = arith.constant 160 : index
        %parallel_loop3A_582 = tpu.vector_load %run_scoped3A[%parallel_loop3A_580, %parallel_loop3A_581] {strides = array<i32>} : memref<32x200xi32, #tpu.memory_space<vmem>>, vector<16xi32>,
        %parallel_loop3A_583 = arith.constant 160 : i32
        %parallel_loop3A_584 = arith.addi %parallel_loop3A_439, %parallel_loop3A_583 : i32
        %parallel_loop3A_585 = arith.index_cast %parallel_loop3A_584 : i32 to index
        %parallel_loop3A_586 = tpu.vector_load %arg8[%parallel_loop3A_585] {strides = array<i32>} : memref<26240xi32, #tpu.memory_space<vmem>>, vector<16xi32>,
        tpu.vector_store %arg8[%parallel_loop3A_585], %parallel_loop3A_582 {strides = array<i32>} : memref<26240xi32, #tpu.memory_space<vmem>>, vector<16xi32>,
        %parallel_loop3A_587 = arith.index_cast %parallel_loop3A_435 : i32 to index
        %parallel_loop3A_588 = arith.constant 160 : index
        %parallel_loop3A_589 = tpu.vector_load %run_scoped3A_326[%parallel_loop3A_587, %parallel_loop3A_588] {strides = array<i32>} : memref<32x200xf32, #tpu.memory_space<vmem>>, vector<16xf32>,
        %parallel_loop3A_590 = arith.constant 160 : i32
        %parallel_loop3A_591 = arith.addi %parallel_loop3A_439, %parallel_loop3A_590 : i32
        %parallel_loop3A_592 = arith.index_cast %parallel_loop3A_591 : i32 to index
        %parallel_loop3A_593 = tpu.vector_load %arg9[%parallel_loop3A_592] {strides = array<i32>} : memref<26240xf32, #tpu.memory_space<vmem>>, vector<16xf32>,
        tpu.vector_store %arg9[%parallel_loop3A_592], %parallel_loop3A_589 {strides = array<i32>} : memref<26240xf32, #tpu.memory_space<vmem>>, vector<16xf32>,
        %parallel_loop3A_594 = arith.index_cast %parallel_loop3A_435 : i32 to index
        %parallel_loop3A_595 = arith.constant 176 : index
        %parallel_loop3A_596 = tpu.vector_load %run_scoped3A[%parallel_loop3A_594, %parallel_loop3A_595] {strides = array<i32>} : memref<32x200xi32, #tpu.memory_space<vmem>>, vector<16xi32>,
        %parallel_loop3A_597 = arith.constant 176 : i32
        %parallel_loop3A_598 = arith.addi %parallel_loop3A_439, %parallel_loop3A_597 : i32
        %parallel_loop3A_599 = arith.index_cast %parallel_loop3A_598 : i32 to index
        %parallel_loop3A_600 = tpu.vector_load %arg8[%parallel_loop3A_599] {strides = array<i32>} : memref<26240xi32, #tpu.memory_space<vmem>>, vector<16xi32>,
        tpu.vector_store %arg8[%parallel_loop3A_599], %parallel_loop3A_596 {strides = array<i32>} : memref<26240xi32, #tpu.memory_space<vmem>>, vector<16xi32>,
        %parallel_loop3A_601 = arith.index_cast %parallel_loop3A_435 : i32 to index
        %parallel_loop3A_602 = arith.constant 176 : index
        %parallel_loop3A_603 = tpu.vector_load %run_scoped3A_326[%parallel_loop3A_601, %parallel_loop3A_602] {strides = array<i32>} : memref<32x200xf32, #tpu.memory_space<vmem>>, vector<16xf32>,
        %parallel_loop3A_604 = arith.constant 176 : i32
        %parallel_loop3A_605 = arith.addi %parallel_loop3A_439, %parallel_loop3A_604 : i32
        %parallel_loop3A_606 = arith.index_cast %parallel_loop3A_605 : i32 to index
        %parallel_loop3A_607 = tpu.vector_load %arg9[%parallel_loop3A_606] {strides = array<i32>} : memref<26240xf32, #tpu.memory_space<vmem>>, vector<16xf32>,
        tpu.vector_store %arg9[%parallel_loop3A_606], %parallel_loop3A_603 {strides = array<i32>} : memref<26240xf32, #tpu.memory_space<vmem>>, vector<16xf32>,
        %parallel_loop3A_608 = arith.index_cast %parallel_loop3A_435 : i32 to index
        %parallel_loop3A_609 = arith.constant 184 : index
        %parallel_loop3A_610 = tpu.vector_load %run_scoped3A[%parallel_loop3A_608, %parallel_loop3A_609] {strides = array<i32>} : memref<32x200xi32, #tpu.memory_space<vmem>>, vector<16xi32>,
        %parallel_loop3A_611 = arith.constant 184 : i32
        %parallel_loop3A_612 = arith.addi %parallel_loop3A_439, %parallel_loop3A_611 : i32
        %parallel_loop3A_613 = arith.index_cast %parallel_loop3A_612 : i32 to index
        %parallel_loop3A_614 = tpu.vector_load %arg8[%parallel_loop3A_613] {strides = array<i32>} : memref<26240xi32, #tpu.memory_space<vmem>>, vector<16xi32>,
        tpu.vector_store %arg8[%parallel_loop3A_613], %parallel_loop3A_610 {strides = array<i32>} : memref<26240xi32, #tpu.memory_space<vmem>>, vector<16xi32>,
        %parallel_loop3A_615 = arith.index_cast %parallel_loop3A_435 : i32 to index
        %parallel_loop3A_616 = arith.constant 184 : index
        %parallel_loop3A_617 = tpu.vector_load %run_scoped3A_326[%parallel_loop3A_615, %parallel_loop3A_616] {strides = array<i32>} : memref<32x200xf32, #tpu.memory_space<vmem>>, vector<16xf32>,
        %parallel_loop3A_618 = arith.constant 184 : i32
        %parallel_loop3A_619 = arith.addi %parallel_loop3A_439, %parallel_loop3A_618 : i32
        %parallel_loop3A_620 = arith.index_cast %parallel_loop3A_619 : i32 to index
        %parallel_loop3A_621 = tpu.vector_load %arg9[%parallel_loop3A_620] {strides = array<i32>} : memref<26240xf32, #tpu.memory_space<vmem>>, vector<16xf32>,
        tpu.vector_store %arg9[%parallel_loop3A_620], %parallel_loop3A_617 {strides = array<i32>} : memref<26240xf32, #tpu.memory_space<vmem>>, vector<16xf32>,
      } {sc.loop_unroll_factor = 2 : i64, sc.parallel_access}
      %mul3A_408 = arith.constant 128 : i32
      %mul3A_409 = arith.muli %add3A, %mul3A_408 : i32
      %add3A_410 = arith.constant 96 : i32
      %add3A_411 = arith.addi %mul3A_409, %add3A_410 : i32
      %dma_start3A_412 = arith.constant 0 : i32
      %dma_start3A_413 = tpu.memref_slice %arg2[%add3A_411, %dma_start3A_412] : memref<4096x200xi32, #tpu.memory_space<hbm>> -> memref<32x200xi32, #tpu.memory_space<hbm>>
      %dma_start3A_414 = arith.constant 0 : i32
      %dma_start3A_415 = tpu.memref_slice %arg2[%add3A_411, %dma_start3A_414] : memref<4096x200xi32, #tpu.memory_space<hbm>> -> memref<32x200xi32, #tpu.memory_space<hbm>>
      tpu.enqueue_dma source(%dma_start3A_415 : memref<32x200xi32, #tpu.memory_space<hbm>>) target(%run_scoped3A : memref<32x200xi32, #tpu.memory_space<vmem>>) target_semaphore(%arg17 : memref<!tpu.dma_semaphore, #tpu.memory_space<semaphore_mem>>)
      %mul3A_416 = arith.constant 128 : i32
      %mul3A_417 = arith.muli %add3A, %mul3A_416 : i32
      %add3A_418 = arith.constant 96 : i32
      %add3A_419 = arith.addi %mul3A_417, %add3A_418 : i32
      %dma_start3A_420 = arith.constant 0 : i32
      %dma_start3A_421 = tpu.memref_slice %arg3[%add3A_419, %dma_start3A_420] : memref<4096x200xf32, #tpu.memory_space<hbm>> -> memref<32x200xf32, #tpu.memory_space<hbm>>
      %dma_start3A_422 = arith.constant 0 : i32
      %dma_start3A_423 = tpu.memref_slice %arg3[%add3A_419, %dma_start3A_422] : memref<4096x200xf32, #tpu.memory_space<hbm>> -> memref<32x200xf32, #tpu.memory_space<hbm>>
      tpu.enqueue_dma source(%dma_start3A_423 : memref<32x200xf32, #tpu.memory_space<hbm>>) target(%run_scoped3A_326 : memref<32x200xf32, #tpu.memory_space<vmem>>) target_semaphore(%arg18 : memref<!tpu.dma_semaphore, #tpu.memory_space<semaphore_mem>>)
      %dma_wait3A_424 = arith.constant 0 : i32
      %dma_wait3A_425 = tpu.memref_slice %arg2[%add3A_411, %dma_wait3A_424] : memref<4096x200xi32, #tpu.memory_space<hbm>> -> memref<32x200xi32, #tpu.memory_space<hbm>>
      %dma_wait3A_426 = arith.constant 0 : i32
      %dma_wait3A_427 = tpu.memref_slice %arg2[%add3A_411, %dma_wait3A_426] : memref<4096x200xi32, #tpu.memory_space<hbm>> -> memref<32x200xi32, #tpu.memory_space<hbm>>
      tpu.wait_dma2 semaphore(%arg17 : memref<!tpu.dma_semaphore, #tpu.memory_space<semaphore_mem>>) src(%dma_wait3A_427 : memref<32x200xi32, #tpu.memory_space<hbm>>) dst(%run_scoped3A : memref<32x200xi32, #tpu.memory_space<vmem>>)
      %dma_wait3A_428 = arith.constant 0 : i32
      %dma_wait3A_429 = tpu.memref_slice %arg3[%add3A_419, %dma_wait3A_428] : memref<4096x200xf32, #tpu.memory_space<hbm>> -> memref<32x200xf32, #tpu.memory_space<hbm>>
      %dma_wait3A_430 = arith.constant 0 : i32
      %dma_wait3A_431 = tpu.memref_slice %arg3[%add3A_419, %dma_wait3A_430] : memref<4096x200xf32, #tpu.memory_space<hbm>> -> memref<32x200xf32, #tpu.memory_space<hbm>>
      tpu.wait_dma2 semaphore(%arg18 : memref<!tpu.dma_semaphore, #tpu.memory_space<semaphore_mem>>) src(%dma_wait3A_431 : memref<32x200xf32, #tpu.memory_space<hbm>>) dst(%run_scoped3A_326 : memref<32x200xf32, #tpu.memory_space<vmem>>)
      %parallel_loop3A_432 = arith.constant 0 : i32
      %parallel_loop3A_433 = arith.constant 32 : i32
      %parallel_loop3A_434 = arith.constant 1 : i32
      scf.for %parallel_loop3A_435 = %parallel_loop3A_432 to %parallel_loop3A_433 step %parallel_loop3A_434  : i32 {
        %parallel_loop3A_436 = arith.constant 96 : i32
        %parallel_loop3A_437 = arith.addi %parallel_loop3A_436, %parallel_loop3A_435 : i32
        %parallel_loop3A_438 = arith.constant 205 : i32
        %parallel_loop3A_439 = arith.muli %parallel_loop3A_437, %parallel_loop3A_438 : i32
        %parallel_loop3A_440 = arith.index_cast %parallel_loop3A_435 : i32 to index
        %parallel_loop3A_441 = arith.constant 0 : index
        %parallel_loop3A_442 = tpu.vector_load %run_scoped3A[%parallel_loop3A_440, %parallel_loop3A_441] {strides = array<i32>} : memref<32x200xi32, #tpu.memory_space<vmem>>, vector<16xi32>,
        %parallel_loop3A_443 = arith.constant 0 : i32
        %parallel_loop3A_444 = arith.addi %parallel_loop3A_439, %parallel_loop3A_443 : i32
        %parallel_loop3A_445 = arith.index_cast %parallel_loop3A_444 : i32 to index
        %parallel_loop3A_446 = tpu.vector_load %arg8[%parallel_loop3A_445] {strides = array<i32>} : memref<26240xi32, #tpu.memory_space<vmem>>, vector<16xi32>,
        tpu.vector_store %arg8[%parallel_loop3A_445], %parallel_loop3A_442 {strides = array<i32>} : memref<26240xi32, #tpu.memory_space<vmem>>, vector<16xi32>,
        %parallel_loop3A_447 = arith.index_cast %parallel_loop3A_435 : i32 to index
        %parallel_loop3A_448 = arith.constant 0 : index
        %parallel_loop3A_449 = tpu.vector_load %run_scoped3A_326[%parallel_loop3A_447, %parallel_loop3A_448] {strides = array<i32>} : memref<32x200xf32, #tpu.memory_space<vmem>>, vector<16xf32>,
        %parallel_loop3A_450 = arith.constant 0 : i32
        %parallel_loop3A_451 = arith.addi %parallel_loop3A_439, %parallel_loop3A_450 : i32
        %parallel_loop3A_452 = arith.index_cast %parallel_loop3A_451 : i32 to index
        %parallel_loop3A_453 = tpu.vector_load %arg9[%parallel_loop3A_452] {strides = array<i32>} : memref<26240xf32, #tpu.memory_space<vmem>>, vector<16xf32>,
        tpu.vector_store %arg9[%parallel_loop3A_452], %parallel_loop3A_449 {strides = array<i32>} : memref<26240xf32, #tpu.memory_space<vmem>>, vector<16xf32>,
        %parallel_loop3A_454 = arith.index_cast %parallel_loop3A_435 : i32 to index
        %parallel_loop3A_455 = arith.constant 16 : index
        %parallel_loop3A_456 = tpu.vector_load %run_scoped3A[%parallel_loop3A_454, %parallel_loop3A_455] {strides = array<i32>} : memref<32x200xi32, #tpu.memory_space<vmem>>, vector<16xi32>,
        %parallel_loop3A_457 = arith.constant 16 : i32
        %parallel_loop3A_458 = arith.addi %parallel_loop3A_439, %parallel_loop3A_457 : i32
        %parallel_loop3A_459 = arith.index_cast %parallel_loop3A_458 : i32 to index
        %parallel_loop3A_460 = tpu.vector_load %arg8[%parallel_loop3A_459] {strides = array<i32>} : memref<26240xi32, #tpu.memory_space<vmem>>, vector<16xi32>,
        tpu.vector_store %arg8[%parallel_loop3A_459], %parallel_loop3A_456 {strides = array<i32>} : memref<26240xi32, #tpu.memory_space<vmem>>, vector<16xi32>,
        %parallel_loop3A_461 = arith.index_cast %parallel_loop3A_435 : i32 to index
        %parallel_loop3A_462 = arith.constant 16 : index
        %parallel_loop3A_463 = tpu.vector_load %run_scoped3A_326[%parallel_loop3A_461, %parallel_loop3A_462] {strides = array<i32>} : memref<32x200xf32, #tpu.memory_space<vmem>>, vector<16xf32>,
        %parallel_loop3A_464 = arith.constant 16 : i32
        %parallel_loop3A_465 = arith.addi %parallel_loop3A_439, %parallel_loop3A_464 : i32
        %parallel_loop3A_466 = arith.index_cast %parallel_loop3A_465 : i32 to index
        %parallel_loop3A_467 = tpu.vector_load %arg9[%parallel_loop3A_466] {strides = array<i32>} : memref<26240xf32, #tpu.memory_space<vmem>>, vector<16xf32>,
        tpu.vector_store %arg9[%parallel_loop3A_466], %parallel_loop3A_463 {strides = array<i32>} : memref<26240xf32, #tpu.memory_space<vmem>>, vector<16xf32>,
        %parallel_loop3A_468 = arith.index_cast %parallel_loop3A_435 : i32 to index
        %parallel_loop3A_469 = arith.constant 32 : index
        %parallel_loop3A_470 = tpu.vector_load %run_scoped3A[%parallel_loop3A_468, %parallel_loop3A_469] {strides = array<i32>} : memref<32x200xi32, #tpu.memory_space<vmem>>, vector<16xi32>,
        %parallel_loop3A_471 = arith.constant 32 : i32
        %parallel_loop3A_472 = arith.addi %parallel_loop3A_439, %parallel_loop3A_471 : i32
        %parallel_loop3A_473 = arith.index_cast %parallel_loop3A_472 : i32 to index
        %parallel_loop3A_474 = tpu.vector_load %arg8[%parallel_loop3A_473] {strides = array<i32>} : memref<26240xi32, #tpu.memory_space<vmem>>, vector<16xi32>,
        tpu.vector_store %arg8[%parallel_loop3A_473], %parallel_loop3A_470 {strides = array<i32>} : memref<26240xi32, #tpu.memory_space<vmem>>, vector<16xi32>,
        %parallel_loop3A_475 = arith.index_cast %parallel_loop3A_435 : i32 to index
        %parallel_loop3A_476 = arith.constant 32 : index
        %parallel_loop3A_477 = tpu.vector_load %run_scoped3A_326[%parallel_loop3A_475, %parallel_loop3A_476] {strides = array<i32>} : memref<32x200xf32, #tpu.memory_space<vmem>>, vector<16xf32>,
        %parallel_loop3A_478 = arith.constant 32 : i32
        %parallel_loop3A_479 = arith.addi %parallel_loop3A_439, %parallel_loop3A_478 : i32
        %parallel_loop3A_480 = arith.index_cast %parallel_loop3A_479 : i32 to index
        %parallel_loop3A_481 = tpu.vector_load %arg9[%parallel_loop3A_480] {strides = array<i32>} : memref<26240xf32, #tpu.memory_space<vmem>>, vector<16xf32>,
        tpu.vector_store %arg9[%parallel_loop3A_480], %parallel_loop3A_477 {strides = array<i32>} : memref<26240xf32, #tpu.memory_space<vmem>>, vector<16xf32>,
        %parallel_loop3A_482 = arith.index_cast %parallel_loop3A_435 : i32 to index
        %parallel_loop3A_483 = arith.constant 48 : index
        %parallel_loop3A_484 = tpu.vector_load %run_scoped3A[%parallel_loop3A_482, %parallel_loop3A_483] {strides = array<i32>} : memref<32x200xi32, #tpu.memory_space<vmem>>, vector<16xi32>,
        %parallel_loop3A_485 = arith.constant 48 : i32
        %parallel_loop3A_486 = arith.addi %parallel_loop3A_439, %parallel_loop3A_485 : i32
        %parallel_loop3A_487 = arith.index_cast %parallel_loop3A_486 : i32 to index
        %parallel_loop3A_488 = tpu.vector_load %arg8[%parallel_loop3A_487] {strides = array<i32>} : memref<26240xi32, #tpu.memory_space<vmem>>, vector<16xi32>,
        tpu.vector_store %arg8[%parallel_loop3A_487], %parallel_loop3A_484 {strides = array<i32>} : memref<26240xi32, #tpu.memory_space<vmem>>, vector<16xi32>,
        %parallel_loop3A_489 = arith.index_cast %parallel_loop3A_435 : i32 to index
        %parallel_loop3A_490 = arith.constant 48 : index
        %parallel_loop3A_491 = tpu.vector_load %run_scoped3A_326[%parallel_loop3A_489, %parallel_loop3A_490] {strides = array<i32>} : memref<32x200xf32, #tpu.memory_space<vmem>>, vector<16xf32>,
        %parallel_loop3A_492 = arith.constant 48 : i32
        %parallel_loop3A_493 = arith.addi %parallel_loop3A_439, %parallel_loop3A_492 : i32
        %parallel_loop3A_494 = arith.index_cast %parallel_loop3A_493 : i32 to index
        %parallel_loop3A_495 = tpu.vector_load %arg9[%parallel_loop3A_494] {strides = array<i32>} : memref<26240xf32, #tpu.memory_space<vmem>>, vector<16xf32>,
        tpu.vector_store %arg9[%parallel_loop3A_494], %parallel_loop3A_491 {strides = array<i32>} : memref<26240xf32, #tpu.memory_space<vmem>>, vector<16xf32>,
        %parallel_loop3A_496 = arith.index_cast %parallel_loop3A_435 : i32 to index
        %parallel_loop3A_497 = arith.constant 64 : index
        %parallel_loop3A_498 = tpu.vector_load %run_scoped3A[%parallel_loop3A_496, %parallel_loop3A_497] {strides = array<i32>} : memref<32x200xi32, #tpu.memory_space<vmem>>, vector<16xi32>,
        %parallel_loop3A_499 = arith.constant 64 : i32
        %parallel_loop3A_500 = arith.addi %parallel_loop3A_439, %parallel_loop3A_499 : i32
        %parallel_loop3A_501 = arith.index_cast %parallel_loop3A_500 : i32 to index
        %parallel_loop3A_502 = tpu.vector_load %arg8[%parallel_loop3A_501] {strides = array<i32>} : memref<26240xi32, #tpu.memory_space<vmem>>, vector<16xi32>,
        tpu.vector_store %arg8[%parallel_loop3A_501], %parallel_loop3A_498 {strides = array<i32>} : memref<26240xi32, #tpu.memory_space<vmem>>, vector<16xi32>,
        %parallel_loop3A_503 = arith.index_cast %parallel_loop3A_435 : i32 to index
        %parallel_loop3A_504 = arith.constant 64 : index
        %parallel_loop3A_505 = tpu.vector_load %run_scoped3A_326[%parallel_loop3A_503, %parallel_loop3A_504] {strides = array<i32>} : memref<32x200xf32, #tpu.memory_space<vmem>>, vector<16xf32>,
        %parallel_loop3A_506 = arith.constant 64 : i32
        %parallel_loop3A_507 = arith.addi %parallel_loop3A_439, %parallel_loop3A_506 : i32
        %parallel_loop3A_508 = arith.index_cast %parallel_loop3A_507 : i32 to index
        %parallel_loop3A_509 = tpu.vector_load %arg9[%parallel_loop3A_508] {strides = array<i32>} : memref<26240xf32, #tpu.memory_space<vmem>>, vector<16xf32>,
        tpu.vector_store %arg9[%parallel_loop3A_508], %parallel_loop3A_505 {strides = array<i32>} : memref<26240xf32, #tpu.memory_space<vmem>>, vector<16xf32>,
        %parallel_loop3A_510 = arith.index_cast %parallel_loop3A_435 : i32 to index
        %parallel_loop3A_511 = arith.constant 80 : index
        %parallel_loop3A_512 = tpu.vector_load %run_scoped3A[%parallel_loop3A_510, %parallel_loop3A_511] {strides = array<i32>} : memref<32x200xi32, #tpu.memory_space<vmem>>, vector<16xi32>,
        %parallel_loop3A_513 = arith.constant 80 : i32
        %parallel_loop3A_514 = arith.addi %parallel_loop3A_439, %parallel_loop3A_513 : i32
        %parallel_loop3A_515 = arith.index_cast %parallel_loop3A_514 : i32 to index
        %parallel_loop3A_516 = tpu.vector_load %arg8[%parallel_loop3A_515] {strides = array<i32>} : memref<26240xi32, #tpu.memory_space<vmem>>, vector<16xi32>,
        tpu.vector_store %arg8[%parallel_loop3A_515], %parallel_loop3A_512 {strides = array<i32>} : memref<26240xi32, #tpu.memory_space<vmem>>, vector<16xi32>,
        %parallel_loop3A_517 = arith.index_cast %parallel_loop3A_435 : i32 to index
        %parallel_loop3A_518 = arith.constant 80 : index
        %parallel_loop3A_519 = tpu.vector_load %run_scoped3A_326[%parallel_loop3A_517, %parallel_loop3A_518] {strides = array<i32>} : memref<32x200xf32, #tpu.memory_space<vmem>>, vector<16xf32>,
        %parallel_loop3A_520 = arith.constant 80 : i32
        %parallel_loop3A_521 = arith.addi %parallel_loop3A_439, %parallel_loop3A_520 : i32
        %parallel_loop3A_522 = arith.index_cast %parallel_loop3A_521 : i32 to index
        %parallel_loop3A_523 = tpu.vector_load %arg9[%parallel_loop3A_522] {strides = array<i32>} : memref<26240xf32, #tpu.memory_space<vmem>>, vector<16xf32>,
        tpu.vector_store %arg9[%parallel_loop3A_522], %parallel_loop3A_519 {strides = array<i32>} : memref<26240xf32, #tpu.memory_space<vmem>>, vector<16xf32>,
        %parallel_loop3A_524 = arith.index_cast %parallel_loop3A_435 : i32 to index
        %parallel_loop3A_525 = arith.constant 96 : index
        %parallel_loop3A_526 = tpu.vector_load %run_scoped3A[%parallel_loop3A_524, %parallel_loop3A_525] {strides = array<i32>} : memref<32x200xi32, #tpu.memory_space<vmem>>, vector<16xi32>,
        %parallel_loop3A_527 = arith.constant 96 : i32
        %parallel_loop3A_528 = arith.addi %parallel_loop3A_439, %parallel_loop3A_527 : i32
        %parallel_loop3A_529 = arith.index_cast %parallel_loop3A_528 : i32 to index
        %parallel_loop3A_530 = tpu.vector_load %arg8[%parallel_loop3A_529] {strides = array<i32>} : memref<26240xi32, #tpu.memory_space<vmem>>, vector<16xi32>,
        tpu.vector_store %arg8[%parallel_loop3A_529], %parallel_loop3A_526 {strides = array<i32>} : memref<26240xi32, #tpu.memory_space<vmem>>, vector<16xi32>,
        %parallel_loop3A_531 = arith.index_cast %parallel_loop3A_435 : i32 to index
        %parallel_loop3A_532 = arith.constant 96 : index
        %parallel_loop3A_533 = tpu.vector_load %run_scoped3A_326[%parallel_loop3A_531, %parallel_loop3A_532] {strides = array<i32>} : memref<32x200xf32, #tpu.memory_space<vmem>>, vector<16xf32>,
        %parallel_loop3A_534 = arith.constant 96 : i32
        %parallel_loop3A_535 = arith.addi %parallel_loop3A_439, %parallel_loop3A_534 : i32
        %parallel_loop3A_536 = arith.index_cast %parallel_loop3A_535 : i32 to index
        %parallel_loop3A_537 = tpu.vector_load %arg9[%parallel_loop3A_536] {strides = array<i32>} : memref<26240xf32, #tpu.memory_space<vmem>>, vector<16xf32>,
        tpu.vector_store %arg9[%parallel_loop3A_536], %parallel_loop3A_533 {strides = array<i32>} : memref<26240xf32, #tpu.memory_space<vmem>>, vector<16xf32>,
        %parallel_loop3A_538 = arith.index_cast %parallel_loop3A_435 : i32 to index
        %parallel_loop3A_539 = arith.constant 112 : index
        %parallel_loop3A_540 = tpu.vector_load %run_scoped3A[%parallel_loop3A_538, %parallel_loop3A_539] {strides = array<i32>} : memref<32x200xi32, #tpu.memory_space<vmem>>, vector<16xi32>,
        %parallel_loop3A_541 = arith.constant 112 : i32
        %parallel_loop3A_542 = arith.addi %parallel_loop3A_439, %parallel_loop3A_541 : i32
        %parallel_loop3A_543 = arith.index_cast %parallel_loop3A_542 : i32 to index
        %parallel_loop3A_544 = tpu.vector_load %arg8[%parallel_loop3A_543] {strides = array<i32>} : memref<26240xi32, #tpu.memory_space<vmem>>, vector<16xi32>,
        tpu.vector_store %arg8[%parallel_loop3A_543], %parallel_loop3A_540 {strides = array<i32>} : memref<26240xi32, #tpu.memory_space<vmem>>, vector<16xi32>,
        %parallel_loop3A_545 = arith.index_cast %parallel_loop3A_435 : i32 to index
        %parallel_loop3A_546 = arith.constant 112 : index
        %parallel_loop3A_547 = tpu.vector_load %run_scoped3A_326[%parallel_loop3A_545, %parallel_loop3A_546] {strides = array<i32>} : memref<32x200xf32, #tpu.memory_space<vmem>>, vector<16xf32>,
        %parallel_loop3A_548 = arith.constant 112 : i32
        %parallel_loop3A_549 = arith.addi %parallel_loop3A_439, %parallel_loop3A_548 : i32
        %parallel_loop3A_550 = arith.index_cast %parallel_loop3A_549 : i32 to index
        %parallel_loop3A_551 = tpu.vector_load %arg9[%parallel_loop3A_550] {strides = array<i32>} : memref<26240xf32, #tpu.memory_space<vmem>>, vector<16xf32>,
        tpu.vector_store %arg9[%parallel_loop3A_550], %parallel_loop3A_547 {strides = array<i32>} : memref<26240xf32, #tpu.memory_space<vmem>>, vector<16xf32>,
        %parallel_loop3A_552 = arith.index_cast %parallel_loop3A_435 : i32 to index
        %parallel_loop3A_553 = arith.constant 128 : index
        %parallel_loop3A_554 = tpu.vector_load %run_scoped3A[%parallel_loop3A_552, %parallel_loop3A_553] {strides = array<i32>} : memref<32x200xi32, #tpu.memory_space<vmem>>, vector<16xi32>,
        %parallel_loop3A_555 = arith.constant 128 : i32
        %parallel_loop3A_556 = arith.addi %parallel_loop3A_439, %parallel_loop3A_555 : i32
        %parallel_loop3A_557 = arith.index_cast %parallel_loop3A_556 : i32 to index
        %parallel_loop3A_558 = tpu.vector_load %arg8[%parallel_loop3A_557] {strides = array<i32>} : memref<26240xi32, #tpu.memory_space<vmem>>, vector<16xi32>,
        tpu.vector_store %arg8[%parallel_loop3A_557], %parallel_loop3A_554 {strides = array<i32>} : memref<26240xi32, #tpu.memory_space<vmem>>, vector<16xi32>,
        %parallel_loop3A_559 = arith.index_cast %parallel_loop3A_435 : i32 to index
        %parallel_loop3A_560 = arith.constant 128 : index
        %parallel_loop3A_561 = tpu.vector_load %run_scoped3A_326[%parallel_loop3A_559, %parallel_loop3A_560] {strides = array<i32>} : memref<32x200xf32, #tpu.memory_space<vmem>>, vector<16xf32>,
        %parallel_loop3A_562 = arith.constant 128 : i32
        %parallel_loop3A_563 = arith.addi %parallel_loop3A_439, %parallel_loop3A_562 : i32
        %parallel_loop3A_564 = arith.index_cast %parallel_loop3A_563 : i32 to index
        %parallel_loop3A_565 = tpu.vector_load %arg9[%parallel_loop3A_564] {strides = array<i32>} : memref<26240xf32, #tpu.memory_space<vmem>>, vector<16xf32>,
        tpu.vector_store %arg9[%parallel_loop3A_564], %parallel_loop3A_561 {strides = array<i32>} : memref<26240xf32, #tpu.memory_space<vmem>>, vector<16xf32>,
        %parallel_loop3A_566 = arith.index_cast %parallel_loop3A_435 : i32 to index
        %parallel_loop3A_567 = arith.constant 144 : index
        %parallel_loop3A_568 = tpu.vector_load %run_scoped3A[%parallel_loop3A_566, %parallel_loop3A_567] {strides = array<i32>} : memref<32x200xi32, #tpu.memory_space<vmem>>, vector<16xi32>,
        %parallel_loop3A_569 = arith.constant 144 : i32
        %parallel_loop3A_570 = arith.addi %parallel_loop3A_439, %parallel_loop3A_569 : i32
        %parallel_loop3A_571 = arith.index_cast %parallel_loop3A_570 : i32 to index
        %parallel_loop3A_572 = tpu.vector_load %arg8[%parallel_loop3A_571] {strides = array<i32>} : memref<26240xi32, #tpu.memory_space<vmem>>, vector<16xi32>,
        tpu.vector_store %arg8[%parallel_loop3A_571], %parallel_loop3A_568 {strides = array<i32>} : memref<26240xi32, #tpu.memory_space<vmem>>, vector<16xi32>,
        %parallel_loop3A_573 = arith.index_cast %parallel_loop3A_435 : i32 to index
        %parallel_loop3A_574 = arith.constant 144 : index
        %parallel_loop3A_575 = tpu.vector_load %run_scoped3A_326[%parallel_loop3A_573, %parallel_loop3A_574] {strides = array<i32>} : memref<32x200xf32, #tpu.memory_space<vmem>>, vector<16xf32>,
        %parallel_loop3A_576 = arith.constant 144 : i32
        %parallel_loop3A_577 = arith.addi %parallel_loop3A_439, %parallel_loop3A_576 : i32
        %parallel_loop3A_578 = arith.index_cast %parallel_loop3A_577 : i32 to index
        %parallel_loop3A_579 = tpu.vector_load %arg9[%parallel_loop3A_578] {strides = array<i32>} : memref<26240xf32, #tpu.memory_space<vmem>>, vector<16xf32>,
        tpu.vector_store %arg9[%parallel_loop3A_578], %parallel_loop3A_575 {strides = array<i32>} : memref<26240xf32, #tpu.memory_space<vmem>>, vector<16xf32>,
        %parallel_loop3A_580 = arith.index_cast %parallel_loop3A_435 : i32 to index
        %parallel_loop3A_581 = arith.constant 160 : index
        %parallel_loop3A_582 = tpu.vector_load %run_scoped3A[%parallel_loop3A_580, %parallel_loop3A_581] {strides = array<i32>} : memref<32x200xi32, #tpu.memory_space<vmem>>, vector<16xi32>,
        %parallel_loop3A_583 = arith.constant 160 : i32
        %parallel_loop3A_584 = arith.addi %parallel_loop3A_439, %parallel_loop3A_583 : i32
        %parallel_loop3A_585 = arith.index_cast %parallel_loop3A_584 : i32 to index
        %parallel_loop3A_586 = tpu.vector_load %arg8[%parallel_loop3A_585] {strides = array<i32>} : memref<26240xi32, #tpu.memory_space<vmem>>, vector<16xi32>,
        tpu.vector_store %arg8[%parallel_loop3A_585], %parallel_loop3A_582 {strides = array<i32>} : memref<26240xi32, #tpu.memory_space<vmem>>, vector<16xi32>,
        %parallel_loop3A_587 = arith.index_cast %parallel_loop3A_435 : i32 to index
        %parallel_loop3A_588 = arith.constant 160 : index
        %parallel_loop3A_589 = tpu.vector_load %run_scoped3A_326[%parallel_loop3A_587, %parallel_loop3A_588] {strides = array<i32>} : memref<32x200xf32, #tpu.memory_space<vmem>>, vector<16xf32>,
        %parallel_loop3A_590 = arith.constant 160 : i32
        %parallel_loop3A_591 = arith.addi %parallel_loop3A_439, %parallel_loop3A_590 : i32
        %parallel_loop3A_592 = arith.index_cast %parallel_loop3A_591 : i32 to index
        %parallel_loop3A_593 = tpu.vector_load %arg9[%parallel_loop3A_592] {strides = array<i32>} : memref<26240xf32, #tpu.memory_space<vmem>>, vector<16xf32>,
        tpu.vector_store %arg9[%parallel_loop3A_592], %parallel_loop3A_589 {strides = array<i32>} : memref<26240xf32, #tpu.memory_space<vmem>>, vector<16xf32>,
        %parallel_loop3A_594 = arith.index_cast %parallel_loop3A_435 : i32 to index
        %parallel_loop3A_595 = arith.constant 176 : index
        %parallel_loop3A_596 = tpu.vector_load %run_scoped3A[%parallel_loop3A_594, %parallel_loop3A_595] {strides = array<i32>} : memref<32x200xi32, #tpu.memory_space<vmem>>, vector<16xi32>,
        %parallel_loop3A_597 = arith.constant 176 : i32
        %parallel_loop3A_598 = arith.addi %parallel_loop3A_439, %parallel_loop3A_597 : i32
        %parallel_loop3A_599 = arith.index_cast %parallel_loop3A_598 : i32 to index
        %parallel_loop3A_600 = tpu.vector_load %arg8[%parallel_loop3A_599] {strides = array<i32>} : memref<26240xi32, #tpu.memory_space<vmem>>, vector<16xi32>,
        tpu.vector_store %arg8[%parallel_loop3A_599], %parallel_loop3A_596 {strides = array<i32>} : memref<26240xi32, #tpu.memory_space<vmem>>, vector<16xi32>,
        %parallel_loop3A_601 = arith.index_cast %parallel_loop3A_435 : i32 to index
        %parallel_loop3A_602 = arith.constant 176 : index
        %parallel_loop3A_603 = tpu.vector_load %run_scoped3A_326[%parallel_loop3A_601, %parallel_loop3A_602] {strides = array<i32>} : memref<32x200xf32, #tpu.memory_space<vmem>>, vector<16xf32>,
        %parallel_loop3A_604 = arith.constant 176 : i32
        %parallel_loop3A_605 = arith.addi %parallel_loop3A_439, %parallel_loop3A_604 : i32
        %parallel_loop3A_606 = arith.index_cast %parallel_loop3A_605 : i32 to index
        %parallel_loop3A_607 = tpu.vector_load %arg9[%parallel_loop3A_606] {strides = array<i32>} : memref<26240xf32, #tpu.memory_space<vmem>>, vector<16xf32>,
        tpu.vector_store %arg9[%parallel_loop3A_606], %parallel_loop3A_603 {strides = array<i32>} : memref<26240xf32, #tpu.memory_space<vmem>>, vector<16xf32>,
        %parallel_loop3A_608 = arith.index_cast %parallel_loop3A_435 : i32 to index
        %parallel_loop3A_609 = arith.constant 184 : index
        %parallel_loop3A_610 = tpu.vector_load %run_scoped3A[%parallel_loop3A_608, %parallel_loop3A_609] {strides = array<i32>} : memref<32x200xi32, #tpu.memory_space<vmem>>, vector<16xi32>,
        %parallel_loop3A_611 = arith.constant 184 : i32
        %parallel_loop3A_612 = arith.addi %parallel_loop3A_439, %parallel_loop3A_611 : i32
        %parallel_loop3A_613 = arith.index_cast %parallel_loop3A_612 : i32 to index
        %parallel_loop3A_614 = tpu.vector_load %arg8[%parallel_loop3A_613] {strides = array<i32>} : memref<26240xi32, #tpu.memory_space<vmem>>, vector<16xi32>,
        tpu.vector_store %arg8[%parallel_loop3A_613], %parallel_loop3A_610 {strides = array<i32>} : memref<26240xi32, #tpu.memory_space<vmem>>, vector<16xi32>,
        %parallel_loop3A_615 = arith.index_cast %parallel_loop3A_435 : i32 to index
        %parallel_loop3A_616 = arith.constant 184 : index
        %parallel_loop3A_617 = tpu.vector_load %run_scoped3A_326[%parallel_loop3A_615, %parallel_loop3A_616] {strides = array<i32>} : memref<32x200xf32, #tpu.memory_space<vmem>>, vector<16xf32>,
        %parallel_loop3A_618 = arith.constant 184 : i32
        %parallel_loop3A_619 = arith.addi %parallel_loop3A_439, %parallel_loop3A_618 : i32
        %parallel_loop3A_620 = arith.index_cast %parallel_loop3A_619 : i32 to index
        %parallel_loop3A_621 = tpu.vector_load %arg9[%parallel_loop3A_620] {strides = array<i32>} : memref<26240xf32, #tpu.memory_space<vmem>>, vector<16xf32>,
        tpu.vector_store %arg9[%parallel_loop3A_620], %parallel_loop3A_617 {strides = array<i32>} : memref<26240xf32, #tpu.memory_space<vmem>>, vector<16xf32>,
      } {sc.loop_unroll_factor = 2 : i64, sc.parallel_access}
      tpu.yield
    }) : () -> ()
    %dma_start3A_23 = arith.constant 40 : i32
    %dma_start3A_24 = arith.constant 0 : i32
    %dma_start3A_25 = arith.constant 0 : i32
    %dma_start3A_26 = tpu.memref_slice %arg4[%dma_start3A_23, %add3A, %dma_start3A_24, %dma_start3A_25] : memref<200x32x4x128xf32, #tpu.memory_space<hbm>> -> memref<40x1x4x128xf32, #tpu.memory_space<hbm>>
    %dma_start3A_27 = tpu.memref_squeeze %dma_start3A_26 : memref<40x1x4x128xf32, #tpu.memory_space<hbm>> -> memref<40x4x128xf32, #tpu.memory_space<hbm>>
    %dma_start3A_28 = arith.constant 40 : i32
    %dma_start3A_29 = arith.constant 0 : i32
    %dma_start3A_30 = arith.constant 0 : i32
    %dma_start3A_31 = tpu.memref_slice %arg4[%dma_start3A_28, %add3A, %dma_start3A_29, %dma_start3A_30] : memref<200x32x4x128xf32, #tpu.memory_space<hbm>> -> memref<40x1x4x128xf32, #tpu.memory_space<hbm>>
    %dma_start3A_32 = tpu.memref_squeeze %dma_start3A_31 : memref<40x1x4x128xf32, #tpu.memory_space<hbm>> -> memref<40x4x128xf32, #tpu.memory_space<hbm>>
    tpu.enqueue_dma source(%dma_start3A_32 : memref<40x4x128xf32, #tpu.memory_space<hbm>>) target(%arg11 : memref<40x4x128xf32, #tpu.memory_space<vmem>>) target_semaphore(%arg16 : memref<!tpu.dma_semaphore, #tpu.memory_space<semaphore_mem>>)
    %dma_wait3A = arith.constant 0 : i32
    %dma_wait3A_33 = arith.constant 0 : i32
    %dma_wait3A_34 = arith.constant 0 : i32
    %dma_wait3A_35 = tpu.memref_slice %arg4[%dma_wait3A, %add3A, %dma_wait3A_33, %dma_wait3A_34] : memref<200x32x4x128xf32, #tpu.memory_space<hbm>> -> memref<40x1x4x128xf32, #tpu.memory_space<hbm>>
    %dma_wait3A_36 = tpu.memref_squeeze %dma_wait3A_35 : memref<40x1x4x128xf32, #tpu.memory_space<hbm>> -> memref<40x4x128xf32, #tpu.memory_space<hbm>>
    %dma_wait3A_37 = arith.constant 0 : i32
    %dma_wait3A_38 = arith.constant 0 : i32
    %dma_wait3A_39 = arith.constant 0 : i32
    %dma_wait3A_40 = tpu.memref_slice %arg4[%dma_wait3A_37, %add3A, %dma_wait3A_38, %dma_wait3A_39] : memref<200x32x4x128xf32, #tpu.memory_space<hbm>> -> memref<40x1x4x128xf32, #tpu.memory_space<hbm>>
    %dma_wait3A_41 = tpu.memref_squeeze %dma_wait3A_40 : memref<40x1x4x128xf32, #tpu.memory_space<hbm>> -> memref<40x4x128xf32, #tpu.memory_space<hbm>>
    tpu.wait_dma2 semaphore(%arg15 : memref<!tpu.dma_semaphore, #tpu.memory_space<semaphore_mem>>) src(%dma_wait3A_41 : memref<40x4x128xf32, #tpu.memory_space<hbm>>) dst(%arg10 : memref<40x4x128xf32, #tpu.memory_space<vmem>>)
    %parallel_loop3A = arith.constant 0 : i32
    %parallel_loop3A_42 = arith.constant 320 : i32
    %parallel_loop3A_43 = arith.constant 1 : i32
    scf.for %parallel_loop3A_326 = %parallel_loop3A to %parallel_loop3A_42 step %parallel_loop3A_43  : i32 {
      %parallel_loop3A_327 = arith.constant 3 : i32
      %parallel_loop3A_328 = arith.shrsi %parallel_loop3A_326, %parallel_loop3A_327 : i32
      %parallel_loop3A_329 = arith.constant 7 : i32
      %parallel_loop3A_330 = arith.andi %parallel_loop3A_326, %parallel_loop3A_329 : i32
      %parallel_loop3A_331 = arith.constant 16 : i32
      %parallel_loop3A_332 = arith.muli %parallel_loop3A_330, %parallel_loop3A_331 : i32
      %parallel_loop3A_333 = arith.constant 3 : i32
      %parallel_loop3A_334 = arith.shrsi %parallel_loop3A_328, %parallel_loop3A_333 : i32
      %parallel_loop3A_335 = arith.constant 7 : i32
      %parallel_loop3A_336 = arith.andi %parallel_loop3A_328, %parallel_loop3A_335 : i32
      %parallel_loop3A_337 = arith.constant 205 : i32
      %parallel_loop3A_338 = arith.muli %parallel_loop3A_332, %parallel_loop3A_337 : i32
      %parallel_loop3A_339 = arith.addi %parallel_loop3A_338, %parallel_loop3A_328 : i32
      %parallel_loop3A_340 = arith.constant 0 : i32
      %parallel_loop3A_341 = arith.addi %parallel_loop3A_339, %parallel_loop3A_340 : i32
      %parallel_loop3A_342 = vector.broadcast %parallel_loop3A_341 : i32 to vector<16xi32>
      %parallel_loop3A_343 = arith.addi %mul3A_3, %parallel_loop3A_342 : vector<16xi32>
      %parallel_loop3A_344 = tpu.vector_load_idx %arg8[%parallel_loop3A_343] : memref<26240xi32, #tpu.memory_space<vmem>>[vector<16xi32>], vector<16xi32>,
      %parallel_loop3A_345 = tpu.vector_load_idx %arg9[%parallel_loop3A_343] : memref<26240xf32, #tpu.memory_space<vmem>>[vector<16xi32>], vector<16xf32>,
      %parallel_loop3A_346 = arith.constant 5 : i32
      %parallel_loop3A_347 = vector.broadcast %parallel_loop3A_346 : i32 to vector<16xi32>
      %parallel_loop3A_348 = arith.muli %parallel_loop3A_344, %parallel_loop3A_347 : vector<16xi32>
      %parallel_loop3A_349 = arith.constant 4 : i32
      %parallel_loop3A_350 = vector.broadcast %parallel_loop3A_349 : i32 to vector<16xi32>
      %parallel_loop3A_351 = arith.addi %parallel_loop3A_348, %parallel_loop3A_350 : vector<16xi32>
      %parallel_loop3A_352 = tpu.vector_load_idx %arg14[%parallel_loop3A_351] : memref<5120xf32, #tpu.memory_space<vmem>>[vector<16xi32>], vector<16xf32>,
      %parallel_loop3A_353 = arith.mulf %parallel_loop3A_352, %parallel_loop3A_345 : vector<16xf32>
      %parallel_loop3A_354 = math.exp %parallel_loop3A_353 : vector<16xf32>
      %parallel_loop3A_355 = arith.index_cast %parallel_loop3A_334 : i32 to index
      %parallel_loop3A_356 = arith.index_cast %parallel_loop3A_336 : i32 to index
      %parallel_loop3A_357 = arith.index_cast %parallel_loop3A_332 : i32 to index
      %parallel_loop3A_358 = tpu.vector_load %arg12[%parallel_loop3A_355, %parallel_loop3A_356, %parallel_loop3A_357] {strides = array<i32>} : memref<5x8x128xf32, #tpu.memory_space<vmem>>, vector<16xf32>,
      tpu.vector_store %arg12[%parallel_loop3A_355, %parallel_loop3A_356, %parallel_loop3A_357], %parallel_loop3A_354 {strides = array<i32>} : memref<5x8x128xf32, #tpu.memory_space<vmem>>, vector<16xf32>,
      %parallel_loop3A_359 = arith.constant 0 : i32
      %parallel_loop3A_360 = vector.broadcast %parallel_loop3A_359 : i32 to vector<16xi32>
      %parallel_loop3A_361 = arith.addi %parallel_loop3A_348, %parallel_loop3A_360 : vector<16xi32>
      %parallel_loop3A_362 = tpu.vector_load_idx %arg14[%parallel_loop3A_361] : memref<5120xf32, #tpu.memory_space<vmem>>[vector<16xi32>], vector<16xf32>,
      %parallel_loop3A_363 = arith.mulf %parallel_loop3A_362, %parallel_loop3A_345 : vector<16xf32>
      %parallel_loop3A_364 = arith.constant 0 : i32
      %parallel_loop3A_365 = arith.index_cast %parallel_loop3A_328 : i32 to index
      %parallel_loop3A_366 = arith.index_cast %parallel_loop3A_364 : i32 to index
      %parallel_loop3A_367 = arith.index_cast %parallel_loop3A_332 : i32 to index
      %parallel_loop3A_368 = tpu.vector_load %arg10[%parallel_loop3A_365, %parallel_loop3A_366, %parallel_loop3A_367] {strides = array<i32>} : memref<40x4x128xf32, #tpu.memory_space<vmem>>, vector<16xf32>,
      tpu.vector_store %arg10[%parallel_loop3A_365, %parallel_loop3A_366, %parallel_loop3A_367], %parallel_loop3A_363 {add = true, strides = array<i32>} : memref<40x4x128xf32, #tpu.memory_space<vmem>>, vector<16xf32>,
      %parallel_loop3A_369 = arith.constant 1 : i32
      %parallel_loop3A_370 = vector.broadcast %parallel_loop3A_369 : i32 to vector<16xi32>
      %parallel_loop3A_371 = arith.addi %parallel_loop3A_348, %parallel_loop3A_370 : vector<16xi32>
      %parallel_loop3A_372 = tpu.vector_load_idx %arg14[%parallel_loop3A_371] : memref<5120xf32, #tpu.memory_space<vmem>>[vector<16xi32>], vector<16xf32>,
      %parallel_loop3A_373 = arith.mulf %parallel_loop3A_372, %parallel_loop3A_345 : vector<16xf32>
      %parallel_loop3A_374 = arith.constant 1 : i32
      %parallel_loop3A_375 = arith.index_cast %parallel_loop3A_328 : i32 to index
      %parallel_loop3A_376 = arith.index_cast %parallel_loop3A_374 : i32 to index
      %parallel_loop3A_377 = arith.index_cast %parallel_loop3A_332 : i32 to index
      %parallel_loop3A_378 = tpu.vector_load %arg10[%parallel_loop3A_375, %parallel_loop3A_376, %parallel_loop3A_377] {strides = array<i32>} : memref<40x4x128xf32, #tpu.memory_space<vmem>>, vector<16xf32>,
      tpu.vector_store %arg10[%parallel_loop3A_375, %parallel_loop3A_376, %parallel_loop3A_377], %parallel_loop3A_373 {add = true, strides = array<i32>} : memref<40x4x128xf32, #tpu.memory_space<vmem>>, vector<16xf32>,
      %parallel_loop3A_379 = arith.constant 2 : i32
      %parallel_loop3A_380 = vector.broadcast %parallel_loop3A_379 : i32 to vector<16xi32>
      %parallel_loop3A_381 = arith.addi %parallel_loop3A_348, %parallel_loop3A_380 : vector<16xi32>
      %parallel_loop3A_382 = tpu.vector_load_idx %arg14[%parallel_loop3A_381] : memref<5120xf32, #tpu.memory_space<vmem>>[vector<16xi32>], vector<16xf32>,
      %parallel_loop3A_383 = arith.mulf %parallel_loop3A_382, %parallel_loop3A_345 : vector<16xf32>
      %parallel_loop3A_384 = arith.constant 2 : i32
      %parallel_loop3A_385 = arith.index_cast %parallel_loop3A_328 : i32 to index
      %parallel_loop3A_386 = arith.index_cast %parallel_loop3A_384 : i32 to index
      %parallel_loop3A_387 = arith.index_cast %parallel_loop3A_332 : i32 to index
      %parallel_loop3A_388 = tpu.vector_load %arg10[%parallel_loop3A_385, %parallel_loop3A_386, %parallel_loop3A_387] {strides = array<i32>} : memref<40x4x128xf32, #tpu.memory_space<vmem>>, vector<16xf32>,
      tpu.vector_store %arg10[%parallel_loop3A_385, %parallel_loop3A_386, %parallel_loop3A_387], %parallel_loop3A_383 {add = true, strides = array<i32>} : memref<40x4x128xf32, #tpu.memory_space<vmem>>, vector<16xf32>,
      %parallel_loop3A_389 = arith.constant 3 : i32
      %parallel_loop3A_390 = vector.broadcast %parallel_loop3A_389 : i32 to vector<16xi32>
      %parallel_loop3A_391 = arith.addi %parallel_loop3A_348, %parallel_loop3A_390 : vector<16xi32>
      %parallel_loop3A_392 = tpu.vector_load_idx %arg14[%parallel_loop3A_391] : memref<5120xf32, #tpu.memory_space<vmem>>[vector<16xi32>], vector<16xf32>,
      %parallel_loop3A_393 = arith.mulf %parallel_loop3A_392, %parallel_loop3A_345 : vector<16xf32>
      %parallel_loop3A_394 = arith.constant 3 : i32
      %parallel_loop3A_395 = arith.index_cast %parallel_loop3A_328 : i32 to index
      %parallel_loop3A_396 = arith.index_cast %parallel_loop3A_394 : i32 to index
      %parallel_loop3A_397 = arith.index_cast %parallel_loop3A_332 : i32 to index
      %parallel_loop3A_398 = tpu.vector_load %arg10[%parallel_loop3A_395, %parallel_loop3A_396, %parallel_loop3A_397] {strides = array<i32>} : memref<40x4x128xf32, #tpu.memory_space<vmem>>, vector<16xf32>,
      tpu.vector_store %arg10[%parallel_loop3A_395, %parallel_loop3A_396, %parallel_loop3A_397], %parallel_loop3A_393 {add = true, strides = array<i32>} : memref<40x4x128xf32, #tpu.memory_space<vmem>>, vector<16xf32>,
    } {sc.loop_unroll_factor = 4 : i64, sc.parallel_access}
    %dma_start3A_44 = arith.constant 0 : i32
    %dma_start3A_45 = arith.constant 0 : i32
    %dma_start3A_46 = arith.constant 0 : i32
    %dma_start3A_47 = tpu.memref_slice %arg7[%dma_start3A_44, %add3A, %dma_start3A_45, %dma_start3A_46] : memref<200x32x4x128xf32, #tpu.memory_space<hbm>> -> memref<40x1x4x128xf32, #tpu.memory_space<hbm>>
    %dma_start3A_48 = tpu.memref_squeeze %dma_start3A_47 : memref<40x1x4x128xf32, #tpu.memory_space<hbm>> -> memref<40x4x128xf32, #tpu.memory_space<hbm>>
    %dma_start3A_49 = arith.constant 0 : i32
    %dma_start3A_50 = arith.constant 0 : i32
    %dma_start3A_51 = arith.constant 0 : i32
    %dma_start3A_52 = tpu.memref_slice %arg7[%dma_start3A_49, %add3A, %dma_start3A_50, %dma_start3A_51] : memref<200x32x4x128xf32, #tpu.memory_space<hbm>> -> memref<40x1x4x128xf32, #tpu.memory_space<hbm>>
    %dma_start3A_53 = tpu.memref_squeeze %dma_start3A_52 : memref<40x1x4x128xf32, #tpu.memory_space<hbm>> -> memref<40x4x128xf32, #tpu.memory_space<hbm>>
    tpu.enqueue_dma source(%arg10 : memref<40x4x128xf32, #tpu.memory_space<vmem>>) target(%dma_start3A_53 : memref<40x4x128xf32, #tpu.memory_space<hbm>>) target_semaphore(%arg17 : memref<!tpu.dma_semaphore, #tpu.memory_space<semaphore_mem>>)
    %dma_start3A_54 = arith.constant 0 : i32
    %dma_start3A_55 = arith.constant 0 : i32
    %dma_start3A_56 = arith.constant 0 : i32
    %dma_start3A_57 = tpu.memref_slice %arg6[%dma_start3A_54, %add3A, %dma_start3A_55, %dma_start3A_56] : memref<25x32x8x128xf32, #tpu.memory_space<hbm>> -> memref<5x1x8x128xf32, #tpu.memory_space<hbm>>
    %dma_start3A_58 = tpu.memref_squeeze %dma_start3A_57 : memref<5x1x8x128xf32, #tpu.memory_space<hbm>> -> memref<5x8x128xf32, #tpu.memory_space<hbm>>
    %dma_start3A_59 = arith.constant 0 : i32
    %dma_start3A_60 = arith.constant 0 : i32
    %dma_start3A_61 = arith.constant 0 : i32
    %dma_start3A_62 = tpu.memref_slice %arg6[%dma_start3A_59, %add3A, %dma_start3A_60, %dma_start3A_61] : memref<25x32x8x128xf32, #tpu.memory_space<hbm>> -> memref<5x1x8x128xf32, #tpu.memory_space<hbm>>
    %dma_start3A_63 = tpu.memref_squeeze %dma_start3A_62 : memref<5x1x8x128xf32, #tpu.memory_space<hbm>> -> memref<5x8x128xf32, #tpu.memory_space<hbm>>
    tpu.enqueue_dma source(%arg12 : memref<5x8x128xf32, #tpu.memory_space<vmem>>) target(%dma_start3A_63 : memref<5x8x128xf32, #tpu.memory_space<hbm>>) target_semaphore(%arg19 : memref<!tpu.dma_semaphore, #tpu.memory_space<semaphore_mem>>)
    %dma_wait3A_64 = arith.constant 0 : i32
    %dma_wait3A_65 = arith.constant 0 : i32
    %dma_wait3A_66 = arith.constant 0 : i32
    %dma_wait3A_67 = tpu.memref_slice %arg7[%dma_wait3A_64, %add3A, %dma_wait3A_65, %dma_wait3A_66] : memref<200x32x4x128xf32, #tpu.memory_space<hbm>> -> memref<40x1x4x128xf32, #tpu.memory_space<hbm>>
    %dma_wait3A_68 = tpu.memref_squeeze %dma_wait3A_67 : memref<40x1x4x128xf32, #tpu.memory_space<hbm>> -> memref<40x4x128xf32, #tpu.memory_space<hbm>>
    %dma_wait3A_69 = arith.constant 0 : i32
    %dma_wait3A_70 = arith.constant 0 : i32
    %dma_wait3A_71 = arith.constant 0 : i32
    %dma_wait3A_72 = tpu.memref_slice %arg7[%dma_wait3A_69, %add3A, %dma_wait3A_70, %dma_wait3A_71] : memref<200x32x4x128xf32, #tpu.memory_space<hbm>> -> memref<40x1x4x128xf32, #tpu.memory_space<hbm>>
    %dma_wait3A_73 = tpu.memref_squeeze %dma_wait3A_72 : memref<40x1x4x128xf32, #tpu.memory_space<hbm>> -> memref<40x4x128xf32, #tpu.memory_space<hbm>>
    tpu.wait_dma2 semaphore(%arg17 : memref<!tpu.dma_semaphore, #tpu.memory_space<semaphore_mem>>) src(%arg10 : memref<40x4x128xf32, #tpu.memory_space<vmem>>) dst(%dma_wait3A_73 : memref<40x4x128xf32, #tpu.memory_space<hbm>>)
    %dma_wait3A_74 = arith.constant 0 : i32
    %dma_wait3A_75 = arith.constant 0 : i32
    %dma_wait3A_76 = arith.constant 0 : i32
    %dma_wait3A_77 = tpu.memref_slice %arg6[%dma_wait3A_74, %add3A, %dma_wait3A_75, %dma_wait3A_76] : memref<25x32x8x128xf32, #tpu.memory_space<hbm>> -> memref<5x1x8x128xf32, #tpu.memory_space<hbm>>
    %dma_wait3A_78 = tpu.memref_squeeze %dma_wait3A_77 : memref<5x1x8x128xf32, #tpu.memory_space<hbm>> -> memref<5x8x128xf32, #tpu.memory_space<hbm>>
    %dma_wait3A_79 = arith.constant 0 : i32
    %dma_wait3A_80 = arith.constant 0 : i32
    %dma_wait3A_81 = arith.constant 0 : i32
    %dma_wait3A_82 = tpu.memref_slice %arg6[%dma_wait3A_79, %add3A, %dma_wait3A_80, %dma_wait3A_81] : memref<25x32x8x128xf32, #tpu.memory_space<hbm>> -> memref<5x1x8x128xf32, #tpu.memory_space<hbm>>
    %dma_wait3A_83 = tpu.memref_squeeze %dma_wait3A_82 : memref<5x1x8x128xf32, #tpu.memory_space<hbm>> -> memref<5x8x128xf32, #tpu.memory_space<hbm>>
    tpu.wait_dma2 semaphore(%arg19 : memref<!tpu.dma_semaphore, #tpu.memory_space<semaphore_mem>>) src(%arg12 : memref<5x8x128xf32, #tpu.memory_space<vmem>>) dst(%dma_wait3A_83 : memref<5x8x128xf32, #tpu.memory_space<hbm>>)
    %dma_start3A_84 = arith.constant 80 : i32
    %dma_start3A_85 = arith.constant 0 : i32
    %dma_start3A_86 = arith.constant 0 : i32
    %dma_start3A_87 = tpu.memref_slice %arg4[%dma_start3A_84, %add3A, %dma_start3A_85, %dma_start3A_86] : memref<200x32x4x128xf32, #tpu.memory_space<hbm>> -> memref<40x1x4x128xf32, #tpu.memory_space<hbm>>
    %dma_start3A_88 = tpu.memref_squeeze %dma_start3A_87 : memref<40x1x4x128xf32, #tpu.memory_space<hbm>> -> memref<40x4x128xf32, #tpu.memory_space<hbm>>
    %dma_start3A_89 = arith.constant 80 : i32
    %dma_start3A_90 = arith.constant 0 : i32
    %dma_start3A_91 = arith.constant 0 : i32
    %dma_start3A_92 = tpu.memref_slice %arg4[%dma_start3A_89, %add3A, %dma_start3A_90, %dma_start3A_91] : memref<200x32x4x128xf32, #tpu.memory_space<hbm>> -> memref<40x1x4x128xf32, #tpu.memory_space<hbm>>
    %dma_start3A_93 = tpu.memref_squeeze %dma_start3A_92 : memref<40x1x4x128xf32, #tpu.memory_space<hbm>> -> memref<40x4x128xf32, #tpu.memory_space<hbm>>
    tpu.enqueue_dma source(%dma_start3A_93 : memref<40x4x128xf32, #tpu.memory_space<hbm>>) target(%arg10 : memref<40x4x128xf32, #tpu.memory_space<vmem>>) target_semaphore(%arg15 : memref<!tpu.dma_semaphore, #tpu.memory_space<semaphore_mem>>)
    %dma_wait3A_94 = arith.constant 40 : i32
    %dma_wait3A_95 = arith.constant 0 : i32
    %dma_wait3A_96 = arith.constant 0 : i32
    %dma_wait3A_97 = tpu.memref_slice %arg4[%dma_wait3A_94, %add3A, %dma_wait3A_95, %dma_wait3A_96] : memref<200x32x4x128xf32, #tpu.memory_space<hbm>> -> memref<40x1x4x128xf32, #tpu.memory_space<hbm>>
    %dma_wait3A_98 = tpu.memref_squeeze %dma_wait3A_97 : memref<40x1x4x128xf32, #tpu.memory_space<hbm>> -> memref<40x4x128xf32, #tpu.memory_space<hbm>>
    %dma_wait3A_99 = arith.constant 40 : i32
    %dma_wait3A_100 = arith.constant 0 : i32
    %dma_wait3A_101 = arith.constant 0 : i32
    %dma_wait3A_102 = tpu.memref_slice %arg4[%dma_wait3A_99, %add3A, %dma_wait3A_100, %dma_wait3A_101] : memref<200x32x4x128xf32, #tpu.memory_space<hbm>> -> memref<40x1x4x128xf32, #tpu.memory_space<hbm>>
    %dma_wait3A_103 = tpu.memref_squeeze %dma_wait3A_102 : memref<40x1x4x128xf32, #tpu.memory_space<hbm>> -> memref<40x4x128xf32, #tpu.memory_space<hbm>>
    tpu.wait_dma2 semaphore(%arg16 : memref<!tpu.dma_semaphore, #tpu.memory_space<semaphore_mem>>) src(%dma_wait3A_103 : memref<40x4x128xf32, #tpu.memory_space<hbm>>) dst(%arg11 : memref<40x4x128xf32, #tpu.memory_space<vmem>>)
    %parallel_loop3A_104 = arith.constant 0 : i32
    %parallel_loop3A_105 = arith.constant 320 : i32
    %parallel_loop3A_106 = arith.constant 1 : i32
    scf.for %parallel_loop3A_326 = %parallel_loop3A_104 to %parallel_loop3A_105 step %parallel_loop3A_106  : i32 {
      %parallel_loop3A_327 = arith.constant 3 : i32
      %parallel_loop3A_328 = arith.shrsi %parallel_loop3A_326, %parallel_loop3A_327 : i32
      %parallel_loop3A_329 = arith.constant 7 : i32
      %parallel_loop3A_330 = arith.andi %parallel_loop3A_326, %parallel_loop3A_329 : i32
      %parallel_loop3A_331 = arith.constant 16 : i32
      %parallel_loop3A_332 = arith.muli %parallel_loop3A_330, %parallel_loop3A_331 : i32
      %parallel_loop3A_333 = arith.constant 3 : i32
      %parallel_loop3A_334 = arith.shrsi %parallel_loop3A_328, %parallel_loop3A_333 : i32
      %parallel_loop3A_335 = arith.constant 7 : i32
      %parallel_loop3A_336 = arith.andi %parallel_loop3A_328, %parallel_loop3A_335 : i32
      %parallel_loop3A_337 = arith.constant 205 : i32
      %parallel_loop3A_338 = arith.muli %parallel_loop3A_332, %parallel_loop3A_337 : i32
      %parallel_loop3A_339 = arith.addi %parallel_loop3A_338, %parallel_loop3A_328 : i32
      %parallel_loop3A_340 = arith.constant 40 : i32
      %parallel_loop3A_341 = arith.addi %parallel_loop3A_339, %parallel_loop3A_340 : i32
      %parallel_loop3A_342 = vector.broadcast %parallel_loop3A_341 : i32 to vector<16xi32>
      %parallel_loop3A_343 = arith.addi %mul3A_3, %parallel_loop3A_342 : vector<16xi32>
      %parallel_loop3A_344 = tpu.vector_load_idx %arg8[%parallel_loop3A_343] : memref<26240xi32, #tpu.memory_space<vmem>>[vector<16xi32>], vector<16xi32>,
      %parallel_loop3A_345 = tpu.vector_load_idx %arg9[%parallel_loop3A_343] : memref<26240xf32, #tpu.memory_space<vmem>>[vector<16xi32>], vector<16xf32>,
      %parallel_loop3A_346 = arith.constant 5 : i32
      %parallel_loop3A_347 = vector.broadcast %parallel_loop3A_346 : i32 to vector<16xi32>
      %parallel_loop3A_348 = arith.muli %parallel_loop3A_344, %parallel_loop3A_347 : vector<16xi32>
      %parallel_loop3A_349 = arith.constant 4 : i32
      %parallel_loop3A_350 = vector.broadcast %parallel_loop3A_349 : i32 to vector<16xi32>
      %parallel_loop3A_351 = arith.addi %parallel_loop3A_348, %parallel_loop3A_350 : vector<16xi32>
      %parallel_loop3A_352 = tpu.vector_load_idx %arg14[%parallel_loop3A_351] : memref<5120xf32, #tpu.memory_space<vmem>>[vector<16xi32>], vector<16xf32>,
      %parallel_loop3A_353 = arith.mulf %parallel_loop3A_352, %parallel_loop3A_345 : vector<16xf32>
      %parallel_loop3A_354 = math.exp %parallel_loop3A_353 : vector<16xf32>
      %parallel_loop3A_355 = arith.index_cast %parallel_loop3A_334 : i32 to index
      %parallel_loop3A_356 = arith.index_cast %parallel_loop3A_336 : i32 to index
      %parallel_loop3A_357 = arith.index_cast %parallel_loop3A_332 : i32 to index
      %parallel_loop3A_358 = tpu.vector_load %arg13[%parallel_loop3A_355, %parallel_loop3A_356, %parallel_loop3A_357] {strides = array<i32>} : memref<5x8x128xf32, #tpu.memory_space<vmem>>, vector<16xf32>,
      tpu.vector_store %arg13[%parallel_loop3A_355, %parallel_loop3A_356, %parallel_loop3A_357], %parallel_loop3A_354 {strides = array<i32>} : memref<5x8x128xf32, #tpu.memory_space<vmem>>, vector<16xf32>,
      %parallel_loop3A_359 = arith.constant 0 : i32
      %parallel_loop3A_360 = vector.broadcast %parallel_loop3A_359 : i32 to vector<16xi32>
      %parallel_loop3A_361 = arith.addi %parallel_loop3A_348, %parallel_loop3A_360 : vector<16xi32>
      %parallel_loop3A_362 = tpu.vector_load_idx %arg14[%parallel_loop3A_361] : memref<5120xf32, #tpu.memory_space<vmem>>[vector<16xi32>], vector<16xf32>,
      %parallel_loop3A_363 = arith.mulf %parallel_loop3A_362, %parallel_loop3A_345 : vector<16xf32>
      %parallel_loop3A_364 = arith.constant 0 : i32
      %parallel_loop3A_365 = arith.index_cast %parallel_loop3A_328 : i32 to index
      %parallel_loop3A_366 = arith.index_cast %parallel_loop3A_364 : i32 to index
      %parallel_loop3A_367 = arith.index_cast %parallel_loop3A_332 : i32 to index
      %parallel_loop3A_368 = tpu.vector_load %arg11[%parallel_loop3A_365, %parallel_loop3A_366, %parallel_loop3A_367] {strides = array<i32>} : memref<40x4x128xf32, #tpu.memory_space<vmem>>, vector<16xf32>,
      tpu.vector_store %arg11[%parallel_loop3A_365, %parallel_loop3A_366, %parallel_loop3A_367], %parallel_loop3A_363 {add = true, strides = array<i32>} : memref<40x4x128xf32, #tpu.memory_space<vmem>>, vector<16xf32>,
      %parallel_loop3A_369 = arith.constant 1 : i32
      %parallel_loop3A_370 = vector.broadcast %parallel_loop3A_369 : i32 to vector<16xi32>
      %parallel_loop3A_371 = arith.addi %parallel_loop3A_348, %parallel_loop3A_370 : vector<16xi32>
      %parallel_loop3A_372 = tpu.vector_load_idx %arg14[%parallel_loop3A_371] : memref<5120xf32, #tpu.memory_space<vmem>>[vector<16xi32>], vector<16xf32>,
      %parallel_loop3A_373 = arith.mulf %parallel_loop3A_372, %parallel_loop3A_345 : vector<16xf32>
      %parallel_loop3A_374 = arith.constant 1 : i32
      %parallel_loop3A_375 = arith.index_cast %parallel_loop3A_328 : i32 to index
      %parallel_loop3A_376 = arith.index_cast %parallel_loop3A_374 : i32 to index
      %parallel_loop3A_377 = arith.index_cast %parallel_loop3A_332 : i32 to index
      %parallel_loop3A_378 = tpu.vector_load %arg11[%parallel_loop3A_375, %parallel_loop3A_376, %parallel_loop3A_377] {strides = array<i32>} : memref<40x4x128xf32, #tpu.memory_space<vmem>>, vector<16xf32>,
      tpu.vector_store %arg11[%parallel_loop3A_375, %parallel_loop3A_376, %parallel_loop3A_377], %parallel_loop3A_373 {add = true, strides = array<i32>} : memref<40x4x128xf32, #tpu.memory_space<vmem>>, vector<16xf32>,
      %parallel_loop3A_379 = arith.constant 2 : i32
      %parallel_loop3A_380 = vector.broadcast %parallel_loop3A_379 : i32 to vector<16xi32>
      %parallel_loop3A_381 = arith.addi %parallel_loop3A_348, %parallel_loop3A_380 : vector<16xi32>
      %parallel_loop3A_382 = tpu.vector_load_idx %arg14[%parallel_loop3A_381] : memref<5120xf32, #tpu.memory_space<vmem>>[vector<16xi32>], vector<16xf32>,
      %parallel_loop3A_383 = arith.mulf %parallel_loop3A_382, %parallel_loop3A_345 : vector<16xf32>
      %parallel_loop3A_384 = arith.constant 2 : i32
      %parallel_loop3A_385 = arith.index_cast %parallel_loop3A_328 : i32 to index
      %parallel_loop3A_386 = arith.index_cast %parallel_loop3A_384 : i32 to index
      %parallel_loop3A_387 = arith.index_cast %parallel_loop3A_332 : i32 to index
      %parallel_loop3A_388 = tpu.vector_load %arg11[%parallel_loop3A_385, %parallel_loop3A_386, %parallel_loop3A_387] {strides = array<i32>} : memref<40x4x128xf32, #tpu.memory_space<vmem>>, vector<16xf32>,
      tpu.vector_store %arg11[%parallel_loop3A_385, %parallel_loop3A_386, %parallel_loop3A_387], %parallel_loop3A_383 {add = true, strides = array<i32>} : memref<40x4x128xf32, #tpu.memory_space<vmem>>, vector<16xf32>,
      %parallel_loop3A_389 = arith.constant 3 : i32
      %parallel_loop3A_390 = vector.broadcast %parallel_loop3A_389 : i32 to vector<16xi32>
      %parallel_loop3A_391 = arith.addi %parallel_loop3A_348, %parallel_loop3A_390 : vector<16xi32>
      %parallel_loop3A_392 = tpu.vector_load_idx %arg14[%parallel_loop3A_391] : memref<5120xf32, #tpu.memory_space<vmem>>[vector<16xi32>], vector<16xf32>,
      %parallel_loop3A_393 = arith.mulf %parallel_loop3A_392, %parallel_loop3A_345 : vector<16xf32>
      %parallel_loop3A_394 = arith.constant 3 : i32
      %parallel_loop3A_395 = arith.index_cast %parallel_loop3A_328 : i32 to index
      %parallel_loop3A_396 = arith.index_cast %parallel_loop3A_394 : i32 to index
      %parallel_loop3A_397 = arith.index_cast %parallel_loop3A_332 : i32 to index
      %parallel_loop3A_398 = tpu.vector_load %arg11[%parallel_loop3A_395, %parallel_loop3A_396, %parallel_loop3A_397] {strides = array<i32>} : memref<40x4x128xf32, #tpu.memory_space<vmem>>, vector<16xf32>,
      tpu.vector_store %arg11[%parallel_loop3A_395, %parallel_loop3A_396, %parallel_loop3A_397], %parallel_loop3A_393 {add = true, strides = array<i32>} : memref<40x4x128xf32, #tpu.memory_space<vmem>>, vector<16xf32>,
    } {sc.loop_unroll_factor = 4 : i64, sc.parallel_access}
    %dma_start3A_107 = arith.constant 40 : i32
    %dma_start3A_108 = arith.constant 0 : i32
    %dma_start3A_109 = arith.constant 0 : i32
    %dma_start3A_110 = tpu.memref_slice %arg7[%dma_start3A_107, %add3A, %dma_start3A_108, %dma_start3A_109] : memref<200x32x4x128xf32, #tpu.memory_space<hbm>> -> memref<40x1x4x128xf32, #tpu.memory_space<hbm>>
    %dma_start3A_111 = tpu.memref_squeeze %dma_start3A_110 : memref<40x1x4x128xf32, #tpu.memory_space<hbm>> -> memref<40x4x128xf32, #tpu.memory_space<hbm>>
    %dma_start3A_112 = arith.constant 40 : i32
    %dma_start3A_113 = arith.constant 0 : i32
    %dma_start3A_114 = arith.constant 0 : i32
    %dma_start3A_115 = tpu.memref_slice %arg7[%dma_start3A_112, %add3A, %dma_start3A_113, %dma_start3A_114] : memref<200x32x4x128xf32, #tpu.memory_space<hbm>> -> memref<40x1x4x128xf32, #tpu.memory_space<hbm>>
    %dma_start3A_116 = tpu.memref_squeeze %dma_start3A_115 : memref<40x1x4x128xf32, #tpu.memory_space<hbm>> -> memref<40x4x128xf32, #tpu.memory_space<hbm>>
    tpu.enqueue_dma source(%arg11 : memref<40x4x128xf32, #tpu.memory_space<vmem>>) target(%dma_start3A_116 : memref<40x4x128xf32, #tpu.memory_space<hbm>>) target_semaphore(%arg18 : memref<!tpu.dma_semaphore, #tpu.memory_space<semaphore_mem>>)
    %dma_start3A_117 = arith.constant 5 : i32
    %dma_start3A_118 = arith.constant 0 : i32
    %dma_start3A_119 = arith.constant 0 : i32
    %dma_start3A_120 = tpu.memref_slice %arg6[%dma_start3A_117, %add3A, %dma_start3A_118, %dma_start3A_119] : memref<25x32x8x128xf32, #tpu.memory_space<hbm>> -> memref<5x1x8x128xf32, #tpu.memory_space<hbm>>
    %dma_start3A_121 = tpu.memref_squeeze %dma_start3A_120 : memref<5x1x8x128xf32, #tpu.memory_space<hbm>> -> memref<5x8x128xf32, #tpu.memory_space<hbm>>
    %dma_start3A_122 = arith.constant 5 : i32
    %dma_start3A_123 = arith.constant 0 : i32
    %dma_start3A_124 = arith.constant 0 : i32
    %dma_start3A_125 = tpu.memref_slice %arg6[%dma_start3A_122, %add3A, %dma_start3A_123, %dma_start3A_124] : memref<25x32x8x128xf32, #tpu.memory_space<hbm>> -> memref<5x1x8x128xf32, #tpu.memory_space<hbm>>
    %dma_start3A_126 = tpu.memref_squeeze %dma_start3A_125 : memref<5x1x8x128xf32, #tpu.memory_space<hbm>> -> memref<5x8x128xf32, #tpu.memory_space<hbm>>
    tpu.enqueue_dma source(%arg13 : memref<5x8x128xf32, #tpu.memory_space<vmem>>) target(%dma_start3A_126 : memref<5x8x128xf32, #tpu.memory_space<hbm>>) target_semaphore(%arg20 : memref<!tpu.dma_semaphore, #tpu.memory_space<semaphore_mem>>)
    %dma_wait3A_127 = arith.constant 40 : i32
    %dma_wait3A_128 = arith.constant 0 : i32
    %dma_wait3A_129 = arith.constant 0 : i32
    %dma_wait3A_130 = tpu.memref_slice %arg7[%dma_wait3A_127, %add3A, %dma_wait3A_128, %dma_wait3A_129] : memref<200x32x4x128xf32, #tpu.memory_space<hbm>> -> memref<40x1x4x128xf32, #tpu.memory_space<hbm>>
    %dma_wait3A_131 = tpu.memref_squeeze %dma_wait3A_130 : memref<40x1x4x128xf32, #tpu.memory_space<hbm>> -> memref<40x4x128xf32, #tpu.memory_space<hbm>>
    %dma_wait3A_132 = arith.constant 40 : i32
    %dma_wait3A_133 = arith.constant 0 : i32
    %dma_wait3A_134 = arith.constant 0 : i32
    %dma_wait3A_135 = tpu.memref_slice %arg7[%dma_wait3A_132, %add3A, %dma_wait3A_133, %dma_wait3A_134] : memref<200x32x4x128xf32, #tpu.memory_space<hbm>> -> memref<40x1x4x128xf32, #tpu.memory_space<hbm>>
    %dma_wait3A_136 = tpu.memref_squeeze %dma_wait3A_135 : memref<40x1x4x128xf32, #tpu.memory_space<hbm>> -> memref<40x4x128xf32, #tpu.memory_space<hbm>>
    tpu.wait_dma2 semaphore(%arg18 : memref<!tpu.dma_semaphore, #tpu.memory_space<semaphore_mem>>) src(%arg11 : memref<40x4x128xf32, #tpu.memory_space<vmem>>) dst(%dma_wait3A_136 : memref<40x4x128xf32, #tpu.memory_space<hbm>>)
    %dma_wait3A_137 = arith.constant 5 : i32
    %dma_wait3A_138 = arith.constant 0 : i32
    %dma_wait3A_139 = arith.constant 0 : i32
    %dma_wait3A_140 = tpu.memref_slice %arg6[%dma_wait3A_137, %add3A, %dma_wait3A_138, %dma_wait3A_139] : memref<25x32x8x128xf32, #tpu.memory_space<hbm>> -> memref<5x1x8x128xf32, #tpu.memory_space<hbm>>
    %dma_wait3A_141 = tpu.memref_squeeze %dma_wait3A_140 : memref<5x1x8x128xf32, #tpu.memory_space<hbm>> -> memref<5x8x128xf32, #tpu.memory_space<hbm>>
    %dma_wait3A_142 = arith.constant 5 : i32
    %dma_wait3A_143 = arith.constant 0 : i32
    %dma_wait3A_144 = arith.constant 0 : i32
    %dma_wait3A_145 = tpu.memref_slice %arg6[%dma_wait3A_142, %add3A, %dma_wait3A_143, %dma_wait3A_144] : memref<25x32x8x128xf32, #tpu.memory_space<hbm>> -> memref<5x1x8x128xf32, #tpu.memory_space<hbm>>
    %dma_wait3A_146 = tpu.memref_squeeze %dma_wait3A_145 : memref<5x1x8x128xf32, #tpu.memory_space<hbm>> -> memref<5x8x128xf32, #tpu.memory_space<hbm>>
    tpu.wait_dma2 semaphore(%arg20 : memref<!tpu.dma_semaphore, #tpu.memory_space<semaphore_mem>>) src(%arg13 : memref<5x8x128xf32, #tpu.memory_space<vmem>>) dst(%dma_wait3A_146 : memref<5x8x128xf32, #tpu.memory_space<hbm>>)
    %dma_start3A_147 = arith.constant 120 : i32
    %dma_start3A_148 = arith.constant 0 : i32
    %dma_start3A_149 = arith.constant 0 : i32
    %dma_start3A_150 = tpu.memref_slice %arg4[%dma_start3A_147, %add3A, %dma_start3A_148, %dma_start3A_149] : memref<200x32x4x128xf32, #tpu.memory_space<hbm>> -> memref<40x1x4x128xf32, #tpu.memory_space<hbm>>
    %dma_start3A_151 = tpu.memref_squeeze %dma_start3A_150 : memref<40x1x4x128xf32, #tpu.memory_space<hbm>> -> memref<40x4x128xf32, #tpu.memory_space<hbm>>
    %dma_start3A_152 = arith.constant 120 : i32
    %dma_start3A_153 = arith.constant 0 : i32
    %dma_start3A_154 = arith.constant 0 : i32
    %dma_start3A_155 = tpu.memref_slice %arg4[%dma_start3A_152, %add3A, %dma_start3A_153, %dma_start3A_154] : memref<200x32x4x128xf32, #tpu.memory_space<hbm>> -> memref<40x1x4x128xf32, #tpu.memory_space<hbm>>
    %dma_start3A_156 = tpu.memref_squeeze %dma_start3A_155 : memref<40x1x4x128xf32, #tpu.memory_space<hbm>> -> memref<40x4x128xf32, #tpu.memory_space<hbm>>
    tpu.enqueue_dma source(%dma_start3A_156 : memref<40x4x128xf32, #tpu.memory_space<hbm>>) target(%arg11 : memref<40x4x128xf32, #tpu.memory_space<vmem>>) target_semaphore(%arg16 : memref<!tpu.dma_semaphore, #tpu.memory_space<semaphore_mem>>)
    %dma_wait3A_157 = arith.constant 80 : i32
    %dma_wait3A_158 = arith.constant 0 : i32
    %dma_wait3A_159 = arith.constant 0 : i32
    %dma_wait3A_160 = tpu.memref_slice %arg4[%dma_wait3A_157, %add3A, %dma_wait3A_158, %dma_wait3A_159] : memref<200x32x4x128xf32, #tpu.memory_space<hbm>> -> memref<40x1x4x128xf32, #tpu.memory_space<hbm>>
    %dma_wait3A_161 = tpu.memref_squeeze %dma_wait3A_160 : memref<40x1x4x128xf32, #tpu.memory_space<hbm>> -> memref<40x4x128xf32, #tpu.memory_space<hbm>>
    %dma_wait3A_162 = arith.constant 80 : i32
    %dma_wait3A_163 = arith.constant 0 : i32
    %dma_wait3A_164 = arith.constant 0 : i32
    %dma_wait3A_165 = tpu.memref_slice %arg4[%dma_wait3A_162, %add3A, %dma_wait3A_163, %dma_wait3A_164] : memref<200x32x4x128xf32, #tpu.memory_space<hbm>> -> memref<40x1x4x128xf32, #tpu.memory_space<hbm>>
    %dma_wait3A_166 = tpu.memref_squeeze %dma_wait3A_165 : memref<40x1x4x128xf32, #tpu.memory_space<hbm>> -> memref<40x4x128xf32, #tpu.memory_space<hbm>>
    tpu.wait_dma2 semaphore(%arg15 : memref<!tpu.dma_semaphore, #tpu.memory_space<semaphore_mem>>) src(%dma_wait3A_166 : memref<40x4x128xf32, #tpu.memory_space<hbm>>) dst(%arg10 : memref<40x4x128xf32, #tpu.memory_space<vmem>>)
    %parallel_loop3A_167 = arith.constant 0 : i32
    %parallel_loop3A_168 = arith.constant 320 : i32
    %parallel_loop3A_169 = arith.constant 1 : i32
    scf.for %parallel_loop3A_326 = %parallel_loop3A_167 to %parallel_loop3A_168 step %parallel_loop3A_169  : i32 {
      %parallel_loop3A_327 = arith.constant 3 : i32
      %parallel_loop3A_328 = arith.shrsi %parallel_loop3A_326, %parallel_loop3A_327 : i32
      %parallel_loop3A_329 = arith.constant 7 : i32
      %parallel_loop3A_330 = arith.andi %parallel_loop3A_326, %parallel_loop3A_329 : i32
      %parallel_loop3A_331 = arith.constant 16 : i32
      %parallel_loop3A_332 = arith.muli %parallel_loop3A_330, %parallel_loop3A_331 : i32
      %parallel_loop3A_333 = arith.constant 3 : i32
      %parallel_loop3A_334 = arith.shrsi %parallel_loop3A_328, %parallel_loop3A_333 : i32
      %parallel_loop3A_335 = arith.constant 7 : i32
      %parallel_loop3A_336 = arith.andi %parallel_loop3A_328, %parallel_loop3A_335 : i32
      %parallel_loop3A_337 = arith.constant 205 : i32
      %parallel_loop3A_338 = arith.muli %parallel_loop3A_332, %parallel_loop3A_337 : i32
      %parallel_loop3A_339 = arith.addi %parallel_loop3A_338, %parallel_loop3A_328 : i32
      %parallel_loop3A_340 = arith.constant 80 : i32
      %parallel_loop3A_341 = arith.addi %parallel_loop3A_339, %parallel_loop3A_340 : i32
      %parallel_loop3A_342 = vector.broadcast %parallel_loop3A_341 : i32 to vector<16xi32>
      %parallel_loop3A_343 = arith.addi %mul3A_3, %parallel_loop3A_342 : vector<16xi32>
      %parallel_loop3A_344 = tpu.vector_load_idx %arg8[%parallel_loop3A_343] : memref<26240xi32, #tpu.memory_space<vmem>>[vector<16xi32>], vector<16xi32>,
      %parallel_loop3A_345 = tpu.vector_load_idx %arg9[%parallel_loop3A_343] : memref<26240xf32, #tpu.memory_space<vmem>>[vector<16xi32>], vector<16xf32>,
      %parallel_loop3A_346 = arith.constant 5 : i32
      %parallel_loop3A_347 = vector.broadcast %parallel_loop3A_346 : i32 to vector<16xi32>
      %parallel_loop3A_348 = arith.muli %parallel_loop3A_344, %parallel_loop3A_347 : vector<16xi32>
      %parallel_loop3A_349 = arith.constant 4 : i32
      %parallel_loop3A_350 = vector.broadcast %parallel_loop3A_349 : i32 to vector<16xi32>
      %parallel_loop3A_351 = arith.addi %parallel_loop3A_348, %parallel_loop3A_350 : vector<16xi32>
      %parallel_loop3A_352 = tpu.vector_load_idx %arg14[%parallel_loop3A_351] : memref<5120xf32, #tpu.memory_space<vmem>>[vector<16xi32>], vector<16xf32>,
      %parallel_loop3A_353 = arith.mulf %parallel_loop3A_352, %parallel_loop3A_345 : vector<16xf32>
      %parallel_loop3A_354 = math.exp %parallel_loop3A_353 : vector<16xf32>
      %parallel_loop3A_355 = arith.index_cast %parallel_loop3A_334 : i32 to index
      %parallel_loop3A_356 = arith.index_cast %parallel_loop3A_336 : i32 to index
      %parallel_loop3A_357 = arith.index_cast %parallel_loop3A_332 : i32 to index
      %parallel_loop3A_358 = tpu.vector_load %arg12[%parallel_loop3A_355, %parallel_loop3A_356, %parallel_loop3A_357] {strides = array<i32>} : memref<5x8x128xf32, #tpu.memory_space<vmem>>, vector<16xf32>,
      tpu.vector_store %arg12[%parallel_loop3A_355, %parallel_loop3A_356, %parallel_loop3A_357], %parallel_loop3A_354 {strides = array<i32>} : memref<5x8x128xf32, #tpu.memory_space<vmem>>, vector<16xf32>,
      %parallel_loop3A_359 = arith.constant 0 : i32
      %parallel_loop3A_360 = vector.broadcast %parallel_loop3A_359 : i32 to vector<16xi32>
      %parallel_loop3A_361 = arith.addi %parallel_loop3A_348, %parallel_loop3A_360 : vector<16xi32>
      %parallel_loop3A_362 = tpu.vector_load_idx %arg14[%parallel_loop3A_361] : memref<5120xf32, #tpu.memory_space<vmem>>[vector<16xi32>], vector<16xf32>,
      %parallel_loop3A_363 = arith.mulf %parallel_loop3A_362, %parallel_loop3A_345 : vector<16xf32>
      %parallel_loop3A_364 = arith.constant 0 : i32
      %parallel_loop3A_365 = arith.index_cast %parallel_loop3A_328 : i32 to index
      %parallel_loop3A_366 = arith.index_cast %parallel_loop3A_364 : i32 to index
      %parallel_loop3A_367 = arith.index_cast %parallel_loop3A_332 : i32 to index
      %parallel_loop3A_368 = tpu.vector_load %arg10[%parallel_loop3A_365, %parallel_loop3A_366, %parallel_loop3A_367] {strides = array<i32>} : memref<40x4x128xf32, #tpu.memory_space<vmem>>, vector<16xf32>,
      tpu.vector_store %arg10[%parallel_loop3A_365, %parallel_loop3A_366, %parallel_loop3A_367], %parallel_loop3A_363 {add = true, strides = array<i32>} : memref<40x4x128xf32, #tpu.memory_space<vmem>>, vector<16xf32>,
      %parallel_loop3A_369 = arith.constant 1 : i32
      %parallel_loop3A_370 = vector.broadcast %parallel_loop3A_369 : i32 to vector<16xi32>
      %parallel_loop3A_371 = arith.addi %parallel_loop3A_348, %parallel_loop3A_370 : vector<16xi32>
      %parallel_loop3A_372 = tpu.vector_load_idx %arg14[%parallel_loop3A_371] : memref<5120xf32, #tpu.memory_space<vmem>>[vector<16xi32>], vector<16xf32>,
      %parallel_loop3A_373 = arith.mulf %parallel_loop3A_372, %parallel_loop3A_345 : vector<16xf32>
      %parallel_loop3A_374 = arith.constant 1 : i32
      %parallel_loop3A_375 = arith.index_cast %parallel_loop3A_328 : i32 to index
      %parallel_loop3A_376 = arith.index_cast %parallel_loop3A_374 : i32 to index
      %parallel_loop3A_377 = arith.index_cast %parallel_loop3A_332 : i32 to index
      %parallel_loop3A_378 = tpu.vector_load %arg10[%parallel_loop3A_375, %parallel_loop3A_376, %parallel_loop3A_377] {strides = array<i32>} : memref<40x4x128xf32, #tpu.memory_space<vmem>>, vector<16xf32>,
      tpu.vector_store %arg10[%parallel_loop3A_375, %parallel_loop3A_376, %parallel_loop3A_377], %parallel_loop3A_373 {add = true, strides = array<i32>} : memref<40x4x128xf32, #tpu.memory_space<vmem>>, vector<16xf32>,
      %parallel_loop3A_379 = arith.constant 2 : i32
      %parallel_loop3A_380 = vector.broadcast %parallel_loop3A_379 : i32 to vector<16xi32>
      %parallel_loop3A_381 = arith.addi %parallel_loop3A_348, %parallel_loop3A_380 : vector<16xi32>
      %parallel_loop3A_382 = tpu.vector_load_idx %arg14[%parallel_loop3A_381] : memref<5120xf32, #tpu.memory_space<vmem>>[vector<16xi32>], vector<16xf32>,
      %parallel_loop3A_383 = arith.mulf %parallel_loop3A_382, %parallel_loop3A_345 : vector<16xf32>
      %parallel_loop3A_384 = arith.constant 2 : i32
      %parallel_loop3A_385 = arith.index_cast %parallel_loop3A_328 : i32 to index
      %parallel_loop3A_386 = arith.index_cast %parallel_loop3A_384 : i32 to index
      %parallel_loop3A_387 = arith.index_cast %parallel_loop3A_332 : i32 to index
      %parallel_loop3A_388 = tpu.vector_load %arg10[%parallel_loop3A_385, %parallel_loop3A_386, %parallel_loop3A_387] {strides = array<i32>} : memref<40x4x128xf32, #tpu.memory_space<vmem>>, vector<16xf32>,
      tpu.vector_store %arg10[%parallel_loop3A_385, %parallel_loop3A_386, %parallel_loop3A_387], %parallel_loop3A_383 {add = true, strides = array<i32>} : memref<40x4x128xf32, #tpu.memory_space<vmem>>, vector<16xf32>,
      %parallel_loop3A_389 = arith.constant 3 : i32
      %parallel_loop3A_390 = vector.broadcast %parallel_loop3A_389 : i32 to vector<16xi32>
      %parallel_loop3A_391 = arith.addi %parallel_loop3A_348, %parallel_loop3A_390 : vector<16xi32>
      %parallel_loop3A_392 = tpu.vector_load_idx %arg14[%parallel_loop3A_391] : memref<5120xf32, #tpu.memory_space<vmem>>[vector<16xi32>], vector<16xf32>,
      %parallel_loop3A_393 = arith.mulf %parallel_loop3A_392, %parallel_loop3A_345 : vector<16xf32>
      %parallel_loop3A_394 = arith.constant 3 : i32
      %parallel_loop3A_395 = arith.index_cast %parallel_loop3A_328 : i32 to index
      %parallel_loop3A_396 = arith.index_cast %parallel_loop3A_394 : i32 to index
      %parallel_loop3A_397 = arith.index_cast %parallel_loop3A_332 : i32 to index
      %parallel_loop3A_398 = tpu.vector_load %arg10[%parallel_loop3A_395, %parallel_loop3A_396, %parallel_loop3A_397] {strides = array<i32>} : memref<40x4x128xf32, #tpu.memory_space<vmem>>, vector<16xf32>,
      tpu.vector_store %arg10[%parallel_loop3A_395, %parallel_loop3A_396, %parallel_loop3A_397], %parallel_loop3A_393 {add = true, strides = array<i32>} : memref<40x4x128xf32, #tpu.memory_space<vmem>>, vector<16xf32>,
    } {sc.loop_unroll_factor = 4 : i64, sc.parallel_access}
    %dma_start3A_170 = arith.constant 80 : i32
    %dma_start3A_171 = arith.constant 0 : i32
    %dma_start3A_172 = arith.constant 0 : i32
    %dma_start3A_173 = tpu.memref_slice %arg7[%dma_start3A_170, %add3A, %dma_start3A_171, %dma_start3A_172] : memref<200x32x4x128xf32, #tpu.memory_space<hbm>> -> memref<40x1x4x128xf32, #tpu.memory_space<hbm>>
    %dma_start3A_174 = tpu.memref_squeeze %dma_start3A_173 : memref<40x1x4x128xf32, #tpu.memory_space<hbm>> -> memref<40x4x128xf32, #tpu.memory_space<hbm>>
    %dma_start3A_175 = arith.constant 80 : i32
    %dma_start3A_176 = arith.constant 0 : i32
    %dma_start3A_177 = arith.constant 0 : i32
    %dma_start3A_178 = tpu.memref_slice %arg7[%dma_start3A_175, %add3A, %dma_start3A_176, %dma_start3A_177] : memref<200x32x4x128xf32, #tpu.memory_space<hbm>> -> memref<40x1x4x128xf32, #tpu.memory_space<hbm>>
    %dma_start3A_179 = tpu.memref_squeeze %dma_start3A_178 : memref<40x1x4x128xf32, #tpu.memory_space<hbm>> -> memref<40x4x128xf32, #tpu.memory_space<hbm>>
    tpu.enqueue_dma source(%arg10 : memref<40x4x128xf32, #tpu.memory_space<vmem>>) target(%dma_start3A_179 : memref<40x4x128xf32, #tpu.memory_space<hbm>>) target_semaphore(%arg17 : memref<!tpu.dma_semaphore, #tpu.memory_space<semaphore_mem>>)
    %dma_start3A_180 = arith.constant 10 : i32
    %dma_start3A_181 = arith.constant 0 : i32
    %dma_start3A_182 = arith.constant 0 : i32
    %dma_start3A_183 = tpu.memref_slice %arg6[%dma_start3A_180, %add3A, %dma_start3A_181, %dma_start3A_182] : memref<25x32x8x128xf32, #tpu.memory_space<hbm>> -> memref<5x1x8x128xf32, #tpu.memory_space<hbm>>
    %dma_start3A_184 = tpu.memref_squeeze %dma_start3A_183 : memref<5x1x8x128xf32, #tpu.memory_space<hbm>> -> memref<5x8x128xf32, #tpu.memory_space<hbm>>
    %dma_start3A_185 = arith.constant 10 : i32
    %dma_start3A_186 = arith.constant 0 : i32
    %dma_start3A_187 = arith.constant 0 : i32
    %dma_start3A_188 = tpu.memref_slice %arg6[%dma_start3A_185, %add3A, %dma_start3A_186, %dma_start3A_187] : memref<25x32x8x128xf32, #tpu.memory_space<hbm>> -> memref<5x1x8x128xf32, #tpu.memory_space<hbm>>
    %dma_start3A_189 = tpu.memref_squeeze %dma_start3A_188 : memref<5x1x8x128xf32, #tpu.memory_space<hbm>> -> memref<5x8x128xf32, #tpu.memory_space<hbm>>
    tpu.enqueue_dma source(%arg12 : memref<5x8x128xf32, #tpu.memory_space<vmem>>) target(%dma_start3A_189 : memref<5x8x128xf32, #tpu.memory_space<hbm>>) target_semaphore(%arg19 : memref<!tpu.dma_semaphore, #tpu.memory_space<semaphore_mem>>)
    %dma_wait3A_190 = arith.constant 80 : i32
    %dma_wait3A_191 = arith.constant 0 : i32
    %dma_wait3A_192 = arith.constant 0 : i32
    %dma_wait3A_193 = tpu.memref_slice %arg7[%dma_wait3A_190, %add3A, %dma_wait3A_191, %dma_wait3A_192] : memref<200x32x4x128xf32, #tpu.memory_space<hbm>> -> memref<40x1x4x128xf32, #tpu.memory_space<hbm>>
    %dma_wait3A_194 = tpu.memref_squeeze %dma_wait3A_193 : memref<40x1x4x128xf32, #tpu.memory_space<hbm>> -> memref<40x4x128xf32, #tpu.memory_space<hbm>>
    %dma_wait3A_195 = arith.constant 80 : i32
    %dma_wait3A_196 = arith.constant 0 : i32
    %dma_wait3A_197 = arith.constant 0 : i32
    %dma_wait3A_198 = tpu.memref_slice %arg7[%dma_wait3A_195, %add3A, %dma_wait3A_196, %dma_wait3A_197] : memref<200x32x4x128xf32, #tpu.memory_space<hbm>> -> memref<40x1x4x128xf32, #tpu.memory_space<hbm>>
    %dma_wait3A_199 = tpu.memref_squeeze %dma_wait3A_198 : memref<40x1x4x128xf32, #tpu.memory_space<hbm>> -> memref<40x4x128xf32, #tpu.memory_space<hbm>>
    tpu.wait_dma2 semaphore(%arg17 : memref<!tpu.dma_semaphore, #tpu.memory_space<semaphore_mem>>) src(%arg10 : memref<40x4x128xf32, #tpu.memory_space<vmem>>) dst(%dma_wait3A_199 : memref<40x4x128xf32, #tpu.memory_space<hbm>>)
    %dma_wait3A_200 = arith.constant 10 : i32
    %dma_wait3A_201 = arith.constant 0 : i32
    %dma_wait3A_202 = arith.constant 0 : i32
    %dma_wait3A_203 = tpu.memref_slice %arg6[%dma_wait3A_200, %add3A, %dma_wait3A_201, %dma_wait3A_202] : memref<25x32x8x128xf32, #tpu.memory_space<hbm>> -> memref<5x1x8x128xf32, #tpu.memory_space<hbm>>
    %dma_wait3A_204 = tpu.memref_squeeze %dma_wait3A_203 : memref<5x1x8x128xf32, #tpu.memory_space<hbm>> -> memref<5x8x128xf32, #tpu.memory_space<hbm>>
    %dma_wait3A_205 = arith.constant 10 : i32
    %dma_wait3A_206 = arith.constant 0 : i32
    %dma_wait3A_207 = arith.constant 0 : i32
    %dma_wait3A_208 = tpu.memref_slice %arg6[%dma_wait3A_205, %add3A, %dma_wait3A_206, %dma_wait3A_207] : memref<25x32x8x128xf32, #tpu.memory_space<hbm>> -> memref<5x1x8x128xf32, #tpu.memory_space<hbm>>
    %dma_wait3A_209 = tpu.memref_squeeze %dma_wait3A_208 : memref<5x1x8x128xf32, #tpu.memory_space<hbm>> -> memref<5x8x128xf32, #tpu.memory_space<hbm>>
    tpu.wait_dma2 semaphore(%arg19 : memref<!tpu.dma_semaphore, #tpu.memory_space<semaphore_mem>>) src(%arg12 : memref<5x8x128xf32, #tpu.memory_space<vmem>>) dst(%dma_wait3A_209 : memref<5x8x128xf32, #tpu.memory_space<hbm>>)
    %dma_start3A_210 = arith.constant 160 : i32
    %dma_start3A_211 = arith.constant 0 : i32
    %dma_start3A_212 = arith.constant 0 : i32
    %dma_start3A_213 = tpu.memref_slice %arg4[%dma_start3A_210, %add3A, %dma_start3A_211, %dma_start3A_212] : memref<200x32x4x128xf32, #tpu.memory_space<hbm>> -> memref<40x1x4x128xf32, #tpu.memory_space<hbm>>
    %dma_start3A_214 = tpu.memref_squeeze %dma_start3A_213 : memref<40x1x4x128xf32, #tpu.memory_space<hbm>> -> memref<40x4x128xf32, #tpu.memory_space<hbm>>
    %dma_start3A_215 = arith.constant 160 : i32
    %dma_start3A_216 = arith.constant 0 : i32
    %dma_start3A_217 = arith.constant 0 : i32
    %dma_start3A_218 = tpu.memref_slice %arg4[%dma_start3A_215, %add3A, %dma_start3A_216, %dma_start3A_217] : memref<200x32x4x128xf32, #tpu.memory_space<hbm>> -> memref<40x1x4x128xf32, #tpu.memory_space<hbm>>
    %dma_start3A_219 = tpu.memref_squeeze %dma_start3A_218 : memref<40x1x4x128xf32, #tpu.memory_space<hbm>> -> memref<40x4x128xf32, #tpu.memory_space<hbm>>
    tpu.enqueue_dma source(%dma_start3A_219 : memref<40x4x128xf32, #tpu.memory_space<hbm>>) target(%arg10 : memref<40x4x128xf32, #tpu.memory_space<vmem>>) target_semaphore(%arg15 : memref<!tpu.dma_semaphore, #tpu.memory_space<semaphore_mem>>)
    %dma_wait3A_220 = arith.constant 120 : i32
    %dma_wait3A_221 = arith.constant 0 : i32
    %dma_wait3A_222 = arith.constant 0 : i32
    %dma_wait3A_223 = tpu.memref_slice %arg4[%dma_wait3A_220, %add3A, %dma_wait3A_221, %dma_wait3A_222] : memref<200x32x4x128xf32, #tpu.memory_space<hbm>> -> memref<40x1x4x128xf32, #tpu.memory_space<hbm>>
    %dma_wait3A_224 = tpu.memref_squeeze %dma_wait3A_223 : memref<40x1x4x128xf32, #tpu.memory_space<hbm>> -> memref<40x4x128xf32, #tpu.memory_space<hbm>>
    %dma_wait3A_225 = arith.constant 120 : i32
    %dma_wait3A_226 = arith.constant 0 : i32
    %dma_wait3A_227 = arith.constant 0 : i32
    %dma_wait3A_228 = tpu.memref_slice %arg4[%dma_wait3A_225, %add3A, %dma_wait3A_226, %dma_wait3A_227] : memref<200x32x4x128xf32, #tpu.memory_space<hbm>> -> memref<40x1x4x128xf32, #tpu.memory_space<hbm>>
    %dma_wait3A_229 = tpu.memref_squeeze %dma_wait3A_228 : memref<40x1x4x128xf32, #tpu.memory_space<hbm>> -> memref<40x4x128xf32, #tpu.memory_space<hbm>>
    tpu.wait_dma2 semaphore(%arg16 : memref<!tpu.dma_semaphore, #tpu.memory_space<semaphore_mem>>) src(%dma_wait3A_229 : memref<40x4x128xf32, #tpu.memory_space<hbm>>) dst(%arg11 : memref<40x4x128xf32, #tpu.memory_space<vmem>>)
    %parallel_loop3A_230 = arith.constant 0 : i32
    %parallel_loop3A_231 = arith.constant 320 : i32
    %parallel_loop3A_232 = arith.constant 1 : i32
    scf.for %parallel_loop3A_326 = %parallel_loop3A_230 to %parallel_loop3A_231 step %parallel_loop3A_232  : i32 {
      %parallel_loop3A_327 = arith.constant 3 : i32
      %parallel_loop3A_328 = arith.shrsi %parallel_loop3A_326, %parallel_loop3A_327 : i32
      %parallel_loop3A_329 = arith.constant 7 : i32
      %parallel_loop3A_330 = arith.andi %parallel_loop3A_326, %parallel_loop3A_329 : i32
      %parallel_loop3A_331 = arith.constant 16 : i32
      %parallel_loop3A_332 = arith.muli %parallel_loop3A_330, %parallel_loop3A_331 : i32
      %parallel_loop3A_333 = arith.constant 3 : i32
      %parallel_loop3A_334 = arith.shrsi %parallel_loop3A_328, %parallel_loop3A_333 : i32
      %parallel_loop3A_335 = arith.constant 7 : i32
      %parallel_loop3A_336 = arith.andi %parallel_loop3A_328, %parallel_loop3A_335 : i32
      %parallel_loop3A_337 = arith.constant 205 : i32
      %parallel_loop3A_338 = arith.muli %parallel_loop3A_332, %parallel_loop3A_337 : i32
      %parallel_loop3A_339 = arith.addi %parallel_loop3A_338, %parallel_loop3A_328 : i32
      %parallel_loop3A_340 = arith.constant 120 : i32
      %parallel_loop3A_341 = arith.addi %parallel_loop3A_339, %parallel_loop3A_340 : i32
      %parallel_loop3A_342 = vector.broadcast %parallel_loop3A_341 : i32 to vector<16xi32>
      %parallel_loop3A_343 = arith.addi %mul3A_3, %parallel_loop3A_342 : vector<16xi32>
      %parallel_loop3A_344 = tpu.vector_load_idx %arg8[%parallel_loop3A_343] : memref<26240xi32, #tpu.memory_space<vmem>>[vector<16xi32>], vector<16xi32>,
      %parallel_loop3A_345 = tpu.vector_load_idx %arg9[%parallel_loop3A_343] : memref<26240xf32, #tpu.memory_space<vmem>>[vector<16xi32>], vector<16xf32>,
      %parallel_loop3A_346 = arith.constant 5 : i32
      %parallel_loop3A_347 = vector.broadcast %parallel_loop3A_346 : i32 to vector<16xi32>
      %parallel_loop3A_348 = arith.muli %parallel_loop3A_344, %parallel_loop3A_347 : vector<16xi32>
      %parallel_loop3A_349 = arith.constant 4 : i32
      %parallel_loop3A_350 = vector.broadcast %parallel_loop3A_349 : i32 to vector<16xi32>
      %parallel_loop3A_351 = arith.addi %parallel_loop3A_348, %parallel_loop3A_350 : vector<16xi32>
      %parallel_loop3A_352 = tpu.vector_load_idx %arg14[%parallel_loop3A_351] : memref<5120xf32, #tpu.memory_space<vmem>>[vector<16xi32>], vector<16xf32>,
      %parallel_loop3A_353 = arith.mulf %parallel_loop3A_352, %parallel_loop3A_345 : vector<16xf32>
      %parallel_loop3A_354 = math.exp %parallel_loop3A_353 : vector<16xf32>
      %parallel_loop3A_355 = arith.index_cast %parallel_loop3A_334 : i32 to index
      %parallel_loop3A_356 = arith.index_cast %parallel_loop3A_336 : i32 to index
      %parallel_loop3A_357 = arith.index_cast %parallel_loop3A_332 : i32 to index
      %parallel_loop3A_358 = tpu.vector_load %arg13[%parallel_loop3A_355, %parallel_loop3A_356, %parallel_loop3A_357] {strides = array<i32>} : memref<5x8x128xf32, #tpu.memory_space<vmem>>, vector<16xf32>,
      tpu.vector_store %arg13[%parallel_loop3A_355, %parallel_loop3A_356, %parallel_loop3A_357], %parallel_loop3A_354 {strides = array<i32>} : memref<5x8x128xf32, #tpu.memory_space<vmem>>, vector<16xf32>,
      %parallel_loop3A_359 = arith.constant 0 : i32
      %parallel_loop3A_360 = vector.broadcast %parallel_loop3A_359 : i32 to vector<16xi32>
      %parallel_loop3A_361 = arith.addi %parallel_loop3A_348, %parallel_loop3A_360 : vector<16xi32>
      %parallel_loop3A_362 = tpu.vector_load_idx %arg14[%parallel_loop3A_361] : memref<5120xf32, #tpu.memory_space<vmem>>[vector<16xi32>], vector<16xf32>,
      %parallel_loop3A_363 = arith.mulf %parallel_loop3A_362, %parallel_loop3A_345 : vector<16xf32>
      %parallel_loop3A_364 = arith.constant 0 : i32
      %parallel_loop3A_365 = arith.index_cast %parallel_loop3A_328 : i32 to index
      %parallel_loop3A_366 = arith.index_cast %parallel_loop3A_364 : i32 to index
      %parallel_loop3A_367 = arith.index_cast %parallel_loop3A_332 : i32 to index
      %parallel_loop3A_368 = tpu.vector_load %arg11[%parallel_loop3A_365, %parallel_loop3A_366, %parallel_loop3A_367] {strides = array<i32>} : memref<40x4x128xf32, #tpu.memory_space<vmem>>, vector<16xf32>,
      tpu.vector_store %arg11[%parallel_loop3A_365, %parallel_loop3A_366, %parallel_loop3A_367], %parallel_loop3A_363 {add = true, strides = array<i32>} : memref<40x4x128xf32, #tpu.memory_space<vmem>>, vector<16xf32>,
      %parallel_loop3A_369 = arith.constant 1 : i32
      %parallel_loop3A_370 = vector.broadcast %parallel_loop3A_369 : i32 to vector<16xi32>
      %parallel_loop3A_371 = arith.addi %parallel_loop3A_348, %parallel_loop3A_370 : vector<16xi32>
      %parallel_loop3A_372 = tpu.vector_load_idx %arg14[%parallel_loop3A_371] : memref<5120xf32, #tpu.memory_space<vmem>>[vector<16xi32>], vector<16xf32>,
      %parallel_loop3A_373 = arith.mulf %parallel_loop3A_372, %parallel_loop3A_345 : vector<16xf32>
      %parallel_loop3A_374 = arith.constant 1 : i32
      %parallel_loop3A_375 = arith.index_cast %parallel_loop3A_328 : i32 to index
      %parallel_loop3A_376 = arith.index_cast %parallel_loop3A_374 : i32 to index
      %parallel_loop3A_377 = arith.index_cast %parallel_loop3A_332 : i32 to index
      %parallel_loop3A_378 = tpu.vector_load %arg11[%parallel_loop3A_375, %parallel_loop3A_376, %parallel_loop3A_377] {strides = array<i32>} : memref<40x4x128xf32, #tpu.memory_space<vmem>>, vector<16xf32>,
      tpu.vector_store %arg11[%parallel_loop3A_375, %parallel_loop3A_376, %parallel_loop3A_377], %parallel_loop3A_373 {add = true, strides = array<i32>} : memref<40x4x128xf32, #tpu.memory_space<vmem>>, vector<16xf32>,
      %parallel_loop3A_379 = arith.constant 2 : i32
      %parallel_loop3A_380 = vector.broadcast %parallel_loop3A_379 : i32 to vector<16xi32>
      %parallel_loop3A_381 = arith.addi %parallel_loop3A_348, %parallel_loop3A_380 : vector<16xi32>
      %parallel_loop3A_382 = tpu.vector_load_idx %arg14[%parallel_loop3A_381] : memref<5120xf32, #tpu.memory_space<vmem>>[vector<16xi32>], vector<16xf32>,
      %parallel_loop3A_383 = arith.mulf %parallel_loop3A_382, %parallel_loop3A_345 : vector<16xf32>
      %parallel_loop3A_384 = arith.constant 2 : i32
      %parallel_loop3A_385 = arith.index_cast %parallel_loop3A_328 : i32 to index
      %parallel_loop3A_386 = arith.index_cast %parallel_loop3A_384 : i32 to index
      %parallel_loop3A_387 = arith.index_cast %parallel_loop3A_332 : i32 to index
      %parallel_loop3A_388 = tpu.vector_load %arg11[%parallel_loop3A_385, %parallel_loop3A_386, %parallel_loop3A_387] {strides = array<i32>} : memref<40x4x128xf32, #tpu.memory_space<vmem>>, vector<16xf32>,
      tpu.vector_store %arg11[%parallel_loop3A_385, %parallel_loop3A_386, %parallel_loop3A_387], %parallel_loop3A_383 {add = true, strides = array<i32>} : memref<40x4x128xf32, #tpu.memory_space<vmem>>, vector<16xf32>,
      %parallel_loop3A_389 = arith.constant 3 : i32
      %parallel_loop3A_390 = vector.broadcast %parallel_loop3A_389 : i32 to vector<16xi32>
      %parallel_loop3A_391 = arith.addi %parallel_loop3A_348, %parallel_loop3A_390 : vector<16xi32>
      %parallel_loop3A_392 = tpu.vector_load_idx %arg14[%parallel_loop3A_391] : memref<5120xf32, #tpu.memory_space<vmem>>[vector<16xi32>], vector<16xf32>,
      %parallel_loop3A_393 = arith.mulf %parallel_loop3A_392, %parallel_loop3A_345 : vector<16xf32>
      %parallel_loop3A_394 = arith.constant 3 : i32
      %parallel_loop3A_395 = arith.index_cast %parallel_loop3A_328 : i32 to index
      %parallel_loop3A_396 = arith.index_cast %parallel_loop3A_394 : i32 to index
      %parallel_loop3A_397 = arith.index_cast %parallel_loop3A_332 : i32 to index
      %parallel_loop3A_398 = tpu.vector_load %arg11[%parallel_loop3A_395, %parallel_loop3A_396, %parallel_loop3A_397] {strides = array<i32>} : memref<40x4x128xf32, #tpu.memory_space<vmem>>, vector<16xf32>,
      tpu.vector_store %arg11[%parallel_loop3A_395, %parallel_loop3A_396, %parallel_loop3A_397], %parallel_loop3A_393 {add = true, strides = array<i32>} : memref<40x4x128xf32, #tpu.memory_space<vmem>>, vector<16xf32>,
    } {sc.loop_unroll_factor = 4 : i64, sc.parallel_access}
    %dma_start3A_233 = arith.constant 120 : i32
    %dma_start3A_234 = arith.constant 0 : i32
    %dma_start3A_235 = arith.constant 0 : i32
    %dma_start3A_236 = tpu.memref_slice %arg7[%dma_start3A_233, %add3A, %dma_start3A_234, %dma_start3A_235] : memref<200x32x4x128xf32, #tpu.memory_space<hbm>> -> memref<40x1x4x128xf32, #tpu.memory_space<hbm>>
    %dma_start3A_237 = tpu.memref_squeeze %dma_start3A_236 : memref<40x1x4x128xf32, #tpu.memory_space<hbm>> -> memref<40x4x128xf32, #tpu.memory_space<hbm>>
    %dma_start3A_238 = arith.constant 120 : i32
    %dma_start3A_239 = arith.constant 0 : i32
    %dma_start3A_240 = arith.constant 0 : i32
    %dma_start3A_241 = tpu.memref_slice %arg7[%dma_start3A_238, %add3A, %dma_start3A_239, %dma_start3A_240] : memref<200x32x4x128xf32, #tpu.memory_space<hbm>> -> memref<40x1x4x128xf32, #tpu.memory_space<hbm>>
    %dma_start3A_242 = tpu.memref_squeeze %dma_start3A_241 : memref<40x1x4x128xf32, #tpu.memory_space<hbm>> -> memref<40x4x128xf32, #tpu.memory_space<hbm>>
    tpu.enqueue_dma source(%arg11 : memref<40x4x128xf32, #tpu.memory_space<vmem>>) target(%dma_start3A_242 : memref<40x4x128xf32, #tpu.memory_space<hbm>>) target_semaphore(%arg18 : memref<!tpu.dma_semaphore, #tpu.memory_space<semaphore_mem>>)
    %dma_start3A_243 = arith.constant 15 : i32
    %dma_start3A_244 = arith.constant 0 : i32
    %dma_start3A_245 = arith.constant 0 : i32
    %dma_start3A_246 = tpu.memref_slice %arg6[%dma_start3A_243, %add3A, %dma_start3A_244, %dma_start3A_245] : memref<25x32x8x128xf32, #tpu.memory_space<hbm>> -> memref<5x1x8x128xf32, #tpu.memory_space<hbm>>
    %dma_start3A_247 = tpu.memref_squeeze %dma_start3A_246 : memref<5x1x8x128xf32, #tpu.memory_space<hbm>> -> memref<5x8x128xf32, #tpu.memory_space<hbm>>
    %dma_start3A_248 = arith.constant 15 : i32
    %dma_start3A_249 = arith.constant 0 : i32
    %dma_start3A_250 = arith.constant 0 : i32
    %dma_start3A_251 = tpu.memref_slice %arg6[%dma_start3A_248, %add3A, %dma_start3A_249, %dma_start3A_250] : memref<25x32x8x128xf32, #tpu.memory_space<hbm>> -> memref<5x1x8x128xf32, #tpu.memory_space<hbm>>
    %dma_start3A_252 = tpu.memref_squeeze %dma_start3A_251 : memref<5x1x8x128xf32, #tpu.memory_space<hbm>> -> memref<5x8x128xf32, #tpu.memory_space<hbm>>
    tpu.enqueue_dma source(%arg13 : memref<5x8x128xf32, #tpu.memory_space<vmem>>) target(%dma_start3A_252 : memref<5x8x128xf32, #tpu.memory_space<hbm>>) target_semaphore(%arg20 : memref<!tpu.dma_semaphore, #tpu.memory_space<semaphore_mem>>)
    %dma_wait3A_253 = arith.constant 160 : i32
    %dma_wait3A_254 = arith.constant 0 : i32
    %dma_wait3A_255 = arith.constant 0 : i32
    %dma_wait3A_256 = tpu.memref_slice %arg4[%dma_wait3A_253, %add3A, %dma_wait3A_254, %dma_wait3A_255] : memref<200x32x4x128xf32, #tpu.memory_space<hbm>> -> memref<40x1x4x128xf32, #tpu.memory_space<hbm>>
    %dma_wait3A_257 = tpu.memref_squeeze %dma_wait3A_256 : memref<40x1x4x128xf32, #tpu.memory_space<hbm>> -> memref<40x4x128xf32, #tpu.memory_space<hbm>>
    %dma_wait3A_258 = arith.constant 160 : i32
    %dma_wait3A_259 = arith.constant 0 : i32
    %dma_wait3A_260 = arith.constant 0 : i32
    %dma_wait3A_261 = tpu.memref_slice %arg4[%dma_wait3A_258, %add3A, %dma_wait3A_259, %dma_wait3A_260] : memref<200x32x4x128xf32, #tpu.memory_space<hbm>> -> memref<40x1x4x128xf32, #tpu.memory_space<hbm>>
    %dma_wait3A_262 = tpu.memref_squeeze %dma_wait3A_261 : memref<40x1x4x128xf32, #tpu.memory_space<hbm>> -> memref<40x4x128xf32, #tpu.memory_space<hbm>>
    tpu.wait_dma2 semaphore(%arg15 : memref<!tpu.dma_semaphore, #tpu.memory_space<semaphore_mem>>) src(%dma_wait3A_262 : memref<40x4x128xf32, #tpu.memory_space<hbm>>) dst(%arg10 : memref<40x4x128xf32, #tpu.memory_space<vmem>>)
    %parallel_loop3A_263 = arith.constant 0 : i32
    %parallel_loop3A_264 = arith.constant 320 : i32
    %parallel_loop3A_265 = arith.constant 1 : i32
    scf.for %parallel_loop3A_326 = %parallel_loop3A_263 to %parallel_loop3A_264 step %parallel_loop3A_265  : i32 {
      %parallel_loop3A_327 = arith.constant 3 : i32
      %parallel_loop3A_328 = arith.shrsi %parallel_loop3A_326, %parallel_loop3A_327 : i32
      %parallel_loop3A_329 = arith.constant 7 : i32
      %parallel_loop3A_330 = arith.andi %parallel_loop3A_326, %parallel_loop3A_329 : i32
      %parallel_loop3A_331 = arith.constant 16 : i32
      %parallel_loop3A_332 = arith.muli %parallel_loop3A_330, %parallel_loop3A_331 : i32
      %parallel_loop3A_333 = arith.constant 3 : i32
      %parallel_loop3A_334 = arith.shrsi %parallel_loop3A_328, %parallel_loop3A_333 : i32
      %parallel_loop3A_335 = arith.constant 7 : i32
      %parallel_loop3A_336 = arith.andi %parallel_loop3A_328, %parallel_loop3A_335 : i32
      %parallel_loop3A_337 = arith.constant 205 : i32
      %parallel_loop3A_338 = arith.muli %parallel_loop3A_332, %parallel_loop3A_337 : i32
      %parallel_loop3A_339 = arith.addi %parallel_loop3A_338, %parallel_loop3A_328 : i32
      %parallel_loop3A_340 = arith.constant 160 : i32
      %parallel_loop3A_341 = arith.addi %parallel_loop3A_339, %parallel_loop3A_340 : i32
      %parallel_loop3A_342 = vector.broadcast %parallel_loop3A_341 : i32 to vector<16xi32>
      %parallel_loop3A_343 = arith.addi %mul3A_3, %parallel_loop3A_342 : vector<16xi32>
      %parallel_loop3A_344 = tpu.vector_load_idx %arg8[%parallel_loop3A_343] : memref<26240xi32, #tpu.memory_space<vmem>>[vector<16xi32>], vector<16xi32>,
      %parallel_loop3A_345 = tpu.vector_load_idx %arg9[%parallel_loop3A_343] : memref<26240xf32, #tpu.memory_space<vmem>>[vector<16xi32>], vector<16xf32>,
      %parallel_loop3A_346 = arith.constant 5 : i32
      %parallel_loop3A_347 = vector.broadcast %parallel_loop3A_346 : i32 to vector<16xi32>
      %parallel_loop3A_348 = arith.muli %parallel_loop3A_344, %parallel_loop3A_347 : vector<16xi32>
      %parallel_loop3A_349 = arith.constant 4 : i32
      %parallel_loop3A_350 = vector.broadcast %parallel_loop3A_349 : i32 to vector<16xi32>
      %parallel_loop3A_351 = arith.addi %parallel_loop3A_348, %parallel_loop3A_350 : vector<16xi32>
      %parallel_loop3A_352 = tpu.vector_load_idx %arg14[%parallel_loop3A_351] : memref<5120xf32, #tpu.memory_space<vmem>>[vector<16xi32>], vector<16xf32>,
      %parallel_loop3A_353 = arith.mulf %parallel_loop3A_352, %parallel_loop3A_345 : vector<16xf32>
      %parallel_loop3A_354 = math.exp %parallel_loop3A_353 : vector<16xf32>
      %parallel_loop3A_355 = arith.index_cast %parallel_loop3A_334 : i32 to index
      %parallel_loop3A_356 = arith.index_cast %parallel_loop3A_336 : i32 to index
      %parallel_loop3A_357 = arith.index_cast %parallel_loop3A_332 : i32 to index
      %parallel_loop3A_358 = tpu.vector_load %arg12[%parallel_loop3A_355, %parallel_loop3A_356, %parallel_loop3A_357] {strides = array<i32>} : memref<5x8x128xf32, #tpu.memory_space<vmem>>, vector<16xf32>,
      tpu.vector_store %arg12[%parallel_loop3A_355, %parallel_loop3A_356, %parallel_loop3A_357], %parallel_loop3A_354 {strides = array<i32>} : memref<5x8x128xf32, #tpu.memory_space<vmem>>, vector<16xf32>,
      %parallel_loop3A_359 = arith.constant 0 : i32
      %parallel_loop3A_360 = vector.broadcast %parallel_loop3A_359 : i32 to vector<16xi32>
      %parallel_loop3A_361 = arith.addi %parallel_loop3A_348, %parallel_loop3A_360 : vector<16xi32>
      %parallel_loop3A_362 = tpu.vector_load_idx %arg14[%parallel_loop3A_361] : memref<5120xf32, #tpu.memory_space<vmem>>[vector<16xi32>], vector<16xf32>,
      %parallel_loop3A_363 = arith.mulf %parallel_loop3A_362, %parallel_loop3A_345 : vector<16xf32>
      %parallel_loop3A_364 = arith.constant 0 : i32
      %parallel_loop3A_365 = arith.index_cast %parallel_loop3A_328 : i32 to index
      %parallel_loop3A_366 = arith.index_cast %parallel_loop3A_364 : i32 to index
      %parallel_loop3A_367 = arith.index_cast %parallel_loop3A_332 : i32 to index
      %parallel_loop3A_368 = tpu.vector_load %arg10[%parallel_loop3A_365, %parallel_loop3A_366, %parallel_loop3A_367] {strides = array<i32>} : memref<40x4x128xf32, #tpu.memory_space<vmem>>, vector<16xf32>,
      tpu.vector_store %arg10[%parallel_loop3A_365, %parallel_loop3A_366, %parallel_loop3A_367], %parallel_loop3A_363 {add = true, strides = array<i32>} : memref<40x4x128xf32, #tpu.memory_space<vmem>>, vector<16xf32>,
      %parallel_loop3A_369 = arith.constant 1 : i32
      %parallel_loop3A_370 = vector.broadcast %parallel_loop3A_369 : i32 to vector<16xi32>
      %parallel_loop3A_371 = arith.addi %parallel_loop3A_348, %parallel_loop3A_370 : vector<16xi32>
      %parallel_loop3A_372 = tpu.vector_load_idx %arg14[%parallel_loop3A_371] : memref<5120xf32, #tpu.memory_space<vmem>>[vector<16xi32>], vector<16xf32>,
      %parallel_loop3A_373 = arith.mulf %parallel_loop3A_372, %parallel_loop3A_345 : vector<16xf32>
      %parallel_loop3A_374 = arith.constant 1 : i32
      %parallel_loop3A_375 = arith.index_cast %parallel_loop3A_328 : i32 to index
      %parallel_loop3A_376 = arith.index_cast %parallel_loop3A_374 : i32 to index
      %parallel_loop3A_377 = arith.index_cast %parallel_loop3A_332 : i32 to index
      %parallel_loop3A_378 = tpu.vector_load %arg10[%parallel_loop3A_375, %parallel_loop3A_376, %parallel_loop3A_377] {strides = array<i32>} : memref<40x4x128xf32, #tpu.memory_space<vmem>>, vector<16xf32>,
      tpu.vector_store %arg10[%parallel_loop3A_375, %parallel_loop3A_376, %parallel_loop3A_377], %parallel_loop3A_373 {add = true, strides = array<i32>} : memref<40x4x128xf32, #tpu.memory_space<vmem>>, vector<16xf32>,
      %parallel_loop3A_379 = arith.constant 2 : i32
      %parallel_loop3A_380 = vector.broadcast %parallel_loop3A_379 : i32 to vector<16xi32>
      %parallel_loop3A_381 = arith.addi %parallel_loop3A_348, %parallel_loop3A_380 : vector<16xi32>
      %parallel_loop3A_382 = tpu.vector_load_idx %arg14[%parallel_loop3A_381] : memref<5120xf32, #tpu.memory_space<vmem>>[vector<16xi32>], vector<16xf32>,
      %parallel_loop3A_383 = arith.mulf %parallel_loop3A_382, %parallel_loop3A_345 : vector<16xf32>
      %parallel_loop3A_384 = arith.constant 2 : i32
      %parallel_loop3A_385 = arith.index_cast %parallel_loop3A_328 : i32 to index
      %parallel_loop3A_386 = arith.index_cast %parallel_loop3A_384 : i32 to index
      %parallel_loop3A_387 = arith.index_cast %parallel_loop3A_332 : i32 to index
      %parallel_loop3A_388 = tpu.vector_load %arg10[%parallel_loop3A_385, %parallel_loop3A_386, %parallel_loop3A_387] {strides = array<i32>} : memref<40x4x128xf32, #tpu.memory_space<vmem>>, vector<16xf32>,
      tpu.vector_store %arg10[%parallel_loop3A_385, %parallel_loop3A_386, %parallel_loop3A_387], %parallel_loop3A_383 {add = true, strides = array<i32>} : memref<40x4x128xf32, #tpu.memory_space<vmem>>, vector<16xf32>,
      %parallel_loop3A_389 = arith.constant 3 : i32
      %parallel_loop3A_390 = vector.broadcast %parallel_loop3A_389 : i32 to vector<16xi32>
      %parallel_loop3A_391 = arith.addi %parallel_loop3A_348, %parallel_loop3A_390 : vector<16xi32>
      %parallel_loop3A_392 = tpu.vector_load_idx %arg14[%parallel_loop3A_391] : memref<5120xf32, #tpu.memory_space<vmem>>[vector<16xi32>], vector<16xf32>,
      %parallel_loop3A_393 = arith.mulf %parallel_loop3A_392, %parallel_loop3A_345 : vector<16xf32>
      %parallel_loop3A_394 = arith.constant 3 : i32
      %parallel_loop3A_395 = arith.index_cast %parallel_loop3A_328 : i32 to index
      %parallel_loop3A_396 = arith.index_cast %parallel_loop3A_394 : i32 to index
      %parallel_loop3A_397 = arith.index_cast %parallel_loop3A_332 : i32 to index
      %parallel_loop3A_398 = tpu.vector_load %arg10[%parallel_loop3A_395, %parallel_loop3A_396, %parallel_loop3A_397] {strides = array<i32>} : memref<40x4x128xf32, #tpu.memory_space<vmem>>, vector<16xf32>,
      tpu.vector_store %arg10[%parallel_loop3A_395, %parallel_loop3A_396, %parallel_loop3A_397], %parallel_loop3A_393 {add = true, strides = array<i32>} : memref<40x4x128xf32, #tpu.memory_space<vmem>>, vector<16xf32>,
    } {sc.loop_unroll_factor = 4 : i64, sc.parallel_access}
    %dma_start3A_266 = arith.constant 160 : i32
    %dma_start3A_267 = arith.constant 0 : i32
    %dma_start3A_268 = arith.constant 0 : i32
    %dma_start3A_269 = tpu.memref_slice %arg7[%dma_start3A_266, %add3A, %dma_start3A_267, %dma_start3A_268] : memref<200x32x4x128xf32, #tpu.memory_space<hbm>> -> memref<40x1x4x128xf32, #tpu.memory_space<hbm>>
    %dma_start3A_270 = tpu.memref_squeeze %dma_start3A_269 : memref<40x1x4x128xf32, #tpu.memory_space<hbm>> -> memref<40x4x128xf32, #tpu.memory_space<hbm>>
    %dma_start3A_271 = arith.constant 160 : i32
    %dma_start3A_272 = arith.constant 0 : i32
    %dma_start3A_273 = arith.constant 0 : i32
    %dma_start3A_274 = tpu.memref_slice %arg7[%dma_start3A_271, %add3A, %dma_start3A_272, %dma_start3A_273] : memref<200x32x4x128xf32, #tpu.memory_space<hbm>> -> memref<40x1x4x128xf32, #tpu.memory_space<hbm>>
    %dma_start3A_275 = tpu.memref_squeeze %dma_start3A_274 : memref<40x1x4x128xf32, #tpu.memory_space<hbm>> -> memref<40x4x128xf32, #tpu.memory_space<hbm>>
    tpu.enqueue_dma source(%arg10 : memref<40x4x128xf32, #tpu.memory_space<vmem>>) target(%dma_start3A_275 : memref<40x4x128xf32, #tpu.memory_space<hbm>>) target_semaphore(%arg17 : memref<!tpu.dma_semaphore, #tpu.memory_space<semaphore_mem>>)
    %dma_start3A_276 = arith.constant 20 : i32
    %dma_start3A_277 = arith.constant 0 : i32
    %dma_start3A_278 = arith.constant 0 : i32
    %dma_start3A_279 = tpu.memref_slice %arg6[%dma_start3A_276, %add3A, %dma_start3A_277, %dma_start3A_278] : memref<25x32x8x128xf32, #tpu.memory_space<hbm>> -> memref<5x1x8x128xf32, #tpu.memory_space<hbm>>
    %dma_start3A_280 = tpu.memref_squeeze %dma_start3A_279 : memref<5x1x8x128xf32, #tpu.memory_space<hbm>> -> memref<5x8x128xf32, #tpu.memory_space<hbm>>
    %dma_start3A_281 = arith.constant 20 : i32
    %dma_start3A_282 = arith.constant 0 : i32
    %dma_start3A_283 = arith.constant 0 : i32
    %dma_start3A_284 = tpu.memref_slice %arg6[%dma_start3A_281, %add3A, %dma_start3A_282, %dma_start3A_283] : memref<25x32x8x128xf32, #tpu.memory_space<hbm>> -> memref<5x1x8x128xf32, #tpu.memory_space<hbm>>
    %dma_start3A_285 = tpu.memref_squeeze %dma_start3A_284 : memref<5x1x8x128xf32, #tpu.memory_space<hbm>> -> memref<5x8x128xf32, #tpu.memory_space<hbm>>
    tpu.enqueue_dma source(%arg12 : memref<5x8x128xf32, #tpu.memory_space<vmem>>) target(%dma_start3A_285 : memref<5x8x128xf32, #tpu.memory_space<hbm>>) target_semaphore(%arg19 : memref<!tpu.dma_semaphore, #tpu.memory_space<semaphore_mem>>)
    %dma_wait3A_286 = arith.constant 120 : i32
    %dma_wait3A_287 = arith.constant 0 : i32
    %dma_wait3A_288 = arith.constant 0 : i32
    %dma_wait3A_289 = tpu.memref_slice %arg7[%dma_wait3A_286, %add3A, %dma_wait3A_287, %dma_wait3A_288] : memref<200x32x4x128xf32, #tpu.memory_space<hbm>> -> memref<40x1x4x128xf32, #tpu.memory_space<hbm>>
    %dma_wait3A_290 = tpu.memref_squeeze %dma_wait3A_289 : memref<40x1x4x128xf32, #tpu.memory_space<hbm>> -> memref<40x4x128xf32, #tpu.memory_space<hbm>>
    %dma_wait3A_291 = arith.constant 120 : i32
    %dma_wait3A_292 = arith.constant 0 : i32
    %dma_wait3A_293 = arith.constant 0 : i32
    %dma_wait3A_294 = tpu.memref_slice %arg7[%dma_wait3A_291, %add3A, %dma_wait3A_292, %dma_wait3A_293] : memref<200x32x4x128xf32, #tpu.memory_space<hbm>> -> memref<40x1x4x128xf32, #tpu.memory_space<hbm>>
    %dma_wait3A_295 = tpu.memref_squeeze %dma_wait3A_294 : memref<40x1x4x128xf32, #tpu.memory_space<hbm>> -> memref<40x4x128xf32, #tpu.memory_space<hbm>>
    tpu.wait_dma2 semaphore(%arg18 : memref<!tpu.dma_semaphore, #tpu.memory_space<semaphore_mem>>) src(%arg11 : memref<40x4x128xf32, #tpu.memory_space<vmem>>) dst(%dma_wait3A_295 : memref<40x4x128xf32, #tpu.memory_space<hbm>>)
    %dma_wait3A_296 = arith.constant 15 : i32
    %dma_wait3A_297 = arith.constant 0 : i32
    %dma_wait3A_298 = arith.constant 0 : i32
    %dma_wait3A_299 = tpu.memref_slice %arg6[%dma_wait3A_296, %add3A, %dma_wait3A_297, %dma_wait3A_298] : memref<25x32x8x128xf32, #tpu.memory_space<hbm>> -> memref<5x1x8x128xf32, #tpu.memory_space<hbm>>
    %dma_wait3A_300 = tpu.memref_squeeze %dma_wait3A_299 : memref<5x1x8x128xf32, #tpu.memory_space<hbm>> -> memref<5x8x128xf32, #tpu.memory_space<hbm>>
    %dma_wait3A_301 = arith.constant 15 : i32
    %dma_wait3A_302 = arith.constant 0 : i32
    %dma_wait3A_303 = arith.constant 0 : i32
    %dma_wait3A_304 = tpu.memref_slice %arg6[%dma_wait3A_301, %add3A, %dma_wait3A_302, %dma_wait3A_303] : memref<25x32x8x128xf32, #tpu.memory_space<hbm>> -> memref<5x1x8x128xf32, #tpu.memory_space<hbm>>
    %dma_wait3A_305 = tpu.memref_squeeze %dma_wait3A_304 : memref<5x1x8x128xf32, #tpu.memory_space<hbm>> -> memref<5x8x128xf32, #tpu.memory_space<hbm>>
    tpu.wait_dma2 semaphore(%arg20 : memref<!tpu.dma_semaphore, #tpu.memory_space<semaphore_mem>>) src(%arg13 : memref<5x8x128xf32, #tpu.memory_space<vmem>>) dst(%dma_wait3A_305 : memref<5x8x128xf32, #tpu.memory_space<hbm>>)
    %dma_wait3A_306 = arith.constant 160 : i32
    %dma_wait3A_307 = arith.constant 0 : i32
    %dma_wait3A_308 = arith.constant 0 : i32
    %dma_wait3A_309 = tpu.memref_slice %arg7[%dma_wait3A_306, %add3A, %dma_wait3A_307, %dma_wait3A_308] : memref<200x32x4x128xf32, #tpu.memory_space<hbm>> -> memref<40x1x4x128xf32, #tpu.memory_space<hbm>>
    %dma_wait3A_310 = tpu.memref_squeeze %dma_wait3A_309 : memref<40x1x4x128xf32, #tpu.memory_space<hbm>> -> memref<40x4x128xf32, #tpu.memory_space<hbm>>
    %dma_wait3A_311 = arith.constant 160 : i32
    %dma_wait3A_312 = arith.constant 0 : i32
    %dma_wait3A_313 = arith.constant 0 : i32
    %dma_wait3A_314 = tpu.memref_slice %arg7[%dma_wait3A_311, %add3A, %dma_wait3A_312, %dma_wait3A_313] : memref<200x32x4x128xf32, #tpu.memory_space<hbm>> -> memref<40x1x4x128xf32, #tpu.memory_space<hbm>>
    %dma_wait3A_315 = tpu.memref_squeeze %dma_wait3A_314 : memref<40x1x4x128xf32, #tpu.memory_space<hbm>> -> memref<40x4x128xf32, #tpu.memory_space<hbm>>
    tpu.wait_dma2 semaphore(%arg17 : memref<!tpu.dma_semaphore, #tpu.memory_space<semaphore_mem>>) src(%arg10 : memref<40x4x128xf32, #tpu.memory_space<vmem>>) dst(%dma_wait3A_315 : memref<40x4x128xf32, #tpu.memory_space<hbm>>)
    %dma_wait3A_316 = arith.constant 20 : i32
    %dma_wait3A_317 = arith.constant 0 : i32
    %dma_wait3A_318 = arith.constant 0 : i32
    %dma_wait3A_319 = tpu.memref_slice %arg6[%dma_wait3A_316, %add3A, %dma_wait3A_317, %dma_wait3A_318] : memref<25x32x8x128xf32, #tpu.memory_space<hbm>> -> memref<5x1x8x128xf32, #tpu.memory_space<hbm>>
    %dma_wait3A_320 = tpu.memref_squeeze %dma_wait3A_319 : memref<5x1x8x128xf32, #tpu.memory_space<hbm>> -> memref<5x8x128xf32, #tpu.memory_space<hbm>>
    %dma_wait3A_321 = arith.constant 20 : i32
    %dma_wait3A_322 = arith.constant 0 : i32
    %dma_wait3A_323 = arith.constant 0 : i32
    %dma_wait3A_324 = tpu.memref_slice %arg6[%dma_wait3A_321, %add3A, %dma_wait3A_322, %dma_wait3A_323] : memref<25x32x8x128xf32, #tpu.memory_space<hbm>> -> memref<5x1x8x128xf32, #tpu.memory_space<hbm>>
    %dma_wait3A_325 = tpu.memref_squeeze %dma_wait3A_324 : memref<5x1x8x128xf32, #tpu.memory_space<hbm>> -> memref<5x8x128xf32, #tpu.memory_space<hbm>>
    tpu.wait_dma2 semaphore(%arg19 : memref<!tpu.dma_semaphore, #tpu.memory_space<semaphore_mem>>) src(%arg12 : memref<5x8x128xf32, #tpu.memory_space<vmem>>) dst(%dma_wait3A_325 : memref<5x8x128xf32, #tpu.memory_space<hbm>>)
    return
  }
}

</mosaic_0001>

<sc_bundles>
// kernel: _run.3.cloned.1.call-start
scs
__scs_entry_jumppad:
0x0: {  	(pc) =	sbr.rel $0x88, $3  }
0x1: {  	(tag) =	ssettag $0x0;
	lr =	simm.s32 $0x1  }
0x2: {  	[smem:$0x3F9D] =	sst lr;
	_ =	strace $0xD0000000  }
0x3: {  	_ = 	snop  }
0x4: {  	_ = 	snop  }
0x5: {  	_ = 	snop  }
0x6: {  	_ = 	snop  }
0x7: {  	_ = 	snop  }
__scs_overlays_trampoline_lowered:
0x8: {  	[smem:$0x3FAC] =	sst s0  }
0x9: {  	[smem:$0x3FAD] =	sst s1  }
0xa: {  	[smem:$0x3FAE] =	sst s2  }
0xb: {  	[smem:$0x3FAF] =	sst s3  }
0xc: {  	[smem:$0x3FB0] =	sst s4  }
0xd: {  	[smem:$0x3FB1] =	sst s5  }
0xe: {  	[smem:$0x3FB2] =	sst s6  }
0xf: {  	[smem:$0x3FB3] =	sst s7  }
0x10: {  	[smem:$0x3FB4] =	sst s8  }
0x11: {  	[smem:$0x3FB5] =	sst s9;
	s0 =	simm.s32 @!p0 $0x0  }
0x12: {  	s1 =	sld [smem:$0x3F9B];
	s0 =	simm.s32 @p0 $0x1  }
0x13: {  	[smem:$0x3FB6] =	sst s0;
	s0 =	simm.s32 @!p1 $0x0  }
0x14: {  	s2 =	sld [smem:$0x3F9A];
	s0 =	simm.s32 @p1 $0x1  }
0x15: {  	[smem:$0x3FB7] =	sst s0;
	s0 =	simm.s32 @!p2 $0x0  }
0x16: {  	s3 =	sld [smem:$0x3FDB];
	s0 =	simm.s32 @p2 $0x1  }
0x17: {  	s4 =	simm.s32 $0x1BF5;
	[smem:$0x3FB9] =	sst s0  }
0x18: {  	s0 =	sld [smem:$0x3F9C];
	_ =	swait.ge [sflag:s4], $0x0  }
0x19: {  	s7 =	sld [smem:$0x3F9D]  }
0x1a: {  	s8 =	sadd.s32 $0xFFFFE003, lr  }
0x1b: {  	s9 =	sadd.s32 $0xFFFFFEF7, lr;
	s5 =	simm.s32 $0xFFFFFFFF;
	p2 =	slt.u32 s8, $0xFFFFF086  }
0x1c: {  	p1 =	slt.u32 s9, $0xF7A;
	s5 =	simm.s32 @!p2 $0x0  }
0x1d: {  	s5 =	simm.s32 @p1 $0x1;
	p0 =	seq.s32 s7, s2  }
0x1e: {  	s7 =	smul.u32 @!p0 $0xF7A, s2;
	p2 =	seq.s32 @!p0 s5, $0x0  }
0x1f: {  	s9 =	smul.u32 $0xF7A, s1;
	s8 =	simm.s32 @!p0 $0x1BF5;
	p2 =	por !p2, p0  }
0x20: {  	[sflag:s8] =	ssyncset.s32 @!p0 $0xFFFFF086;
	s6 =	sadd.s32 @!p0 s3, s7;
	s7 =	simm.s32 @!p0 $0x108  }
0x21: {  	s3 =	sadd.s32 s3, s9;
	s6 =	sadd.s32 @!p0 $0x88, s6;
	s7 =	simm.s32 @p2 $0x1082  }
0x22: {  	[simem:s7], [sflag:s8] =	dma.local @!p0 [hbm:s6], $0xF7A  }
0x23: {  	s9 =	sor.u32 $0xD0000000, s2;
	s6 =	simm.s32 $0x108;
	_ =	swait.ge @!p0 [sflag:s8], $0x0  }
0x24: {  	s3 =	sadd.s32 $0x88, s3;
	s6 =	simm.s32 @!p1 $0x1082;
	[sflag:s4] =	ssyncset.s32 $0xFFFFF086  }
0x25: {  	[simem:s6], [sflag:s4] =	dma.local [hbm:s3], $0xF7A  }
0x26: {  	[smem:$0x3F9D] =	sst s1;
	(tag) =	ssettag s2;
	_ =	strace s9  }
0x27: {  	s1 =	sld [smem:$0x3FAD]  }
0x28: {  	s2 =	sld [smem:$0x3FAE]  }
0x29: {  	s4 =	sld [smem:$0x3FB0]  }
0x2a: {  	p0 =	seq.s32 s5, $0x0;
	s5 =	sld [smem:$0x3FB1]  }
0x2b: {  	s6 =	sld [smem:$0x3FB2]  }
0x2c: {  	s7 =	sld [smem:$0x3FB3]  }
0x2d: {  	s3 =	simm.s32 $0x108;
	s8 =	sld [smem:$0x3FB4]  }
0x2e: {  	s3 =	simm.s32 @!p0 $0x1082;
	s9 =	sld [smem:$0x3FB5]  }
0x2f: {  	lr =	sadd.s32 s0, s3;
	s0 =	sld [smem:$0x3FAC]  }
0x30: {  	s3 =	sld [smem:$0x3FAF]  }
0x31: {  	[smem:$0x3FB8] =	sst s10  }
0x32: {  	s10 =	sld [smem:$0x3FB6];
	_ =	sdelay $0x3  }
0x33: {  	p0 =	seq.s32 s10, $0x1;
	s10 =	sld [smem:$0x3FB8];
	_ =	sdelay $0x3  }
0x34: {  	[smem:$0x3FB8] =	sst s10  }
0x35: {  	s10 =	sld [smem:$0x3FB7];
	_ =	sdelay $0x3  }
0x36: {  	p1 =	seq.s32 s10, $0x1;
	s10 =	sld [smem:$0x3FB8];
	_ =	sdelay $0x3  }
0x37: {  	[smem:$0x3FB8] =	sst s10  }
0x38: {  	s10 =	sld [smem:$0x3FB9]  }
0x39: {  	_ = 	snop;
	(pc) =	sbr.ind lr, $3  }
0x3a: {  	_ = 	snop  }
0x3b: {  	_ = 	snop  }
0x3c: {  	p2 =	seq.s32 s10, $0x1;
	s10 =	sld [smem:$0x3FB8]  }
0x3d: {  	_ =	shalt  }
0x3e: {  	_ =	shalt  }
0x3f: {  	_ =	shalt  }
0x40: {  	_ =	shalt  }
0x41: {  	_ =	shalt  }
0x42: {  	_ =	shalt  }
0x43: {  	_ =	shalt  }
0x44: {  	_ =	shalt  }
0x45: {  	_ =	shalt  }
0x46: {  	_ =	shalt  }
0x47: {  	_ =	shalt  }
0x48: {  	_ =	shalt  }
0x49: {  	_ =	shalt  }
0x4a: {  	_ =	shalt  }
0x4b: {  	_ =	shalt  }
0x4c: {  	_ =	shalt  }
0x4d: {  	_ =	shalt  }
0x4e: {  	_ =	shalt  }
0x4f: {  	_ =	shalt  }
0x50: {  	_ =	shalt  }
0x51: {  	_ =	shalt  }
0x52: {  	_ =	shalt  }
0x53: {  	_ =	shalt  }
0x54: {  	_ =	shalt  }
0x55: {  	_ =	shalt  }
0x56: {  	_ =	shalt  }
0x57: {  	_ =	shalt  }
0x58: {  	_ =	shalt  }
0x59: {  	_ =	shalt  }
0x5a: {  	_ =	shalt  }
0x5b: {  	_ =	shalt  }
0x5c: {  	_ =	shalt  }
0x5d: {  	_ =	shalt  }
0x5e: {  	_ =	shalt  }
0x5f: {  	_ =	shalt  }
0x60: {  	_ =	shalt  }
0x61: {  	_ =	shalt  }
0x62: {  	_ =	shalt  }
0x63: {  	_ =	shalt  }
0x64: {  	_ =	shalt  }
0x65: {  	_ =	shalt  }
0x66: {  	_ =	shalt  }
0x67: {  	_ =	shalt  }
0x68: {  	_ =	shalt  }
0x69: {  	_ =	shalt  }
0x6a: {  	_ =	shalt  }
0x6b: {  	_ =	shalt  }
0x6c: {  	_ =	shalt  }
0x6d: {  	_ =	shalt  }
0x6e: {  	_ =	shalt  }
0x6f: {  	_ =	shalt  }
0x70: {  	_ =	shalt  }
0x71: {  	_ =	shalt  }
0x72: {  	_ =	shalt  }
0x73: {  	_ =	shalt  }
0x74: {  	_ =	shalt  }
0x75: {  	_ =	shalt  }
0x76: {  	_ =	shalt  }
0x77: {  	_ =	shalt  }
0x78: {  	_ =	shalt  }
0x79: {  	_ =	shalt  }
0x7a: {  	_ =	shalt  }
0x7b: {  	_ =	shalt  }
0x7c: {  	_ =	shalt  }
0x7d: {  	_ =	shalt  }
0x7e: {  	_ =	shalt  }
0x7f: {  	_ =	shalt  }
0x80: {  	_ =	shalt  }
0x81: {  	_ =	shalt  }
0x82: {  	_ =	shalt  }
0x83: {  	_ =	shalt  }
0x84: {  	_ =	shalt  }
0x85: {  	_ =	shalt  }
0x86: {  	_ =	shalt  }
0x87: {  	_ =	shalt  }
.Lfunc_end0:
.L_simem_size_0:
called_computation_lowered:
.L_overlay_start_0:
0x88: {  	s2 =	sld [smem:$0x3FD9]  }
0x89: {  	s3 =	sld [smem:$0x3FFE];
	_ =	sdelay $0x1  }
0x8a: {  	s1 =	srdreg.scid  }
0x8b: {  	s0 =	sand.u32 $0x1, s1  }
0x8c: {  	s14 =	sshll.u32 s0, $0xA;
	s2 =	sadd.s32 s3, s2  }
0x8d: {  	s2 =	sadd.s32 s2, s14  }
0x8e: {  	[smem:$0x3FC4] =	sst s2  }
0x8f: {  	_ = 	snop  }
0x90: {  	s2 =	sld [smem:$0x3FD0];
	_ =	sdelay $0x1  }
0x91: {  	s15 =	sld [smem:$0x3FC7]  }
0x92: {  	s5 =	simm.s32 $0xA;
	s6 =	simm.s32 $0x10;
	s4 =	sld [smem:$0x3FC6]  }
0x93: {  	[smem:s6], [sflag:s5] =	dma.local [hbm:s2], $0x1  }
0x94: {  	_ =	swait.eq [sflag:s5], $0x1  }
0x95: {  	[sflag:s5] =	ssyncset.done $0x0  }
0x96: {  	s16 =	sld [smem:$0x10];
	[sflag:s5] =	ssyncadd.s32 $0xFFFFFFFF  }
0x97: {  	s17 =	sld [smem:$0x11];
	(tm) =	ssettm $0x1  }
0x98: {  	s18 =	sld [smem:$0x3FFB];
	_ =	sdelay $0x3  }
0x99: {  	_ =	strace s18  }
0x9a: {  	s6 =	sld [smem:$0x3FFC];
	_ =	sdelay $0x3  }
0x9b: {  	_ =	strace s6  }
0x9c: {  	s6 =	sld [smem:$0x3FFD];
	_ =	sdelay $0x3  }
0x9d: {  	_ =	strace s6  }
0x9e: {  	_ =	strace $0x8FFFFFFF  }
0x9f: {  	s19 =	sld [smem:$0x3FDB];
	_ =	sdelay $0x1  }
0xa0: {  	s7 =	simm.s32 $_scs_section_size  }
0xa1: {  	s8 =	simm.s32 $_size__tile_overlayer_lowered;
	s9 =	simm.s32 $_tile_overlayer_lowered  }
0xa2: {  	s22 =	simm.s32 $0x1BFF;
	s21 =	sshll.u32 s9, $0x1;
	s6 =	sadd.s32 s7, s19  }
0xa3: {  	s10 =	simm.s32 $0x0;
	s20 =	sshll.u32 s8, $0x1;
	s8 =	sadd.s32 s21, s6  }
0xa4: {  	[timem:s10], [sflag:s22] =	dma.local [hbm:s8], s20  }
0xa5: {  	_ =	swait.ge [sflag:s22], s20  }
0xa6: {  	s7 =	ssub.s32 $0x0, s20;
	[sflag:s22] =	ssyncset.done $0x0  }
0xa7: {  	[sflag:s22] =	ssyncadd.s32 s7;
	_ =	sdelay $0x1  }
0xa8: {  	s23 =	simm.s32 $0x1B8B  }
0xa9: {  	_ =	swait.ge [sflag:s23], $0x1  }
0xaa: {  	[sflag:s23] =	ssyncset.done $0x0  }
0xab: {  	s25 =	simm.s32 $0x1B8E;
	s24 =	sld [smem:$0x3FFE];
	[sflag:s23] =	ssyncadd.s32 $0xFFFFFFFF  }
0xac: {  	s26 =	simm.s32 $execute0_lowered;
	[smem:$0x3FD2] =	sst s25  }
0xad: {  	s8 =	sshll.u32 s26, $0x1;
	_ =	strace $0x80000046;
	[dreg:$0x1] =	wrdreg $0xFFFFFFFF  }
0xae: {  	s28 =	simm.s32 $_size_execute0_lowered;
	s6 =	sadd.s32 s6, s8;
	[dreg:$0x0] =	wrdreg $0x0  }
0xaf: {  	s8 =	sshll.u32 s28, $0x1;
	[dreg:$0x2] =	wrdreg s6  }
0xb0: {  	[dreg:$0x3] =	wrdreg s8  }
0xb1: {  	[dreg:$0x4] =	wrdreg $0xC0  }
0xb2: {  	_ =	task [dreg:s10], $0x5FFFF  }
0xb3: {  	[dreg:$0x1] =	wrdreg $0xFFFFFFFF  }
0xb4: {  	[dreg:$0x0] =	wrdreg $0x60  }
0xb5: {  	[dreg:$0x2] =	wrdreg s24  }
0xb6: {  	[dreg:$0x3] =	wrdreg s15  }
0xb7: {  	[dreg:$0x4] =	wrdreg s4  }
0xb8: {  	[dreg:$0x5] =	wrdreg s16  }
0xb9: {  	[dreg:$0x6] =	wrdreg s17  }
0xba: {  	[dreg:$0x7] =	wrdreg $0x9  }
0xbb: {  	_ =	task.clear_ibuf [dreg:s10], $0x8FFFF;
	_ =	strace $0x90000046  }
0xbc: {  	s29 =	simm.s32 $0x9;
	_ =	strace $0x80000048  }
0xbd: {  	_ =	swait.ge [sflag:s29], $0x1  }
0xbe: {  	[sflag:s29] =	ssyncadd.s32 $0xFFFFFFFF  }
0xbf: {  	_ =	strace $0x90000048  }
0xc0: {  	_ =	sfence  }
0xc1: {  	s30 =	sld [smem:$0x0];
	_ =	sdelay $0x2  }
0xc2: {  	s31 =	sshll.u32 s1, $0xD;
	s1 =	sshrl.u32 s1, $0x2  }
0xc3: {  	s3 =	sand.u32 $0x4000, s31;
	s1 =	sadd.s32 s1, s30  }
0xc4: {  	s0 =	sor.u32 s3, s0;
	s1 =	sshll.u32 s1, $0x11  }
0xc5: {  	s0 =	sor.u32 s1, s0  }
0xc6: {  	s0 =	sadd.s32 $0x8F2B, s0  }
0xc7: {  	[sflag:s0] =	ssyncadd.remote.s32 $0x1  }
0xc8: {  	_ =	sfence.sel $0xFFFF  }
0xc9: {  	[dreg:$0x0] =	wrdreg $0xFFFFFFFF;
	(pc) =	sbr.abs _section_cstart, $3  }
0xca: {  	[dreg:$0x1] =	wrdreg $0xFFFFFFFF  }
0xcb: {  	_ =	task.clear_ibuf [dreg:s10], $0x2FFFF;
	_ =	strace $0x9FFFFFFF  }
0xcc: {  	(tm) =	ssettm $0x7FFFFFFF  }
0xcd: {  	_ =	shalt  }
tec
execute0_lowered:
.L_overlay_start_1:
0x0: {  	(tag) =	ssettag $0x1  }
0x1: {  	s0 =	rddreg [dreg:$0x0]  }
0x2: {  	s1 =	rddreg [dreg:$0x1]  }
0x3: {  	s2 =	rddreg [dreg:$0x3]  }
0x4: {  	s5 =	srdreg.scid;
	s6 =	stileid.u32  }
0x5: {  	s4 =	rddreg [dreg:$0x4];
	s5 =	sand.u32 $0x1, s5;
	s6 =	sshll.u32 s6, $0x1  }
0x6: {  	s3 =	simm.s32 $0x0;
	s8 =	ssub.s32 $0x2, s5;
	s5 =	sor.u32 s5, s6  }
0x7: {  	[smem:$0x7FF] =	sst s3;
	s7 =	sadd.s32 $0x800, s0;
	s9 =	sshll.u32 s5, $0x6  }
0x8: {  	s0 =	sadd.s32 $0x20800, s0;
	s10 =	sshll.u32 s5, $0xC;
	s11 =	sadd.s32 s1, s9  }
0x9: {  	_ =	strace $0x80000047;
	s12 =	sadd.s32 s7, s10;
	[dreg:$0x6] =	wrdreg s11  }
0xa: {  	s22 =	sor.u32 $0x400, s10;
	s23 =	sadd.s32 s0, s10;
	[dreg:$0x8] =	wrdreg s12  }
0xb: {  	[dreg:$0x9] =	wrdreg s23;
	s24 =	sadd.s32 s7, s22  }
0xc: {  	s25 =	sor.u32 $0x800, s10;
	s11 =	sadd.s32 s0, s22;
	[dreg:$0xa] =	wrdreg s24  }
0xd: {  	s10 =	sor.u32 $0xC00, s10;
	s26 =	sadd.s32 s7, s25;
	[dreg:$0xb] =	wrdreg s11  }
0xe: {  	s7 =	sadd.s32 s7, s10;
	[dreg:$0xc] =	wrdreg s26  }
0xf: {  	s21 =	sor.u32 $0x14000, s9;
	s12 =	sadd.s32 s4, s9;
	[dreg:$0xe] =	wrdreg s7  }
0x10: {  	s18 =	sor.u32 $0x3C000, s9;
	s16 =	sadd.s32 s4, s21;
	[dreg:$0x10] =	wrdreg s12  }
0x11: {  	s19 =	sadd.s32 s1, s18;
	[dreg:$0x13] =	wrdreg s16  }
0x12: {  	s29 =	simm.s32 $0x200;
	s14 =	sadd.s32 s1, s21;
	[dreg:$0x15] =	wrdreg s19  }
0x13: {  	s20 =	sshrl.u32 s8, $0x1;
	s11 =	sadd.s32 s0, s25;
	[dreg:$0x7] =	wrdreg s14  }
0x14: {  	s21 =	sor.u32 $0x50000, s9;
	s0 =	sadd.s32 s0, s10;
	[dreg:$0xd] =	wrdreg s11  }
0x15: {  	s6 =	ssub.s32 s8, s20;
	s22 =	sadd.s32 s4, s21;
	[dreg:$0xf] =	wrdreg s0  }
0x16: {  	s30 =	simm.s32 $0x4000;
	s24 =	smax.u32 s6, $0x1;
	[dreg:$0x19] =	wrdreg s22  }
0x17: {  	s10 =	sshll.u32 s5, $0x7;
	s0 =	sadd.s32 s4, s18;
	[dreg:$0x1b] =	wrdreg s24  }
0x18: {  	s11 =	sor.u32 $0x28000, s9;
	s13 =	sadd.s32 s2, s10;
	[dreg:$0x18] =	wrdreg s0  }
0x19: {  	s28 =	simm.s32 $0xCD00;
	s15 =	sadd.s32 s1, s11;
	[dreg:$0x11] =	wrdreg s13  }
0x1a: {  	s31 =	simm.s32 $0x11D00;
	s17 =	sadd.s32 $0x5000, s13;
	[dreg:$0x12] =	wrdreg s15  }
0x1b: {  	s8 =	simm.s32 $0x1A900;
	s20 =	sadd.s32 s4, s11;
	[dreg:$0x14] =	wrdreg s17  }
0x1c: {  	s16 =	simm.s32 $0x1C900;
	s1 =	sadd.s32 s1, s21;
	[dreg:$0x16] =	wrdreg s20  }
0x1d: {  	s7 =	simm.s32 $0x3;
	s23 =	sadd.s32 $0xA000, s13;
	[dreg:$0x17] =	wrdreg s1  }
0x1e: {  	s2 =	simm.s32 $0x19500;
	s25 =	sadd.s32 $0xF000, s13;
	[dreg:$0x1a] =	wrdreg s23  }
0x1f: {  	v0 =	vlaneseq.u32;
	s10 =	simm.s32 $0x6680;
	s26 =	sadd.s32 $0x14000, s13;
	[dreg:$0x1c] =	wrdreg s25  }
0x20: {  	v0 =	vmul.u32 $0xCD, v0;
	s4 =	simm.s32 $0x0;
	[dreg:$0x1d] =	wrdreg s26;
	s17 =	simm.s32 $0x4  }
.LBB2_1:
0x21: {  	s0 =	rddreg [dreg:$0x6]  }
0x22: {  	[tilespmem:s28], [sflag:$0x1] =	stream.strided.gather [hbm4b:s0+s29], $0x5000, s30, s29, $0x38;
	[tilespmem:$0x1E900] =	vst v63  }
0x23: {  	[dreg:$0x1e] =	wrdreg s4  }
0x24: {  	[tilespmem:s31], [sflag:$0x2] =	stream.strided.gather [hbm4b:s14+s29], $0x5000, s30, s29, $0x38;
	[tilespmem:$0x1E900] =	vst v63  }
0x25: {  	s26 =	rddreg [dreg:$0x2];
	s1 =	simm.s32 $0x7  }
0x26: {  	[tilespmem:s2], [sflag:$0x7] =	stream.linear.gather [hbm4b:s26+s3], $0x1400, $0x38;
	[tilespmem:$0x1E900] =	vst v63  }
0x27: {  	_ =	swait.ge [sflag:s1], $0x1400  }
0x28: {  	[sflag:s1] =	ssyncset.done $0x0  }
0x29: {  	s4 =	rddreg [dreg:$0x8];
	[sflag:s1] =	ssyncadd.s32 $0xFFFFEC00  }
0x2a: {  	[tilespmem:s8], [sflag:$0x3] =	stream.linear.gather [hbm4b:s4+s3], $0x2000, $0x38;
	[tilespmem:$0x1E900] =	vst v63  }
0x2b: {  	s5 =	rddreg [dreg:$0x9]  }
0x2c: {  	[tilespmem:s16], [sflag:$0x4] =	stream.linear.gather [hbm4b:s5+s3], $0x2000, $0x38;
	[tilespmem:$0x1E900] =	vst v63  }
0x2d: {  	_ =	swait.ge [sflag:s7], $0x2000  }
0x2e: {  	[sflag:s7] =	ssyncset.done $0x0  }
0x2f: {  	[sflag:s7] =	ssyncadd.s32 $0xFFFFE000  }
0x30: {  	s6 =	simm.s32 $0x0;
	s9 =	simm.s32 $0x80;
	_ =	swait.ge [sflag:s17], $0x2000  }
0x31: {  	s0 =	sand.u32 $0x300, s6;
	s5 =	sand.u32 $0x1800, s3;
	[sflag:s17] =	ssyncset.done $0x0  }
0x32: {  	s11 =	sand.u32 $0x380, s9;
	s1 =	sor.u32 s0, s5;
	[sflag:s17] =	ssyncadd.s32 $0xFFFFE000  }
0x33: {  	s0 =	sor.u32 s5, s11;
	v1 =	vld [tilespmem:s1+$0x1A900]  }
0x34: {  	v2 =	vld [tilespmem:s0+$0x1A900];
	_ =	sdelay $0x2  }
0x35: {  	s4 =	simm.s32 $0xCD  }
0x36: {  	[tilespmem:s4+$0xFFFFFF33] =	vst v1  }
0x37: {  	[tilespmem:s4+$0x0] =	vst v2;
	v1 =	vld [tilespmem:s1+$0x1C900]  }
0x38: {  	v2 =	vld [tilespmem:s0+$0x1C900];
	_ =	sdelay $0x2  }
0x39: {  	s19 =	simm.s32 $0x674D  }
0x3a: {  	[tilespmem:s19+$0xFFFFFF33] =	vst v1  }
0x3b: {  	[tilespmem:s19+$0x0] =	vst v2;
	v1 =	vld [tilespmem:s1+$0x1A910]  }
0x3c: {  	v2 =	vld [tilespmem:s0+$0x1A910];
	_ =	sdelay $0x3  }
0x3d: {  	[tilespmem:s4+$0xFFFFFF43] =	vst v1  }
0x3e: {  	[tilespmem:s4+$0x10] =	vst v2;
	v1 =	vld [tilespmem:s1+$0x1C910]  }
0x3f: {  	v2 =	vld [tilespmem:s0+$0x1C910];
	_ =	sdelay $0x3  }
0x40: {  	[tilespmem:s19+$0xFFFFFF43] =	vst v1  }
0x41: {  	[tilespmem:s19+$0x10] =	vst v2;
	v1 =	vld [tilespmem:s1+$0x1A920]  }
0x42: {  	v2 =	vld [tilespmem:s0+$0x1A920];
	_ =	sdelay $0x3  }
0x43: {  	[tilespmem:s4+$0xFFFFFF53] =	vst v1  }
0x44: {  	[tilespmem:s4+$0x20] =	vst v2;
	v1 =	vld [tilespmem:s1+$0x1C920]  }
0x45: {  	v2 =	vld [tilespmem:s0+$0x1C920];
	_ =	sdelay $0x3  }
0x46: {  	[tilespmem:s19+$0xFFFFFF53] =	vst v1  }
0x47: {  	[tilespmem:s19+$0x20] =	vst v2;
	v1 =	vld [tilespmem:s1+$0x1A930]  }
0x48: {  	v2 =	vld [tilespmem:s0+$0x1A930];
	_ =	sdelay $0x3  }
0x49: {  	[tilespmem:s4+$0xFFFFFF63] =	vst v1  }
0x4a: {  	[tilespmem:s4+$0x30] =	vst v2;
	v1 =	vld [tilespmem:s1+$0x1C930]  }
0x4b: {  	v2 =	vld [tilespmem:s0+$0x1C930];
	_ =	sdelay $0x3  }
0x4c: {  	[tilespmem:s19+$0xFFFFFF63] =	vst v1  }
0x4d: {  	[tilespmem:s19+$0x30] =	vst v2;
	v1 =	vld [tilespmem:s1+$0x1A940]  }
0x4e: {  	s12 =	simm.s32 $0x100;
	s6 =	simm.s32 $0x200;
	v2 =	vld [tilespmem:s0+$0x1A940]  }
0x4f: {  	s9 =	simm.s32 $0x180;
	s6 =	sand.u32 $0x1800, s6;
	s5 =	sand.u32 $0x300, s12  }
0x50: {  	s13 =	sand.u32 $0x380, s9;
	s21 =	sor.u32 s5, s6  }
0x51: {  	s20 =	sor.u32 s6, s13;
	v3 =	vld [tilespmem:s21+$0x1A900]  }
0x52: {  	v4 =	vld [tilespmem:s20+$0x1A900];
	[tilespmem:s4+$0xFFFFFF73] =	vst v1  }
0x53: {  	[tilespmem:s4+$0x40] =	vst v2;
	v1 =	vld [tilespmem:s1+$0x1C940]  }
0x54: {  	v2 =	vld [tilespmem:s0+$0x1C940]  }
0x55: {  	s23 =	simm.s32 $0x267  }
0x56: {  	[tilespmem:s23+$0xFFFFFF33] =	vst v3  }
0x57: {  	[tilespmem:s23+$0x0] =	vst v4;
	v3 =	vld [tilespmem:s21+$0x1C900]  }
0x58: {  	v4 =	vld [tilespmem:s20+$0x1C900];
	[tilespmem:s19+$0xFFFFFF73] =	vst v1  }
0x59: {  	[tilespmem:s19+$0x40] =	vst v2;
	v1 =	vld [tilespmem:s1+$0x1A950]  }
0x5a: {  	v2 =	vld [tilespmem:s0+$0x1A950]  }
0x5b: {  	s22 =	simm.s32 $0x68E7  }
0x5c: {  	[tilespmem:s22+$0xFFFFFF33] =	vst v3  }
0x5d: {  	[tilespmem:s22+$0x0] =	vst v4;
	v3 =	vld [tilespmem:s21+$0x1A910]  }
0x5e: {  	v4 =	vld [tilespmem:s20+$0x1A910];
	[tilespmem:s4+$0xFFFFFF83] =	vst v1  }
0x5f: {  	[tilespmem:s4+$0x50] =	vst v2;
	v1 =	vld [tilespmem:s1+$0x1C950]  }
0x60: {  	v2 =	vld [tilespmem:s0+$0x1C950];
	_ =	sdelay $0x1  }
0x61: {  	[tilespmem:s23+$0xFFFFFF43] =	vst v3  }
0x62: {  	[tilespmem:s23+$0x10] =	vst v4;
	v3 =	vld [tilespmem:s21+$0x1C910]  }
0x63: {  	v4 =	vld [tilespmem:s20+$0x1C910];
	[tilespmem:s19+$0xFFFFFF83] =	vst v1  }
0x64: {  	[tilespmem:s19+$0x50] =	vst v2;
	v1 =	vld [tilespmem:s1+$0x1A960]  }
0x65: {  	v2 =	vld [tilespmem:s0+$0x1A960];
	_ =	sdelay $0x1  }
0x66: {  	[tilespmem:s22+$0xFFFFFF43] =	vst v3  }
0x67: {  	[tilespmem:s22+$0x10] =	vst v4;
	v3 =	vld [tilespmem:s21+$0x1A920]  }
0x68: {  	v4 =	vld [tilespmem:s20+$0x1A920];
	[tilespmem:s4+$0xFFFFFF93] =	vst v1  }
0x69: {  	[tilespmem:s4+$0x60] =	vst v2;
	v1 =	vld [tilespmem:s1+$0x1C960]  }
0x6a: {  	v2 =	vld [tilespmem:s0+$0x1C960];
	_ =	sdelay $0x1  }
0x6b: {  	[tilespmem:s23+$0xFFFFFF53] =	vst v3  }
0x6c: {  	[tilespmem:s23+$0x20] =	vst v4;
	v3 =	vld [tilespmem:s21+$0x1C920]  }
0x6d: {  	v4 =	vld [tilespmem:s20+$0x1C920];
	[tilespmem:s19+$0xFFFFFF93] =	vst v1  }
0x6e: {  	[tilespmem:s19+$0x60] =	vst v2;
	v1 =	vld [tilespmem:s1+$0x1A970]  }
0x6f: {  	v2 =	vld [tilespmem:s0+$0x1A970];
	_ =	sdelay $0x1  }
0x70: {  	[tilespmem:s22+$0xFFFFFF53] =	vst v3  }
0x71: {  	[tilespmem:s22+$0x20] =	vst v4;
	v3 =	vld [tilespmem:s21+$0x1A930]  }
0x72: {  	v4 =	vld [tilespmem:s20+$0x1A930];
	[tilespmem:s4+$0xFFFFFFA3] =	vst v1  }
0x73: {  	[tilespmem:s4+$0x70] =	vst v2;
	v1 =	vld [tilespmem:s1+$0x1C970]  }
0x74: {  	v2 =	vld [tilespmem:s0+$0x1C970];
	_ =	sdelay $0x1  }
0x75: {  	[tilespmem:s23+$0xFFFFFF63] =	vst v3  }
0x76: {  	[tilespmem:s23+$0x30] =	vst v4;
	v3 =	vld [tilespmem:s21+$0x1C930]  }
0x77: {  	v4 =	vld [tilespmem:s20+$0x1C930];
	[tilespmem:s19+$0xFFFFFFA3] =	vst v1  }
0x78: {  	[tilespmem:s19+$0x70] =	vst v2;
	v1 =	vld [tilespmem:s1+$0x1AD00]  }
0x79: {  	v2 =	vld [tilespmem:s0+$0x1AD00];
	_ =	sdelay $0x1  }
0x7a: {  	s15 =	simm.s32 $0x0;
	[tilespmem:s22+$0xFFFFFF63] =	vst v3  }
0x7b: {  	s5 =	sand.u32 $0x1FFE, s15;
	[tilespmem:s22+$0x30] =	vst v4;
	v3 =	vld [tilespmem:s21+$0x1A940]  }
0x7c: {  	s26 =	simm.s32 $0x200;
	s18 =	sand.u32 $0x1FFF, s4;
	s15 =	simm.s32 $0x400;
	v4 =	vld [tilespmem:s20+$0x1A940];
	[tilespmem:s5+$0x80] =	vst v1  }
0x7d: {  	s9 =	sand.u32 $0x300, s26;
	s11 =	simm.s32 $0x280;
	s12 =	sand.u32 $0x1800, s15;
	[tilespmem:s18+$0x80] =	vst v2;
	v1 =	vld [tilespmem:s1+$0x1CD00]  }
0x7e: {  	s13 =	sand.u32 $0x380, s11;
	s24 =	sor.u32 s9, s12;
	v2 =	vld [tilespmem:s0+$0x1CD00]  }
0x7f: {  	s25 =	sor.u32 s12, s13;
	v5 =	vld [tilespmem:s24+$0x1A900]  }
0x80: {  	v6 =	vld [tilespmem:s25+$0x1A900];
	[tilespmem:s23+$0xFFFFFF73] =	vst v3  }
0x81: {  	[tilespmem:s23+$0x40] =	vst v4;
	v3 =	vld [tilespmem:s21+$0x1C940]  }
0x82: {  	v4 =	vld [tilespmem:s20+$0x1C940];
	[tilespmem:s5+$0x6700] =	vst v1  }
0x83: {  	s26 =	simm.s32 $0x401;
	[tilespmem:s18+$0x6700] =	vst v2;
	v1 =	vld [tilespmem:s1+$0x1AD10]  }
0x84: {  	[tilespmem:s26+$0xFFFFFF33] =	vst v5;
	v2 =	vld [tilespmem:s0+$0x1AD10]  }
0x85: {  	[tilespmem:s26+$0x0] =	vst v6;
	v5 =	vld [tilespmem:s24+$0x1C900]  }
0x86: {  	v6 =	vld [tilespmem:s25+$0x1C900];
	[tilespmem:s22+$0xFFFFFF73] =	vst v3  }
0x87: {  	[tilespmem:s22+$0x40] =	vst v4;
	v3 =	vld [tilespmem:s21+$0x1A950]  }
0x88: {  	v4 =	vld [tilespmem:s20+$0x1A950];
	[tilespmem:s4+$0xFFFFFFC3] =	vst v1  }
0x89: {  	s28 =	simm.s32 $0x6A81;
	[tilespmem:s4+$0x90] =	vst v2;
	v1 =	vld [tilespmem:s1+$0x1CD10]  }
0x8a: {  	[tilespmem:s28+$0xFFFFFF33] =	vst v5;
	v2 =	vld [tilespmem:s0+$0x1CD10]  }
0x8b: {  	[tilespmem:s28+$0x0] =	vst v6;
	v5 =	vld [tilespmem:s24+$0x1A910]  }
0x8c: {  	v6 =	vld [tilespmem:s25+$0x1A910];
	[tilespmem:s23+$0xFFFFFF83] =	vst v3  }
0x8d: {  	[tilespmem:s23+$0x50] =	vst v4;
	v3 =	vld [tilespmem:s21+$0x1C950]  }
0x8e: {  	v4 =	vld [tilespmem:s20+$0x1C950];
	[tilespmem:s19+$0xFFFFFFC3] =	vst v1  }
0x8f: {  	[tilespmem:s19+$0x90] =	vst v2;
	v1 =	vld [tilespmem:s1+$0x1AD20]  }
0x90: {  	[tilespmem:s26+$0xFFFFFF43] =	vst v5;
	v2 =	vld [tilespmem:s0+$0x1AD20]  }
0x91: {  	[tilespmem:s26+$0x10] =	vst v6;
	v5 =	vld [tilespmem:s24+$0x1C910]  }
0x92: {  	v6 =	vld [tilespmem:s25+$0x1C910];
	[tilespmem:s22+$0xFFFFFF83] =	vst v3  }
0x93: {  	[tilespmem:s22+$0x50] =	vst v4;
	v3 =	vld [tilespmem:s21+$0x1A960]  }
0x94: {  	v4 =	vld [tilespmem:s20+$0x1A960];
	[tilespmem:s4+$0xFFFFFFD3] =	vst v1  }
0x95: {  	[tilespmem:s4+$0xA0] =	vst v2;
	v1 =	vld [tilespmem:s1+$0x1CD20]  }
0x96: {  	[tilespmem:s28+$0xFFFFFF43] =	vst v5;
	v2 =	vld [tilespmem:s0+$0x1CD20]  }
0x97: {  	[tilespmem:s28+$0x10] =	vst v6;
	v5 =	vld [tilespmem:s24+$0x1A920]  }
0x98: {  	v6 =	vld [tilespmem:s25+$0x1A920];
	[tilespmem:s23+$0xFFFFFF93] =	vst v3  }
0x99: {  	[tilespmem:s23+$0x60] =	vst v4;
	v3 =	vld [tilespmem:s21+$0x1C960]  }
0x9a: {  	v4 =	vld [tilespmem:s20+$0x1C960];
	[tilespmem:s19+$0xFFFFFFD3] =	vst v1  }
0x9b: {  	[tilespmem:s19+$0xA0] =	vst v2;
	v1 =	vld [tilespmem:s1+$0x1AD30]  }
0x9c: {  	[tilespmem:s26+$0xFFFFFF53] =	vst v5;
	v2 =	vld [tilespmem:s0+$0x1AD30]  }
0x9d: {  	[tilespmem:s26+$0x20] =	vst v6;
	v5 =	vld [tilespmem:s24+$0x1C920]  }
0x9e: {  	v6 =	vld [tilespmem:s25+$0x1C920];
	[tilespmem:s22+$0xFFFFFF93] =	vst v3  }
0x9f: {  	[tilespmem:s22+$0x60] =	vst v4;
	v3 =	vld [tilespmem:s21+$0x1A970]  }
0xa0: {  	v4 =	vld [tilespmem:s20+$0x1A970];
	[tilespmem:s4+$0xFFFFFFE3] =	vst v1  }
0xa1: {  	[tilespmem:s4+$0xB0] =	vst v2;
	v1 =	vld [tilespmem:s1+$0x1CD30]  }
0xa2: {  	[tilespmem:s28+$0xFFFFFF53] =	vst v5;
	v2 =	vld [tilespmem:s0+$0x1CD30]  }
0xa3: {  	[tilespmem:s28+$0x20] =	vst v6;
	v5 =	vld [tilespmem:s24+$0x1A930]  }
0xa4: {  	v6 =	vld [tilespmem:s25+$0x1A930];
	[tilespmem:s23+$0xFFFFFFA3] =	vst v3  }
0xa5: {  	[tilespmem:s23+$0x70] =	vst v4;
	v3 =	vld [tilespmem:s21+$0x1C970]  }
0xa6: {  	v7 =	vld [tilespmem:s20+$0x1C970];
	[tilespmem:s19+$0xFFFFFFE3] =	vst v1  }
0xa7: {  	[tilespmem:s19+$0xB0] =	vst v2;
	v1 =	vld [tilespmem:s1+$0x1AD38]  }
0xa8: {  	[tilespmem:s26+$0xFFFFFF63] =	vst v5;
	v2 =	vld [tilespmem:s0+$0x1AD38]  }
0xa9: {  	[tilespmem:s26+$0x30] =	vst v6;
	v5 =	vld [tilespmem:s24+$0x1C930]  }
0xaa: {  	v6 =	vld [tilespmem:s25+$0x1C930];
	[tilespmem:s22+$0xFFFFFFA3] =	vst v3  }
0xab: {  	[tilespmem:s22+$0x70] =	vst v7;
	v4 =	vld [tilespmem:s21+$0x1AD00]  }
0xac: {  	v3 =	vld [tilespmem:s20+$0x1AD00];
	[tilespmem:s4+$0xFFFFFFEB] =	vst v1  }
0xad: {  	s18 =	simm.s32 $0x19A;
	[tilespmem:s4+$0xB8] =	vst v2;
	v1 =	vld [tilespmem:s1+$0x1CD38]  }
0xae: {  	s11 =	sand.u32 $0x1FFF, s23;
	[tilespmem:s28+$0xFFFFFF63] =	vst v5;
	s9 =	sand.u32 $0x1FFE, s18;
	v2 =	vld [tilespmem:s0+$0x1CD38]  }
0xaf: {  	[tilespmem:s28+$0x30] =	vst v6;
	v5 =	vld [tilespmem:s24+$0x1A940];
	s4 =	simm.s32 $0x380;
	s1 =	simm.s32 $0x4;
	s0 =	simm.s32 $0x267  }
.LBB2_2:
0xb0: {  	s5 =	sadd.s32 $0xFFFFFF80, s4;
	s1 =	sadd.s32 $0x2, s1;
	v6 =	vld [tilespmem:s25+$0x1A940];
	s15 =	sadd.s32 $0x200, s15;
	[tilespmem:s9+$0x80] =	vst v4  }
0xb1: {  	s12 =	sand.u32 $0x1800, s15;
	s5 =	sand.u32 $0x300, s5;
	p0 =	slt.u32 s1, $0x1E;
	v4 =	vld [tilespmem:s21+$0x1CD00];
	[tilespmem:s11+$0x80] =	vst v3  }
0xb2: {  	s13 =	smov.u32 s23;
	s6 =	sor.u32 s5, s12;
	s5 =	sand.u32 $0x380, s4;
	v3 =	vld [tilespmem:s20+$0x1CD00];
	[tilespmem:s19+$0xFFFFFFEB] =	vst v1  }
0xb3: {  	s23 =	smov.u32 s26;
	v1 =	vld [tilespmem:s6+$0x1A900];
	s5 =	sor.u32 s12, s5;
	[tilespmem:s19+$0xB8] =	vst v2;
	s19 =	smov.u32 s22  }
0xb4: {  	s22 =	smov.u32 s28;
	v2 =	vld [tilespmem:s5+$0x1A900];
	[tilespmem:s26+$0xFFFFFF73] =	vst v5  }
0xb5: {  	v5 =	vld [tilespmem:s24+$0x1C940];
	[tilespmem:s26+$0x40] =	vst v6  }
0xb6: {  	v6 =	vld [tilespmem:s25+$0x1C940];
	[tilespmem:s9+$0x6700] =	vst v4  }
0xb7: {  	s26 =	sadd.s32 $0x19A, s26;
	v4 =	vld [tilespmem:s21+$0x1AD10];
	[tilespmem:s11+$0x6700] =	vst v3  }
0xb8: {  	[tilespmem:s26+$0xFFFFFF33] =	vst v1;
	v1 =	vld [tilespmem:s20+$0x1AD10]  }
0xb9: {  	v3 =	vld [tilespmem:s6+$0x1C900];
	[tilespmem:s26+$0x0] =	vst v2  }
0xba: {  	v2 =	vld [tilespmem:s5+$0x1C900];
	[tilespmem:s28+$0xFFFFFF73] =	vst v5  }
0xbb: {  	v5 =	vld [tilespmem:s24+$0x1A950];
	[tilespmem:s28+$0x40] =	vst v6  }
0xbc: {  	v6 =	vld [tilespmem:s25+$0x1A950];
	[tilespmem:s13+$0xFFFFFFC3] =	vst v4  }
0xbd: {  	s28 =	sadd.s32 $0x19A, s28;
	v4 =	vld [tilespmem:s21+$0x1CD10];
	[tilespmem:s13+$0x90] =	vst v1  }
0xbe: {  	[tilespmem:s28+$0xFFFFFF33] =	vst v3;
	v1 =	vld [tilespmem:s20+$0x1CD10]  }
0xbf: {  	v3 =	vld [tilespmem:s6+$0x1A910];
	[tilespmem:s28+$0x0] =	vst v2  }
0xc0: {  	v2 =	vld [tilespmem:s5+$0x1A910];
	[tilespmem:s23+$0xFFFFFF83] =	vst v5  }
0xc1: {  	v5 =	vld [tilespmem:s24+$0x1C950];
	[tilespmem:s23+$0x50] =	vst v6  }
0xc2: {  	v6 =	vld [tilespmem:s25+$0x1C950];
	[tilespmem:s19+$0xFFFFFFC3] =	vst v4  }
0xc3: {  	v4 =	vld [tilespmem:s21+$0x1AD20];
	[tilespmem:s19+$0x90] =	vst v1  }
0xc4: {  	[tilespmem:s26+$0xFFFFFF43] =	vst v3;
	v1 =	vld [tilespmem:s20+$0x1AD20]  }
0xc5: {  	v3 =	vld [tilespmem:s6+$0x1C910];
	[tilespmem:s26+$0x10] =	vst v2  }
0xc6: {  	v2 =	vld [tilespmem:s5+$0x1C910];
	[tilespmem:s22+$0xFFFFFF83] =	vst v5  }
0xc7: {  	v5 =	vld [tilespmem:s24+$0x1A960];
	[tilespmem:s22+$0x50] =	vst v6  }
0xc8: {  	v6 =	vld [tilespmem:s25+$0x1A960];
	[tilespmem:s13+$0xFFFFFFD3] =	vst v4  }
0xc9: {  	v4 =	vld [tilespmem:s21+$0x1CD20];
	[tilespmem:s13+$0xA0] =	vst v1  }
0xca: {  	[tilespmem:s28+$0xFFFFFF43] =	vst v3;
	v1 =	vld [tilespmem:s20+$0x1CD20]  }
0xcb: {  	v3 =	vld [tilespmem:s6+$0x1A920];
	[tilespmem:s28+$0x10] =	vst v2  }
0xcc: {  	v2 =	vld [tilespmem:s5+$0x1A920];
	[tilespmem:s23+$0xFFFFFF93] =	vst v5  }
0xcd: {  	v5 =	vld [tilespmem:s24+$0x1C960];
	[tilespmem:s23+$0x60] =	vst v6  }
0xce: {  	v6 =	vld [tilespmem:s25+$0x1C960];
	[tilespmem:s19+$0xFFFFFFD3] =	vst v4  }
0xcf: {  	v4 =	vld [tilespmem:s21+$0x1AD30];
	[tilespmem:s19+$0xA0] =	vst v1  }
0xd0: {  	[tilespmem:s26+$0xFFFFFF53] =	vst v3;
	v1 =	vld [tilespmem:s20+$0x1AD30]  }
0xd1: {  	v3 =	vld [tilespmem:s6+$0x1C920];
	[tilespmem:s26+$0x20] =	vst v2  }
0xd2: {  	v2 =	vld [tilespmem:s5+$0x1C920];
	[tilespmem:s22+$0xFFFFFF93] =	vst v5  }
0xd3: {  	v5 =	vld [tilespmem:s24+$0x1A970];
	[tilespmem:s22+$0x60] =	vst v6  }
0xd4: {  	v6 =	vld [tilespmem:s25+$0x1A970];
	[tilespmem:s13+$0xFFFFFFE3] =	vst v4  }
0xd5: {  	v4 =	vld [tilespmem:s21+$0x1CD30];
	[tilespmem:s13+$0xB0] =	vst v1  }
0xd6: {  	[tilespmem:s28+$0xFFFFFF53] =	vst v3;
	v1 =	vld [tilespmem:s20+$0x1CD30]  }
0xd7: {  	v3 =	vld [tilespmem:s6+$0x1A930];
	[tilespmem:s28+$0x20] =	vst v2  }
0xd8: {  	v2 =	vld [tilespmem:s5+$0x1A930];
	[tilespmem:s23+$0xFFFFFFA3] =	vst v5  }
0xd9: {  	v5 =	vld [tilespmem:s24+$0x1C970];
	[tilespmem:s23+$0x70] =	vst v6  }
0xda: {  	v6 =	vld [tilespmem:s25+$0x1C970];
	[tilespmem:s19+$0xFFFFFFE3] =	vst v4  }
0xdb: {  	v7 =	vld [tilespmem:s21+$0x1AD38];
	[tilespmem:s19+$0xB0] =	vst v1  }
0xdc: {  	[tilespmem:s26+$0xFFFFFF63] =	vst v3;
	v8 =	vld [tilespmem:s20+$0x1AD38]  }
0xdd: {  	v9 =	vld [tilespmem:s6+$0x1C930];
	[tilespmem:s26+$0x30] =	vst v2  }
0xde: {  	v10 =	vld [tilespmem:s5+$0x1C930];
	[tilespmem:s22+$0xFFFFFFA3] =	vst v5  }
.Ltmp0:
0xdf: {  	v4 =	vld [tilespmem:s24+$0x1AD00];
	[tilespmem:s22+$0x70] =	vst v6;
	(pc) =	sbr.rel @p0 .LBB2_2-.Ltmp0, $4  }
0xe0: {  	v3 =	vld [tilespmem:s25+$0x1AD00];
	[tilespmem:s13+$0xFFFFFFEB] =	vst v7  }
0xe1: {  	s0 =	sadd.s32 $0x19A, s0;
	v1 =	vld [tilespmem:s21+$0x1CD38];
	[tilespmem:s13+$0xB8] =	vst v8;
	s21 =	smov.u32 s24;
	s24 =	smov.u32 s6  }
0xe2: {  	s11 =	sand.u32 $0x1FFF, s0;
	s6 =	sadd.s32 $0xFFFFFF33, s0;
	[tilespmem:s28+$0xFFFFFF63] =	vst v9;
	v2 =	vld [tilespmem:s20+$0x1CD38];
	s20 =	smov.u32 s25  }
0xe3: {  	s4 =	sadd.s32 $0x100, s4;
	s9 =	sand.u32 $0x1FFE, s6;
	s25 =	smov.u32 s5;
	v5 =	vld [tilespmem:s24+$0x1A940];
	[tilespmem:s28+$0x30] =	vst v10  }
0xe4: {  	v6 =	vld [tilespmem:s25+$0x1A940];
	_ =	sdelay $0x3  }
0xe5: {  	[tilespmem:s26+$0xFFFFFF73] =	vst v5  }
0xe6: {  	v5 =	vld [tilespmem:s24+$0x1C940];
	[tilespmem:s26+$0x40] =	vst v6  }
0xe7: {  	v6 =	vld [tilespmem:s25+$0x1C940];
	_ =	sdelay $0x3  }
0xe8: {  	[tilespmem:s28+$0xFFFFFF73] =	vst v5  }
0xe9: {  	v5 =	vld [tilespmem:s24+$0x1A950];
	[tilespmem:s28+$0x40] =	vst v6  }
0xea: {  	v6 =	vld [tilespmem:s25+$0x1A950];
	_ =	sdelay $0x3  }
0xeb: {  	[tilespmem:s26+$0xFFFFFF83] =	vst v5  }
0xec: {  	v5 =	vld [tilespmem:s24+$0x1C950];
	[tilespmem:s26+$0x50] =	vst v6  }
0xed: {  	v6 =	vld [tilespmem:s25+$0x1C950];
	_ =	sdelay $0x3  }
0xee: {  	[tilespmem:s28+$0xFFFFFF83] =	vst v5  }
0xef: {  	v5 =	vld [tilespmem:s24+$0x1A960];
	[tilespmem:s28+$0x50] =	vst v6  }
0xf0: {  	v6 =	vld [tilespmem:s25+$0x1A960];
	_ =	sdelay $0x3  }
0xf1: {  	[tilespmem:s26+$0xFFFFFF93] =	vst v5  }
0xf2: {  	v5 =	vld [tilespmem:s24+$0x1C960];
	[tilespmem:s26+$0x60] =	vst v6  }
0xf3: {  	v6 =	vld [tilespmem:s25+$0x1C960];
	_ =	sdelay $0x3  }
0xf4: {  	[tilespmem:s28+$0xFFFFFF93] =	vst v5  }
0xf5: {  	v5 =	vld [tilespmem:s24+$0x1A970];
	[tilespmem:s28+$0x60] =	vst v6  }
0xf6: {  	v6 =	vld [tilespmem:s25+$0x1A970];
	_ =	sdelay $0x3  }
0xf7: {  	[tilespmem:s26+$0xFFFFFFA3] =	vst v5  }
0xf8: {  	v5 =	vld [tilespmem:s24+$0x1C970];
	[tilespmem:s26+$0x70] =	vst v6  }
0xf9: {  	v6 =	vld [tilespmem:s25+$0x1C970];
	_ =	sdelay $0x3  }
0xfa: {  	[tilespmem:s28+$0xFFFFFFA3] =	vst v5  }
0xfb: {  	v5 =	vld [tilespmem:s24+$0x1AD00];
	[tilespmem:s28+$0x70] =	vst v6  }
0xfc: {  	v6 =	vld [tilespmem:s25+$0x1AD00]  }
0xfd: {  	s0 =	sadd.s32 $0x19A, s0  }
0xfe: {  	[tilespmem:s9+$0x80] =	vst v4;
	s1 =	sadd.s32 $0xFFFFFF33, s0  }
0xff: {  	v4 =	vld [tilespmem:s21+$0x1CD00];
	[tilespmem:s11+$0x80] =	vst v3;
	s1 =	sand.u32 $0x1FFE, s1  }
0x100: {  	s0 =	sand.u32 $0x1FFF, s0;
	v3 =	vld [tilespmem:s20+$0x1CD00];
	[tilespmem:s1+$0x80] =	vst v5  }
0x101: {  	v5 =	vld [tilespmem:s24+$0x1CD00];
	[tilespmem:s0+$0x80] =	vst v6  }
0x102: {  	v6 =	vld [tilespmem:s25+$0x1CD00];
	_ =	sdelay $0x1  }
0x103: {  	[tilespmem:s9+$0x6700] =	vst v4  }
0x104: {  	v4 =	vld [tilespmem:s21+$0x1AD10];
	[tilespmem:s11+$0x6700] =	vst v3  }
0x105: {  	v3 =	vld [tilespmem:s20+$0x1AD10];
	[tilespmem:s1+$0x6700] =	vst v5  }
0x106: {  	v5 =	vld [tilespmem:s24+$0x1AD10];
	[tilespmem:s0+$0x6700] =	vst v6  }
0x107: {  	v6 =	vld [tilespmem:s25+$0x1AD10];
	_ =	sdelay $0x1  }
0x108: {  	[tilespmem:s23+$0xFFFFFFC3] =	vst v4  }
0x109: {  	v4 =	vld [tilespmem:s21+$0x1CD10];
	[tilespmem:s23+$0x90] =	vst v3  }
0x10a: {  	v3 =	vld [tilespmem:s20+$0x1CD10];
	[tilespmem:s26+$0xFFFFFFC3] =	vst v5  }
0x10b: {  	v5 =	vld [tilespmem:s24+$0x1CD10];
	[tilespmem:s26+$0x90] =	vst v6  }
0x10c: {  	v6 =	vld [tilespmem:s25+$0x1CD10];
	_ =	sdelay $0x1  }
0x10d: {  	[tilespmem:s22+$0xFFFFFFC3] =	vst v4  }
0x10e: {  	v4 =	vld [tilespmem:s21+$0x1AD20];
	[tilespmem:s22+$0x90] =	vst v3  }
0x10f: {  	v3 =	vld [tilespmem:s20+$0x1AD20];
	[tilespmem:s28+$0xFFFFFFC3] =	vst v5  }
0x110: {  	v5 =	vld [tilespmem:s24+$0x1AD20];
	[tilespmem:s28+$0x90] =	vst v6  }
0x111: {  	v6 =	vld [tilespmem:s25+$0x1AD20];
	_ =	sdelay $0x1  }
0x112: {  	[tilespmem:s23+$0xFFFFFFD3] =	vst v4  }
0x113: {  	v4 =	vld [tilespmem:s21+$0x1CD20];
	[tilespmem:s23+$0xA0] =	vst v3  }
0x114: {  	v3 =	vld [tilespmem:s20+$0x1CD20];
	[tilespmem:s26+$0xFFFFFFD3] =	vst v5  }
0x115: {  	v5 =	vld [tilespmem:s24+$0x1CD20];
	[tilespmem:s26+$0xA0] =	vst v6  }
0x116: {  	v6 =	vld [tilespmem:s25+$0x1CD20];
	_ =	sdelay $0x1  }
0x117: {  	[tilespmem:s22+$0xFFFFFFD3] =	vst v4  }
0x118: {  	v4 =	vld [tilespmem:s21+$0x1AD30];
	[tilespmem:s22+$0xA0] =	vst v3  }
0x119: {  	v3 =	vld [tilespmem:s20+$0x1AD30];
	[tilespmem:s28+$0xFFFFFFD3] =	vst v5  }
0x11a: {  	v5 =	vld [tilespmem:s24+$0x1AD30];
	[tilespmem:s28+$0xA0] =	vst v6  }
0x11b: {  	v6 =	vld [tilespmem:s25+$0x1AD30];
	_ =	sdelay $0x1  }
0x11c: {  	[tilespmem:s23+$0xFFFFFFE3] =	vst v4  }
0x11d: {  	v4 =	vld [tilespmem:s21+$0x1CD30];
	[tilespmem:s23+$0xB0] =	vst v3  }
0x11e: {  	v3 =	vld [tilespmem:s20+$0x1CD30];
	[tilespmem:s26+$0xFFFFFFE3] =	vst v5  }
0x11f: {  	v5 =	vld [tilespmem:s24+$0x1CD30];
	[tilespmem:s26+$0xB0] =	vst v6  }
0x120: {  	v6 =	vld [tilespmem:s25+$0x1CD30];
	_ =	sdelay $0x1  }
0x121: {  	[tilespmem:s22+$0xFFFFFFE3] =	vst v4  }
0x122: {  	v4 =	vld [tilespmem:s21+$0x1AD38];
	[tilespmem:s22+$0xB0] =	vst v3  }
0x123: {  	v3 =	vld [tilespmem:s20+$0x1AD38];
	[tilespmem:s28+$0xFFFFFFE3] =	vst v5  }
0x124: {  	v5 =	vld [tilespmem:s24+$0x1AD38];
	[tilespmem:s28+$0xB0] =	vst v6  }
0x125: {  	v6 =	vld [tilespmem:s25+$0x1AD38];
	_ =	sdelay $0x1  }
0x126: {  	[tilespmem:s23+$0xFFFFFFEB] =	vst v4  }
0x127: {  	v4 =	vld [tilespmem:s21+$0x1CD38];
	[tilespmem:s23+$0xB8] =	vst v3  }
0x128: {  	v3 =	vld [tilespmem:s20+$0x1CD38];
	[tilespmem:s26+$0xFFFFFFEB] =	vst v5  }
0x129: {  	v5 =	vld [tilespmem:s24+$0x1CD38];
	[tilespmem:s26+$0xB8] =	vst v6  }
0x12a: {  	[tilespmem:s19+$0xFFFFFFEB] =	vst v1;
	v1 =	vld [tilespmem:s25+$0x1CD38]  }
0x12b: {  	[tilespmem:s19+$0xB8] =	vst v2  }
0x12c: {  	[tilespmem:s22+$0xFFFFFFEB] =	vst v4  }
0x12d: {  	[tilespmem:s22+$0xB8] =	vst v3  }
0x12e: {  	[tilespmem:s28+$0xFFFFFFEB] =	vst v5  }
0x12f: {  	[tilespmem:s28+$0xB8] =	vst v1  }
0x130: {  	s4 =	simm.s32 $0x0;
	s0 =	rddreg [dreg:$0xa]  }
0x131: {  	[tilespmem:s8], [sflag:$0x3] =	stream.linear.gather [hbm4b:s0+s4], $0x2000, $0x38;
	[tilespmem:$0x1E900] =	vst v63  }
0x132: {  	s12 =	rddreg [dreg:$0xb]  }
0x133: {  	[tilespmem:s16], [sflag:$0x4] =	stream.linear.gather [hbm4b:s12+s4], $0x2000, $0x38;
	[tilespmem:$0x1E900] =	vst v63  }
0x134: {  	_ =	swait.ge [sflag:s7], $0x2000  }
0x135: {  	[sflag:s7] =	ssyncset.done $0x0  }
0x136: {  	[sflag:s7] =	ssyncadd.s32 $0xFFFFE000  }
0x137: {  	_ =	swait.ge [sflag:s17], $0x2000  }
0x138: {  	s13 =	sand.u32 $0x1800, s4;
	s15 =	sand.u32 $0x300, s4;
	[sflag:s17] =	ssyncset.done $0x0  }
0x139: {  	s0 =	sor.u32 s15, s13;
	[sflag:s17] =	ssyncadd.s32 $0xFFFFE000  }
0x13a: {  	v1 =	vld [tilespmem:s0+$0x1A980]  }
0x13b: {  	v2 =	vld [tilespmem:s0+$0x1A900];
	_ =	sdelay $0x2  }
0x13c: {  	s18 =	simm.s32 $0x1B25  }
0x13d: {  	[tilespmem:s18+$0xFFFFFF48] =	vst v1  }
0x13e: {  	[tilespmem:s18+$0xFFFFFE7B] =	vst v2;
	v1 =	vld [tilespmem:s0+$0x1C980]  }
0x13f: {  	v2 =	vld [tilespmem:s0+$0x1C900];
	_ =	sdelay $0x2  }
0x140: {  	s19 =	simm.s32 $0x81A5  }
0x141: {  	[tilespmem:s19+$0xFFFFFF48] =	vst v1  }
0x142: {  	[tilespmem:s19+$0xFFFFFE7B] =	vst v2;
	v1 =	vld [tilespmem:s0+$0x1A990]  }
0x143: {  	v2 =	vld [tilespmem:s0+$0x1A910];
	_ =	sdelay $0x3  }
0x144: {  	[tilespmem:s18+$0xFFFFFF58] =	vst v1  }
0x145: {  	[tilespmem:s18+$0xFFFFFE8B] =	vst v2;
	v1 =	vld [tilespmem:s0+$0x1C990]  }
0x146: {  	v2 =	vld [tilespmem:s0+$0x1C910];
	_ =	sdelay $0x3  }
0x147: {  	[tilespmem:s19+$0xFFFFFF58] =	vst v1  }
0x148: {  	[tilespmem:s19+$0xFFFFFE8B] =	vst v2;
	v1 =	vld [tilespmem:s0+$0x1A9A0]  }
0x149: {  	v2 =	vld [tilespmem:s0+$0x1A920];
	_ =	sdelay $0x3  }
0x14a: {  	[tilespmem:s18+$0xFFFFFF68] =	vst v1  }
0x14b: {  	[tilespmem:s18+$0xFFFFFE9B] =	vst v2;
	v1 =	vld [tilespmem:s0+$0x1C9A0]  }
0x14c: {  	v2 =	vld [tilespmem:s0+$0x1C920];
	_ =	sdelay $0x3  }
0x14d: {  	[tilespmem:s19+$0xFFFFFF68] =	vst v1  }
0x14e: {  	[tilespmem:s19+$0xFFFFFE9B] =	vst v2;
	v1 =	vld [tilespmem:s0+$0x1A9B0]  }
0x14f: {  	v2 =	vld [tilespmem:s0+$0x1A930];
	_ =	sdelay $0x3  }
0x150: {  	[tilespmem:s18+$0xFFFFFF78] =	vst v1  }
0x151: {  	[tilespmem:s18+$0xFFFFFEAB] =	vst v2;
	v1 =	vld [tilespmem:s0+$0x1C9B0]  }
0x152: {  	v2 =	vld [tilespmem:s0+$0x1C930];
	_ =	sdelay $0x3  }
0x153: {  	[tilespmem:s19+$0xFFFFFF78] =	vst v1  }
0x154: {  	[tilespmem:s19+$0xFFFFFEAB] =	vst v2;
	v1 =	vld [tilespmem:s0+$0x1A9C0]  }
0x155: {  	s5 =	simm.s32 $0x100;
	s6 =	simm.s32 $0x200;
	v2 =	vld [tilespmem:s0+$0x1A940]  }
0x156: {  	s6 =	sand.u32 $0x1800, s6;
	s5 =	sand.u32 $0x300, s5  }
0x157: {  	s20 =	sor.u32 s5, s6  }
0x158: {  	v3 =	vld [tilespmem:s20+$0x1A980]  }
0x159: {  	v4 =	vld [tilespmem:s20+$0x1A900];
	[tilespmem:s18+$0xFFFFFF88] =	vst v1  }
0x15a: {  	[tilespmem:s18+$0xFFFFFEBB] =	vst v2;
	v1 =	vld [tilespmem:s0+$0x1C9C0]  }
0x15b: {  	v2 =	vld [tilespmem:s0+$0x1C940]  }
0x15c: {  	s22 =	simm.s32 $0x1CBF  }
0x15d: {  	[tilespmem:s22+$0xFFFFFF48] =	vst v3  }
0x15e: {  	[tilespmem:s22+$0xFFFFFE7B] =	vst v4;
	v3 =	vld [tilespmem:s20+$0x1C980]  }
0x15f: {  	v4 =	vld [tilespmem:s20+$0x1C900];
	[tilespmem:s19+$0xFFFFFF88] =	vst v1  }
0x160: {  	[tilespmem:s19+$0xFFFFFEBB] =	vst v2;
	v1 =	vld [tilespmem:s0+$0x1A9D0]  }
0x161: {  	v2 =	vld [tilespmem:s0+$0x1A950]  }
0x162: {  	s21 =	simm.s32 $0x833F  }
0x163: {  	[tilespmem:s21+$0xFFFFFF48] =	vst v3  }
0x164: {  	[tilespmem:s21+$0xFFFFFE7B] =	vst v4;
	v3 =	vld [tilespmem:s20+$0x1A990]  }
0x165: {  	v4 =	vld [tilespmem:s20+$0x1A910];
	[tilespmem:s18+$0xFFFFFF98] =	vst v1  }
0x166: {  	[tilespmem:s18+$0xFFFFFECB] =	vst v2;
	v1 =	vld [tilespmem:s0+$0x1C9D0]  }
0x167: {  	v2 =	vld [tilespmem:s0+$0x1C950];
	_ =	sdelay $0x1  }
0x168: {  	[tilespmem:s22+$0xFFFFFF58] =	vst v3  }
0x169: {  	[tilespmem:s22+$0xFFFFFE8B] =	vst v4;
	v3 =	vld [tilespmem:s20+$0x1C990]  }
0x16a: {  	v4 =	vld [tilespmem:s20+$0x1C910];
	[tilespmem:s19+$0xFFFFFF98] =	vst v1  }
0x16b: {  	[tilespmem:s19+$0xFFFFFECB] =	vst v2;
	v1 =	vld [tilespmem:s0+$0x1A9E0]  }
0x16c: {  	v2 =	vld [tilespmem:s0+$0x1A960];
	_ =	sdelay $0x1  }
0x16d: {  	[tilespmem:s21+$0xFFFFFF58] =	vst v3  }
0x16e: {  	[tilespmem:s21+$0xFFFFFE8B] =	vst v4;
	v3 =	vld [tilespmem:s20+$0x1A9A0]  }
0x16f: {  	s4 =	sand.u32 $0x1FFE, s4;
	v4 =	vld [tilespmem:s20+$0x1A920];
	[tilespmem:s18+$0xFFFFFFA8] =	vst v1  }
0x170: {  	[tilespmem:s4+$0x1A00] =	vst v2;
	v1 =	vld [tilespmem:s0+$0x1C9E0]  }
0x171: {  	v2 =	vld [tilespmem:s0+$0x1C960];
	_ =	sdelay $0x1  }
0x172: {  	[tilespmem:s22+$0xFFFFFF68] =	vst v3  }
0x173: {  	[tilespmem:s22+$0xFFFFFE9B] =	vst v4;
	v3 =	vld [tilespmem:s20+$0x1C9A0]  }
0x174: {  	v4 =	vld [tilespmem:s20+$0x1C920];
	[tilespmem:s19+$0xFFFFFFA8] =	vst v1  }
0x175: {  	[tilespmem:s4+$0x8080] =	vst v2;
	v1 =	vld [tilespmem:s0+$0x1A9F0]  }
0x176: {  	v2 =	vld [tilespmem:s0+$0x1A970];
	_ =	sdelay $0x1  }
0x177: {  	[tilespmem:s21+$0xFFFFFF68] =	vst v3  }
0x178: {  	[tilespmem:s21+$0xFFFFFE9B] =	vst v4;
	v3 =	vld [tilespmem:s20+$0x1A9B0]  }
0x179: {  	v4 =	vld [tilespmem:s20+$0x1A930];
	[tilespmem:s18+$0xFFFFFFB8] =	vst v1  }
0x17a: {  	[tilespmem:s18+$0xFFFFFEEB] =	vst v2;
	v1 =	vld [tilespmem:s0+$0x1C9F0]  }
0x17b: {  	v2 =	vld [tilespmem:s0+$0x1C970];
	_ =	sdelay $0x1  }
0x17c: {  	[tilespmem:s22+$0xFFFFFF78] =	vst v3  }
0x17d: {  	[tilespmem:s22+$0xFFFFFEAB] =	vst v4;
	v3 =	vld [tilespmem:s20+$0x1C9B0]  }
0x17e: {  	v4 =	vld [tilespmem:s20+$0x1C930];
	[tilespmem:s19+$0xFFFFFFB8] =	vst v1  }
0x17f: {  	[tilespmem:s19+$0xFFFFFEEB] =	vst v2;
	v1 =	vld [tilespmem:s0+$0x1AD80]  }
0x180: {  	v2 =	vld [tilespmem:s0+$0x1AD00];
	_ =	sdelay $0x1  }
0x181: {  	[tilespmem:s21+$0xFFFFFF78] =	vst v3  }
0x182: {  	[tilespmem:s21+$0xFFFFFEAB] =	vst v4;
	v3 =	vld [tilespmem:s20+$0x1A9C0]  }
0x183: {  	s26 =	simm.s32 $0x400;
	s25 =	simm.s32 $0x200;
	v4 =	vld [tilespmem:s20+$0x1A940];
	[tilespmem:s18+$0xFFFFFFC8] =	vst v1  }
0x184: {  	s5 =	sand.u32 $0x1800, s26;
	s4 =	sand.u32 $0x300, s25;
	[tilespmem:s18+$0xFFFFFEFB] =	vst v2;
	v1 =	vld [tilespmem:s0+$0x1CD80]  }
0x185: {  	s23 =	sor.u32 s4, s5;
	v2 =	vld [tilespmem:s0+$0x1CD00]  }
0x186: {  	v5 =	vld [tilespmem:s23+$0x1A980]  }
0x187: {  	[tilespmem:s22+$0xFFFFFF88] =	vst v3;
	v6 =	vld [tilespmem:s23+$0x1A900]  }
0x188: {  	[tilespmem:s22+$0xFFFFFEBB] =	vst v4;
	v3 =	vld [tilespmem:s20+$0x1C9C0]  }
0x189: {  	v4 =	vld [tilespmem:s20+$0x1C940];
	[tilespmem:s19+$0xFFFFFFC8] =	vst v1  }
0x18a: {  	s15 =	simm.s32 $0x1E59;
	[tilespmem:s19+$0xFFFFFEFB] =	vst v2;
	v1 =	vld [tilespmem:s0+$0x1AD90]  }
0x18b: {  	[tilespmem:s15+$0xFFFFFF48] =	vst v5;
	v2 =	vld [tilespmem:s0+$0x1AD10]  }
0x18c: {  	[tilespmem:s15+$0xFFFFFE7B] =	vst v6;
	v5 =	vld [tilespmem:s23+$0x1C980]  }
0x18d: {  	[tilespmem:s21+$0xFFFFFF88] =	vst v3;
	v6 =	vld [tilespmem:s23+$0x1C900]  }
0x18e: {  	[tilespmem:s21+$0xFFFFFEBB] =	vst v4;
	v3 =	vld [tilespmem:s20+$0x1A9D0]  }
0x18f: {  	v4 =	vld [tilespmem:s20+$0x1A950];
	[tilespmem:s18+$0xFFFFFFD8] =	vst v1  }
0x190: {  	s24 =	simm.s32 $0x84D9;
	[tilespmem:s18+$0xFFFFFF0B] =	vst v2;
	v1 =	vld [tilespmem:s0+$0x1CD90]  }
0x191: {  	[tilespmem:s24+$0xFFFFFF48] =	vst v5;
	v2 =	vld [tilespmem:s0+$0x1CD10]  }
0x192: {  	[tilespmem:s24+$0xFFFFFE7B] =	vst v6;
	v5 =	vld [tilespmem:s23+$0x1A990]  }
0x193: {  	[tilespmem:s22+$0xFFFFFF98] =	vst v3;
	v6 =	vld [tilespmem:s23+$0x1A910]  }
0x194: {  	[tilespmem:s22+$0xFFFFFECB] =	vst v4;
	v3 =	vld [tilespmem:s20+$0x1C9D0]  }
0x195: {  	v4 =	vld [tilespmem:s20+$0x1C950];
	[tilespmem:s19+$0xFFFFFFD8] =	vst v1  }
0x196: {  	[tilespmem:s19+$0xFFFFFF0B] =	vst v2;
	v1 =	vld [tilespmem:s0+$0x1ADA0]  }
0x197: {  	[tilespmem:s15+$0xFFFFFF58] =	vst v5;
	v2 =	vld [tilespmem:s0+$0x1AD20]  }
0x198: {  	[tilespmem:s15+$0xFFFFFE8B] =	vst v6;
	v5 =	vld [tilespmem:s23+$0x1C990]  }
0x199: {  	[tilespmem:s21+$0xFFFFFF98] =	vst v3;
	v6 =	vld [tilespmem:s23+$0x1C910]  }
0x19a: {  	[tilespmem:s21+$0xFFFFFECB] =	vst v4;
	v3 =	vld [tilespmem:s20+$0x1A9E0]  }
0x19b: {  	v4 =	vld [tilespmem:s20+$0x1A960];
	[tilespmem:s18+$0xFFFFFFE8] =	vst v1  }
0x19c: {  	[tilespmem:s18+$0xFFFFFF1B] =	vst v2;
	v1 =	vld [tilespmem:s0+$0x1CDA0]  }
0x19d: {  	[tilespmem:s24+$0xFFFFFF58] =	vst v5;
	v2 =	vld [tilespmem:s0+$0x1CD20]  }
0x19e: {  	s4 =	simm.s32 $0x19A;
	[tilespmem:s24+$0xFFFFFE8B] =	vst v6;
	v5 =	vld [tilespmem:s23+$0x1A9A0]  }
0x19f: {  	[tilespmem:s22+$0xFFFFFFA8] =	vst v3;
	s28 =	sand.u32 $0x1FFE, s4;
	v6 =	vld [tilespmem:s23+$0x1A920]  }
0x1a0: {  	v3 =	vld [tilespmem:s20+$0x1C9E0];
	[tilespmem:s28+$0x1A00] =	vst v4  }
0x1a1: {  	v4 =	vld [tilespmem:s20+$0x1C960];
	[tilespmem:s19+$0xFFFFFFE8] =	vst v1  }
0x1a2: {  	[tilespmem:s19+$0xFFFFFF1B] =	vst v2;
	v1 =	vld [tilespmem:s0+$0x1ADB0]  }
0x1a3: {  	[tilespmem:s15+$0xFFFFFF68] =	vst v5;
	v2 =	vld [tilespmem:s0+$0x1AD30]  }
0x1a4: {  	[tilespmem:s15+$0xFFFFFE9B] =	vst v6;
	v5 =	vld [tilespmem:s23+$0x1C9A0]  }
0x1a5: {  	[tilespmem:s21+$0xFFFFFFA8] =	vst v3;
	v6 =	vld [tilespmem:s23+$0x1C920]  }
0x1a6: {  	v3 =	vld [tilespmem:s20+$0x1A9F0];
	[tilespmem:s28+$0x8080] =	vst v4  }
0x1a7: {  	v4 =	vld [tilespmem:s20+$0x1A970];
	[tilespmem:s18+$0xFFFFFFF8] =	vst v1  }
0x1a8: {  	[tilespmem:s18+$0xFFFFFF2B] =	vst v2;
	v1 =	vld [tilespmem:s0+$0x1CDB0]  }
0x1a9: {  	[tilespmem:s24+$0xFFFFFF68] =	vst v5;
	v2 =	vld [tilespmem:s0+$0x1CD30]  }
0x1aa: {  	[tilespmem:s24+$0xFFFFFE9B] =	vst v6;
	v5 =	vld [tilespmem:s23+$0x1A9B0]  }
0x1ab: {  	[tilespmem:s22+$0xFFFFFFB8] =	vst v3;
	v6 =	vld [tilespmem:s23+$0x1A930]  }
0x1ac: {  	v3 =	vld [tilespmem:s20+$0x1C9F0];
	[tilespmem:s22+$0xFFFFFEEB] =	vst v4  }
0x1ad: {  	v4 =	vld [tilespmem:s20+$0x1C970];
	[tilespmem:s19+$0xFFFFFFF8] =	vst v1  }
0x1ae: {  	[tilespmem:s19+$0xFFFFFF2B] =	vst v2;
	v1 =	vld [tilespmem:s0+$0x1ADB8]  }
0x1af: {  	[tilespmem:s15+$0xFFFFFF78] =	vst v5;
	v2 =	vld [tilespmem:s0+$0x1AD38]  }
0x1b0: {  	[tilespmem:s15+$0xFFFFFEAB] =	vst v6;
	v5 =	vld [tilespmem:s23+$0x1C9B0]  }
0x1b1: {  	[tilespmem:s21+$0xFFFFFFB8] =	vst v3;
	v6 =	vld [tilespmem:s23+$0x1C930]  }
0x1b2: {  	v7 =	vld [tilespmem:s20+$0x1AD80];
	[tilespmem:s21+$0xFFFFFEEB] =	vst v4  }
0x1b3: {  	v3 =	vld [tilespmem:s20+$0x1AD00];
	[tilespmem:s18+$0x0] =	vst v1  }
0x1b4: {  	[tilespmem:s18+$0xFFFFFF33] =	vst v2;
	v1 =	vld [tilespmem:s0+$0x1CDB8]  }
0x1b5: {  	[tilespmem:s24+$0xFFFFFF78] =	vst v5;
	v2 =	vld [tilespmem:s0+$0x1CD38]  }
0x1b6: {  	s6 =	simm.s32 $0x600;
	[tilespmem:s24+$0xFFFFFEAB] =	vst v6;
	v4 =	vld [tilespmem:s23+$0x1A9C0]  }
0x1b7: {  	s1 =	simm.s32 $0x1E59;
	s5 =	simm.s32 $0x300;
	[tilespmem:s22+$0xFFFFFFC8] =	vst v7;
	v5 =	vld [tilespmem:s23+$0x1A940];
	s0 =	simm.s32 $0x4  }
.LBB2_4:
0x1b8: {  	s9 =	sand.u32 $0x1800, s6;
	s11 =	sand.u32 $0x300, s5;
	s0 =	sadd.s32 $0x2, s0;
	[tilespmem:s22+$0xFFFFFEFB] =	vst v3;
	v3 =	vld [tilespmem:s20+$0x1CD80]  }
0x1b9: {  	s13 =	sor.u32 s11, s9;
	p0 =	slt.u32 s0, $0x1E;
	v6 =	vld [tilespmem:s20+$0x1CD00];
	[tilespmem:s19+$0x0] =	vst v1  }
0x1ba: {  	v1 =	vld [tilespmem:s13+$0x1A980];
	[tilespmem:s19+$0xFFFFFF33] =	vst v2;
	s19 =	smov.u32 s21;
	s21 =	smov.u32 s24  }
0x1bb: {  	v2 =	vld [tilespmem:s13+$0x1A900];
	[tilespmem:s15+$0xFFFFFF88] =	vst v4  }
0x1bc: {  	[tilespmem:s15+$0xFFFFFEBB] =	vst v5;
	v4 =	vld [tilespmem:s23+$0x1C9C0]  }
0x1bd: {  	v5 =	vld [tilespmem:s23+$0x1C940];
	[tilespmem:s19+$0xFFFFFFC8] =	vst v3  }
0x1be: {  	s15 =	sadd.s32 $0x19A, s15;
	[tilespmem:s19+$0xFFFFFEFB] =	vst v6;
	v3 =	vld [tilespmem:s20+$0x1AD90]  }
0x1bf: {  	[tilespmem:s15+$0xFFFFFF48] =	vst v1;
	v1 =	vld [tilespmem:s20+$0x1AD10]  }
0x1c0: {  	[tilespmem:s15+$0xFFFFFE7B] =	vst v2;
	v2 =	vld [tilespmem:s13+$0x1C980]  }
0x1c1: {  	v6 =	vld [tilespmem:s13+$0x1C900];
	[tilespmem:s24+$0xFFFFFF88] =	vst v4  }
0x1c2: {  	[tilespmem:s24+$0xFFFFFEBB] =	vst v5;
	v4 =	vld [tilespmem:s23+$0x1A9D0]  }
0x1c3: {  	v5 =	vld [tilespmem:s23+$0x1A950];
	[tilespmem:s22+$0xFFFFFFD8] =	vst v3  }
0x1c4: {  	s24 =	sadd.s32 $0x19A, s24;
	[tilespmem:s22+$0xFFFFFF0B] =	vst v1;
	v1 =	vld [tilespmem:s20+$0x1CD90]  }
0x1c5: {  	[tilespmem:s24+$0xFFFFFF48] =	vst v2;
	v2 =	vld [tilespmem:s20+$0x1CD10]  }
0x1c6: {  	[tilespmem:s24+$0xFFFFFE7B] =	vst v6;
	v3 =	vld [tilespmem:s13+$0x1A990]  }
0x1c7: {  	v6 =	vld [tilespmem:s13+$0x1A910];
	[tilespmem:s1+$0xFFFFFF98] =	vst v4  }
0x1c8: {  	[tilespmem:s1+$0xFFFFFECB] =	vst v5;
	v4 =	vld [tilespmem:s23+$0x1C9D0]  }
0x1c9: {  	v5 =	vld [tilespmem:s23+$0x1C950];
	[tilespmem:s19+$0xFFFFFFD8] =	vst v1  }
0x1ca: {  	[tilespmem:s19+$0xFFFFFF0B] =	vst v2;
	v1 =	vld [tilespmem:s20+$0x1ADA0]  }
0x1cb: {  	[tilespmem:s15+$0xFFFFFF58] =	vst v3;
	v2 =	vld [tilespmem:s20+$0x1AD20]  }
0x1cc: {  	[tilespmem:s15+$0xFFFFFE8B] =	vst v6;
	v3 =	vld [tilespmem:s13+$0x1C990]  }
0x1cd: {  	v6 =	vld [tilespmem:s13+$0x1C910];
	[tilespmem:s21+$0xFFFFFF98] =	vst v4  }
0x1ce: {  	[tilespmem:s21+$0xFFFFFECB] =	vst v5;
	v4 =	vld [tilespmem:s23+$0x1A9E0]  }
0x1cf: {  	v5 =	vld [tilespmem:s23+$0x1A960];
	[tilespmem:s22+$0xFFFFFFE8] =	vst v1  }
0x1d0: {  	[tilespmem:s22+$0xFFFFFF1B] =	vst v2;
	v1 =	vld [tilespmem:s20+$0x1CDA0]  }
0x1d1: {  	[tilespmem:s24+$0xFFFFFF58] =	vst v3;
	v2 =	vld [tilespmem:s20+$0x1CD20]  }
0x1d2: {  	s4 =	sadd.s32 $0x19A, s4;
	[tilespmem:s24+$0xFFFFFE8B] =	vst v6;
	v3 =	vld [tilespmem:s13+$0x1A9A0]  }
0x1d3: {  	s9 =	sand.u32 $0x1FFE, s4;
	v6 =	vld [tilespmem:s13+$0x1A920];
	[tilespmem:s1+$0xFFFFFFA8] =	vst v4  }
0x1d4: {  	[tilespmem:s9+$0x1A00] =	vst v5;
	v4 =	vld [tilespmem:s23+$0x1C9E0]  }
0x1d5: {  	v5 =	vld [tilespmem:s23+$0x1C960];
	[tilespmem:s19+$0xFFFFFFE8] =	vst v1  }
0x1d6: {  	[tilespmem:s19+$0xFFFFFF1B] =	vst v2;
	v1 =	vld [tilespmem:s20+$0x1ADB0]  }
0x1d7: {  	[tilespmem:s15+$0xFFFFFF68] =	vst v3;
	v2 =	vld [tilespmem:s20+$0x1AD30]  }
0x1d8: {  	[tilespmem:s15+$0xFFFFFE9B] =	vst v6;
	v3 =	vld [tilespmem:s13+$0x1C9A0]  }
0x1d9: {  	v6 =	vld [tilespmem:s13+$0x1C920];
	[tilespmem:s21+$0xFFFFFFA8] =	vst v4  }
0x1da: {  	[tilespmem:s9+$0x8080] =	vst v5;
	v4 =	vld [tilespmem:s23+$0x1A9F0]  }
0x1db: {  	v5 =	vld [tilespmem:s23+$0x1A970];
	[tilespmem:s22+$0xFFFFFFF8] =	vst v1  }
0x1dc: {  	[tilespmem:s22+$0xFFFFFF2B] =	vst v2;
	v1 =	vld [tilespmem:s20+$0x1CDB0]  }
0x1dd: {  	[tilespmem:s24+$0xFFFFFF68] =	vst v3;
	v2 =	vld [tilespmem:s20+$0x1CD30]  }
0x1de: {  	[tilespmem:s24+$0xFFFFFE9B] =	vst v6;
	v3 =	vld [tilespmem:s13+$0x1A9B0]  }
0x1df: {  	v6 =	vld [tilespmem:s13+$0x1A930];
	[tilespmem:s1+$0xFFFFFFB8] =	vst v4  }
0x1e0: {  	[tilespmem:s1+$0xFFFFFEEB] =	vst v5;
	v4 =	vld [tilespmem:s23+$0x1C9F0]  }
0x1e1: {  	v5 =	vld [tilespmem:s23+$0x1C970];
	[tilespmem:s19+$0xFFFFFFF8] =	vst v1  }
0x1e2: {  	[tilespmem:s19+$0xFFFFFF2B] =	vst v2;
	v1 =	vld [tilespmem:s20+$0x1ADB8]  }
0x1e3: {  	[tilespmem:s15+$0xFFFFFF78] =	vst v3;
	v2 =	vld [tilespmem:s20+$0x1AD38]  }
0x1e4: {  	[tilespmem:s15+$0xFFFFFEAB] =	vst v6;
	v6 =	vld [tilespmem:s13+$0x1C9B0]  }
0x1e5: {  	v7 =	vld [tilespmem:s13+$0x1C930];
	[tilespmem:s21+$0xFFFFFFB8] =	vst v4  }
0x1e6: {  	[tilespmem:s21+$0xFFFFFEEB] =	vst v5;
	v8 =	vld [tilespmem:s23+$0x1AD80]  }
.Ltmp1:
0x1e7: {  	v3 =	vld [tilespmem:s23+$0x1AD00];
	[tilespmem:s22+$0x0] =	vst v1;
	(pc) =	sbr.rel @p0 .LBB2_4-.Ltmp1, $4  }
0x1e8: {  	[tilespmem:s22+$0xFFFFFF33] =	vst v2;
	v1 =	vld [tilespmem:s20+$0x1CDB8];
	s22 =	smov.u32 s1;
	s1 =	smov.u32 s15  }
0x1e9: {  	[tilespmem:s24+$0xFFFFFF78] =	vst v6;
	v2 =	vld [tilespmem:s20+$0x1CD38];
	s20 =	smov.u32 s23;
	s23 =	smov.u32 s13  }
0x1ea: {  	[tilespmem:s24+$0xFFFFFEAB] =	vst v7;
	v4 =	vld [tilespmem:s23+$0x1A9C0]  }
0x1eb: {  	s5 =	sadd.s32 $0x100, s5;
	s6 =	sadd.s32 $0x200, s6;
	v5 =	vld [tilespmem:s23+$0x1A940];
	[tilespmem:s22+$0xFFFFFFC8] =	vst v8  }
0x1ec: {  	_ =	sdelay $0x2  }
0x1ed: {  	[tilespmem:s15+$0xFFFFFF88] =	vst v4  }
0x1ee: {  	[tilespmem:s15+$0xFFFFFEBB] =	vst v5;
	v4 =	vld [tilespmem:s23+$0x1C9C0]  }
0x1ef: {  	v5 =	vld [tilespmem:s23+$0x1C940];
	_ =	sdelay $0x3  }
0x1f0: {  	[tilespmem:s24+$0xFFFFFF88] =	vst v4  }
0x1f1: {  	[tilespmem:s24+$0xFFFFFEBB] =	vst v5;
	v4 =	vld [tilespmem:s23+$0x1A9D0]  }
0x1f2: {  	v5 =	vld [tilespmem:s23+$0x1A950];
	_ =	sdelay $0x3  }
0x1f3: {  	[tilespmem:s1+$0xFFFFFF98] =	vst v4  }
0x1f4: {  	[tilespmem:s1+$0xFFFFFECB] =	vst v5;
	v4 =	vld [tilespmem:s23+$0x1C9D0]  }
0x1f5: {  	v5 =	vld [tilespmem:s23+$0x1C950];
	_ =	sdelay $0x3  }
0x1f6: {  	[tilespmem:s24+$0xFFFFFF98] =	vst v4  }
0x1f7: {  	[tilespmem:s24+$0xFFFFFECB] =	vst v5;
	v4 =	vld [tilespmem:s23+$0x1A9E0]  }
0x1f8: {  	v5 =	vld [tilespmem:s23+$0x1A960];
	_ =	sdelay $0x2  }
0x1f9: {  	s0 =	sadd.s32 $0x19A, s4  }
0x1fa: {  	s0 =	sand.u32 $0x1FFE, s0;
	[tilespmem:s1+$0xFFFFFFA8] =	vst v4  }
0x1fb: {  	[tilespmem:s0+$0x1A00] =	vst v5;
	v4 =	vld [tilespmem:s23+$0x1C9E0]  }
0x1fc: {  	v5 =	vld [tilespmem:s23+$0x1C960];
	_ =	sdelay $0x3  }
0x1fd: {  	[tilespmem:s24+$0xFFFFFFA8] =	vst v4  }
0x1fe: {  	[tilespmem:s0+$0x8080] =	vst v5;
	v4 =	vld [tilespmem:s23+$0x1A9F0]  }
0x1ff: {  	v5 =	vld [tilespmem:s23+$0x1A970];
	_ =	sdelay $0x3  }
0x200: {  	[tilespmem:s1+$0xFFFFFFB8] =	vst v4  }
0x201: {  	[tilespmem:s1+$0xFFFFFEEB] =	vst v5;
	v4 =	vld [tilespmem:s23+$0x1C9F0]  }
0x202: {  	v5 =	vld [tilespmem:s23+$0x1C970];
	_ =	sdelay $0x3  }
0x203: {  	[tilespmem:s24+$0xFFFFFFB8] =	vst v4  }
0x204: {  	[tilespmem:s24+$0xFFFFFEEB] =	vst v5;
	v4 =	vld [tilespmem:s23+$0x1AD80]  }
0x205: {  	v5 =	vld [tilespmem:s23+$0x1AD00];
	_ =	sdelay $0x2  }
0x206: {  	[tilespmem:s22+$0xFFFFFEFB] =	vst v3;
	v3 =	vld [tilespmem:s20+$0x1CD80]  }
0x207: {  	v6 =	vld [tilespmem:s20+$0x1CD00];
	[tilespmem:s1+$0xFFFFFFC8] =	vst v4  }
0x208: {  	[tilespmem:s1+$0xFFFFFEFB] =	vst v5;
	v4 =	vld [tilespmem:s23+$0x1CD80]  }
0x209: {  	v5 =	vld [tilespmem:s23+$0x1CD00];
	_ =	sdelay $0x1  }
0x20a: {  	[tilespmem:s21+$0xFFFFFFC8] =	vst v3  }
0x20b: {  	[tilespmem:s21+$0xFFFFFEFB] =	vst v6;
	v3 =	vld [tilespmem:s20+$0x1AD90]  }
0x20c: {  	v6 =	vld [tilespmem:s20+$0x1AD10];
	[tilespmem:s24+$0xFFFFFFC8] =	vst v4  }
0x20d: {  	[tilespmem:s24+$0xFFFFFEFB] =	vst v5;
	v4 =	vld [tilespmem:s23+$0x1AD90]  }
0x20e: {  	v5 =	vld [tilespmem:s23+$0x1AD10];
	_ =	sdelay $0x1  }
0x20f: {  	[tilespmem:s22+$0xFFFFFFD8] =	vst v3  }
0x210: {  	[tilespmem:s22+$0xFFFFFF0B] =	vst v6;
	v3 =	vld [tilespmem:s20+$0x1CD90]  }
0x211: {  	v6 =	vld [tilespmem:s20+$0x1CD10];
	[tilespmem:s1+$0xFFFFFFD8] =	vst v4  }
0x212: {  	[tilespmem:s1+$0xFFFFFF0B] =	vst v5;
	v4 =	vld [tilespmem:s23+$0x1CD90]  }
0x213: {  	v5 =	vld [tilespmem:s23+$0x1CD10];
	_ =	sdelay $0x1  }
0x214: {  	[tilespmem:s21+$0xFFFFFFD8] =	vst v3  }
0x215: {  	[tilespmem:s21+$0xFFFFFF0B] =	vst v6;
	v3 =	vld [tilespmem:s20+$0x1ADA0]  }
0x216: {  	v6 =	vld [tilespmem:s20+$0x1AD20];
	[tilespmem:s24+$0xFFFFFFD8] =	vst v4  }
0x217: {  	[tilespmem:s24+$0xFFFFFF0B] =	vst v5;
	v4 =	vld [tilespmem:s23+$0x1ADA0]  }
0x218: {  	v5 =	vld [tilespmem:s23+$0x1AD20];
	_ =	sdelay $0x1  }
0x219: {  	[tilespmem:s22+$0xFFFFFFE8] =	vst v3  }
0x21a: {  	[tilespmem:s22+$0xFFFFFF1B] =	vst v6;
	v3 =	vld [tilespmem:s20+$0x1CDA0]  }
0x21b: {  	v6 =	vld [tilespmem:s20+$0x1CD20];
	[tilespmem:s1+$0xFFFFFFE8] =	vst v4  }
0x21c: {  	[tilespmem:s1+$0xFFFFFF1B] =	vst v5;
	v4 =	vld [tilespmem:s23+$0x1CDA0]  }
0x21d: {  	v5 =	vld [tilespmem:s23+$0x1CD20];
	_ =	sdelay $0x1  }
0x21e: {  	[tilespmem:s21+$0xFFFFFFE8] =	vst v3  }
0x21f: {  	[tilespmem:s21+$0xFFFFFF1B] =	vst v6;
	v3 =	vld [tilespmem:s20+$0x1ADB0]  }
0x220: {  	v6 =	vld [tilespmem:s20+$0x1AD30];
	[tilespmem:s24+$0xFFFFFFE8] =	vst v4  }
0x221: {  	[tilespmem:s24+$0xFFFFFF1B] =	vst v5;
	v4 =	vld [tilespmem:s23+$0x1ADB0]  }
0x222: {  	v5 =	vld [tilespmem:s23+$0x1AD30];
	_ =	sdelay $0x1  }
0x223: {  	[tilespmem:s22+$0xFFFFFFF8] =	vst v3  }
0x224: {  	[tilespmem:s22+$0xFFFFFF2B] =	vst v6;
	v3 =	vld [tilespmem:s20+$0x1CDB0]  }
0x225: {  	v6 =	vld [tilespmem:s20+$0x1CD30];
	[tilespmem:s1+$0xFFFFFFF8] =	vst v4  }
0x226: {  	[tilespmem:s1+$0xFFFFFF2B] =	vst v5;
	v4 =	vld [tilespmem:s23+$0x1CDB0]  }
0x227: {  	v5 =	vld [tilespmem:s23+$0x1CD30];
	_ =	sdelay $0x1  }
0x228: {  	[tilespmem:s21+$0xFFFFFFF8] =	vst v3  }
0x229: {  	[tilespmem:s21+$0xFFFFFF2B] =	vst v6;
	v3 =	vld [tilespmem:s20+$0x1ADB8]  }
0x22a: {  	v6 =	vld [tilespmem:s20+$0x1AD38];
	[tilespmem:s24+$0xFFFFFFF8] =	vst v4  }
0x22b: {  	[tilespmem:s24+$0xFFFFFF2B] =	vst v5;
	v4 =	vld [tilespmem:s23+$0x1ADB8]  }
0x22c: {  	v5 =	vld [tilespmem:s23+$0x1AD38];
	_ =	sdelay $0x1  }
0x22d: {  	[tilespmem:s22+$0x0] =	vst v3  }
0x22e: {  	[tilespmem:s22+$0xFFFFFF33] =	vst v6;
	v3 =	vld [tilespmem:s20+$0x1CDB8]  }
0x22f: {  	v6 =	vld [tilespmem:s20+$0x1CD38];
	[tilespmem:s1+$0x0] =	vst v4  }
0x230: {  	[tilespmem:s1+$0xFFFFFF33] =	vst v5;
	v4 =	vld [tilespmem:s23+$0x1CDB8]  }
0x231: {  	[tilespmem:s19+$0x0] =	vst v1;
	v1 =	vld [tilespmem:s23+$0x1CD38]  }
0x232: {  	[tilespmem:s19+$0xFFFFFF33] =	vst v2  }
0x233: {  	[tilespmem:s21+$0x0] =	vst v3  }
0x234: {  	[tilespmem:s21+$0xFFFFFF33] =	vst v6  }
0x235: {  	[tilespmem:s24+$0x0] =	vst v4  }
0x236: {  	[tilespmem:s24+$0xFFFFFF33] =	vst v1  }
0x237: {  	s11 =	simm.s32 $0x0;
	s0 =	rddreg [dreg:$0xc]  }
0x238: {  	[tilespmem:s8], [sflag:$0x3] =	stream.linear.gather [hbm4b:s0+s11], $0x2000, $0x38;
	[tilespmem:$0x1E900] =	vst v63  }
0x239: {  	s12 =	rddreg [dreg:$0xd]  }
0x23a: {  	[tilespmem:s16], [sflag:$0x4] =	stream.linear.gather [hbm4b:s12+s11], $0x2000, $0x38;
	[tilespmem:$0x1E900] =	vst v63  }
0x23b: {  	_ =	swait.ge [sflag:s7], $0x2000  }
0x23c: {  	[sflag:s7] =	ssyncset.done $0x0  }
0x23d: {  	[sflag:s7] =	ssyncadd.s32 $0xFFFFE000  }
0x23e: {  	_ =	swait.ge [sflag:s17], $0x2000  }
0x23f: {  	s13 =	sand.u32 $0x1800, s11;
	s15 =	sand.u32 $0x300, s11;
	[sflag:s17] =	ssyncset.done $0x0  }
0x240: {  	s0 =	sor.u32 s15, s13;
	[sflag:s17] =	ssyncadd.s32 $0xFFFFE000  }
0x241: {  	v1 =	vld [tilespmem:s0+$0x1A980]  }
0x242: {  	v2 =	vld [tilespmem:s0+$0x1A900];
	_ =	sdelay $0x2  }
0x243: {  	s18 =	simm.s32 $0x34C5  }
0x244: {  	[tilespmem:s18+$0xFFFFFF48] =	vst v1  }
0x245: {  	[tilespmem:s18+$0xFFFFFE7B] =	vst v2;
	v1 =	vld [tilespmem:s0+$0x1C980]  }
0x246: {  	v2 =	vld [tilespmem:s0+$0x1C900];
	_ =	sdelay $0x2  }
0x247: {  	s19 =	simm.s32 $0x9B45  }
0x248: {  	[tilespmem:s19+$0xFFFFFF48] =	vst v1  }
0x249: {  	[tilespmem:s19+$0xFFFFFE7B] =	vst v2;
	v1 =	vld [tilespmem:s0+$0x1A990]  }
0x24a: {  	v2 =	vld [tilespmem:s0+$0x1A910];
	_ =	sdelay $0x3  }
0x24b: {  	[tilespmem:s18+$0xFFFFFF58] =	vst v1  }
0x24c: {  	[tilespmem:s18+$0xFFFFFE8B] =	vst v2;
	v1 =	vld [tilespmem:s0+$0x1C990]  }
0x24d: {  	v2 =	vld [tilespmem:s0+$0x1C910];
	_ =	sdelay $0x3  }
0x24e: {  	[tilespmem:s19+$0xFFFFFF58] =	vst v1  }
0x24f: {  	[tilespmem:s19+$0xFFFFFE8B] =	vst v2;
	v1 =	vld [tilespmem:s0+$0x1A9A0]  }
0x250: {  	v2 =	vld [tilespmem:s0+$0x1A920];
	_ =	sdelay $0x3  }
0x251: {  	[tilespmem:s18+$0xFFFFFF68] =	vst v1  }
0x252: {  	[tilespmem:s18+$0xFFFFFE9B] =	vst v2;
	v1 =	vld [tilespmem:s0+$0x1C9A0]  }
0x253: {  	v2 =	vld [tilespmem:s0+$0x1C920];
	_ =	sdelay $0x3  }
0x254: {  	[tilespmem:s19+$0xFFFFFF68] =	vst v1  }
0x255: {  	[tilespmem:s19+$0xFFFFFE9B] =	vst v2;
	v1 =	vld [tilespmem:s0+$0x1A9B0]  }
0x256: {  	v2 =	vld [tilespmem:s0+$0x1A930];
	_ =	sdelay $0x3  }
0x257: {  	[tilespmem:s18+$0xFFFFFF78] =	vst v1  }
0x258: {  	[tilespmem:s18+$0xFFFFFEAB] =	vst v2;
	v1 =	vld [tilespmem:s0+$0x1C9B0]  }
0x259: {  	v2 =	vld [tilespmem:s0+$0x1C930];
	_ =	sdelay $0x3  }
0x25a: {  	[tilespmem:s19+$0xFFFFFF78] =	vst v1  }
0x25b: {  	[tilespmem:s19+$0xFFFFFEAB] =	vst v2;
	v1 =	vld [tilespmem:s0+$0x1A9C0]  }
0x25c: {  	s5 =	simm.s32 $0x100;
	s6 =	simm.s32 $0x200;
	v2 =	vld [tilespmem:s0+$0x1A940]  }
0x25d: {  	s6 =	sand.u32 $0x1800, s6;
	s5 =	sand.u32 $0x300, s5  }
0x25e: {  	s20 =	sor.u32 s5, s6  }
0x25f: {  	v3 =	vld [tilespmem:s20+$0x1A980]  }
0x260: {  	s1 =	sand.u32 $0x1FFE, s11;
	v4 =	vld [tilespmem:s20+$0x1A900];
	[tilespmem:s18+$0xFFFFFF88] =	vst v1  }
0x261: {  	[tilespmem:s1+$0x3380] =	vst v2;
	v1 =	vld [tilespmem:s0+$0x1C9C0]  }
0x262: {  	v2 =	vld [tilespmem:s0+$0x1C940]  }
0x263: {  	s22 =	simm.s32 $0x365F  }
0x264: {  	[tilespmem:s22+$0xFFFFFF48] =	vst v3  }
0x265: {  	[tilespmem:s22+$0xFFFFFE7B] =	vst v4;
	v3 =	vld [tilespmem:s20+$0x1C980]  }
0x266: {  	v4 =	vld [tilespmem:s20+$0x1C900];
	[tilespmem:s19+$0xFFFFFF88] =	vst v1  }
0x267: {  	[tilespmem:s1+$0x9A00] =	vst v2;
	v1 =	vld [tilespmem:s0+$0x1A9D0]  }
0x268: {  	v2 =	vld [tilespmem:s0+$0x1A950]  }
0x269: {  	s21 =	simm.s32 $0x9CDF  }
0x26a: {  	[tilespmem:s21+$0xFFFFFF48] =	vst v3  }
0x26b: {  	[tilespmem:s21+$0xFFFFFE7B] =	vst v4;
	v3 =	vld [tilespmem:s20+$0x1A990]  }
0x26c: {  	v4 =	vld [tilespmem:s20+$0x1A910];
	[tilespmem:s18+$0xFFFFFF98] =	vst v1  }
0x26d: {  	[tilespmem:s18+$0xFFFFFECB] =	vst v2;
	v1 =	vld [tilespmem:s0+$0x1C9D0]  }
0x26e: {  	v2 =	vld [tilespmem:s0+$0x1C950];
	_ =	sdelay $0x1  }
0x26f: {  	[tilespmem:s22+$0xFFFFFF58] =	vst v3  }
0x270: {  	[tilespmem:s22+$0xFFFFFE8B] =	vst v4;
	v3 =	vld [tilespmem:s20+$0x1C990]  }
0x271: {  	v4 =	vld [tilespmem:s20+$0x1C910];
	[tilespmem:s19+$0xFFFFFF98] =	vst v1  }
0x272: {  	[tilespmem:s19+$0xFFFFFECB] =	vst v2;
	v1 =	vld [tilespmem:s0+$0x1A9E0]  }
0x273: {  	v2 =	vld [tilespmem:s0+$0x1A960];
	_ =	sdelay $0x1  }
0x274: {  	[tilespmem:s21+$0xFFFFFF58] =	vst v3  }
0x275: {  	[tilespmem:s21+$0xFFFFFE8B] =	vst v4;
	v3 =	vld [tilespmem:s20+$0x1A9A0]  }
0x276: {  	v4 =	vld [tilespmem:s20+$0x1A920];
	[tilespmem:s18+$0xFFFFFFA8] =	vst v1  }
0x277: {  	[tilespmem:s18+$0xFFFFFEDB] =	vst v2;
	v1 =	vld [tilespmem:s0+$0x1C9E0]  }
0x278: {  	v2 =	vld [tilespmem:s0+$0x1C960];
	_ =	sdelay $0x1  }
0x279: {  	[tilespmem:s22+$0xFFFFFF68] =	vst v3  }
0x27a: {  	[tilespmem:s22+$0xFFFFFE9B] =	vst v4;
	v3 =	vld [tilespmem:s20+$0x1C9A0]  }
0x27b: {  	v4 =	vld [tilespmem:s20+$0x1C920];
	[tilespmem:s19+$0xFFFFFFA8] =	vst v1  }
0x27c: {  	[tilespmem:s19+$0xFFFFFEDB] =	vst v2;
	v1 =	vld [tilespmem:s0+$0x1A9F0]  }
0x27d: {  	v2 =	vld [tilespmem:s0+$0x1A970];
	_ =	sdelay $0x1  }
0x27e: {  	[tilespmem:s21+$0xFFFFFF68] =	vst v3  }
0x27f: {  	[tilespmem:s21+$0xFFFFFE9B] =	vst v4;
	v3 =	vld [tilespmem:s20+$0x1A9B0]  }
0x280: {  	v4 =	vld [tilespmem:s20+$0x1A930];
	[tilespmem:s18+$0xFFFFFFB8] =	vst v1  }
0x281: {  	[tilespmem:s18+$0xFFFFFEEB] =	vst v2;
	v1 =	vld [tilespmem:s0+$0x1C9F0]  }
0x282: {  	v2 =	vld [tilespmem:s0+$0x1C970];
	_ =	sdelay $0x1  }
0x283: {  	[tilespmem:s22+$0xFFFFFF78] =	vst v3  }
0x284: {  	[tilespmem:s22+$0xFFFFFEAB] =	vst v4;
	v3 =	vld [tilespmem:s20+$0x1C9B0]  }
0x285: {  	v4 =	vld [tilespmem:s20+$0x1C930];
	[tilespmem:s19+$0xFFFFFFB8] =	vst v1  }
0x286: {  	[tilespmem:s19+$0xFFFFFEEB] =	vst v2;
	v1 =	vld [tilespmem:s0+$0x1AD80]  }
0x287: {  	v2 =	vld [tilespmem:s0+$0x1AD00];
	_ =	sdelay $0x1  }
0x288: {  	[tilespmem:s21+$0xFFFFFF78] =	vst v3  }
0x289: {  	[tilespmem:s21+$0xFFFFFEAB] =	vst v4;
	v3 =	vld [tilespmem:s20+$0x1A9C0]  }
0x28a: {  	s25 =	simm.s32 $0x200;
	s26 =	simm.s32 $0x400;
	v4 =	vld [tilespmem:s20+$0x1A940];
	[tilespmem:s18+$0xFFFFFFC8] =	vst v1  }
0x28b: {  	s5 =	sand.u32 $0x1800, s26;
	s1 =	sand.u32 $0x300, s25;
	[tilespmem:s18+$0xFFFFFEFB] =	vst v2;
	v1 =	vld [tilespmem:s0+$0x1CD80]  }
0x28c: {  	s23 =	sor.u32 s1, s5;
	v2 =	vld [tilespmem:s0+$0x1CD00]  }
0x28d: {  	s1 =	simm.s32 $0x19A;
	v5 =	vld [tilespmem:s23+$0x1A980]  }
0x28e: {  	[tilespmem:s22+$0xFFFFFF88] =	vst v3;
	v6 =	vld [tilespmem:s23+$0x1A900];
	s28 =	sand.u32 $0x1FFE, s1  }
0x28f: {  	v3 =	vld [tilespmem:s20+$0x1C9C0];
	[tilespmem:s28+$0x3380] =	vst v4  }
0x290: {  	v4 =	vld [tilespmem:s20+$0x1C940];
	[tilespmem:s19+$0xFFFFFFC8] =	vst v1  }
0x291: {  	s13 =	simm.s32 $0x37F9;
	[tilespmem:s19+$0xFFFFFEFB] =	vst v2;
	v1 =	vld [tilespmem:s0+$0x1AD90]  }
0x292: {  	[tilespmem:s13+$0xFFFFFF48] =	vst v5;
	v2 =	vld [tilespmem:s0+$0x1AD10]  }
0x293: {  	[tilespmem:s13+$0xFFFFFE7B] =	vst v6;
	v5 =	vld [tilespmem:s23+$0x1C980]  }
0x294: {  	[tilespmem:s21+$0xFFFFFF88] =	vst v3;
	v6 =	vld [tilespmem:s23+$0x1C900]  }
0x295: {  	v3 =	vld [tilespmem:s20+$0x1A9D0];
	[tilespmem:s28+$0x9A00] =	vst v4  }
0x296: {  	v4 =	vld [tilespmem:s20+$0x1A950];
	[tilespmem:s18+$0xFFFFFFD8] =	vst v1  }
0x297: {  	s24 =	simm.s32 $0x9E79;
	[tilespmem:s18+$0xFFFFFF0B] =	vst v2;
	v1 =	vld [tilespmem:s0+$0x1CD90]  }
0x298: {  	[tilespmem:s24+$0xFFFFFF48] =	vst v5;
	v2 =	vld [tilespmem:s0+$0x1CD10]  }
0x299: {  	[tilespmem:s24+$0xFFFFFE7B] =	vst v6;
	v5 =	vld [tilespmem:s23+$0x1A990]  }
0x29a: {  	[tilespmem:s22+$0xFFFFFF98] =	vst v3;
	v6 =	vld [tilespmem:s23+$0x1A910]  }
0x29b: {  	v3 =	vld [tilespmem:s20+$0x1C9D0];
	[tilespmem:s22+$0xFFFFFECB] =	vst v4  }
0x29c: {  	v4 =	vld [tilespmem:s20+$0x1C950];
	[tilespmem:s19+$0xFFFFFFD8] =	vst v1  }
0x29d: {  	[tilespmem:s19+$0xFFFFFF0B] =	vst v2;
	v1 =	vld [tilespmem:s0+$0x1ADA0]  }
0x29e: {  	[tilespmem:s13+$0xFFFFFF58] =	vst v5;
	v2 =	vld [tilespmem:s0+$0x1AD20]  }
0x29f: {  	[tilespmem:s13+$0xFFFFFE8B] =	vst v6;
	v5 =	vld [tilespmem:s23+$0x1C990]  }
0x2a0: {  	[tilespmem:s21+$0xFFFFFF98] =	vst v3;
	v6 =	vld [tilespmem:s23+$0x1C910]  }
0x2a1: {  	v3 =	vld [tilespmem:s20+$0x1A9E0];
	[tilespmem:s21+$0xFFFFFECB] =	vst v4  }
0x2a2: {  	v4 =	vld [tilespmem:s20+$0x1A960];
	[tilespmem:s18+$0xFFFFFFE8] =	vst v1  }
0x2a3: {  	[tilespmem:s18+$0xFFFFFF1B] =	vst v2;
	v1 =	vld [tilespmem:s0+$0x1CDA0]  }
0x2a4: {  	[tilespmem:s24+$0xFFFFFF58] =	vst v5;
	v2 =	vld [tilespmem:s0+$0x1CD20]  }
0x2a5: {  	[tilespmem:s24+$0xFFFFFE8B] =	vst v6;
	v5 =	vld [tilespmem:s23+$0x1A9A0]  }
0x2a6: {  	[tilespmem:s22+$0xFFFFFFA8] =	vst v3;
	v6 =	vld [tilespmem:s23+$0x1A920]  }
0x2a7: {  	v3 =	vld [tilespmem:s20+$0x1C9E0];
	[tilespmem:s22+$0xFFFFFEDB] =	vst v4  }
0x2a8: {  	v4 =	vld [tilespmem:s20+$0x1C960];
	[tilespmem:s19+$0xFFFFFFE8] =	vst v1  }
0x2a9: {  	[tilespmem:s19+$0xFFFFFF1B] =	vst v2;
	v1 =	vld [tilespmem:s0+$0x1ADB0]  }
0x2aa: {  	[tilespmem:s13+$0xFFFFFF68] =	vst v5;
	v2 =	vld [tilespmem:s0+$0x1AD30]  }
0x2ab: {  	[tilespmem:s13+$0xFFFFFE9B] =	vst v6;
	v5 =	vld [tilespmem:s23+$0x1C9A0]  }
0x2ac: {  	[tilespmem:s21+$0xFFFFFFA8] =	vst v3;
	v6 =	vld [tilespmem:s23+$0x1C920]  }
0x2ad: {  	v3 =	vld [tilespmem:s20+$0x1A9F0];
	[tilespmem:s21+$0xFFFFFEDB] =	vst v4  }
0x2ae: {  	v4 =	vld [tilespmem:s20+$0x1A970];
	[tilespmem:s18+$0xFFFFFFF8] =	vst v1  }
0x2af: {  	[tilespmem:s18+$0xFFFFFF2B] =	vst v2;
	v1 =	vld [tilespmem:s0+$0x1CDB0]  }
0x2b0: {  	[tilespmem:s24+$0xFFFFFF68] =	vst v5;
	v2 =	vld [tilespmem:s0+$0x1CD30]  }
0x2b1: {  	[tilespmem:s24+$0xFFFFFE9B] =	vst v6;
	v5 =	vld [tilespmem:s23+$0x1A9B0]  }
0x2b2: {  	[tilespmem:s22+$0xFFFFFFB8] =	vst v3;
	v6 =	vld [tilespmem:s23+$0x1A930]  }
0x2b3: {  	v3 =	vld [tilespmem:s20+$0x1C9F0];
	[tilespmem:s22+$0xFFFFFEEB] =	vst v4  }
0x2b4: {  	v4 =	vld [tilespmem:s20+$0x1C970];
	[tilespmem:s19+$0xFFFFFFF8] =	vst v1  }
0x2b5: {  	[tilespmem:s19+$0xFFFFFF2B] =	vst v2;
	v1 =	vld [tilespmem:s0+$0x1ADB8]  }
0x2b6: {  	[tilespmem:s13+$0xFFFFFF78] =	vst v5;
	v2 =	vld [tilespmem:s0+$0x1AD38]  }
0x2b7: {  	[tilespmem:s13+$0xFFFFFEAB] =	vst v6;
	v5 =	vld [tilespmem:s23+$0x1C9B0]  }
0x2b8: {  	[tilespmem:s21+$0xFFFFFFB8] =	vst v3;
	v6 =	vld [tilespmem:s23+$0x1C930]  }
0x2b9: {  	v7 =	vld [tilespmem:s20+$0x1AD80];
	[tilespmem:s21+$0xFFFFFEEB] =	vst v4  }
0x2ba: {  	v3 =	vld [tilespmem:s20+$0x1AD00];
	[tilespmem:s18+$0x0] =	vst v1  }
0x2bb: {  	[tilespmem:s18+$0xFFFFFF33] =	vst v2;
	v1 =	vld [tilespmem:s0+$0x1CDB8]  }
0x2bc: {  	[tilespmem:s24+$0xFFFFFF78] =	vst v5;
	v2 =	vld [tilespmem:s0+$0x1CD38]  }
0x2bd: {  	s4 =	simm.s32 $0x300;
	[tilespmem:s24+$0xFFFFFEAB] =	vst v6;
	v4 =	vld [tilespmem:s23+$0x1A9C0]  }
0x2be: {  	s15 =	simm.s32 $0x37F9;
	s5 =	simm.s32 $0x600;
	[tilespmem:s22+$0xFFFFFFC8] =	vst v7;
	v5 =	vld [tilespmem:s23+$0x1A940];
	s0 =	simm.s32 $0x4  }
.LBB2_6:
0x2bf: {  	s6 =	sand.u32 $0x1800, s5;
	s9 =	sand.u32 $0x300, s4;
	s0 =	sadd.s32 $0x2, s0;
	[tilespmem:s22+$0xFFFFFEFB] =	vst v3;
	v3 =	vld [tilespmem:s20+$0x1CD80]  }
0x2c0: {  	s6 =	sor.u32 s9, s6;
	p0 =	slt.u32 s0, $0x1E;
	v6 =	vld [tilespmem:s20+$0x1CD00];
	[tilespmem:s19+$0x0] =	vst v1  }
0x2c1: {  	s1 =	sadd.s32 $0x19A, s1;
	v1 =	vld [tilespmem:s6+$0x1A980];
	[tilespmem:s19+$0xFFFFFF33] =	vst v2;
	s19 =	smov.u32 s21;
	s21 =	smov.u32 s24  }
0x2c2: {  	s9 =	sand.u32 $0x1FFE, s1;
	v2 =	vld [tilespmem:s6+$0x1A900];
	[tilespmem:s13+$0xFFFFFF88] =	vst v4  }
0x2c3: {  	[tilespmem:s9+$0x3380] =	vst v5;
	v4 =	vld [tilespmem:s23+$0x1C9C0]  }
0x2c4: {  	v5 =	vld [tilespmem:s23+$0x1C940];
	[tilespmem:s19+$0xFFFFFFC8] =	vst v3  }
0x2c5: {  	s13 =	sadd.s32 $0x19A, s13;
	[tilespmem:s19+$0xFFFFFEFB] =	vst v6;
	v3 =	vld [tilespmem:s20+$0x1AD90]  }
0x2c6: {  	[tilespmem:s13+$0xFFFFFF48] =	vst v1;
	v1 =	vld [tilespmem:s20+$0x1AD10]  }
0x2c7: {  	[tilespmem:s13+$0xFFFFFE7B] =	vst v2;
	v2 =	vld [tilespmem:s6+$0x1C980]  }
0x2c8: {  	v6 =	vld [tilespmem:s6+$0x1C900];
	[tilespmem:s24+$0xFFFFFF88] =	vst v4  }
0x2c9: {  	[tilespmem:s9+$0x9A00] =	vst v5;
	v4 =	vld [tilespmem:s23+$0x1A9D0]  }
0x2ca: {  	v5 =	vld [tilespmem:s23+$0x1A950];
	[tilespmem:s22+$0xFFFFFFD8] =	vst v3  }
0x2cb: {  	s24 =	sadd.s32 $0x19A, s24;
	[tilespmem:s22+$0xFFFFFF0B] =	vst v1;
	v1 =	vld [tilespmem:s20+$0x1CD90]  }
0x2cc: {  	[tilespmem:s24+$0xFFFFFF48] =	vst v2;
	v2 =	vld [tilespmem:s20+$0x1CD10]  }
0x2cd: {  	[tilespmem:s24+$0xFFFFFE7B] =	vst v6;
	v3 =	vld [tilespmem:s6+$0x1A990]  }
0x2ce: {  	v6 =	vld [tilespmem:s6+$0x1A910];
	[tilespmem:s15+$0xFFFFFF98] =	vst v4  }
0x2cf: {  	[tilespmem:s15+$0xFFFFFECB] =	vst v5;
	v4 =	vld [tilespmem:s23+$0x1C9D0]  }
0x2d0: {  	v5 =	vld [tilespmem:s23+$0x1C950];
	[tilespmem:s19+$0xFFFFFFD8] =	vst v1  }
0x2d1: {  	[tilespmem:s19+$0xFFFFFF0B] =	vst v2;
	v1 =	vld [tilespmem:s20+$0x1ADA0]  }
0x2d2: {  	[tilespmem:s13+$0xFFFFFF58] =	vst v3;
	v2 =	vld [tilespmem:s20+$0x1AD20]  }
0x2d3: {  	[tilespmem:s13+$0xFFFFFE8B] =	vst v6;
	v3 =	vld [tilespmem:s6+$0x1C990]  }
0x2d4: {  	v6 =	vld [tilespmem:s6+$0x1C910];
	[tilespmem:s21+$0xFFFFFF98] =	vst v4  }
0x2d5: {  	[tilespmem:s21+$0xFFFFFECB] =	vst v5;
	v4 =	vld [tilespmem:s23+$0x1A9E0]  }
0x2d6: {  	v5 =	vld [tilespmem:s23+$0x1A960];
	[tilespmem:s22+$0xFFFFFFE8] =	vst v1  }
0x2d7: {  	[tilespmem:s22+$0xFFFFFF1B] =	vst v2;
	v1 =	vld [tilespmem:s20+$0x1CDA0]  }
0x2d8: {  	[tilespmem:s24+$0xFFFFFF58] =	vst v3;
	v2 =	vld [tilespmem:s20+$0x1CD20]  }
0x2d9: {  	[tilespmem:s24+$0xFFFFFE8B] =	vst v6;
	v3 =	vld [tilespmem:s6+$0x1A9A0]  }
0x2da: {  	v6 =	vld [tilespmem:s6+$0x1A920];
	[tilespmem:s15+$0xFFFFFFA8] =	vst v4  }
0x2db: {  	[tilespmem:s15+$0xFFFFFEDB] =	vst v5;
	v4 =	vld [tilespmem:s23+$0x1C9E0]  }
0x2dc: {  	v5 =	vld [tilespmem:s23+$0x1C960];
	[tilespmem:s19+$0xFFFFFFE8] =	vst v1  }
0x2dd: {  	[tilespmem:s19+$0xFFFFFF1B] =	vst v2;
	v1 =	vld [tilespmem:s20+$0x1ADB0]  }
0x2de: {  	[tilespmem:s13+$0xFFFFFF68] =	vst v3;
	v2 =	vld [tilespmem:s20+$0x1AD30]  }
0x2df: {  	[tilespmem:s13+$0xFFFFFE9B] =	vst v6;
	v3 =	vld [tilespmem:s6+$0x1C9A0]  }
0x2e0: {  	v6 =	vld [tilespmem:s6+$0x1C920];
	[tilespmem:s21+$0xFFFFFFA8] =	vst v4  }
0x2e1: {  	[tilespmem:s21+$0xFFFFFEDB] =	vst v5;
	v4 =	vld [tilespmem:s23+$0x1A9F0]  }
0x2e2: {  	v5 =	vld [tilespmem:s23+$0x1A970];
	[tilespmem:s22+$0xFFFFFFF8] =	vst v1  }
0x2e3: {  	[tilespmem:s22+$0xFFFFFF2B] =	vst v2;
	v1 =	vld [tilespmem:s20+$0x1CDB0]  }
0x2e4: {  	[tilespmem:s24+$0xFFFFFF68] =	vst v3;
	v2 =	vld [tilespmem:s20+$0x1CD30]  }
0x2e5: {  	[tilespmem:s24+$0xFFFFFE9B] =	vst v6;
	v3 =	vld [tilespmem:s6+$0x1A9B0]  }
0x2e6: {  	v6 =	vld [tilespmem:s6+$0x1A930];
	[tilespmem:s15+$0xFFFFFFB8] =	vst v4  }
0x2e7: {  	[tilespmem:s15+$0xFFFFFEEB] =	vst v5;
	v4 =	vld [tilespmem:s23+$0x1C9F0]  }
0x2e8: {  	v5 =	vld [tilespmem:s23+$0x1C970];
	[tilespmem:s19+$0xFFFFFFF8] =	vst v1  }
0x2e9: {  	[tilespmem:s19+$0xFFFFFF2B] =	vst v2;
	v1 =	vld [tilespmem:s20+$0x1ADB8]  }
0x2ea: {  	[tilespmem:s13+$0xFFFFFF78] =	vst v3;
	v2 =	vld [tilespmem:s20+$0x1AD38]  }
0x2eb: {  	[tilespmem:s13+$0xFFFFFEAB] =	vst v6;
	v6 =	vld [tilespmem:s6+$0x1C9B0]  }
0x2ec: {  	v7 =	vld [tilespmem:s6+$0x1C930];
	[tilespmem:s21+$0xFFFFFFB8] =	vst v4  }
0x2ed: {  	[tilespmem:s21+$0xFFFFFEEB] =	vst v5;
	v8 =	vld [tilespmem:s23+$0x1AD80]  }
.Ltmp2:
0x2ee: {  	v3 =	vld [tilespmem:s23+$0x1AD00];
	[tilespmem:s22+$0x0] =	vst v1;
	(pc) =	sbr.rel @p0 .LBB2_6-.Ltmp2, $4  }
0x2ef: {  	[tilespmem:s22+$0xFFFFFF33] =	vst v2;
	v1 =	vld [tilespmem:s20+$0x1CDB8];
	s22 =	smov.u32 s15;
	s15 =	smov.u32 s13  }
0x2f0: {  	[tilespmem:s24+$0xFFFFFF78] =	vst v6;
	v2 =	vld [tilespmem:s20+$0x1CD38];
	s20 =	smov.u32 s23;
	s23 =	smov.u32 s6  }
0x2f1: {  	[tilespmem:s24+$0xFFFFFEAB] =	vst v7;
	v4 =	vld [tilespmem:s23+$0x1A9C0]  }
0x2f2: {  	s4 =	sadd.s32 $0x100, s4;
	s5 =	sadd.s32 $0x200, s5;
	v5 =	vld [tilespmem:s23+$0x1A940];
	[tilespmem:s22+$0xFFFFFFC8] =	vst v8  }
0x2f3: {  	_ =	sdelay $0x1  }
0x2f4: {  	s0 =	sadd.s32 $0x19A, s1  }
0x2f5: {  	s0 =	sand.u32 $0x1FFE, s0;
	[tilespmem:s13+$0xFFFFFF88] =	vst v4  }
0x2f6: {  	[tilespmem:s0+$0x3380] =	vst v5;
	v4 =	vld [tilespmem:s23+$0x1C9C0]  }
0x2f7: {  	v5 =	vld [tilespmem:s23+$0x1C940];
	_ =	sdelay $0x3  }
0x2f8: {  	[tilespmem:s24+$0xFFFFFF88] =	vst v4  }
0x2f9: {  	[tilespmem:s0+$0x9A00] =	vst v5;
	v4 =	vld [tilespmem:s23+$0x1A9D0]  }
0x2fa: {  	v5 =	vld [tilespmem:s23+$0x1A950];
	_ =	sdelay $0x3  }
0x2fb: {  	[tilespmem:s15+$0xFFFFFF98] =	vst v4  }
0x2fc: {  	[tilespmem:s15+$0xFFFFFECB] =	vst v5;
	v4 =	vld [tilespmem:s23+$0x1C9D0]  }
0x2fd: {  	v5 =	vld [tilespmem:s23+$0x1C950];
	_ =	sdelay $0x3  }
0x2fe: {  	[tilespmem:s24+$0xFFFFFF98] =	vst v4  }
0x2ff: {  	[tilespmem:s24+$0xFFFFFECB] =	vst v5;
	v4 =	vld [tilespmem:s23+$0x1A9E0]  }
0x300: {  	v5 =	vld [tilespmem:s23+$0x1A960];
	_ =	sdelay $0x3  }
0x301: {  	[tilespmem:s15+$0xFFFFFFA8] =	vst v4  }
0x302: {  	[tilespmem:s15+$0xFFFFFEDB] =	vst v5;
	v4 =	vld [tilespmem:s23+$0x1C9E0]  }
0x303: {  	v5 =	vld [tilespmem:s23+$0x1C960];
	_ =	sdelay $0x3  }
0x304: {  	[tilespmem:s24+$0xFFFFFFA8] =	vst v4  }
0x305: {  	[tilespmem:s24+$0xFFFFFEDB] =	vst v5;
	v4 =	vld [tilespmem:s23+$0x1A9F0]  }
0x306: {  	v5 =	vld [tilespmem:s23+$0x1A970];
	_ =	sdelay $0x3  }
0x307: {  	[tilespmem:s15+$0xFFFFFFB8] =	vst v4  }
0x308: {  	[tilespmem:s15+$0xFFFFFEEB] =	vst v5;
	v4 =	vld [tilespmem:s23+$0x1C9F0]  }
0x309: {  	v5 =	vld [tilespmem:s23+$0x1C970];
	_ =	sdelay $0x3  }
0x30a: {  	[tilespmem:s24+$0xFFFFFFB8] =	vst v4  }
0x30b: {  	[tilespmem:s24+$0xFFFFFEEB] =	vst v5;
	v4 =	vld [tilespmem:s23+$0x1AD80]  }
0x30c: {  	v5 =	vld [tilespmem:s23+$0x1AD00];
	_ =	sdelay $0x2  }
0x30d: {  	[tilespmem:s22+$0xFFFFFEFB] =	vst v3;
	v3 =	vld [tilespmem:s20+$0x1CD80]  }
0x30e: {  	v6 =	vld [tilespmem:s20+$0x1CD00];
	[tilespmem:s15+$0xFFFFFFC8] =	vst v4  }
0x30f: {  	[tilespmem:s15+$0xFFFFFEFB] =	vst v5;
	v4 =	vld [tilespmem:s23+$0x1CD80]  }
0x310: {  	v5 =	vld [tilespmem:s23+$0x1CD00];
	_ =	sdelay $0x1  }
0x311: {  	[tilespmem:s21+$0xFFFFFFC8] =	vst v3  }
0x312: {  	[tilespmem:s21+$0xFFFFFEFB] =	vst v6;
	v3 =	vld [tilespmem:s20+$0x1AD90]  }
0x313: {  	v6 =	vld [tilespmem:s20+$0x1AD10];
	[tilespmem:s24+$0xFFFFFFC8] =	vst v4  }
0x314: {  	[tilespmem:s24+$0xFFFFFEFB] =	vst v5;
	v4 =	vld [tilespmem:s23+$0x1AD90]  }
0x315: {  	v5 =	vld [tilespmem:s23+$0x1AD10];
	_ =	sdelay $0x1  }
0x316: {  	[tilespmem:s22+$0xFFFFFFD8] =	vst v3  }
0x317: {  	[tilespmem:s22+$0xFFFFFF0B] =	vst v6;
	v3 =	vld [tilespmem:s20+$0x1CD90]  }
0x318: {  	v6 =	vld [tilespmem:s20+$0x1CD10];
	[tilespmem:s15+$0xFFFFFFD8] =	vst v4  }
0x319: {  	[tilespmem:s15+$0xFFFFFF0B] =	vst v5;
	v4 =	vld [tilespmem:s23+$0x1CD90]  }
0x31a: {  	v5 =	vld [tilespmem:s23+$0x1CD10];
	_ =	sdelay $0x1  }
0x31b: {  	[tilespmem:s21+$0xFFFFFFD8] =	vst v3  }
0x31c: {  	[tilespmem:s21+$0xFFFFFF0B] =	vst v6;
	v3 =	vld [tilespmem:s20+$0x1ADA0]  }
0x31d: {  	v6 =	vld [tilespmem:s20+$0x1AD20];
	[tilespmem:s24+$0xFFFFFFD8] =	vst v4  }
0x31e: {  	[tilespmem:s24+$0xFFFFFF0B] =	vst v5;
	v4 =	vld [tilespmem:s23+$0x1ADA0]  }
0x31f: {  	v5 =	vld [tilespmem:s23+$0x1AD20];
	_ =	sdelay $0x1  }
0x320: {  	[tilespmem:s22+$0xFFFFFFE8] =	vst v3  }
0x321: {  	[tilespmem:s22+$0xFFFFFF1B] =	vst v6;
	v3 =	vld [tilespmem:s20+$0x1CDA0]  }
0x322: {  	v6 =	vld [tilespmem:s20+$0x1CD20];
	[tilespmem:s15+$0xFFFFFFE8] =	vst v4  }
0x323: {  	[tilespmem:s15+$0xFFFFFF1B] =	vst v5;
	v4 =	vld [tilespmem:s23+$0x1CDA0]  }
0x324: {  	v5 =	vld [tilespmem:s23+$0x1CD20];
	_ =	sdelay $0x1  }
0x325: {  	[tilespmem:s21+$0xFFFFFFE8] =	vst v3  }
0x326: {  	[tilespmem:s21+$0xFFFFFF1B] =	vst v6;
	v3 =	vld [tilespmem:s20+$0x1ADB0]  }
0x327: {  	v6 =	vld [tilespmem:s20+$0x1AD30];
	[tilespmem:s24+$0xFFFFFFE8] =	vst v4  }
0x328: {  	[tilespmem:s24+$0xFFFFFF1B] =	vst v5;
	v4 =	vld [tilespmem:s23+$0x1ADB0]  }
0x329: {  	v5 =	vld [tilespmem:s23+$0x1AD30];
	_ =	sdelay $0x1  }
0x32a: {  	[tilespmem:s22+$0xFFFFFFF8] =	vst v3  }
0x32b: {  	[tilespmem:s22+$0xFFFFFF2B] =	vst v6;
	v3 =	vld [tilespmem:s20+$0x1CDB0]  }
0x32c: {  	v6 =	vld [tilespmem:s20+$0x1CD30];
	[tilespmem:s15+$0xFFFFFFF8] =	vst v4  }
0x32d: {  	[tilespmem:s15+$0xFFFFFF2B] =	vst v5;
	v4 =	vld [tilespmem:s23+$0x1CDB0]  }
0x32e: {  	v5 =	vld [tilespmem:s23+$0x1CD30];
	_ =	sdelay $0x1  }
0x32f: {  	[tilespmem:s21+$0xFFFFFFF8] =	vst v3  }
0x330: {  	[tilespmem:s21+$0xFFFFFF2B] =	vst v6;
	v3 =	vld [tilespmem:s20+$0x1ADB8]  }
0x331: {  	v6 =	vld [tilespmem:s20+$0x1AD38];
	[tilespmem:s24+$0xFFFFFFF8] =	vst v4  }
0x332: {  	[tilespmem:s24+$0xFFFFFF2B] =	vst v5;
	v4 =	vld [tilespmem:s23+$0x1ADB8]  }
0x333: {  	v5 =	vld [tilespmem:s23+$0x1AD38];
	_ =	sdelay $0x1  }
0x334: {  	[tilespmem:s22+$0x0] =	vst v3  }
0x335: {  	[tilespmem:s22+$0xFFFFFF33] =	vst v6;
	v3 =	vld [tilespmem:s20+$0x1CDB8]  }
0x336: {  	v6 =	vld [tilespmem:s20+$0x1CD38];
	[tilespmem:s15+$0x0] =	vst v4  }
0x337: {  	[tilespmem:s15+$0xFFFFFF33] =	vst v5;
	v4 =	vld [tilespmem:s23+$0x1CDB8]  }
0x338: {  	[tilespmem:s19+$0x0] =	vst v1;
	v1 =	vld [tilespmem:s23+$0x1CD38]  }
0x339: {  	[tilespmem:s19+$0xFFFFFF33] =	vst v2  }
0x33a: {  	[tilespmem:s21+$0x0] =	vst v3  }
0x33b: {  	[tilespmem:s21+$0xFFFFFF33] =	vst v6  }
0x33c: {  	[tilespmem:s24+$0x0] =	vst v4  }
0x33d: {  	[tilespmem:s24+$0xFFFFFF33] =	vst v1  }
0x33e: {  	s12 =	simm.s32 $0x0;
	s13 =	rddreg [dreg:$0xe]  }
0x33f: {  	[tilespmem:s8], [sflag:$0x3] =	stream.linear.gather [hbm4b:s13+s12], $0x2000, $0x38;
	[tilespmem:$0x1E900] =	vst v63  }
0x340: {  	s15 =	rddreg [dreg:$0xf]  }
0x341: {  	[tilespmem:s16], [sflag:$0x4] =	stream.linear.gather [hbm4b:s15+s12], $0x2000, $0x38;
	[tilespmem:$0x1E900] =	vst v63  }
0x342: {  	_ =	swait.ge [sflag:s7], $0x2000  }
0x343: {  	[sflag:s7] =	ssyncset.done $0x0  }
0x344: {  	[sflag:s7] =	ssyncadd.s32 $0xFFFFE000  }
0x345: {  	_ =	swait.ge [sflag:s17], $0x2000  }
0x346: {  	s4 =	sand.u32 $0x300, s12;
	s16 =	sand.u32 $0x1800, s12;
	[sflag:s17] =	ssyncset.done $0x0  }
0x347: {  	s1 =	sor.u32 s4, s16;
	[sflag:s17] =	ssyncadd.s32 $0xFFFFE000  }
0x348: {  	v1 =	vld [tilespmem:s1+$0x1A980]  }
0x349: {  	v2 =	vld [tilespmem:s1+$0x1A900];
	_ =	sdelay $0x2  }
0x34a: {  	s19 =	simm.s32 $0x0  }
0x34b: {  	[tilespmem:s19+$0x4DAD] =	vst v1  }
0x34c: {  	[tilespmem:s19+$0x4CE0] =	vst v2;
	v1 =	vld [tilespmem:s1+$0x1C980]  }
0x34d: {  	v2 =	vld [tilespmem:s1+$0x1C900];
	_ =	sdelay $0x3  }
0x34e: {  	[tilespmem:s19+$0xB42D] =	vst v1  }
0x34f: {  	[tilespmem:s19+$0xB360] =	vst v2;
	v1 =	vld [tilespmem:s1+$0x1A990]  }
0x350: {  	v2 =	vld [tilespmem:s1+$0x1A910];
	_ =	sdelay $0x3  }
0x351: {  	[tilespmem:s19+$0x4DBD] =	vst v1  }
0x352: {  	[tilespmem:s19+$0x4CF0] =	vst v2;
	v1 =	vld [tilespmem:s1+$0x1C990]  }
0x353: {  	v2 =	vld [tilespmem:s1+$0x1C910];
	_ =	sdelay $0x3  }
0x354: {  	[tilespmem:s19+$0xB43D] =	vst v1  }
0x355: {  	[tilespmem:s19+$0xB370] =	vst v2;
	v1 =	vld [tilespmem:s1+$0x1A9A0]  }
0x356: {  	v2 =	vld [tilespmem:s1+$0x1A920];
	_ =	sdelay $0x3  }
0x357: {  	s18 =	sand.u32 $0x1FFE, s12;
	[tilespmem:s19+$0x4DCD] =	vst v1  }
0x358: {  	[tilespmem:s18+$0x4D00] =	vst v2;
	v1 =	vld [tilespmem:s1+$0x1C9A0]  }
0x359: {  	v2 =	vld [tilespmem:s1+$0x1C920];
	_ =	sdelay $0x3  }
0x35a: {  	[tilespmem:s19+$0xB44D] =	vst v1  }
0x35b: {  	[tilespmem:s18+$0xB380] =	vst v2;
	v1 =	vld [tilespmem:s1+$0x1A9B0]  }
0x35c: {  	v2 =	vld [tilespmem:s1+$0x1A930];
	_ =	sdelay $0x3  }
0x35d: {  	[tilespmem:s19+$0x4DDD] =	vst v1  }
0x35e: {  	[tilespmem:s19+$0x4D10] =	vst v2;
	v1 =	vld [tilespmem:s1+$0x1C9B0]  }
0x35f: {  	v2 =	vld [tilespmem:s1+$0x1C930];
	_ =	sdelay $0x3  }
0x360: {  	[tilespmem:s19+$0xB45D] =	vst v1  }
0x361: {  	[tilespmem:s19+$0xB390] =	vst v2;
	v1 =	vld [tilespmem:s1+$0x1A9C0]  }
0x362: {  	s5 =	simm.s32 $0x200;
	s24 =	simm.s32 $0x100;
	v2 =	vld [tilespmem:s1+$0x1A940]  }
0x363: {  	s5 =	sand.u32 $0x1800, s5;
	s0 =	sand.u32 $0x300, s24  }
0x364: {  	s21 =	sor.u32 s0, s5  }
0x365: {  	v3 =	vld [tilespmem:s21+$0x1A980]  }
0x366: {  	v4 =	vld [tilespmem:s21+$0x1A900];
	[tilespmem:s19+$0x4DED] =	vst v1  }
0x367: {  	[tilespmem:s19+$0x4D20] =	vst v2;
	v1 =	vld [tilespmem:s1+$0x1C9C0]  }
0x368: {  	v2 =	vld [tilespmem:s1+$0x1C940]  }
0x369: {  	s20 =	simm.s32 $0x19A  }
0x36a: {  	[tilespmem:s20+$0x4DAD] =	vst v3  }
0x36b: {  	[tilespmem:s20+$0x4CE0] =	vst v4;
	v3 =	vld [tilespmem:s21+$0x1C980]  }
0x36c: {  	v4 =	vld [tilespmem:s21+$0x1C900];
	[tilespmem:s19+$0xB46D] =	vst v1  }
0x36d: {  	[tilespmem:s19+$0xB3A0] =	vst v2;
	v1 =	vld [tilespmem:s1+$0x1A9D0]  }
0x36e: {  	v2 =	vld [tilespmem:s1+$0x1A950];
	_ =	sdelay $0x1  }
0x36f: {  	[tilespmem:s20+$0xB42D] =	vst v3  }
0x370: {  	[tilespmem:s20+$0xB360] =	vst v4;
	v3 =	vld [tilespmem:s21+$0x1A990]  }
0x371: {  	v4 =	vld [tilespmem:s21+$0x1A910];
	[tilespmem:s19+$0x4DFD] =	vst v1  }
0x372: {  	[tilespmem:s19+$0x4D30] =	vst v2;
	v1 =	vld [tilespmem:s1+$0x1C9D0]  }
0x373: {  	v2 =	vld [tilespmem:s1+$0x1C950];
	_ =	sdelay $0x1  }
0x374: {  	[tilespmem:s20+$0x4DBD] =	vst v3  }
0x375: {  	[tilespmem:s20+$0x4CF0] =	vst v4;
	v3 =	vld [tilespmem:s21+$0x1C990]  }
0x376: {  	v4 =	vld [tilespmem:s21+$0x1C910];
	[tilespmem:s19+$0xB47D] =	vst v1  }
0x377: {  	[tilespmem:s19+$0xB3B0] =	vst v2;
	v1 =	vld [tilespmem:s1+$0x1A9E0]  }
0x378: {  	v2 =	vld [tilespmem:s1+$0x1A960];
	_ =	sdelay $0x1  }
0x379: {  	[tilespmem:s20+$0xB43D] =	vst v3  }
0x37a: {  	[tilespmem:s20+$0xB370] =	vst v4;
	v3 =	vld [tilespmem:s21+$0x1A9A0]  }
0x37b: {  	v4 =	vld [tilespmem:s21+$0x1A920];
	[tilespmem:s19+$0x4E0D] =	vst v1  }
0x37c: {  	[tilespmem:s19+$0x4D40] =	vst v2;
	v1 =	vld [tilespmem:s1+$0x1C9E0]  }
0x37d: {  	v2 =	vld [tilespmem:s1+$0x1C960]  }
0x37e: {  	s25 =	simm.s32 $0x19A  }
0x37f: {  	s22 =	sand.u32 $0x1FFE, s25;
	[tilespmem:s20+$0x4DCD] =	vst v3  }
0x380: {  	[tilespmem:s22+$0x4D00] =	vst v4;
	v3 =	vld [tilespmem:s21+$0x1C9A0]  }
0x381: {  	v4 =	vld [tilespmem:s21+$0x1C920];
	[tilespmem:s19+$0xB48D] =	vst v1  }
0x382: {  	[tilespmem:s19+$0xB3C0] =	vst v2;
	v1 =	vld [tilespmem:s1+$0x1A9F0]  }
0x383: {  	v2 =	vld [tilespmem:s1+$0x1A970];
	_ =	sdelay $0x1  }
0x384: {  	[tilespmem:s20+$0xB44D] =	vst v3  }
0x385: {  	[tilespmem:s22+$0xB380] =	vst v4;
	v3 =	vld [tilespmem:s21+$0x1A9B0]  }
0x386: {  	v4 =	vld [tilespmem:s21+$0x1A930];
	[tilespmem:s19+$0x4E1D] =	vst v1  }
0x387: {  	[tilespmem:s19+$0x4D50] =	vst v2;
	v1 =	vld [tilespmem:s1+$0x1C9F0]  }
0x388: {  	v2 =	vld [tilespmem:s1+$0x1C970];
	_ =	sdelay $0x1  }
0x389: {  	[tilespmem:s20+$0x4DDD] =	vst v3  }
0x38a: {  	[tilespmem:s20+$0x4D10] =	vst v4;
	v3 =	vld [tilespmem:s21+$0x1C9B0]  }
0x38b: {  	v4 =	vld [tilespmem:s21+$0x1C930];
	[tilespmem:s19+$0xB49D] =	vst v1  }
0x38c: {  	[tilespmem:s19+$0xB3D0] =	vst v2;
	v1 =	vld [tilespmem:s1+$0x1AD80]  }
0x38d: {  	v2 =	vld [tilespmem:s1+$0x1AD00];
	_ =	sdelay $0x1  }
0x38e: {  	[tilespmem:s20+$0xB45D] =	vst v3  }
0x38f: {  	[tilespmem:s20+$0xB390] =	vst v4;
	v3 =	vld [tilespmem:s21+$0x1A9C0]  }
0x390: {  	s26 =	simm.s32 $0x200;
	s28 =	simm.s32 $0x400;
	v4 =	vld [tilespmem:s21+$0x1A940];
	[tilespmem:s19+$0x4E2D] =	vst v1  }
0x391: {  	s5 =	sand.u32 $0x1800, s28;
	s0 =	sand.u32 $0x300, s26;
	[tilespmem:s19+$0x4D60] =	vst v2;
	v1 =	vld [tilespmem:s1+$0x1CD80]  }
0x392: {  	s23 =	sor.u32 s0, s5;
	v2 =	vld [tilespmem:s1+$0x1CD00]  }
0x393: {  	v5 =	vld [tilespmem:s23+$0x1A980]  }
0x394: {  	v6 =	vld [tilespmem:s23+$0x1A900];
	[tilespmem:s20+$0x4DED] =	vst v3  }
0x395: {  	[tilespmem:s20+$0x4D20] =	vst v4;
	v3 =	vld [tilespmem:s21+$0x1C9C0]  }
0x396: {  	v4 =	vld [tilespmem:s21+$0x1C940];
	[tilespmem:s19+$0xB4AD] =	vst v1  }
0x397: {  	s24 =	simm.s32 $0x334;
	[tilespmem:s19+$0xB3E0] =	vst v2;
	v1 =	vld [tilespmem:s1+$0x1AD90]  }
0x398: {  	[tilespmem:s24+$0x4DAD] =	vst v5;
	v2 =	vld [tilespmem:s1+$0x1AD10]  }
0x399: {  	[tilespmem:s24+$0x4CE0] =	vst v6;
	v5 =	vld [tilespmem:s23+$0x1C980]  }
0x39a: {  	v6 =	vld [tilespmem:s23+$0x1C900];
	[tilespmem:s20+$0xB46D] =	vst v3  }
0x39b: {  	[tilespmem:s20+$0xB3A0] =	vst v4;
	v3 =	vld [tilespmem:s21+$0x1A9D0]  }
0x39c: {  	v4 =	vld [tilespmem:s21+$0x1A950];
	[tilespmem:s19+$0x4E3D] =	vst v1  }
0x39d: {  	[tilespmem:s19+$0x4D70] =	vst v2;
	v1 =	vld [tilespmem:s1+$0x1CD90]  }
0x39e: {  	[tilespmem:s24+$0xB42D] =	vst v5;
	v2 =	vld [tilespmem:s1+$0x1CD10]  }
0x39f: {  	[tilespmem:s24+$0xB360] =	vst v6;
	v5 =	vld [tilespmem:s23+$0x1A990]  }
0x3a0: {  	v6 =	vld [tilespmem:s23+$0x1A910];
	[tilespmem:s20+$0x4DFD] =	vst v3  }
0x3a1: {  	[tilespmem:s20+$0x4D30] =	vst v4;
	v3 =	vld [tilespmem:s21+$0x1C9D0]  }
0x3a2: {  	v4 =	vld [tilespmem:s21+$0x1C950];
	[tilespmem:s19+$0xB4BD] =	vst v1  }
0x3a3: {  	[tilespmem:s19+$0xB3F0] =	vst v2;
	v1 =	vld [tilespmem:s1+$0x1ADA0]  }
0x3a4: {  	[tilespmem:s24+$0x4DBD] =	vst v5;
	v2 =	vld [tilespmem:s1+$0x1AD20]  }
0x3a5: {  	[tilespmem:s24+$0x4CF0] =	vst v6;
	v5 =	vld [tilespmem:s23+$0x1C990]  }
0x3a6: {  	v6 =	vld [tilespmem:s23+$0x1C910];
	[tilespmem:s20+$0xB47D] =	vst v3  }
0x3a7: {  	[tilespmem:s20+$0xB3B0] =	vst v4;
	v3 =	vld [tilespmem:s21+$0x1A9E0]  }
0x3a8: {  	v4 =	vld [tilespmem:s21+$0x1A960];
	[tilespmem:s19+$0x4E4D] =	vst v1  }
0x3a9: {  	[tilespmem:s18+$0x4D80] =	vst v2;
	v1 =	vld [tilespmem:s1+$0x1CDA0]  }
0x3aa: {  	[tilespmem:s24+$0xB43D] =	vst v5;
	v2 =	vld [tilespmem:s1+$0x1CD20]  }
0x3ab: {  	[tilespmem:s24+$0xB370] =	vst v6;
	v5 =	vld [tilespmem:s23+$0x1A9A0]  }
0x3ac: {  	v6 =	vld [tilespmem:s23+$0x1A920];
	[tilespmem:s20+$0x4E0D] =	vst v3  }
0x3ad: {  	[tilespmem:s20+$0x4D40] =	vst v4;
	v3 =	vld [tilespmem:s21+$0x1C9E0]  }
0x3ae: {  	v4 =	vld [tilespmem:s21+$0x1C960];
	[tilespmem:s19+$0xB4CD] =	vst v1  }
0x3af: {  	s0 =	simm.s32 $0x334;
	[tilespmem:s18+$0xB400] =	vst v2;
	v1 =	vld [tilespmem:s1+$0x1ADB0]  }
0x3b0: {  	s15 =	sand.u32 $0x1FFE, s0;
	[tilespmem:s24+$0x4DCD] =	vst v5;
	v2 =	vld [tilespmem:s1+$0x1AD30]  }
0x3b1: {  	[tilespmem:s15+$0x4D00] =	vst v6;
	v5 =	vld [tilespmem:s23+$0x1C9A0]  }
0x3b2: {  	v6 =	vld [tilespmem:s23+$0x1C920];
	[tilespmem:s20+$0xB48D] =	vst v3  }
0x3b3: {  	[tilespmem:s20+$0xB3C0] =	vst v4;
	v3 =	vld [tilespmem:s21+$0x1A9F0]  }
0x3b4: {  	v4 =	vld [tilespmem:s21+$0x1A970];
	[tilespmem:s19+$0x4E5D] =	vst v1  }
0x3b5: {  	[tilespmem:s19+$0x4D90] =	vst v2;
	v1 =	vld [tilespmem:s1+$0x1CDB0]  }
0x3b6: {  	[tilespmem:s24+$0xB44D] =	vst v5;
	v2 =	vld [tilespmem:s1+$0x1CD30]  }
0x3b7: {  	[tilespmem:s15+$0xB380] =	vst v6;
	v5 =	vld [tilespmem:s23+$0x1A9B0]  }
0x3b8: {  	v6 =	vld [tilespmem:s23+$0x1A930];
	[tilespmem:s20+$0x4E1D] =	vst v3  }
0x3b9: {  	[tilespmem:s20+$0x4D50] =	vst v4;
	v3 =	vld [tilespmem:s21+$0x1C9F0]  }
0x3ba: {  	v4 =	vld [tilespmem:s21+$0x1C970];
	[tilespmem:s19+$0xB4DD] =	vst v1  }
0x3bb: {  	[tilespmem:s19+$0xB410] =	vst v2;
	v1 =	vld [tilespmem:s1+$0x1ADB8]  }
0x3bc: {  	[tilespmem:s24+$0x4DDD] =	vst v5;
	v2 =	vld [tilespmem:s1+$0x1AD38]  }
0x3bd: {  	[tilespmem:s24+$0x4D10] =	vst v6;
	v5 =	vld [tilespmem:s23+$0x1C9B0]  }
0x3be: {  	v6 =	vld [tilespmem:s23+$0x1C930];
	[tilespmem:s20+$0xB49D] =	vst v3  }
0x3bf: {  	[tilespmem:s20+$0xB3D0] =	vst v4;
	v7 =	vld [tilespmem:s21+$0x1AD80]  }
0x3c0: {  	v3 =	vld [tilespmem:s21+$0x1AD00];
	[tilespmem:s19+$0x4E65] =	vst v1  }
0x3c1: {  	[tilespmem:s19+$0x4D98] =	vst v2;
	v1 =	vld [tilespmem:s1+$0x1CDB8]  }
0x3c2: {  	[tilespmem:s24+$0xB45D] =	vst v5;
	v2 =	vld [tilespmem:s1+$0x1CD38]  }
0x3c3: {  	s6 =	simm.s32 $0x600;
	[tilespmem:s24+$0xB390] =	vst v6;
	v4 =	vld [tilespmem:s23+$0x1A9C0]  }
0x3c4: {  	s5 =	simm.s32 $0x300;
	s4 =	simm.s32 $0xCD0;
	v5 =	vld [tilespmem:s23+$0x1A940];
	[tilespmem:s20+$0x4E2D] =	vst v7;
	s1 =	simm.s32 $0x4  }
.LBB2_8:
0x3c5: {  	s9 =	sand.u32 $0x1800, s6;
	s11 =	sand.u32 $0x300, s5;
	s1 =	sadd.s32 $0x2, s1;
	[tilespmem:s20+$0x4D60] =	vst v3;
	v3 =	vld [tilespmem:s21+$0x1CD80]  }
0x3c6: {  	s13 =	sor.u32 s11, s9;
	p0 =	slt.u32 s1, $0x1E;
	v6 =	vld [tilespmem:s21+$0x1CD00];
	[tilespmem:s19+$0xB4E5] =	vst v1  }
0x3c7: {  	v1 =	vld [tilespmem:s13+$0x1A980];
	[tilespmem:s19+$0xB418] =	vst v2;
	s19 =	smov.u32 s20;
	s20 =	smov.u32 s24  }
0x3c8: {  	v2 =	vld [tilespmem:s13+$0x1A900];
	[tilespmem:s20+$0x4DED] =	vst v4  }
0x3c9: {  	[tilespmem:s20+$0x4D20] =	vst v5;
	v4 =	vld [tilespmem:s23+$0x1C9C0]  }
0x3ca: {  	s4 =	sadd.s32 $0x668, s4;
	v5 =	vld [tilespmem:s23+$0x1C940];
	[tilespmem:s19+$0xB4AD] =	vst v3  }
0x3cb: {  	s24 =	sshra.s32 s4, $0x2;
	[tilespmem:s19+$0xB3E0] =	vst v6;
	v3 =	vld [tilespmem:s21+$0x1AD90]  }
0x3cc: {  	[tilespmem:s24+$0x4DAD] =	vst v1;
	v1 =	vld [tilespmem:s21+$0x1AD10]  }
0x3cd: {  	[tilespmem:s24+$0x4CE0] =	vst v2;
	v2 =	vld [tilespmem:s13+$0x1C980]  }
0x3ce: {  	v6 =	vld [tilespmem:s13+$0x1C900];
	[tilespmem:s20+$0xB46D] =	vst v4  }
0x3cf: {  	[tilespmem:s20+$0xB3A0] =	vst v5;
	v4 =	vld [tilespmem:s23+$0x1A9D0]  }
0x3d0: {  	v5 =	vld [tilespmem:s23+$0x1A950];
	[tilespmem:s19+$0x4E3D] =	vst v3  }
0x3d1: {  	[tilespmem:s19+$0x4D70] =	vst v1;
	v1 =	vld [tilespmem:s21+$0x1CD90]  }
0x3d2: {  	[tilespmem:s24+$0xB42D] =	vst v2;
	v2 =	vld [tilespmem:s21+$0x1CD10]  }
0x3d3: {  	[tilespmem:s24+$0xB360] =	vst v6;
	v3 =	vld [tilespmem:s13+$0x1A990]  }
0x3d4: {  	v6 =	vld [tilespmem:s13+$0x1A910];
	[tilespmem:s20+$0x4DFD] =	vst v4  }
0x3d5: {  	[tilespmem:s20+$0x4D30] =	vst v5;
	v4 =	vld [tilespmem:s23+$0x1C9D0]  }
0x3d6: {  	v5 =	vld [tilespmem:s23+$0x1C950];
	[tilespmem:s19+$0xB4BD] =	vst v1  }
0x3d7: {  	[tilespmem:s19+$0xB3F0] =	vst v2;
	v1 =	vld [tilespmem:s21+$0x1ADA0]  }
0x3d8: {  	[tilespmem:s24+$0x4DBD] =	vst v3;
	v2 =	vld [tilespmem:s21+$0x1AD20]  }
0x3d9: {  	[tilespmem:s24+$0x4CF0] =	vst v6;
	v3 =	vld [tilespmem:s13+$0x1C990]  }
0x3da: {  	v6 =	vld [tilespmem:s13+$0x1C910];
	[tilespmem:s20+$0xB47D] =	vst v4  }
0x3db: {  	[tilespmem:s20+$0xB3B0] =	vst v5;
	v4 =	vld [tilespmem:s23+$0x1A9E0]  }
0x3dc: {  	v5 =	vld [tilespmem:s23+$0x1A960];
	[tilespmem:s19+$0x4E4D] =	vst v1  }
0x3dd: {  	[tilespmem:s22+$0x4D80] =	vst v2;
	v1 =	vld [tilespmem:s21+$0x1CDA0]  }
0x3de: {  	[tilespmem:s24+$0xB43D] =	vst v3;
	v2 =	vld [tilespmem:s21+$0x1CD20]  }
0x3df: {  	[tilespmem:s24+$0xB370] =	vst v6;
	v3 =	vld [tilespmem:s13+$0x1A9A0]  }
0x3e0: {  	v6 =	vld [tilespmem:s13+$0x1A920];
	[tilespmem:s20+$0x4E0D] =	vst v4  }
0x3e1: {  	[tilespmem:s20+$0x4D40] =	vst v5;
	v4 =	vld [tilespmem:s23+$0x1C9E0]  }
0x3e2: {  	v5 =	vld [tilespmem:s23+$0x1C960];
	[tilespmem:s19+$0xB4CD] =	vst v1  }
0x3e3: {  	s0 =	sadd.s32 $0x19A, s0;
	[tilespmem:s22+$0xB400] =	vst v2;
	v1 =	vld [tilespmem:s21+$0x1ADB0];
	s22 =	smov.u32 s15  }
0x3e4: {  	s15 =	sand.u32 $0x1FFE, s0;
	[tilespmem:s24+$0x4DCD] =	vst v3;
	v2 =	vld [tilespmem:s21+$0x1AD30]  }
0x3e5: {  	[tilespmem:s15+$0x4D00] =	vst v6;
	v3 =	vld [tilespmem:s13+$0x1C9A0]  }
0x3e6: {  	v6 =	vld [tilespmem:s13+$0x1C920];
	[tilespmem:s20+$0xB48D] =	vst v4  }
0x3e7: {  	[tilespmem:s20+$0xB3C0] =	vst v5;
	v4 =	vld [tilespmem:s23+$0x1A9F0]  }
0x3e8: {  	v5 =	vld [tilespmem:s23+$0x1A970];
	[tilespmem:s19+$0x4E5D] =	vst v1  }
0x3e9: {  	[tilespmem:s19+$0x4D90] =	vst v2;
	v1 =	vld [tilespmem:s21+$0x1CDB0]  }
0x3ea: {  	[tilespmem:s24+$0xB44D] =	vst v3;
	v2 =	vld [tilespmem:s21+$0x1CD30]  }
0x3eb: {  	[tilespmem:s15+$0xB380] =	vst v6;
	v3 =	vld [tilespmem:s13+$0x1A9B0]  }
0x3ec: {  	v6 =	vld [tilespmem:s13+$0x1A930];
	[tilespmem:s20+$0x4E1D] =	vst v4  }
0x3ed: {  	[tilespmem:s20+$0x4D50] =	vst v5;
	v4 =	vld [tilespmem:s23+$0x1C9F0]  }
0x3ee: {  	v5 =	vld [tilespmem:s23+$0x1C970];
	[tilespmem:s19+$0xB4DD] =	vst v1  }
0x3ef: {  	[tilespmem:s19+$0xB410] =	vst v2;
	v1 =	vld [tilespmem:s21+$0x1ADB8]  }
0x3f0: {  	[tilespmem:s24+$0x4DDD] =	vst v3;
	v2 =	vld [tilespmem:s21+$0x1AD38]  }
0x3f1: {  	[tilespmem:s24+$0x4D10] =	vst v6;
	v6 =	vld [tilespmem:s13+$0x1C9B0]  }
0x3f2: {  	v7 =	vld [tilespmem:s13+$0x1C930];
	[tilespmem:s20+$0xB49D] =	vst v4  }
0x3f3: {  	[tilespmem:s20+$0xB3D0] =	vst v5;
	v8 =	vld [tilespmem:s23+$0x1AD80]  }
.Ltmp3:
0x3f4: {  	v3 =	vld [tilespmem:s23+$0x1AD00];
	[tilespmem:s19+$0x4E65] =	vst v1;
	(pc) =	sbr.rel @p0 .LBB2_8-.Ltmp3, $4  }
0x3f5: {  	[tilespmem:s19+$0x4D98] =	vst v2;
	v1 =	vld [tilespmem:s21+$0x1CDB8]  }
0x3f6: {  	[tilespmem:s24+$0xB45D] =	vst v6;
	v2 =	vld [tilespmem:s21+$0x1CD38];
	s21 =	smov.u32 s23;
	s23 =	smov.u32 s13  }
0x3f7: {  	[tilespmem:s24+$0xB390] =	vst v7;
	v4 =	vld [tilespmem:s23+$0x1A9C0]  }
0x3f8: {  	s5 =	sadd.s32 $0x100, s5;
	s6 =	sadd.s32 $0x200, s6;
	v5 =	vld [tilespmem:s23+$0x1A940];
	[tilespmem:s20+$0x4E2D] =	vst v8  }
0x3f9: {  	_ =	sdelay $0x2  }
0x3fa: {  	[tilespmem:s24+$0x4DED] =	vst v4  }
0x3fb: {  	[tilespmem:s24+$0x4D20] =	vst v5;
	v4 =	vld [tilespmem:s23+$0x1C9C0]  }
0x3fc: {  	v5 =	vld [tilespmem:s23+$0x1C940];
	_ =	sdelay $0x3  }
0x3fd: {  	[tilespmem:s24+$0xB46D] =	vst v4  }
0x3fe: {  	[tilespmem:s24+$0xB3A0] =	vst v5;
	v4 =	vld [tilespmem:s23+$0x1A9D0]  }
0x3ff: {  	v5 =	vld [tilespmem:s23+$0x1A950];
	_ =	sdelay $0x3  }
0x400: {  	[tilespmem:s24+$0x4DFD] =	vst v4  }
0x401: {  	[tilespmem:s24+$0x4D30] =	vst v5;
	v4 =	vld [tilespmem:s23+$0x1C9D0]  }
0x402: {  	v5 =	vld [tilespmem:s23+$0x1C950];
	_ =	sdelay $0x3  }
0x403: {  	[tilespmem:s24+$0xB47D] =	vst v4  }
0x404: {  	[tilespmem:s24+$0xB3B0] =	vst v5;
	v4 =	vld [tilespmem:s23+$0x1A9E0]  }
0x405: {  	v5 =	vld [tilespmem:s23+$0x1A960];
	_ =	sdelay $0x3  }
0x406: {  	[tilespmem:s24+$0x4E0D] =	vst v4  }
0x407: {  	[tilespmem:s24+$0x4D40] =	vst v5;
	v4 =	vld [tilespmem:s23+$0x1C9E0]  }
0x408: {  	v5 =	vld [tilespmem:s23+$0x1C960];
	_ =	sdelay $0x3  }
0x409: {  	[tilespmem:s24+$0xB48D] =	vst v4  }
0x40a: {  	[tilespmem:s24+$0xB3C0] =	vst v5;
	v4 =	vld [tilespmem:s23+$0x1A9F0]  }
0x40b: {  	v5 =	vld [tilespmem:s23+$0x1A970];
	_ =	sdelay $0x3  }
0x40c: {  	[tilespmem:s24+$0x4E1D] =	vst v4  }
0x40d: {  	[tilespmem:s24+$0x4D50] =	vst v5;
	v4 =	vld [tilespmem:s23+$0x1C9F0]  }
0x40e: {  	v5 =	vld [tilespmem:s23+$0x1C970];
	_ =	sdelay $0x3  }
0x40f: {  	[tilespmem:s24+$0xB49D] =	vst v4  }
0x410: {  	[tilespmem:s24+$0xB3D0] =	vst v5;
	v4 =	vld [tilespmem:s23+$0x1AD80]  }
0x411: {  	v5 =	vld [tilespmem:s23+$0x1AD00];
	_ =	sdelay $0x2  }
0x412: {  	[tilespmem:s20+$0x4D60] =	vst v3;
	v3 =	vld [tilespmem:s21+$0x1CD80]  }
0x413: {  	v6 =	vld [tilespmem:s21+$0x1CD00];
	[tilespmem:s24+$0x4E2D] =	vst v4  }
0x414: {  	[tilespmem:s24+$0x4D60] =	vst v5;
	v4 =	vld [tilespmem:s23+$0x1CD80]  }
0x415: {  	v5 =	vld [tilespmem:s23+$0x1CD00];
	_ =	sdelay $0x1  }
0x416: {  	[tilespmem:s20+$0xB4AD] =	vst v3  }
0x417: {  	[tilespmem:s20+$0xB3E0] =	vst v6;
	v3 =	vld [tilespmem:s21+$0x1AD90]  }
0x418: {  	v6 =	vld [tilespmem:s21+$0x1AD10];
	[tilespmem:s24+$0xB4AD] =	vst v4  }
0x419: {  	[tilespmem:s24+$0xB3E0] =	vst v5;
	v4 =	vld [tilespmem:s23+$0x1AD90]  }
0x41a: {  	v5 =	vld [tilespmem:s23+$0x1AD10];
	_ =	sdelay $0x1  }
0x41b: {  	[tilespmem:s20+$0x4E3D] =	vst v3  }
0x41c: {  	[tilespmem:s20+$0x4D70] =	vst v6;
	v3 =	vld [tilespmem:s21+$0x1CD90]  }
0x41d: {  	v6 =	vld [tilespmem:s21+$0x1CD10];
	[tilespmem:s24+$0x4E3D] =	vst v4  }
0x41e: {  	[tilespmem:s24+$0x4D70] =	vst v5;
	v4 =	vld [tilespmem:s23+$0x1CD90]  }
0x41f: {  	v5 =	vld [tilespmem:s23+$0x1CD10];
	_ =	sdelay $0x1  }
0x420: {  	[tilespmem:s20+$0xB4BD] =	vst v3  }
0x421: {  	[tilespmem:s20+$0xB3F0] =	vst v6;
	v3 =	vld [tilespmem:s21+$0x1ADA0]  }
0x422: {  	v6 =	vld [tilespmem:s21+$0x1AD20];
	[tilespmem:s24+$0xB4BD] =	vst v4  }
0x423: {  	[tilespmem:s24+$0xB3F0] =	vst v5;
	v4 =	vld [tilespmem:s23+$0x1ADA0]  }
0x424: {  	v5 =	vld [tilespmem:s23+$0x1AD20];
	_ =	sdelay $0x1  }
0x425: {  	[tilespmem:s20+$0x4E4D] =	vst v3  }
0x426: {  	[tilespmem:s22+$0x4D80] =	vst v6;
	v3 =	vld [tilespmem:s21+$0x1CDA0]  }
0x427: {  	v6 =	vld [tilespmem:s21+$0x1CD20];
	[tilespmem:s24+$0x4E4D] =	vst v4  }
0x428: {  	[tilespmem:s15+$0x4D80] =	vst v5;
	v4 =	vld [tilespmem:s23+$0x1CDA0]  }
0x429: {  	v5 =	vld [tilespmem:s23+$0x1CD20];
	_ =	sdelay $0x1  }
0x42a: {  	[tilespmem:s20+$0xB4CD] =	vst v3  }
0x42b: {  	[tilespmem:s22+$0xB400] =	vst v6;
	v3 =	vld [tilespmem:s21+$0x1ADB0]  }
0x42c: {  	v6 =	vld [tilespmem:s21+$0x1AD30];
	[tilespmem:s24+$0xB4CD] =	vst v4  }
0x42d: {  	[tilespmem:s15+$0xB400] =	vst v5;
	v4 =	vld [tilespmem:s23+$0x1ADB0]  }
0x42e: {  	v5 =	vld [tilespmem:s23+$0x1AD30];
	_ =	sdelay $0x1  }
0x42f: {  	[tilespmem:s20+$0x4E5D] =	vst v3  }
0x430: {  	[tilespmem:s20+$0x4D90] =	vst v6;
	v3 =	vld [tilespmem:s21+$0x1CDB0]  }
0x431: {  	v6 =	vld [tilespmem:s21+$0x1CD30];
	[tilespmem:s24+$0x4E5D] =	vst v4  }
0x432: {  	[tilespmem:s24+$0x4D90] =	vst v5;
	v4 =	vld [tilespmem:s23+$0x1CDB0]  }
0x433: {  	v5 =	vld [tilespmem:s23+$0x1CD30];
	_ =	sdelay $0x1  }
0x434: {  	[tilespmem:s20+$0xB4DD] =	vst v3  }
0x435: {  	[tilespmem:s20+$0xB410] =	vst v6;
	v3 =	vld [tilespmem:s21+$0x1ADB8]  }
0x436: {  	v6 =	vld [tilespmem:s21+$0x1AD38];
	[tilespmem:s24+$0xB4DD] =	vst v4  }
0x437: {  	[tilespmem:s24+$0xB410] =	vst v5;
	v4 =	vld [tilespmem:s23+$0x1ADB8]  }
0x438: {  	v5 =	vld [tilespmem:s23+$0x1AD38];
	_ =	sdelay $0x1  }
0x439: {  	[tilespmem:s20+$0x4E65] =	vst v3  }
0x43a: {  	[tilespmem:s20+$0x4D98] =	vst v6;
	v3 =	vld [tilespmem:s21+$0x1CDB8]  }
0x43b: {  	v6 =	vld [tilespmem:s21+$0x1CD38];
	[tilespmem:s24+$0x4E65] =	vst v4  }
0x43c: {  	s0 =	simm.s32 $0x0;
	[tilespmem:s24+$0x4D98] =	vst v5;
	v4 =	vld [tilespmem:s23+$0x1CDB8]  }
0x43d: {  	[tilespmem:s19+$0xB4E5] =	vst v1;
	s6 =	sand.u32 $0x4, s0;
	v1 =	vld [tilespmem:s23+$0x1CD38]  }
0x43e: {  	[tilespmem:s19+$0xB418] =	vst v2;
	s9 =	sor.u32 $0x1, s6;
	s1 =	smul.u32 $0xCD0, s6  }
0x43f: {  	s12 =	sor.u32 $0x2, s6;
	[tilespmem:s20+$0xB4E5] =	vst v3;
	s15 =	smul.u32 $0xCD0, s9  }
0x440: {  	s4 =	smul.u32 $0xCD0, s12;
	[tilespmem:s20+$0xB418] =	vst v6  }
0x441: {  	s0 =	sadd.s32 $0x0, s15;
	[tilespmem:s24+$0xB4E5] =	vst v4  }
0x442: {  	s17 =	simm.s32 $0x1;
	s1 =	sadd.s32 $0x0, s1;
	s16 =	sadd.s32 $0x0, s4;
	[tilespmem:s24+$0xB418] =	vst v1;
	v1 =	vadd.s32 s0, v0  }
0x443: {  	v2 =	vadd.s32 s1, v0;
	[tilespmem:s31], [sflag:$0x2] =	stream.strided.gather [hbm4b:s14+s29], $0x5000, s30, s29, $0x38;
	[tilespmem:$0x1E900] =	vst v63  }
0x444: {  	v3 =	vadd.s32 s16, v0;
	_ =	swait.ge [sflag:s17], $0x5000  }
0x445: {  	s11 =	sor.u32 $0x3, s6;
	[sflag:s17] =	ssyncset.done $0x0  }
0x446: {  	s18 =	smul.u32 $0xCD0, s11;
	[sflag:s17] =	ssyncadd.s32 $0xFFFFB000  }
0x447: {  	v4 =	vld.idx.msk [tilespmem:v1+s3+$0x0], $0xffff  }
0x448: {  	s0 =	sadd.s32 $0x0, s18;
	v5 =	vld.idx.msk [tilespmem:v2+s3+$0x0], $0xffff  }
0x449: {  	v7 =	vadd.s32 s0, v0;
	v6 =	vld.idx.msk [tilespmem:v3+s3+$0x0], $0xffff;
	_ =	sdelay $0x3  }
0x44a: {  	v16 =	vmul.u32 $0x5, v4  }
0x44b: {  	v15 =	vmul.u32 $0x5, v5;
	v18 =	vmul.u32 $0x5, v6;
	v6 =	vld.idx.msk [tilespmem:v7+s3+$0x0], $0xffff  }
0x44c: {  	v8 =	vadd.s32 $0x4, v16  }
0x44d: {  	v9 =	vadd.s32 $0x4, v15  }
0x44e: {  	v4 =	vld.idx.msk [tilespmem:v2+s10+$0x0], $0xffff;
	v2 =	vadd.s32 $0x4, v18  }
0x44f: {  	v13 =	vld.idx.msk [tilespmem:v3+s10+$0x0], $0xffff  }
0x450: {  	v5 =	vld.idx.msk [tilespmem:v1+s10+$0x0], $0xffff;
	v17 =	vmul.u32 $0x5, v6  }
0x451: {  	v1 =	vld.idx.msk [tilespmem:v8+s2+$0x0], $0xffff  }
0x452: {  	v3 =	vld.idx.msk [tilespmem:v9+s2+$0x0], $0xffff;
	v8 =	vadd.s32 $0x4, v17  }
0x453: {  	v2 =	vld.idx.msk [tilespmem:v2+s2+$0x0], $0xffff  }
0x454: {  	s19 =	simm.s32 $0x4  }
0x455: {  	s1 =	sand.u32 $0x4, s19  }
0x456: {  	s0 =	sor.u32 $0x3, s1;
	v6 =	vld.idx.msk [tilespmem:v7+s10+$0x0], $0xffff;
	v1 =	vmul.f32 v1, v5  }
0x457: {  	s13 =	smul.u32 $0xCD0, s0;
	v3 =	vmul.f32 v3, v4;
	v7 =	vld.idx.msk [tilespmem:v8+s2+$0x0], $0xffff  }
0x458: {  	v2 =	vmul.f32 v2, v13;
	v1 =	vmul.f32 $1.442695020e+00, v1  }
0x459: {  	s5 =	smul.u32 $0xCD0, s1;
	s21 =	sadd.s32 $0x0, s13;
	v3 =	vmul.f32 $1.442695020e+00, v3  }
0x45a: {  	s4 =	sor.u32 $0x1, s1;
	v8 =	vadd.s32 s21, v0;
	v2 =	vmul.f32 $1.442695020e+00, v2;
	(erf) = vpow2.f32 v1  }
0x45b: {  	s5 =	sadd.s32 $0x0, s5;
	s20 =	smul.u32 $0xCD0, s4;
	(erf) = vpow2.f32 v3  }
0x45c: {  	v3 =	vadd.s32 s5, v0;
	v1 =	vmul.f32 v7, v6;
	(erf) = vpow2.f32 v2  }
0x45d: {  	s22 =	sadd.s32 $0x0, s20  }
0x45e: {  	v7 =	vadd.s32 s22, v0;
	v2 =	vmul.f32 $1.442695020e+00, v1  }
0x45f: {  	s25 =	simm.s32 $0x0;
	s24 =	simm.s32 $0x0;
	s5 =	sor.u32 $0x2, s1;
	v22 =	vld.idx.msk [tilespmem:v8+s3+$0x0], $0xffff  }
0x460: {  	s15 =	sand.u32 $0x380, s25;
	s13 =	sand.u32 $0x1C00, s24;
	s23 =	smul.u32 $0xCD0, s5;
	(erf) = vpow2.f32 v2;
	v2 =	vld.idx.msk [tilespmem:v8+s10+$0x0], $0xffff  }
0x461: {  	s13 =	sor.u32 s15, s13;
	v1 =	vld.idx.msk [tilespmem:v3+s10+$0x0], $0xffff  }
0x462: {  	s9 =	sshll.u32 s9, $0x4;
	s13 =	sadd.s32 $0x16D00, s13;
	s14 =	sadd.s32 $0x0, s23;
	v11 =	vld.idx.msk [tilespmem:v3+s3+$0x0], $0xffff  }
0x463: {  	s30 =	sshll.u32 s6, $0x4;
	s29 =	sor.u32 s9, s13;
	v9 =	vadd.s32 s14, v0;
	v3 =	vld.idx.msk [tilespmem:v7+s10+$0x0], $0xffff;
	v10 =	vpop (erf)  }
0x464: {  	s12 =	sshll.u32 s12, $0x4;
	s6 =	sor.u32 s30, s13;
	v7 =	vld.idx.msk [tilespmem:v7+s3+$0x0], $0xffff;
	v12 =	vpop (erf);
	[tilespmem:s29+$0x0] =	vst v10  }
0x465: {  	s26 =	sor.u32 s12, s13;
	v14 =	vpop (erf);
	v20 =	vld.idx.msk [tilespmem:v16+s2+$0x0], $0xffff;
	[tilespmem:s6+$0x0] =	vst v12  }
0x466: {  	[tilespmem:s26+$0x0] =	vst v14;
	v12 =	vld.idx.msk [tilespmem:v15+s2+$0x0], $0xffff  }
0x467: {  	v14 =	vld.idx.msk [tilespmem:v18+s2+$0x0], $0xffff  }
0x468: {  	s11 =	sshll.u32 s11, $0x4;
	s31 =	simm.s32 $0x0;
	v19 =	vld.idx.msk [tilespmem:v9+s3+$0x0], $0xffff  }
0x469: {  	s13 =	sor.u32 s11, s13;
	v10 =	vld.idx.msk [tilespmem:v9+s10+$0x0], $0xffff;
	s6 =	sand.u32 $0x3FFFFE00, s31;
	v9 =	vmul.u32 $0x5, v7;
	v8 =	vpop (erf)  }
0x46a: {  	v7 =	vadd.s32 $0x1, v15;
	s8 =	sadd.s32 $0xCD00, s6;
	[tilespmem:s13+$0x0] =	vst v8;
	v8 =	vmul.u32 $0x5, v11;
	v11 =	vmul.f32 v20, v5  }
0x46b: {  	v21 =	vadd.s32 $0x1, v18;
	s24 =	sor.u32 s9, s8;
	v23 =	vld.idx.msk [tilespmem:v17+s2+$0x0], $0xffff;
	v12 =	vmul.f32 v12, v4  }
0x46c: {  	s23 =	sor.u32 s30, s8;
	v20 =	vadd.s32 $0x1, v16;
	v14 =	vmul.f32 v14, v13;
	[tilespmem:s24+$0x0] =	vst.add.f32.msk $0xffff, v11  }
0x46d: {  	s6 =	sor.u32 s12, s8;
	v24 =	vadd.s32 $0x4, v9;
	[tilespmem:s23+$0x0] =	vst.add.f32.msk $0xffff, v12  }
0x46e: {  	[tilespmem:s6+$0x0] =	vst.add.f32.msk $0xffff, v14  }
0x46f: {  	s25 =	simm.s32 $0x8;
	v14 =	vmul.u32 $0x5, v19;
	v19 =	vadd.s32 $0x4, v8;
	v25 =	vld.idx.msk [tilespmem:v7+s2+$0x0], $0xffff  }
0x470: {  	s20 =	sand.u32 $0x4, s25;
	v7 =	vmul.u32 $0x5, v22;
	v22 =	vadd.s32 $0x1, v17;
	v21 =	vld.idx.msk [tilespmem:v21+s2+$0x0], $0xffff  }
0x471: {  	s19 =	sor.u32 $0x3, s20;
	v12 =	vld.idx.msk [tilespmem:v20+s2+$0x0], $0xffff;
	v23 =	vmul.f32 v23, v6;
	v11 =	vadd.s32 $0x4, v14  }
0x472: {  	s15 =	smul.u32 $0xCD0, s19;
	s21 =	sor.u32 s11, s8;
	v20 =	vld.idx.msk [tilespmem:v24+s2+$0x0], $0xffff;
	v24 =	vadd.s32 $0x4, v7  }
0x473: {  	[tilespmem:s21+$0x0] =	vst.add.f32.msk $0xffff, v23  }
0x474: {  	s16 =	sadd.s32 $0x1, s15;
	v19 =	vld.idx.msk [tilespmem:v19+s2+$0x0], $0xffff  }
0x475: {  	v27 =	vadd.s32 s16, v0;
	v22 =	vld.idx.msk [tilespmem:v22+s2+$0x0], $0xffff  }
0x476: {  	s13 =	smul.u32 $0xCD0, s20;
	v21 =	vmul.f32 v21, v13;
	v11 =	vld.idx.msk [tilespmem:v11+s2+$0x0], $0xffff  }
0x477: {  	v26 =	vadd.s32 $0x2, v18;
	s14 =	sor.u32 $0x80, s6;
	v12 =	vmul.f32 v12, v5;
	v24 =	vld.idx.msk [tilespmem:v24+s2+$0x0], $0xffff  }
0x478: {  	s17 =	sor.u32 $0x80, s24;
	s9 =	sadd.s32 $0x1, s13;
	v20 =	vmul.f32 v20, v3;
	[tilespmem:s14+$0x0] =	vst.add.f32.msk $0xffff, v21  }
0x479: {  	v21 =	vadd.s32 s9, v0;
	[tilespmem:s17+$0x0] =	vst.add.f32.msk $0xffff, v12  }
0x47a: {  	v20 =	vmul.f32 $1.442695020e+00, v20;
	v12 =	vld.idx.msk [tilespmem:v27+s10+$0x0], $0xffff  }
0x47b: {  	v23 =	vadd.s32 $0x2, v16;
	v27 =	vld.idx.msk [tilespmem:v27+s3+$0x0], $0xffff;
	v19 =	vmul.f32 v19, v1;
	v22 =	vmul.f32 v22, v6  }
0x47c: {  	s11 =	sor.u32 $0x2, s20;
	s26 =	sor.u32 $0x80, s21;
	v26 =	vld.idx.msk [tilespmem:v26+s2+$0x0], $0xffff;
	v28 =	vmul.f32 v11, v10  }
0x47d: {  	s22 =	sor.u32 $0x1, s20;
	s29 =	smul.u32 $0xCD0, s11;
	(erf) = vpow2.f32 v20;
	v20 =	vadd.s32 $0x2, v17;
	v19 =	vmul.f32 $1.442695020e+00, v19;
	[tilespmem:s26+$0x0] =	vst.add.f32.msk $0xffff, v22  }
0x47e: {  	s18 =	smul.u32 $0xCD0, s22;
	v11 =	vld.idx.msk [tilespmem:v21+s10+$0x0], $0xffff;
	v28 =	vmul.f32 $1.442695020e+00, v28  }
0x47f: {  	v18 =	vadd.s32 $0x3, v18;
	s30 =	sadd.s32 $0x1, s29;
	v25 =	vmul.f32 v25, v4;
	v21 =	vld.idx.msk [tilespmem:v21+s3+$0x0], $0xffff;
	(erf) = vpow2.f32 v19  }
0x480: {  	s9 =	sadd.s32 $0x1, s18;
	v22 =	vmul.f32 v24, v2;
	v24 =	vadd.s32 s30, v0;
	s26 =	sor.u32 $0x80, s23;
	v19 =	vld.idx.msk [tilespmem:v23+s2+$0x0], $0xffff;
	(erf) = vpow2.f32 v28  }
0x481: {  	[tilespmem:s26+$0x0] =	vst.add.f32.msk $0xffff, v25;
	v23 =	vadd.s32 s9, v0;
	v26 =	vmul.f32 v26, v13  }
0x482: {  	v22 =	vmul.f32 $1.442695020e+00, v22;
	v20 =	vld.idx.msk [tilespmem:v20+s2+$0x0], $0xffff  }
0x483: {  	s31 =	simm.s32 $0x40;
	s8 =	simm.s32 $0x40;
	[tilespmem:s6+$0x100] =	vst.add.f32.msk $0xffff, v26  }
0x484: {  	s12 =	sand.u32 $0x1C00, s31;
	s14 =	sand.u32 $0x380, s8;
	v26 =	vld.idx.msk [tilespmem:v18+s2+$0x0], $0xffff;
	(erf) = vpow2.f32 v22  }
0x485: {  	s9 =	sor.u32 s14, s12;
	v29 =	vld.idx.msk [tilespmem:v24+s3+$0x0], $0xffff;
	v19 =	vmul.f32 v19, v5  }
0x486: {  	s4 =	sshll.u32 s4, $0x4;
	s9 =	sadd.s32 $0x16D00, s9;
	v18 =	vld.idx.msk [tilespmem:v23+s10+$0x0], $0xffff  }
0x487: {  	s1 =	sshll.u32 s1, $0x4;
	s16 =	sor.u32 s4, s9;
	v22 =	vpop (erf);
	[tilespmem:s24+$0x100] =	vst.add.f32.msk $0xffff, v19  }
0x488: {  	s5 =	sshll.u32 s5, $0x4;
	s17 =	sor.u32 s1, s9;
	[tilespmem:s16+$0x0] =	vst v22;
	v19 =	vld.idx.msk [tilespmem:v23+s3+$0x0], $0xffff;
	v23 =	vpop (erf)  }
0x489: {  	s15 =	sor.u32 s5, s9;
	v13 =	vmul.f32 v26, v13;
	v26 =	vld.idx.msk [tilespmem:v9+s2+$0x0], $0xffff;
	[tilespmem:s17+$0x0] =	vst v23;
	v28 =	vpop (erf)  }
0x48a: {  	v20 =	vmul.f32 v20, v6;
	v23 =	vld.idx.msk [tilespmem:v8+s2+$0x0], $0xffff;
	[tilespmem:s15+$0x0] =	vst v28;
	v28 =	vadd.s32 $0x2, v15  }
0x48b: {  	v22 =	vld.idx.msk [tilespmem:v14+s2+$0x0], $0xffff  }
0x48c: {  	s0 =	sshll.u32 s0, $0x4;
	[tilespmem:s21+$0x100] =	vst.add.f32.msk $0xffff, v20  }
0x48d: {  	s18 =	simm.s32 $0x100;
	s9 =	sor.u32 s0, s9;
	[tilespmem:s6+$0x180] =	vst.add.f32.msk $0xffff, v13;
	v30 =	vpop (erf)  }
0x48e: {  	v13 =	vld.idx.msk [tilespmem:v24+s10+$0x0], $0xffff;
	s6 =	sand.u32 $0x3FFFFE00, s18;
	[tilespmem:s9+$0x0] =	vst v30;
	v30 =	vadd.s32 $0x1, v8  }
0x48f: {  	v24 =	vadd.s32 $0x1, v14;
	s6 =	sadd.s32 $0xCD00, s6;
	v23 =	vmul.f32 v23, v1;
	v25 =	vld.idx.msk [tilespmem:v28+s2+$0x0], $0xffff  }
0x490: {  	s13 =	sor.u32 s4, s6;
	s4 =	sor.u32 s1, s6;
	v28 =	vld.idx.msk [tilespmem:v7+s2+$0x0], $0xffff;
	v22 =	vmul.f32 v22, v10  }
0x491: {  	s28 =	sor.u32 s5, s6;
	[tilespmem:s4+$0x0] =	vst.add.f32.msk $0xffff, v23  }
0x492: {  	[tilespmem:s28+$0x0] =	vst.add.f32.msk $0xffff, v22;
	v22 =	vmul.f32 v26, v3;
	v26 =	vadd.s32 $0x1, v9  }
0x493: {  	v16 =	vadd.s32 $0x3, v16;
	v20 =	vld.idx.msk [tilespmem:v30+s2+$0x0], $0xffff  }
0x494: {  	v23 =	vadd.s32 $0x3, v15;
	v24 =	vld.idx.msk [tilespmem:v24+s2+$0x0], $0xffff;
	v25 =	vmul.f32 v25, v4  }
0x495: {  	[tilespmem:s13+$0x0] =	vst.add.f32.msk $0xffff, v22  }
0x496: {  	v30 =	vadd.s32 $0x3, v17;
	v17 =	vmul.u32 $0x5, v19;
	[tilespmem:s23+$0x100] =	vst.add.f32.msk $0xffff, v25  }
0x497: {  	v15 =	vmul.u32 $0x5, v21;
	v22 =	vld.idx.msk [tilespmem:v26+s2+$0x0], $0xffff  }
0x498: {  	s29 =	simm.s32 $0x80;
	s5 =	simm.s32 $0x80;
	v19 =	vmul.u32 $0x5, v29;
	v26 =	vld.idx.msk [tilespmem:v16+s2+$0x0], $0xffff;
	v16 =	vmul.u32 $0x5, v27;
	v27 =	vadd.s32 $0x4, v17  }
0x499: {  	s1 =	sand.u32 $0x380, s29;
	s30 =	sand.u32 $0x1C00, s5;
	v21 =	vmul.f32 v28, v2;
	v25 =	vld.idx.msk [tilespmem:v23+s2+$0x0], $0xffff;
	v23 =	vadd.s32 $0x4, v15  }
0x49a: {  	s0 =	sor.u32 s0, s6;
	s1 =	sor.u32 s1, s30;
	v28 =	vadd.s32 $0x4, v19  }
0x49b: {  	s31 =	simm.s32 $0x200;
	s15 =	sshll.u32 s11, $0x4;
	s26 =	sadd.s32 $0x16D00, s1;
	[tilespmem:s0+$0x0] =	vst.add.f32.msk $0xffff, v21  }
0x49c: {  	s1 =	sand.u32 $0x3FFFFE00, s31;
	s6 =	sor.u32 s15, s26;
	v29 =	vmul.f32 v24, v10;
	v24 =	vld.idx.msk [tilespmem:v30+s2+$0x0], $0xffff;
	v21 =	vadd.s32 $0x4, v16  }
.LBB2_10:
0x49d: {  	s25 =	sadd.s32 $0x4, s25;
	v27 =	vld.idx.msk [tilespmem:v27+s2+$0x0], $0xffff;
	s5 =	sadd.s32 $0x40, s5;
	s14 =	sor.u32 $0x80, s28  }
0x49e: {  	v30 =	vadd.s32 $0x1, v7;
	v26 =	vmul.f32 v26, v5;
	v5 =	vmovc v3;
	v3 =	vmov v18;
	s12 =	sand.u32 $0x4, s25;
	s16 =	sand.u32 $0x1C00, s5;
	s17 =	sshll.u32 s25, $0x4;
	v23 =	vld.idx.msk [tilespmem:v23+s2+$0x0], $0xffff  }
0x49f: {  	s31 =	smul.u32 $0xCD0, s12;
	s9 =	sor.u32 $0x1, s12;
	s11 =	sor.u32 $0x3, s12;
	v18 =	vld.idx.msk [tilespmem:v28+s2+$0x0], $0xffff  }
0x4a0: {  	s29 =	sshrl.u32 s25, $0x3;
	s30 =	sor.u32 $0x2, s12;
	v25 =	vmul.f32 v25, v4;
	v4 =	vmov v1;
	v1 =	vmov v11;
	s18 =	smul.u32 $0xCD0, s11;
	[tilespmem:s14+$0x0] =	vst.add.f32.msk $0xffff, v29  }
0x4a1: {  	s17 =	sand.u32 $0x380, s17;
	v11 =	vadd.s32 $0x2, v14;
	s8 =	smul.u32 $0xCD0, s30;
	s14 =	sadd.s32 s29, s31;
	[tilespmem:s24+$0x180] =	vst.add.f32.msk $0xffff, v26  }
0x4a2: {  	v24 =	vmul.f32 v24, v6;
	v6 =	vmovc v2;
	v2 =	vmov v12;
	v26 =	vadd.s32 s14, v0;
	s14 =	sor.u32 s17, s16;
	s17 =	smul.u32 $0xCD0, s9;
	s18 =	sadd.s32 s29, s18;
	[tilespmem:s23+$0x180] =	vst.add.f32.msk $0xffff, v25  }
0x4a3: {  	s31 =	sshll.u32 s30, $0x4;
	s8 =	sadd.s32 s29, s8;
	v12 =	vmul.f32 v27, v3;
	s16 =	sadd.s32 $0x16D00, s14;
	v25 =	vld.idx.msk [tilespmem:v30+s2+$0x0], $0xffff  }
0x4a4: {  	v28 =	vadd.s32 $0x2, v9;
	s23 =	sshll.u32 s25, $0x6;
	v27 =	vadd.s32 s8, v0;
	v23 =	vmul.f32 v23, v1;
	s29 =	sadd.s32 s29, s17;
	s14 =	sor.u32 s31, s16;
	[tilespmem:s21+$0x180] =	vst.add.f32.msk $0xffff, v24  }
0x4a5: {  	p0 =	slt.u32 s25, $0x13C;
	v22 =	vmul.f32 v22, v5;
	s24 =	smov.u32 s13;
	s17 =	sand.u32 $0x3FFFFE00, s23;
	v24 =	vadd.s32 s18, v0;
	v18 =	vmul.f32 v18, v13;
	v21 =	vld.idx.msk [tilespmem:v21+s2+$0x0], $0xffff  }
0x4a6: {  	s8 =	sor.u32 $0x80, s24;
	v12 =	vmul.f32 $1.442695020e+00, v12;
	s23 =	smov.u32 s4;
	s21 =	smov.u32 s0;
	v29 =	vadd.s32 s29, v0;
	v30 =	vld.idx.msk [tilespmem:v11+s2+$0x0], $0xffff  }
0x4a7: {  	v20 =	vmul.f32 v20, v4;
	v23 =	vmul.f32 $1.442695020e+00, v23;
	[tilespmem:s8+$0x0] =	vst.add.f32.msk $0xffff, v22  }
0x4a8: {  	v18 =	vmul.f32 $1.442695020e+00, v18;
	v22 =	vadd.s32 $0x2, v7;
	v11 =	vld.idx.msk [tilespmem:v26+s10+$0x0], $0xffff;
	(erf) = vpow2.f32 v12  }
0x4a9: {  	v25 =	vmul.f32 v25, v6;
	(erf) = vpow2.f32 v23;
	v23 =	vld.idx.msk [tilespmem:v28+s2+$0x0], $0xffff  }
0x4aa: {  	v12 =	vld.idx.msk [tilespmem:v24+s10+$0x0], $0xffff;
	(erf) = vpow2.f32 v18;
	v18 =	vadd.s32 $0x3, v14;
	v14 =	vmov v19  }
0x4ab: {  	s0 =	sor.u32 $0x80, s21;
	v21 =	vmul.f32 v21, v2;
	v19 =	vld.idx.msk [tilespmem:v26+s3+$0x0], $0xffff  }
0x4ac: {  	v26 =	vmul.f32 v30, v10;
	[tilespmem:s0+$0x0] =	vst.add.f32.msk $0xffff, v25  }
0x4ad: {  	v21 =	vmul.f32 $1.442695020e+00, v21;
	v22 =	vld.idx.msk [tilespmem:v22+s2+$0x0], $0xffff  }
0x4ae: {  	[tilespmem:s28+$0x100] =	vst.add.f32.msk $0xffff, v26  }
0x4af: {  	(erf) = vpow2.f32 v21;
	v21 =	vmul.f32 v23, v5;
	v23 =	vld.idx.msk [tilespmem:v18+s2+$0x0], $0xffff  }
0x4b0: {  	s0 =	sshll.u32 s22, $0x4;
	s22 =	smov.u32 s9;
	v18 =	vld.idx.msk [tilespmem:v29+s10+$0x0], $0xffff  }
0x4b1: {  	s4 =	sor.u32 s0, s26;
	v25 =	vpop (erf);
	[tilespmem:s24+$0x100] =	vst.add.f32.msk $0xffff, v21  }
0x4b2: {  	v21 =	vld.idx.msk [tilespmem:v29+s3+$0x0], $0xffff;
	[tilespmem:s4+$0x0] =	vst v25;
	v25 =	vpop (erf)  }
0x4b3: {  	v22 =	vmul.f32 v22, v6;
	v24 =	vld.idx.msk [tilespmem:v24+s3+$0x0], $0xffff;
	v26 =	vpop (erf)  }
0x4b4: {  	v28 =	vld.idx.msk [tilespmem:v27+s3+$0x0], $0xffff;
	[tilespmem:s6+$0x0] =	vst v26;
	s6 =	smov.u32 s14  }
0x4b5: {  	v23 =	vmul.f32 v23, v10;
	v10 =	vmov v13;
	v26 =	vld.idx.msk [tilespmem:v14+s2+$0x0], $0xffff  }
0x4b6: {  	v30 =	vadd.s32 $0x2, v8;
	s4 =	sshll.u32 s20, $0x4;
	s20 =	smov.u32 s12;
	v29 =	vld.idx.msk [tilespmem:v17+s2+$0x0], $0xffff  }
0x4b7: {  	v31 =	vmul.u32 $0x5, v19;
	s8 =	sor.u32 s4, s26;
	[tilespmem:s28+$0x180] =	vst.add.f32.msk $0xffff, v23  }
0x4b8: {  	v13 =	vld.idx.msk [tilespmem:v27+s10+$0x0], $0xffff;
	[tilespmem:s8+$0x0] =	vst v25;
	v19 =	vpop (erf)  }
0x4b9: {  	v33 =	vadd.s32 $0x1, v14;
	s9 =	sor.u32 $0x80, s23;
	v23 =	vadd.s32 $0x4, v31;
	v25 =	vmul.u32 $0x5, v21;
	s8 =	sshll.u32 s19, $0x4;
	s19 =	smov.u32 s11;
	v32 =	vld.idx.msk [tilespmem:v15+s2+$0x0], $0xffff  }
0x4ba: {  	v24 =	vmul.u32 $0x5, v24;
	s11 =	sor.u32 s8, s26;
	s26 =	smov.u32 s16;
	[tilespmem:s9+$0x0] =	vst.add.f32.msk $0xffff, v20  }
0x4bb: {  	v27 =	vadd.s32 $0x4, v25;
	s9 =	sadd.s32 $0xCD00, s1;
	v20 =	vmul.f32 v26, v10;
	s1 =	smov.u32 s17;
	[tilespmem:s11+$0x0] =	vst v19;
	v26 =	vld.idx.msk [tilespmem:v30+s2+$0x0], $0xffff  }
0x4bc: {  	v21 =	vadd.s32 $0x4, v24;
	v29 =	vmul.f32 v29, v3;
	s28 =	sor.u32 s15, s9;
	s15 =	smov.u32 s31;
	v30 =	vld.idx.msk [tilespmem:v16+s2+$0x0], $0xffff  }
0x4bd: {  	v34 =	vadd.s32 $0x1, v15;
	[tilespmem:s28+$0x0] =	vst.add.f32.msk $0xffff, v20  }
0x4be: {  	v35 =	vadd.s32 $0x1, v17;
	v33 =	vld.idx.msk [tilespmem:v33+s2+$0x0], $0xffff  }
0x4bf: {  	s13 =	sor.u32 s0, s9;
	v20 =	vmul.f32 v32, v1;
	v32 =	vadd.s32 $0x3, v9;
	v9 =	vmovc v17;
	v17 =	vmov v25;
	[tilespmem:s21+$0x100] =	vst.add.f32.msk $0xffff, v22  }
0x4c0: {  	v19 =	vmul.u32 $0x5, v28;
	s4 =	sor.u32 s4, s9;
	[tilespmem:s13+$0x0] =	vst.add.f32.msk $0xffff, v29  }
0x4c1: {  	v36 =	vadd.s32 $0x3, v8;
	v8 =	vmovc v15;
	v15 =	vmov v31;
	v25 =	vmul.f32 v26, v4;
	[tilespmem:s4+$0x0] =	vst.add.f32.msk $0xffff, v20  }
0x4c2: {  	v31 =	vadd.s32 $0x3, v7;
	v7 =	vmovc v16;
	v16 =	vmovc v24;
	v28 =	vadd.s32 $0x4, v19;
	v30 =	vmul.f32 v30, v2;
	v20 =	vld.idx.msk [tilespmem:v34+s2+$0x0], $0xffff  }
0x4c3: {  	v22 =	vld.idx.msk [tilespmem:v35+s2+$0x0], $0xffff  }
.Ltmp4:
0x4c4: {  	v29 =	vmul.f32 v33, v10;
	v26 =	vld.idx.msk [tilespmem:v32+s2+$0x0], $0xffff;
	(pc) =	sbr.rel @p0 .LBB2_10-.Ltmp4, $4  }
0x4c5: {  	[tilespmem:s23+$0x100] =	vst.add.f32.msk $0xffff, v25  }
0x4c6: {  	s0 =	sor.u32 s8, s9;
	v25 =	vld.idx.msk [tilespmem:v36+s2+$0x0], $0xffff  }
0x4c7: {  	[tilespmem:s0+$0x0] =	vst.add.f32.msk $0xffff, v30  }
0x4c8: {  	v24 =	vld.idx.msk [tilespmem:v31+s2+$0x0], $0xffff  }
0x4c9: {  	_ =	sdelay $0x3  }
0x4ca: {  	v27 =	vld.idx.msk [tilespmem:v27+s2+$0x0], $0xffff  }
0x4cb: {  	v63 =	vadd.s32 $0x1, v7  }
0x4cc: {  	v23 =	vld.idx.msk [tilespmem:v23+s2+$0x0], $0xffff  }
0x4cd: {  	v21 =	vld.idx.msk [tilespmem:v21+s2+$0x0], $0xffff;
	v22 =	vmul.f32 v22, v3  }
0x4ce: {  	v28 =	vld.idx.msk [tilespmem:v28+s2+$0x0], $0xffff;
	s18 =	sor.u32 $0x80, s13  }
0x4cf: {  	[tilespmem:s18+$0x0] =	vst.add.f32.msk $0xffff, v22;
	v27 =	vmul.f32 v27, v18  }
0x4d0: {  	v30 =	vadd.s32 $0x2, v14;
	v5 =	vmul.f32 v26, v5;
	v4 =	vmul.f32 v25, v4;
	v22 =	vld.idx.msk [tilespmem:v63+s2+$0x0], $0xffff  }
0x4d1: {  	s5 =	sor.u32 $0x80, s28;
	v23 =	vmul.f32 v23, v11;
	v27 =	vmul.f32 $1.442695020e+00, v27  }
0x4d2: {  	[tilespmem:s5+$0x0] =	vst.add.f32.msk $0xffff, v29;
	v6 =	vmul.f32 v24, v6;
	v21 =	vmul.f32 v21, v12  }
0x4d3: {  	[tilespmem:s24+$0x180] =	vst.add.f32.msk $0xffff, v5;
	v23 =	vmul.f32 $1.442695020e+00, v23;
	(erf) = vpow2.f32 v27;
	v27 =	vadd.s32 $0x2, v9  }
0x4d4: {  	[tilespmem:s23+$0x180] =	vst.add.f32.msk $0xffff, v4;
	v28 =	vmul.f32 v28, v13;
	v5 =	vmul.f32 $1.442695020e+00, v21;
	v21 =	vadd.s32 $0x2, v7  }
0x4d5: {  	v30 =	vld.idx.msk [tilespmem:v30+s2+$0x0], $0xffff;
	(erf) = vpow2.f32 v23;
	v4 =	vmul.f32 v22, v2  }
0x4d6: {  	[tilespmem:s21+$0x180] =	vst.add.f32.msk $0xffff, v6;
	s21 =	sor.u32 $0x80, s0;
	v28 =	vmul.f32 $1.442695020e+00, v28  }
0x4d7: {  	[tilespmem:s21+$0x0] =	vst.add.f32.msk $0xffff, v4  }
0x4d8: {  	(erf) = vpow2.f32 v28;
	v23 =	vld.idx.msk [tilespmem:v27+s2+$0x0], $0xffff  }
0x4d9: {  	v14 =	vadd.s32 $0x3, v14;
	v21 =	vld.idx.msk [tilespmem:v21+s2+$0x0], $0xffff;
	_ =	sdelay $0x1  }
0x4da: {  	v26 =	vmul.f32 v30, v10;
	_ =	sdelay $0x1  }
0x4db: {  	s23 =	sshll.u32 s20, $0x4;
	[tilespmem:s28+$0x100] =	vst.add.f32.msk $0xffff, v26;
	(erf) = vpow2.f32 v5;
	v6 =	vpop (erf);
	v5 =	vmul.f32 v23, v3  }
0x4dc: {  	s24 =	sor.u32 s23, s26;
	v14 =	vld.idx.msk [tilespmem:v14+s2+$0x0], $0xffff;
	v21 =	vmul.f32 v21, v2;
	v4 =	vpop (erf)  }
0x4dd: {  	[tilespmem:s24+$0x0] =	vst v4  }
0x4de: {  	[tilespmem:s0+$0x100] =	vst.add.f32.msk $0xffff, v21  }
0x4df: {  	s22 =	sshll.u32 s22, $0x4;
	v7 =	vadd.s32 $0x3, v7;
	[tilespmem:s13+$0x100] =	vst.add.f32.msk $0xffff, v5;
	v5 =	vpop (erf)  }
0x4e0: {  	s8 =	sor.u32 s22, s26;
	v4 =	vld.idx.msk [tilespmem:v15+s2+$0x0], $0xffff;
	[tilespmem:s6+$0x0] =	vst v5  }
0x4e1: {  	[tilespmem:s8+$0x0] =	vst v6;
	v5 =	vmul.f32 v14, v10;
	v10 =	vadd.s32 $0x2, v8;
	v6 =	vld.idx.msk [tilespmem:v19+s2+$0x0], $0xffff  }
0x4e2: {  	v14 =	vld.idx.msk [tilespmem:v17+s2+$0x0], $0xffff  }
0x4e3: {  	[tilespmem:s28+$0x180] =	vst.add.f32.msk $0xffff, v5;
	v5 =	vmul.f32 v20, v1  }
0x4e4: {  	s25 =	sshll.u32 s19, $0x4;
	s9 =	sor.u32 $0x80, s4;
	v9 =	vadd.s32 $0x3, v9;
	v7 =	vld.idx.msk [tilespmem:v7+s2+$0x0], $0xffff  }
0x4e5: {  	s11 =	sor.u32 s25, s26;
	v22 =	vpop (erf);
	[tilespmem:s9+$0x0] =	vst.add.f32.msk $0xffff, v5  }
0x4e6: {  	s26 =	sadd.s32 $0xCD00, s1;
	[tilespmem:s11+$0x0] =	vst v22;
	v20 =	vadd.s32 $0x1, v19;
	v5 =	vmul.f32 v6, v13;
	v6 =	vld.idx.msk [tilespmem:v10+s2+$0x0], $0xffff  }
0x4e7: {  	s1 =	sor.u32 s15, s26;
	v10 =	vld.idx.msk [tilespmem:v16+s2+$0x0], $0xffff  }
0x4e8: {  	v4 =	vmul.f32 v4, v11;
	[tilespmem:s1+$0x0] =	vst.add.f32.msk $0xffff, v5;
	v5 =	vmul.f32 v14, v18;
	v14 =	vadd.s32 $0x1, v17  }
0x4e9: {  	v9 =	vld.idx.msk [tilespmem:v9+s2+$0x0], $0xffff;
	s6 =	sor.u32 s23, s26  }
0x4ea: {  	[tilespmem:s6+$0x0] =	vst.add.f32.msk $0xffff, v4;
	v4 =	vadd.s32 $0x1, v16  }
0x4eb: {  	s5 =	sor.u32 s22, s26;
	v20 =	vld.idx.msk [tilespmem:v20+s2+$0x0], $0xffff  }
0x4ec: {  	v22 =	vadd.s32 $0x1, v15;
	[tilespmem:s5+$0x0] =	vst.add.f32.msk $0xffff, v5;
	v10 =	vmul.f32 v10, v12  }
0x4ed: {  	s8 =	sor.u32 s25, s26;
	v14 =	vld.idx.msk [tilespmem:v14+s2+$0x0], $0xffff  }
0x4ee: {  	v6 =	vmul.f32 v6, v1;
	[tilespmem:s8+$0x0] =	vst.add.f32.msk $0xffff, v10;
	v10 =	vadd.s32 $0x2, v19  }
0x4ef: {  	v4 =	vld.idx.msk [tilespmem:v4+s2+$0x0], $0xffff  }
0x4f0: {  	[tilespmem:s4+$0x100] =	vst.add.f32.msk $0xffff, v6;
	v6 =	vadd.s32 $0x2, v17;
	v20 =	vmul.f32 v20, v13  }
0x4f1: {  	s31 =	sor.u32 $0x80, s1;
	v5 =	vld.idx.msk [tilespmem:v22+s2+$0x0], $0xffff  }
0x4f2: {  	[tilespmem:s31+$0x0] =	vst.add.f32.msk $0xffff, v20;
	v20 =	vadd.s32 $0x2, v16;
	v14 =	vmul.f32 v14, v18  }
0x4f3: {  	s11 =	sor.u32 $0x80, s5;
	v10 =	vld.idx.msk [tilespmem:v10+s2+$0x0], $0xffff  }
0x4f4: {  	v4 =	vmul.f32 v4, v12;
	[tilespmem:s11+$0x0] =	vst.add.f32.msk $0xffff, v14;
	v14 =	vadd.s32 $0x2, v15  }
0x4f5: {  	s12 =	sor.u32 $0x80, s8;
	v8 =	vadd.s32 $0x3, v8;
	v6 =	vld.idx.msk [tilespmem:v6+s2+$0x0], $0xffff  }
0x4f6: {  	v5 =	vmul.f32 v5, v11;
	[tilespmem:s12+$0x0] =	vst.add.f32.msk $0xffff, v4  }
0x4f7: {  	s14 =	sor.u32 $0x80, s6;
	v4 =	vadd.s32 $0x3, v19;
	v19 =	vld.idx.msk [tilespmem:v20+s2+$0x0], $0xffff  }
0x4f8: {  	[tilespmem:s14+$0x0] =	vst.add.f32.msk $0xffff, v5  }
0x4f9: {  	v5 =	vmul.f32 v10, v13;
	v10 =	vld.idx.msk [tilespmem:v14+s2+$0x0], $0xffff  }
0x4fa: {  	v8 =	vld.idx.msk [tilespmem:v8+s2+$0x0], $0xffff;
	v14 =	vadd.s32 $0x3, v17  }
0x4fb: {  	[tilespmem:s1+$0x100] =	vst.add.f32.msk $0xffff, v5;
	v5 =	vmul.f32 v6, v18  }
0x4fc: {  	v15 =	vadd.s32 $0x3, v15;
	v4 =	vld.idx.msk [tilespmem:v4+s2+$0x0], $0xffff;
	v6 =	vmul.f32 v19, v12  }
0x4fd: {  	[tilespmem:s5+$0x100] =	vst.add.f32.msk $0xffff, v5;
	v5 =	vadd.s32 $0x3, v16  }
0x4fe: {  	[tilespmem:s8+$0x100] =	vst.add.f32.msk $0xffff, v6;
	v6 =	vmul.f32 v10, v11  }
0x4ff: {  	v10 =	vld.idx.msk [tilespmem:v14+s2+$0x0], $0xffff  }
0x500: {  	[tilespmem:s6+$0x100] =	vst.add.f32.msk $0xffff, v6  }
0x501: {  	v2 =	vmul.f32 v7, v2;
	v6 =	vld.idx.msk [tilespmem:v15+s2+$0x0], $0xffff  }
0x502: {  	v1 =	vmul.f32 v8, v1;
	v5 =	vld.idx.msk [tilespmem:v5+s2+$0x0], $0xffff  }
0x503: {  	v3 =	vmul.f32 v9, v3;
	[tilespmem:s0+$0x180] =	vst.add.f32.msk $0xffff, v2  }
0x504: {  	[tilespmem:s4+$0x180] =	vst.add.f32.msk $0xffff, v1;
	v1 =	vmul.f32 v4, v13  }
0x505: {  	[tilespmem:s13+$0x180] =	vst.add.f32.msk $0xffff, v3;
	v2 =	vmul.f32 v10, v18  }
0x506: {  	[tilespmem:s1+$0x180] =	vst.add.f32.msk $0xffff, v1;
	v1 =	vmul.f32 v6, v11  }
0x507: {  	[tilespmem:s5+$0x180] =	vst.add.f32.msk $0xffff, v2;
	v2 =	vmul.f32 v5, v12  }
0x508: {  	s29 =	simm.s32 $0x200;
	s30 =	simm.s32 $0x4000;
	[tilespmem:s6+$0x180] =	vst.add.f32.msk $0xffff, v1  }
0x509: {  	s16 =	simm.s32 $0x400;
	s17 =	simm.s32 $0x8000;
	s19 =	simm.s32 $0x5;
	[tilespmem:s8+$0x180] =	vst.add.f32.msk $0xffff, v2  }
0x50a: {  	s21 =	simm.s32 $0x0;
	s28 =	simm.s32 $0xCD00;
	s0 =	rddreg [dreg:$0x10]  }
0x50b: {  	[hbm4b:s0+s29] =	stream.strided.scatter [tilespmem:s28], [sflag:$0x3], $0x5000, s30, s29, $0x38;
	[tilespmem:$0x1E900] =	vst v63  }
0x50c: {  	s18 =	simm.s32 $0x16D00;
	s15 =	rddreg [dreg:$0x11];
	s0 =	sand.u32 $0x4, s21  }
0x50d: {  	[hbm4b:s15+s16] =	stream.strided.scatter [tilespmem:s18], [sflag:$0x5], $0x1400, s17, s16, $0x38;
	[tilespmem:$0x1E900] =	vst v63  }
0x50e: {  	s22 =	smul.u32 $0xCD0, s0;
	s5 =	sor.u32 $0x1, s0;
	_ =	swait.ge [sflag:s7], $0x5000  }
0x50f: {  	s4 =	sor.u32 $0x3, s0;
	s23 =	smul.u32 $0xCD0, s5;
	[sflag:s7] =	ssyncset.done $0x0  }
0x510: {  	s1 =	sor.u32 $0x2, s0;
	s25 =	smul.u32 $0xCD0, s4;
	[sflag:s7] =	ssyncadd.s32 $0xFFFFB000  }
0x511: {  	s31 =	simm.s32 $0x2;
	s26 =	smul.u32 $0xCD0, s1;
	_ =	swait.ge [sflag:s19], $0x1400  }
0x512: {  	s24 =	sadd.s32 $0x28, s22;
	s6 =	sadd.s32 $0x28, s23;
	[sflag:s19] =	ssyncset.done $0x0  }
0x513: {  	v1 =	vadd.s32 s24, v0;
	s12 =	sadd.s32 $0x28, s25;
	s20 =	rddreg [dreg:$0x12];
	[sflag:s19] =	ssyncadd.s32 $0xFFFFEC00  }
0x514: {  	v2 =	vadd.s32 s6, v0;
	[tilespmem:s28], [sflag:$0x1] =	stream.strided.gather [hbm4b:s20+s29], $0x5000, s30, s29, $0x38;
	[tilespmem:$0x1E900] =	vst v63  }
0x515: {  	s8 =	sadd.s32 $0x28, s26;
	v4 =	vadd.s32 s12, v0;
	_ =	swait.ge [sflag:s31], $0x5000  }
0x516: {  	v5 =	vadd.s32 s8, v0;
	[sflag:s31] =	ssyncset.done $0x0  }
0x517: {  	[sflag:s31] =	ssyncadd.s32 $0xFFFFB000  }
0x518: {  	v3 =	vld.idx.msk [tilespmem:v1+s3+$0x0], $0xffff  }
0x519: {  	v7 =	vld.idx.msk [tilespmem:v2+s3+$0x0], $0xffff  }
0x51a: {  	v8 =	vld.idx.msk [tilespmem:v4+s3+$0x0], $0xffff  }
0x51b: {  	v9 =	vld.idx.msk [tilespmem:v5+s3+$0x0], $0xffff;
	_ =	sdelay $0x1  }
0x51c: {  	v6 =	vmul.u32 $0x5, v3  }
0x51d: {  	v11 =	vmul.u32 $0x5, v7  }
0x51e: {  	v12 =	vmul.u32 $0x5, v8;
	v7 =	vadd.s32 $0x4, v6  }
0x51f: {  	v1 =	vld.idx.msk [tilespmem:v1+s10+$0x0], $0xffff;
	v9 =	vmul.u32 $0x5, v9;
	v8 =	vadd.s32 $0x4, v11  }
0x520: {  	v3 =	vld.idx.msk [tilespmem:v2+s10+$0x0], $0xffff;
	v13 =	vadd.s32 $0x4, v12  }
0x521: {  	v2 =	vld.idx.msk [tilespmem:v5+s10+$0x0], $0xffff;
	v5 =	vadd.s32 $0x4, v9  }
0x522: {  	v10 =	vld.idx.msk [tilespmem:v4+s10+$0x0], $0xffff  }
0x523: {  	v7 =	vld.idx.msk [tilespmem:v7+s2+$0x0], $0xffff  }
0x524: {  	v8 =	vld.idx.msk [tilespmem:v8+s2+$0x0], $0xffff  }
0x525: {  	v4 =	vld.idx.msk [tilespmem:v13+s2+$0x0], $0xffff  }
0x526: {  	v5 =	vld.idx.msk [tilespmem:v5+s2+$0x0], $0xffff;
	_ =	sdelay $0x1  }
0x527: {  	s26 =	simm.s32 $0x4;
	v7 =	vmul.f32 v7, v1  }
0x528: {  	s20 =	sand.u32 $0x4, s26;
	v8 =	vmul.f32 v8, v3  }
0x529: {  	s13 =	smul.u32 $0xCD0, s20;
	v4 =	vmul.f32 v4, v10;
	v7 =	vmul.f32 $1.442695020e+00, v7  }
0x52a: {  	s25 =	sor.u32 $0x3, s20;
	v5 =	vmul.f32 v5, v2;
	v8 =	vmul.f32 $1.442695020e+00, v8  }
0x52b: {  	s21 =	smul.u32 $0xCD0, s25;
	s6 =	sadd.s32 $0x28, s13;
	v4 =	vmul.f32 $1.442695020e+00, v4;
	(erf) = vpow2.f32 v7  }
0x52c: {  	s24 =	sor.u32 $0x1, s20;
	v7 =	vadd.s32 s6, v0;
	(erf) = vpow2.f32 v8  }
0x52d: {  	s14 =	smul.u32 $0xCD0, s24;
	s23 =	sadd.s32 $0x28, s21;
	(erf) = vpow2.f32 v4;
	v4 =	vmul.f32 $1.442695020e+00, v5  }
0x52e: {  	v15 =	vadd.s32 s23, v0  }
0x52f: {  	s15 =	sadd.s32 $0x28, s14;
	(erf) = vpow2.f32 v4  }
0x530: {  	v8 =	vadd.s32 s15, v0  }
0x531: {  	s16 =	simm.s32 $0x0;
	s19 =	simm.s32 $0x0;
	v14 =	vld.idx.msk [tilespmem:v7+s3+$0x0], $0xffff  }
0x532: {  	s18 =	sand.u32 $0x1C00, s16;
	s8 =	sand.u32 $0x380, s19;
	s22 =	sor.u32 $0x2, s20  }
0x533: {  	s17 =	smul.u32 $0xCD0, s22;
	v20 =	vld.idx.msk [tilespmem:v15+s3+$0x0], $0xffff;
	s6 =	sor.u32 s8, s18  }
0x534: {  	s5 =	sshll.u32 s5, $0x4;
	s6 =	sadd.s32 $0x18100, s6;
	v4 =	vld.idx.msk [tilespmem:v7+s10+$0x0], $0xffff;
	v16 =	vpop (erf)  }
0x535: {  	s4 =	sshll.u32 s4, $0x4;
	s9 =	sadd.s32 $0x28, s17;
	s31 =	sor.u32 s5, s6;
	v5 =	vld.idx.msk [tilespmem:v8+s10+$0x0], $0xffff;
	v7 =	vpop (erf)  }
0x536: {  	s0 =	sshll.u32 s0, $0x4;
	s1 =	sshll.u32 s1, $0x4;
	v13 =	vadd.s32 s9, v0;
	s9 =	sor.u32 s4, s6;
	v17 =	vld.idx.msk [tilespmem:v8+s3+$0x0], $0xffff;
	[tilespmem:s31+$0x0] =	vst v7;
	v8 =	vpop (erf);
	v7 =	vmul.u32 $0x5, v14  }
0x537: {  	s11 =	sor.u32 s1, s6;
	s6 =	sor.u32 s0, s6;
	v18 =	vld.idx.msk [tilespmem:v11+s2+$0x0], $0xffff;
	[tilespmem:s9+$0x0] =	vst v8  }
0x538: {  	[tilespmem:s6+$0x0] =	vst v16;
	v8 =	vpop (erf);
	v14 =	vld.idx.msk [tilespmem:v12+s2+$0x0], $0xffff;
	v21 =	vadd.s32 $0x4, v7  }
0x539: {  	v22 =	vld.idx.msk [tilespmem:v6+s2+$0x0], $0xffff;
	[tilespmem:s11+$0x0] =	vst v8  }
0x53a: {  	s12 =	simm.s32 $0x0;
	v16 =	vld.idx.msk [tilespmem:v9+s2+$0x0], $0xffff  }
0x53b: {  	s13 =	sand.u32 $0x3FFFFE00, s12;
	v23 =	vadd.s32 $0x1, v11;
	v19 =	vld.idx.msk [tilespmem:v13+s3+$0x0], $0xffff  }
0x53c: {  	s14 =	sadd.s32 $0x11D00, s13;
	v8 =	vld.idx.msk [tilespmem:v13+s10+$0x0], $0xffff;
	v18 =	vmul.f32 v18, v3  }
0x53d: {  	s19 =	sor.u32 s5, s14;
	v13 =	vmul.f32 v14, v10;
	v24 =	vld.idx.msk [tilespmem:v21+s2+$0x0], $0xffff  }
0x53e: {  	v25 =	vadd.s32 $0x1, v12;
	v27 =	vadd.s32 $0x1, v9;
	s4 =	sor.u32 s4, s14;
	[tilespmem:s19+$0x0] =	vst.add.f32.msk $0xffff, v18  }
0x53f: {  	v21 =	vmul.f32 v22, v1;
	v14 =	vmul.f32 v16, v2;
	[tilespmem:s4+$0x0] =	vst.add.f32.msk $0xffff, v13;
	v16 =	vmul.u32 $0x5, v17  }
0x540: {  	s21 =	sor.u32 s0, s14;
	v18 =	vadd.s32 $0x1, v6;
	v26 =	vld.idx.msk [tilespmem:v23+s2+$0x0], $0xffff  }
0x541: {  	s16 =	simm.s32 $0x40;
	s23 =	sor.u32 s1, s14;
	s15 =	simm.s32 $0x40;
	[tilespmem:s21+$0x0] =	vst.add.f32.msk $0xffff, v21;
	v21 =	vadd.s32 $0x4, v16  }
0x542: {  	s18 =	sand.u32 $0x380, s16;
	s17 =	sand.u32 $0x1C00, s15;
	[tilespmem:s23+$0x0] =	vst.add.f32.msk $0xffff, v14;
	v14 =	vmul.u32 $0x5, v20  }
0x543: {  	s0 =	sor.u32 s18, s17;
	v13 =	vmul.u32 $0x5, v19;
	v23 =	vld.idx.msk [tilespmem:v25+s2+$0x0], $0xffff  }
0x544: {  	s15 =	sadd.s32 $0x18100, s0;
	s31 =	simm.s32 $0x100;
	v22 =	vadd.s32 $0x2, v11;
	v20 =	vld.idx.msk [tilespmem:v27+s2+$0x0], $0xffff;
	v19 =	vadd.s32 $0x4, v14  }
0x545: {  	s0 =	simm.s32 $0x80;
	s1 =	sand.u32 $0x3FFFFE00, s31;
	s11 =	sor.u32 $0x80, s19;
	v25 =	vmul.f32 v24, v4;
	v17 =	vld.idx.msk [tilespmem:v18+s2+$0x0], $0xffff;
	v18 =	vadd.s32 $0x4, v13;
	v24 =	vmul.f32 v26, v3  }
.LBB2_12:
0x546: {  	s26 =	sadd.s32 $0x4, s26;
	s6 =	sand.u32 $0x1C00, s0;
	v21 =	vld.idx.msk [tilespmem:v21+s2+$0x0], $0xffff;
	s8 =	sor.u32 $0x80, s4  }
0x547: {  	s5 =	sshrl.u32 s26, $0x3;
	s14 =	sand.u32 $0x4, s26;
	s9 =	sshll.u32 s26, $0x4;
	v25 =	vmul.f32 $1.442695020e+00, v25;
	[tilespmem:s11+$0x0] =	vst.add.f32.msk $0xffff, v24  }
0x548: {  	s13 =	smul.u32 $0xCD0, s14;
	s11 =	sor.u32 $0x1, s14;
	s12 =	sor.u32 $0x3, s14;
	v24 =	vld.idx.msk [tilespmem:v15+s10+$0x0], $0xffff;
	v15 =	vadd.s32 $0x2, v12  }
0x549: {  	s16 =	sadd.s32 $0x28, s5;
	s5 =	sor.u32 $0x2, s14;
	s17 =	smul.u32 $0xCD0, s11;
	v19 =	vld.idx.msk [tilespmem:v19+s2+$0x0], $0xffff;
	(erf) = vpow2.f32 v25  }
0x54a: {  	s9 =	sand.u32 $0x380, s9;
	s18 =	smul.u32 $0xCD0, s12;
	v25 =	vadd.s32 $0x2, v9;
	v23 =	vmul.f32 v23, v10;
	s13 =	sadd.s32 s13, s16;
	v22 =	vld.idx.msk [tilespmem:v22+s2+$0x0], $0xffff  }
0x54b: {  	s6 =	sor.u32 s9, s6;
	v20 =	vmul.f32 v20, v2;
	v26 =	vadd.s32 s13, v0;
	s9 =	sadd.s32 s17, s16;
	s17 =	smul.u32 $0xCD0, s5;
	v18 =	vld.idx.msk [tilespmem:v18+s2+$0x0], $0xffff  }
0x54c: {  	s13 =	sadd.s32 $0x18100, s6;
	s6 =	sshll.u32 s26, $0x6;
	s18 =	sadd.s32 s18, s16;
	v21 =	vmul.f32 v21, v5;
	v27 =	vadd.s32 s9, v0;
	[tilespmem:s8+$0x0] =	vst.add.f32.msk $0xffff, v23  }
0x54d: {  	s9 =	sand.u32 $0x3FFFFE00, s6;
	s8 =	sor.u32 $0x80, s23;
	s6 =	sadd.s32 s17, s16;
	v23 =	vld.idx.msk [tilespmem:v15+s2+$0x0], $0xffff  }
0x54e: {  	p0 =	slt.u32 s26, $0x13C;
	v21 =	vmul.f32 $1.442695020e+00, v21;
	v28 =	vadd.s32 s6, v0;
	[tilespmem:s8+$0x0] =	vst.add.f32.msk $0xffff, v20  }
0x54f: {  	v15 =	vadd.s32 s18, v0;
	v19 =	vmul.f32 v19, v24;
	v20 =	vadd.s32 $0x3, v11;
	v11 =	vmovc v16;
	v25 =	vld.idx.msk [tilespmem:v25+s2+$0x0], $0xffff  }
0x550: {  	v22 =	vmul.f32 v22, v3;
	v16 =	vld.idx.msk [tilespmem:v26+s3+$0x0], $0xffff  }
0x551: {  	v29 =	vadd.s32 $0x3, v12;
	v12 =	vmovc v14;
	v18 =	vmul.f32 v18, v8;
	v19 =	vmul.f32 $1.442695020e+00, v19;
	v26 =	vld.idx.msk [tilespmem:v26+s10+$0x0], $0xffff  }
0x552: {  	s6 =	sshll.u32 s20, $0x4;
	s20 =	smov.u32 s14;
	v14 =	vld.idx.msk [tilespmem:v27+s10+$0x0], $0xffff;
	v30 =	vpop (erf);
	(erf) = vpow2.f32 v21  }
0x553: {  	s8 =	sor.u32 s6, s15;
	(erf) = vpow2.f32 v19;
	[tilespmem:s19+$0x100] =	vst.add.f32.msk $0xffff, v22;
	v19 =	vmul.f32 v23, v10  }
0x554: {  	v17 =	vmul.f32 v17, v1;
	v18 =	vmul.f32 $1.442695020e+00, v18;
	v21 =	vadd.s32 $0x2, v6;
	[tilespmem:s8+$0x0] =	vst v30;
	v20 =	vld.idx.msk [tilespmem:v20+s2+$0x0], $0xffff  }
0x555: {  	v22 =	vmul.f32 v25, v2;
	[tilespmem:s4+$0x100] =	vst.add.f32.msk $0xffff, v19  }
0x556: {  	(erf) = vpow2.f32 v18;
	v18 =	vld.idx.msk [tilespmem:v29+s2+$0x0], $0xffff  }
0x557: {  	s8 =	sor.u32 $0x80, s21;
	v19 =	vld.idx.msk [tilespmem:v27+s3+$0x0], $0xffff  }
0x558: {  	[tilespmem:s8+$0x0] =	vst.add.f32.msk $0xffff, v17;
	v17 =	vadd.s32 $0x3, v9;
	v9 =	vmov v13  }
0x559: {  	v13 =	vld.idx.msk [tilespmem:v21+s2+$0x0], $0xffff  }
0x55a: {  	v20 =	vmul.f32 v20, v3;
	v3 =	vmov v5;
	v5 =	vmov v14;
	v21 =	vld.idx.msk [tilespmem:v28+s3+$0x0], $0xffff  }
0x55b: {  	s16 =	sadd.s32 $0x11D00, s1;
	s1 =	sshll.u32 s24, $0x4;
	s24 =	smov.u32 s11;
	v14 =	vld.idx.msk [tilespmem:v15+s3+$0x0], $0xffff;
	v23 =	vpop (erf)  }
0x55c: {  	s17 =	sshll.u32 s25, $0x4;
	s14 =	sor.u32 s1, s16;
	s8 =	sor.u32 s1, s15;
	v18 =	vmul.f32 v18, v10;
	v10 =	vmov v24;
	v25 =	vpop (erf);
	[tilespmem:s23+$0x100] =	vst.add.f32.msk $0xffff, v22  }
0x55d: {  	s25 =	smov.u32 s12;
	s11 =	sor.u32 $0x80, s14;
	v16 =	vmul.u32 $0x5, v16;
	s1 =	sor.u32 s17, s15;
	[tilespmem:s8+$0x0] =	vst v23;
	v17 =	vld.idx.msk [tilespmem:v17+s2+$0x0], $0xffff  }
0x55e: {  	v23 =	vadd.s32 $0x3, v6;
	v6 =	vmov v7;
	v22 =	vld.idx.msk [tilespmem:v11+s2+$0x0], $0xffff;
	[tilespmem:s1+$0x0] =	vst v25;
	s1 =	smov.u32 s9  }
0x55f: {  	v24 =	vadd.s32 $0x4, v16;
	v7 =	vmov v16;
	v13 =	vmul.f32 v13, v1;
	v25 =	vpop (erf);
	[tilespmem:s4+$0x180] =	vst.add.f32.msk $0xffff, v18  }
0x560: {  	[tilespmem:s19+$0x180] =	vst.add.f32.msk $0xffff, v20;
	s19 =	smov.u32 s14  }
0x561: {  	s8 =	sshll.u32 s22, $0x4;
	s22 =	smov.u32 s5;
	v20 =	vld.idx.msk [tilespmem:v12+s2+$0x0], $0xffff  }
0x562: {  	s4 =	sor.u32 s8, s15;
	s15 =	smov.u32 s13;
	[tilespmem:s21+$0x100] =	vst.add.f32.msk $0xffff, v13  }
0x563: {  	v14 =	vmul.u32 $0x5, v14;
	v13 =	vmul.u32 $0x5, v21;
	v17 =	vmul.f32 v17, v2;
	v2 =	vmovc v8;
	[tilespmem:s4+$0x0] =	vst v25;
	v23 =	vld.idx.msk [tilespmem:v23+s2+$0x0], $0xffff  }
0x564: {  	v22 =	vmul.f32 v22, v3;
	v25 =	vld.idx.msk [tilespmem:v9+s2+$0x0], $0xffff  }
0x565: {  	v16 =	vmul.u32 $0x5, v19;
	v19 =	vadd.s32 $0x4, v14;
	v18 =	vadd.s32 $0x4, v13;
	v8 =	vld.idx.msk [tilespmem:v28+s10+$0x0], $0xffff  }
0x566: {  	v28 =	vadd.s32 $0x1, v11;
	v27 =	vld.idx.msk [tilespmem:v6+s2+$0x0], $0xffff  }
0x567: {  	v21 =	vadd.s32 $0x4, v16;
	v20 =	vmul.f32 v20, v10;
	[tilespmem:s23+$0x180] =	vst.add.f32.msk $0xffff, v17  }
0x568: {  	[tilespmem:s19+$0x0] =	vst.add.f32.msk $0xffff, v22  }
0x569: {  	s4 =	sor.u32 s17, s16;
	v17 =	vmul.f32 v23, v1;
	v1 =	vmov v4;
	v4 =	vmov v26;
	v22 =	vld.idx.msk [tilespmem:v24+s2+$0x0], $0xffff  }
0x56a: {  	v23 =	vadd.s32 $0x1, v6;
	v24 =	vmul.f32 v25, v2;
	[tilespmem:s4+$0x0] =	vst.add.f32.msk $0xffff, v20  }
0x56b: {  	s23 =	sor.u32 s8, s16;
	v25 =	vadd.s32 $0x1, v12;
	v20 =	vld.idx.msk [tilespmem:v28+s2+$0x0], $0xffff  }
0x56c: {  	v26 =	vmul.f32 v27, v1;
	v27 =	vadd.s32 $0x1, v9;
	[tilespmem:s23+$0x0] =	vst.add.f32.msk $0xffff, v24  }
.Ltmp5:
0x56d: {  	[tilespmem:s21+$0x180] =	vst.add.f32.msk $0xffff, v17;
	s21 =	sor.u32 s6, s16;
	(pc) =	sbr.rel @p0 .LBB2_12-.Ltmp5, $4  }
0x56e: {  	[tilespmem:s21+$0x0] =	vst.add.f32.msk $0xffff, v26  }
0x56f: {  	v17 =	vld.idx.msk [tilespmem:v23+s2+$0x0], $0xffff  }
0x570: {  	v23 =	vld.idx.msk [tilespmem:v25+s2+$0x0], $0xffff  }
0x571: {  	s0 =	sadd.s32 $0x40, s0;
	v25 =	vmul.f32 v22, v4;
	v24 =	vmul.f32 v20, v3;
	v22 =	vadd.s32 $0x2, v11;
	v20 =	vld.idx.msk [tilespmem:v27+s2+$0x0], $0xffff  }
0x572: {  	_ =	sdelay $0x3  }
0x573: {  	v21 =	vld.idx.msk [tilespmem:v21+s2+$0x0], $0xffff  }
0x574: {  	v15 =	vld.idx.msk [tilespmem:v15+s10+$0x0], $0xffff  }
0x575: {  	v26 =	vadd.s32 $0x2, v12;
	v19 =	vld.idx.msk [tilespmem:v19+s2+$0x0], $0xffff;
	_ =	sdelay $0x1  }
0x576: {  	v18 =	vld.idx.msk [tilespmem:v18+s2+$0x0], $0xffff;
	v23 =	vmul.f32 v23, v10  }
0x577: {  	s0 =	sor.u32 $0x80, s4;
	v25 =	vmul.f32 $1.442695020e+00, v25  }
0x578: {  	v21 =	vmul.f32 v21, v5;
	[tilespmem:s0+$0x0] =	vst.add.f32.msk $0xffff, v23;
	v23 =	vadd.s32 $0x2, v9  }
0x579: {  	(erf) = vpow2.f32 v25;
	v19 =	vmul.f32 v19, v15;
	v26 =	vld.idx.msk [tilespmem:v26+s2+$0x0], $0xffff  }
0x57a: {  	[tilespmem:s11+$0x0] =	vst.add.f32.msk $0xffff, v24;
	v20 =	vmul.f32 v20, v2;
	v21 =	vmul.f32 $1.442695020e+00, v21  }
0x57b: {  	s13 =	sor.u32 $0x80, s23;
	v22 =	vld.idx.msk [tilespmem:v22+s2+$0x0], $0xffff;
	v18 =	vmul.f32 v18, v8;
	v19 =	vmul.f32 $1.442695020e+00, v19  }
0x57c: {  	v12 =	vadd.s32 $0x3, v12;
	v17 =	vmul.f32 v17, v1;
	[tilespmem:s13+$0x0] =	vst.add.f32.msk $0xffff, v20;
	(erf) = vpow2.f32 v21  }
0x57d: {  	v18 =	vmul.f32 $1.442695020e+00, v18;
	(erf) = vpow2.f32 v19;
	v19 =	vld.idx.msk [tilespmem:v23+s2+$0x0], $0xffff  }
0x57e: {  	s14 =	sor.u32 $0x80, s21;
	v21 =	vadd.s32 $0x2, v6;
	v20 =	vmul.f32 v26, v10  }
0x57f: {  	v11 =	vadd.s32 $0x3, v11;
	[tilespmem:s14+$0x0] =	vst.add.f32.msk $0xffff, v17;
	(erf) = vpow2.f32 v18  }
0x580: {  	v18 =	vmul.f32 v22, v3;
	[tilespmem:s4+$0x100] =	vst.add.f32.msk $0xffff, v20  }
0x581: {  	v12 =	vld.idx.msk [tilespmem:v12+s2+$0x0], $0xffff  }
0x582: {  	s8 =	sshll.u32 s20, $0x4;
	[tilespmem:s19+$0x100] =	vst.add.f32.msk $0xffff, v18;
	v17 =	vmul.f32 v19, v2  }
0x583: {  	s16 =	sshll.u32 s24, $0x4;
	s24 =	sor.u32 s8, s15;
	v19 =	vld.idx.msk [tilespmem:v21+s2+$0x0], $0xffff;
	v20 =	vpop (erf)  }
0x584: {  	v11 =	vld.idx.msk [tilespmem:v11+s2+$0x0], $0xffff;
	[tilespmem:s24+$0x0] =	vst v20  }
0x585: {  	s6 =	sshll.u32 s25, $0x4;
	s5 =	sor.u32 s16, s15;
	[tilespmem:s23+$0x100] =	vst.add.f32.msk $0xffff, v17;
	v18 =	vpop (erf)  }
0x586: {  	s17 =	sor.u32 s6, s15;
	v20 =	vld.idx.msk [tilespmem:v7+s2+$0x0], $0xffff;
	v17 =	vpop (erf);
	v10 =	vmul.f32 v12, v10;
	[tilespmem:s5+$0x0] =	vst v18  }
0x587: {  	s18 =	sshll.u32 s22, $0x4;
	v9 =	vadd.s32 $0x3, v9;
	v12 =	vld.idx.msk [tilespmem:v16+s2+$0x0], $0xffff;
	[tilespmem:s17+$0x0] =	vst v17  }
0x588: {  	s22 =	sor.u32 s18, s15;
	v6 =	vadd.s32 $0x3, v6;
	v17 =	vmul.f32 v19, v1;
	v18 =	vpop (erf);
	[tilespmem:s4+$0x180] =	vst.add.f32.msk $0xffff, v10  }
0x589: {  	v10 =	vld.idx.msk [tilespmem:v14+s2+$0x0], $0xffff;
	[tilespmem:s22+$0x0] =	vst v18  }
0x58a: {  	[tilespmem:s21+$0x100] =	vst.add.f32.msk $0xffff, v17;
	v17 =	vadd.s32 $0x1, v16  }
0x58b: {  	v18 =	vld.idx.msk [tilespmem:v13+s2+$0x0], $0xffff  }
0x58c: {  	s1 =	sadd.s32 $0x11D00, s1;
	v9 =	vld.idx.msk [tilespmem:v9+s2+$0x0], $0xffff;
	v19 =	vadd.s32 $0x1, v14;
	v12 =	vmul.f32 v12, v5  }
0x58d: {  	s0 =	sor.u32 s16, s1;
	v6 =	vld.idx.msk [tilespmem:v6+s2+$0x0], $0xffff  }
0x58e: {  	v10 =	vmul.f32 v10, v15;
	[tilespmem:s0+$0x0] =	vst.add.f32.msk $0xffff, v12;
	v12 =	vadd.s32 $0x1, v13  }
0x58f: {  	s25 =	sor.u32 s6, s1;
	v17 =	vld.idx.msk [tilespmem:v17+s2+$0x0], $0xffff  }
0x590: {  	v21 =	vadd.s32 $0x1, v7;
	v18 =	vmul.f32 v18, v8;
	[tilespmem:s25+$0x0] =	vst.add.f32.msk $0xffff, v10  }
0x591: {  	s4 =	sor.u32 s18, s1;
	v10 =	vld.idx.msk [tilespmem:v19+s2+$0x0], $0xffff  }
0x592: {  	v19 =	vmul.f32 v20, v4;
	[tilespmem:s4+$0x0] =	vst.add.f32.msk $0xffff, v18;
	v18 =	vadd.s32 $0x2, v16  }
0x593: {  	s1 =	sor.u32 s8, s1;
	v12 =	vld.idx.msk [tilespmem:v12+s2+$0x0], $0xffff  }
0x594: {  	[tilespmem:s1+$0x0] =	vst.add.f32.msk $0xffff, v19;
	v19 =	vadd.s32 $0x2, v14;
	v17 =	vmul.f32 v17, v5  }
0x595: {  	s26 =	sor.u32 $0x80, s0;
	v20 =	vld.idx.msk [tilespmem:v21+s2+$0x0], $0xffff  }
0x596: {  	v10 =	vmul.f32 v10, v15;
	[tilespmem:s26+$0x0] =	vst.add.f32.msk $0xffff, v17;
	v17 =	vadd.s32 $0x2, v13  }
0x597: {  	s8 =	sor.u32 $0x80, s25;
	v18 =	vld.idx.msk [tilespmem:v18+s2+$0x0], $0xffff  }
0x598: {  	[tilespmem:s8+$0x0] =	vst.add.f32.msk $0xffff, v10;
	v10 =	vadd.s32 $0x2, v7;
	v12 =	vmul.f32 v12, v8  }
0x599: {  	s9 =	sor.u32 $0x80, s4;
	v19 =	vld.idx.msk [tilespmem:v19+s2+$0x0], $0xffff  }
0x59a: {  	[tilespmem:s9+$0x0] =	vst.add.f32.msk $0xffff, v12;
	v12 =	vadd.s32 $0x3, v16;
	v16 =	vmul.f32 v20, v4  }
0x59b: {  	s11 =	sor.u32 $0x80, s1;
	v17 =	vld.idx.msk [tilespmem:v17+s2+$0x0], $0xffff  }
0x59c: {  	v14 =	vadd.s32 $0x3, v14;
	v18 =	vmul.f32 v18, v5;
	[tilespmem:s11+$0x0] =	vst.add.f32.msk $0xffff, v16  }
0x59d: {  	v10 =	vld.idx.msk [tilespmem:v10+s2+$0x0], $0xffff  }
0x59e: {  	v13 =	vadd.s32 $0x3, v13;
	v16 =	vmul.f32 v19, v15;
	[tilespmem:s0+$0x100] =	vst.add.f32.msk $0xffff, v18  }
0x59f: {  	v12 =	vld.idx.msk [tilespmem:v12+s2+$0x0], $0xffff  }
0x5a0: {  	v7 =	vadd.s32 $0x3, v7;
	[tilespmem:s25+$0x100] =	vst.add.f32.msk $0xffff, v16;
	v17 =	vmul.f32 v17, v8  }
0x5a1: {  	v14 =	vld.idx.msk [tilespmem:v14+s2+$0x0], $0xffff  }
0x5a2: {  	[tilespmem:s4+$0x100] =	vst.add.f32.msk $0xffff, v17;
	v10 =	vmul.f32 v10, v4  }
0x5a3: {  	v13 =	vld.idx.msk [tilespmem:v13+s2+$0x0], $0xffff  }
0x5a4: {  	v3 =	vmul.f32 v11, v3;
	[tilespmem:s1+$0x100] =	vst.add.f32.msk $0xffff, v10  }
0x5a5: {  	v2 =	vmul.f32 v9, v2;
	v7 =	vld.idx.msk [tilespmem:v7+s2+$0x0], $0xffff  }
0x5a6: {  	[tilespmem:s19+$0x180] =	vst.add.f32.msk $0xffff, v3;
	v1 =	vmul.f32 v6, v1  }
0x5a7: {  	[tilespmem:s23+$0x180] =	vst.add.f32.msk $0xffff, v2;
	v2 =	vmul.f32 v14, v15  }
0x5a8: {  	[tilespmem:s21+$0x180] =	vst.add.f32.msk $0xffff, v1;
	v1 =	vmul.f32 v12, v5  }
0x5a9: {  	[tilespmem:s25+$0x180] =	vst.add.f32.msk $0xffff, v2;
	v2 =	vmul.f32 v13, v8  }
0x5aa: {  	[tilespmem:s0+$0x180] =	vst.add.f32.msk $0xffff, v1;
	v1 =	vmul.f32 v7, v4  }
0x5ab: {  	s31 =	simm.s32 $0x11D00;
	[tilespmem:s4+$0x180] =	vst.add.f32.msk $0xffff, v2  }
0x5ac: {  	s15 =	simm.s32 $0x18100;
	s14 =	simm.s32 $0x8000;
	s16 =	simm.s32 $0x4;
	[tilespmem:s1+$0x180] =	vst.add.f32.msk $0xffff, v1  }
0x5ad: {  	s13 =	simm.s32 $0x400;
	s19 =	simm.s32 $0x0;
	s0 =	rddreg [dreg:$0x13]  }
0x5ae: {  	[hbm4b:s0+s29] =	stream.strided.scatter [tilespmem:s31], [sflag:$0x4], $0x5000, s30, s29, $0x38;
	[tilespmem:$0x1E900] =	vst v63  }
0x5af: {  	s17 =	simm.s32 $0x6;
	s12 =	rddreg [dreg:$0x14];
	s0 =	sand.u32 $0x4, s19  }
0x5b0: {  	[hbm4b:s12+s13] =	stream.strided.scatter [tilespmem:s15], [sflag:$0x6], $0x1400, s14, s13, $0x38;
	[tilespmem:$0x1E900] =	vst v63  }
0x5b1: {  	s20 =	smul.u32 $0xCD0, s0;
	s21 =	sor.u32 $0x1, s0;
	_ =	swait.ge [sflag:s16], $0x5000  }
0x5b2: {  	s23 =	sor.u32 $0x3, s0;
	s22 =	smul.u32 $0xCD0, s21;
	[sflag:s16] =	ssyncset.done $0x0  }
0x5b3: {  	s1 =	sor.u32 $0x2, s0;
	s9 =	smul.u32 $0xCD0, s23;
	[sflag:s16] =	ssyncadd.s32 $0xFFFFB000  }
0x5b4: {  	s26 =	simm.s32 $0x1;
	s25 =	smul.u32 $0xCD0, s1;
	_ =	swait.ge [sflag:s17], $0x1400  }
0x5b5: {  	s24 =	sadd.s32 $0x50, s20;
	s6 =	sadd.s32 $0x50, s22;
	[sflag:s17] =	ssyncset.done $0x0  }
0x5b6: {  	v1 =	vadd.s32 s24, v0;
	s9 =	sadd.s32 $0x50, s9;
	s18 =	rddreg [dreg:$0x15];
	[sflag:s17] =	ssyncadd.s32 $0xFFFFEC00  }
0x5b7: {  	v2 =	vadd.s32 s6, v0;
	[tilespmem:s31], [sflag:$0x2] =	stream.strided.gather [hbm4b:s18+s29], $0x5000, s30, s29, $0x38;
	[tilespmem:$0x1E900] =	vst v63  }
0x5b8: {  	s8 =	sadd.s32 $0x50, s25;
	v4 =	vadd.s32 s9, v0;
	_ =	swait.ge [sflag:s26], $0x5000  }
0x5b9: {  	v5 =	vadd.s32 s8, v0;
	[sflag:s26] =	ssyncset.done $0x0  }
0x5ba: {  	[sflag:s26] =	ssyncadd.s32 $0xFFFFB000  }
0x5bb: {  	v3 =	vld.idx.msk [tilespmem:v1+s3+$0x0], $0xffff  }
0x5bc: {  	v7 =	vld.idx.msk [tilespmem:v2+s3+$0x0], $0xffff  }
0x5bd: {  	v8 =	vld.idx.msk [tilespmem:v4+s3+$0x0], $0xffff  }
0x5be: {  	v9 =	vld.idx.msk [tilespmem:v5+s3+$0x0], $0xffff;
	_ =	sdelay $0x1  }
0x5bf: {  	v6 =	vmul.u32 $0x5, v3  }
0x5c0: {  	v11 =	vmul.u32 $0x5, v7  }
0x5c1: {  	v12 =	vmul.u32 $0x5, v8;
	v7 =	vadd.s32 $0x4, v6  }
0x5c2: {  	v1 =	vld.idx.msk [tilespmem:v1+s10+$0x0], $0xffff;
	v9 =	vmul.u32 $0x5, v9;
	v8 =	vadd.s32 $0x4, v11  }
0x5c3: {  	v3 =	vld.idx.msk [tilespmem:v2+s10+$0x0], $0xffff;
	v13 =	vadd.s32 $0x4, v12  }
0x5c4: {  	v2 =	vld.idx.msk [tilespmem:v5+s10+$0x0], $0xffff;
	v5 =	vadd.s32 $0x4, v9  }
0x5c5: {  	v10 =	vld.idx.msk [tilespmem:v4+s10+$0x0], $0xffff  }
0x5c6: {  	v7 =	vld.idx.msk [tilespmem:v7+s2+$0x0], $0xffff  }
0x5c7: {  	v8 =	vld.idx.msk [tilespmem:v8+s2+$0x0], $0xffff  }
0x5c8: {  	v4 =	vld.idx.msk [tilespmem:v13+s2+$0x0], $0xffff  }
0x5c9: {  	v5 =	vld.idx.msk [tilespmem:v5+s2+$0x0], $0xffff;
	_ =	sdelay $0x1  }
0x5ca: {  	s26 =	simm.s32 $0x4;
	v7 =	vmul.f32 v7, v1  }
0x5cb: {  	s20 =	sand.u32 $0x4, s26;
	v8 =	vmul.f32 v8, v3  }
0x5cc: {  	s11 =	smul.u32 $0xCD0, s20;
	v4 =	vmul.f32 v4, v10;
	v7 =	vmul.f32 $1.442695020e+00, v7  }
0x5cd: {  	s25 =	sor.u32 $0x3, s20;
	v5 =	vmul.f32 v5, v2;
	v8 =	vmul.f32 $1.442695020e+00, v8  }
0x5ce: {  	s18 =	smul.u32 $0xCD0, s25;
	s6 =	sadd.s32 $0x50, s11;
	v4 =	vmul.f32 $1.442695020e+00, v4;
	(erf) = vpow2.f32 v7  }
0x5cf: {  	s24 =	sor.u32 $0x1, s20;
	v7 =	vadd.s32 s6, v0;
	(erf) = vpow2.f32 v8  }
0x5d0: {  	s12 =	smul.u32 $0xCD0, s24;
	s19 =	sadd.s32 $0x50, s18;
	(erf) = vpow2.f32 v4;
	v4 =	vmul.f32 $1.442695020e+00, v5  }
0x5d1: {  	v15 =	vadd.s32 s19, v0  }
0x5d2: {  	s13 =	sadd.s32 $0x50, s12;
	(erf) = vpow2.f32 v4  }
0x5d3: {  	v8 =	vadd.s32 s13, v0  }
0x5d4: {  	s14 =	simm.s32 $0x0;
	s17 =	simm.s32 $0x0;
	v14 =	vld.idx.msk [tilespmem:v7+s3+$0x0], $0xffff  }
0x5d5: {  	s16 =	sand.u32 $0x1C00, s14;
	s8 =	sand.u32 $0x380, s17;
	s22 =	sor.u32 $0x2, s20  }
0x5d6: {  	s15 =	smul.u32 $0xCD0, s22;
	v20 =	vld.idx.msk [tilespmem:v15+s3+$0x0], $0xffff;
	s6 =	sor.u32 s8, s16  }
0x5d7: {  	s5 =	sshll.u32 s21, $0x4;
	s6 =	sadd.s32 $0x16D00, s6;
	v4 =	vld.idx.msk [tilespmem:v7+s10+$0x0], $0xffff;
	v16 =	vpop (erf)  }
0x5d8: {  	s4 =	sshll.u32 s23, $0x4;
	s9 =	sadd.s32 $0x50, s15;
	s21 =	sor.u32 s5, s6;
	v5 =	vld.idx.msk [tilespmem:v8+s10+$0x0], $0xffff;
	v7 =	vpop (erf)  }
0x5d9: {  	s0 =	sshll.u32 s0, $0x4;
	s1 =	sshll.u32 s1, $0x4;
	v13 =	vadd.s32 s9, v0;
	s23 =	sor.u32 s4, s6;
	v17 =	vld.idx.msk [tilespmem:v8+s3+$0x0], $0xffff;
	[tilespmem:s21+$0x0] =	vst v7;
	v8 =	vpop (erf);
	v7 =	vmul.u32 $0x5, v14  }
0x5da: {  	s9 =	sor.u32 s1, s6;
	s6 =	sor.u32 s0, s6;
	v18 =	vld.idx.msk [tilespmem:v11+s2+$0x0], $0xffff;
	[tilespmem:s23+$0x0] =	vst v8  }
0x5db: {  	[tilespmem:s6+$0x0] =	vst v16;
	v8 =	vpop (erf);
	v14 =	vld.idx.msk [tilespmem:v12+s2+$0x0], $0xffff;
	v21 =	vadd.s32 $0x4, v7  }
0x5dc: {  	v22 =	vld.idx.msk [tilespmem:v6+s2+$0x0], $0xffff;
	[tilespmem:s9+$0x0] =	vst v8  }
0x5dd: {  	s11 =	simm.s32 $0x0;
	v16 =	vld.idx.msk [tilespmem:v9+s2+$0x0], $0xffff  }
0x5de: {  	s12 =	sand.u32 $0x3FFFFE00, s11;
	v23 =	vadd.s32 $0x1, v11;
	v19 =	vld.idx.msk [tilespmem:v13+s3+$0x0], $0xffff  }
0x5df: {  	s13 =	sadd.s32 $0xCD00, s12;
	v8 =	vld.idx.msk [tilespmem:v13+s10+$0x0], $0xffff;
	v18 =	vmul.f32 v18, v3  }
0x5e0: {  	s19 =	sor.u32 s5, s13;
	v13 =	vmul.f32 v14, v10;
	v24 =	vld.idx.msk [tilespmem:v21+s2+$0x0], $0xffff  }
0x5e1: {  	v25 =	vadd.s32 $0x1, v12;
	v27 =	vadd.s32 $0x1, v9;
	s4 =	sor.u32 s4, s13;
	[tilespmem:s19+$0x0] =	vst.add.f32.msk $0xffff, v18  }
0x5e2: {  	v21 =	vmul.f32 v22, v1;
	v14 =	vmul.f32 v16, v2;
	[tilespmem:s4+$0x0] =	vst.add.f32.msk $0xffff, v13;
	v16 =	vmul.u32 $0x5, v17  }
0x5e3: {  	s21 =	sor.u32 s0, s13;
	v18 =	vadd.s32 $0x1, v6;
	v26 =	vld.idx.msk [tilespmem:v23+s2+$0x0], $0xffff  }
0x5e4: {  	s23 =	sor.u32 s1, s13;
	[tilespmem:s21+$0x0] =	vst.add.f32.msk $0xffff, v21;
	v21 =	vadd.s32 $0x4, v16  }
0x5e5: {  	s14 =	simm.s32 $0x40;
	s15 =	simm.s32 $0x40;
	[tilespmem:s23+$0x0] =	vst.add.f32.msk $0xffff, v14;
	v14 =	vmul.u32 $0x5, v20  }
0x5e6: {  	s17 =	sand.u32 $0x380, s15;
	s16 =	sand.u32 $0x1C00, s14;
	v13 =	vmul.u32 $0x5, v19;
	v23 =	vld.idx.msk [tilespmem:v25+s2+$0x0], $0xffff  }
0x5e7: {  	s18 =	simm.s32 $0x100;
	s11 =	sor.u32 $0x80, s19;
	s0 =	sor.u32 s17, s16;
	v22 =	vadd.s32 $0x2, v11;
	v20 =	vld.idx.msk [tilespmem:v27+s2+$0x0], $0xffff;
	v19 =	vadd.s32 $0x4, v14  }
0x5e8: {  	s15 =	sadd.s32 $0x16D00, s0;
	s1 =	sand.u32 $0x3FFFFE00, s18;
	s0 =	simm.s32 $0x80;
	v25 =	vmul.f32 v24, v4;
	v17 =	vld.idx.msk [tilespmem:v18+s2+$0x0], $0xffff;
	v18 =	vadd.s32 $0x4, v13;
	v24 =	vmul.f32 v26, v3  }
.LBB2_14:
0x5e9: {  	s26 =	sadd.s32 $0x4, s26;
	s6 =	sand.u32 $0x1C00, s0;
	v21 =	vld.idx.msk [tilespmem:v21+s2+$0x0], $0xffff;
	s8 =	sor.u32 $0x80, s4  }
0x5ea: {  	s5 =	sshrl.u32 s26, $0x3;
	s14 =	sand.u32 $0x4, s26;
	s9 =	sshll.u32 s26, $0x4;
	v25 =	vmul.f32 $1.442695020e+00, v25;
	[tilespmem:s11+$0x0] =	vst.add.f32.msk $0xffff, v24  }
0x5eb: {  	s13 =	smul.u32 $0xCD0, s14;
	s11 =	sor.u32 $0x1, s14;
	s12 =	sor.u32 $0x3, s14;
	v24 =	vld.idx.msk [tilespmem:v15+s10+$0x0], $0xffff;
	v15 =	vadd.s32 $0x2, v12  }
0x5ec: {  	s16 =	sadd.s32 $0x50, s5;
	s5 =	sor.u32 $0x2, s14;
	s17 =	smul.u32 $0xCD0, s11;
	v19 =	vld.idx.msk [tilespmem:v19+s2+$0x0], $0xffff;
	(erf) = vpow2.f32 v25  }
0x5ed: {  	s9 =	sand.u32 $0x380, s9;
	s18 =	smul.u32 $0xCD0, s12;
	v25 =	vadd.s32 $0x2, v9;
	v23 =	vmul.f32 v23, v10;
	s13 =	sadd.s32 s13, s16;
	v22 =	vld.idx.msk [tilespmem:v22+s2+$0x0], $0xffff  }
0x5ee: {  	s6 =	sor.u32 s9, s6;
	v20 =	vmul.f32 v20, v2;
	v26 =	vadd.s32 s13, v0;
	s9 =	sadd.s32 s17, s16;
	s17 =	smul.u32 $0xCD0, s5;
	v18 =	vld.idx.msk [tilespmem:v18+s2+$0x0], $0xffff  }
0x5ef: {  	s13 =	sadd.s32 $0x16D00, s6;
	s6 =	sshll.u32 s26, $0x6;
	s18 =	sadd.s32 s18, s16;
	v21 =	vmul.f32 v21, v5;
	v27 =	vadd.s32 s9, v0;
	[tilespmem:s8+$0x0] =	vst.add.f32.msk $0xffff, v23  }
0x5f0: {  	s9 =	sand.u32 $0x3FFFFE00, s6;
	s8 =	sor.u32 $0x80, s23;
	s6 =	sadd.s32 s17, s16;
	v23 =	vld.idx.msk [tilespmem:v15+s2+$0x0], $0xffff  }
0x5f1: {  	p0 =	slt.u32 s26, $0x13C;
	v21 =	vmul.f32 $1.442695020e+00, v21;
	v28 =	vadd.s32 s6, v0;
	[tilespmem:s8+$0x0] =	vst.add.f32.msk $0xffff, v20  }
0x5f2: {  	v15 =	vadd.s32 s18, v0;
	v19 =	vmul.f32 v19, v24;
	v20 =	vadd.s32 $0x3, v11;
	v11 =	vmovc v16;
	v25 =	vld.idx.msk [tilespmem:v25+s2+$0x0], $0xffff  }
0x5f3: {  	v22 =	vmul.f32 v22, v3;
	v16 =	vld.idx.msk [tilespmem:v26+s3+$0x0], $0xffff  }
0x5f4: {  	v29 =	vadd.s32 $0x3, v12;
	v12 =	vmovc v14;
	v18 =	vmul.f32 v18, v8;
	v19 =	vmul.f32 $1.442695020e+00, v19;
	v26 =	vld.idx.msk [tilespmem:v26+s10+$0x0], $0xffff  }
0x5f5: {  	s6 =	sshll.u32 s20, $0x4;
	s20 =	smov.u32 s14;
	v14 =	vld.idx.msk [tilespmem:v27+s10+$0x0], $0xffff;
	v30 =	vpop (erf);
	(erf) = vpow2.f32 v21  }
0x5f6: {  	s8 =	sor.u32 s6, s15;
	(erf) = vpow2.f32 v19;
	[tilespmem:s19+$0x100] =	vst.add.f32.msk $0xffff, v22;
	v19 =	vmul.f32 v23, v10  }
0x5f7: {  	v17 =	vmul.f32 v17, v1;
	v18 =	vmul.f32 $1.442695020e+00, v18;
	v21 =	vadd.s32 $0x2, v6;
	[tilespmem:s8+$0x0] =	vst v30;
	v20 =	vld.idx.msk [tilespmem:v20+s2+$0x0], $0xffff  }
0x5f8: {  	v22 =	vmul.f32 v25, v2;
	[tilespmem:s4+$0x100] =	vst.add.f32.msk $0xffff, v19  }
0x5f9: {  	(erf) = vpow2.f32 v18;
	v18 =	vld.idx.msk [tilespmem:v29+s2+$0x0], $0xffff  }
0x5fa: {  	s8 =	sor.u32 $0x80, s21;
	v19 =	vld.idx.msk [tilespmem:v27+s3+$0x0], $0xffff  }
0x5fb: {  	[tilespmem:s8+$0x0] =	vst.add.f32.msk $0xffff, v17;
	v17 =	vadd.s32 $0x3, v9;
	v9 =	vmov v13  }
0x5fc: {  	v13 =	vld.idx.msk [tilespmem:v21+s2+$0x0], $0xffff  }
0x5fd: {  	v20 =	vmul.f32 v20, v3;
	v3 =	vmov v5;
	v5 =	vmov v14;
	v21 =	vld.idx.msk [tilespmem:v28+s3+$0x0], $0xffff  }
0x5fe: {  	s16 =	sadd.s32 $0xCD00, s1;
	s1 =	sshll.u32 s24, $0x4;
	s24 =	smov.u32 s11;
	v14 =	vld.idx.msk [tilespmem:v15+s3+$0x0], $0xffff;
	v23 =	vpop (erf)  }
0x5ff: {  	s17 =	sshll.u32 s25, $0x4;
	s14 =	sor.u32 s1, s16;
	s8 =	sor.u32 s1, s15;
	v18 =	vmul.f32 v18, v10;
	v10 =	vmov v24;
	v25 =	vpop (erf);
	[tilespmem:s23+$0x100] =	vst.add.f32.msk $0xffff, v22  }
0x600: {  	s25 =	smov.u32 s12;
	s11 =	sor.u32 $0x80, s14;
	v16 =	vmul.u32 $0x5, v16;
	s1 =	sor.u32 s17, s15;
	[tilespmem:s8+$0x0] =	vst v23;
	v17 =	vld.idx.msk [tilespmem:v17+s2+$0x0], $0xffff  }
0x601: {  	v23 =	vadd.s32 $0x3, v6;
	v6 =	vmov v7;
	v22 =	vld.idx.msk [tilespmem:v11+s2+$0x0], $0xffff;
	[tilespmem:s1+$0x0] =	vst v25;
	s1 =	smov.u32 s9  }
0x602: {  	v24 =	vadd.s32 $0x4, v16;
	v7 =	vmov v16;
	v13 =	vmul.f32 v13, v1;
	v25 =	vpop (erf);
	[tilespmem:s4+$0x180] =	vst.add.f32.msk $0xffff, v18  }
0x603: {  	[tilespmem:s19+$0x180] =	vst.add.f32.msk $0xffff, v20;
	s19 =	smov.u32 s14  }
0x604: {  	s8 =	sshll.u32 s22, $0x4;
	s22 =	smov.u32 s5;
	v20 =	vld.idx.msk [tilespmem:v12+s2+$0x0], $0xffff  }
0x605: {  	s4 =	sor.u32 s8, s15;
	s15 =	smov.u32 s13;
	[tilespmem:s21+$0x100] =	vst.add.f32.msk $0xffff, v13  }
0x606: {  	v14 =	vmul.u32 $0x5, v14;
	v13 =	vmul.u32 $0x5, v21;
	v17 =	vmul.f32 v17, v2;
	v2 =	vmovc v8;
	[tilespmem:s4+$0x0] =	vst v25;
	v23 =	vld.idx.msk [tilespmem:v23+s2+$0x0], $0xffff  }
0x607: {  	v22 =	vmul.f32 v22, v3;
	v25 =	vld.idx.msk [tilespmem:v9+s2+$0x0], $0xffff  }
0x608: {  	v16 =	vmul.u32 $0x5, v19;
	v19 =	vadd.s32 $0x4, v14;
	v18 =	vadd.s32 $0x4, v13;
	v8 =	vld.idx.msk [tilespmem:v28+s10+$0x0], $0xffff  }
0x609: {  	v28 =	vadd.s32 $0x1, v11;
	v27 =	vld.idx.msk [tilespmem:v6+s2+$0x0], $0xffff  }
0x60a: {  	v21 =	vadd.s32 $0x4, v16;
	v20 =	vmul.f32 v20, v10;
	[tilespmem:s23+$0x180] =	vst.add.f32.msk $0xffff, v17  }
0x60b: {  	[tilespmem:s19+$0x0] =	vst.add.f32.msk $0xffff, v22  }
0x60c: {  	s4 =	sor.u32 s17, s16;
	v17 =	vmul.f32 v23, v1;
	v1 =	vmov v4;
	v4 =	vmov v26;
	v22 =	vld.idx.msk [tilespmem:v24+s2+$0x0], $0xffff  }
0x60d: {  	v23 =	vadd.s32 $0x1, v6;
	v24 =	vmul.f32 v25, v2;
	[tilespmem:s4+$0x0] =	vst.add.f32.msk $0xffff, v20  }
0x60e: {  	s23 =	sor.u32 s8, s16;
	v25 =	vadd.s32 $0x1, v12;
	v20 =	vld.idx.msk [tilespmem:v28+s2+$0x0], $0xffff  }
0x60f: {  	v26 =	vmul.f32 v27, v1;
	v27 =	vadd.s32 $0x1, v9;
	[tilespmem:s23+$0x0] =	vst.add.f32.msk $0xffff, v24  }
.Ltmp6:
0x610: {  	[tilespmem:s21+$0x180] =	vst.add.f32.msk $0xffff, v17;
	s21 =	sor.u32 s6, s16;
	(pc) =	sbr.rel @p0 .LBB2_14-.Ltmp6, $4  }
0x611: {  	[tilespmem:s21+$0x0] =	vst.add.f32.msk $0xffff, v26  }
0x612: {  	v17 =	vld.idx.msk [tilespmem:v23+s2+$0x0], $0xffff  }
0x613: {  	v23 =	vld.idx.msk [tilespmem:v25+s2+$0x0], $0xffff  }
0x614: {  	s0 =	sadd.s32 $0x40, s0;
	v25 =	vmul.f32 v22, v4;
	v24 =	vmul.f32 v20, v3;
	v22 =	vadd.s32 $0x2, v11;
	v20 =	vld.idx.msk [tilespmem:v27+s2+$0x0], $0xffff  }
0x615: {  	_ =	sdelay $0x3  }
0x616: {  	v21 =	vld.idx.msk [tilespmem:v21+s2+$0x0], $0xffff  }
0x617: {  	v15 =	vld.idx.msk [tilespmem:v15+s10+$0x0], $0xffff  }
0x618: {  	v26 =	vadd.s32 $0x2, v12;
	v19 =	vld.idx.msk [tilespmem:v19+s2+$0x0], $0xffff;
	_ =	sdelay $0x1  }
0x619: {  	v18 =	vld.idx.msk [tilespmem:v18+s2+$0x0], $0xffff;
	v23 =	vmul.f32 v23, v10  }
0x61a: {  	s0 =	sor.u32 $0x80, s4;
	v25 =	vmul.f32 $1.442695020e+00, v25  }
0x61b: {  	v21 =	vmul.f32 v21, v5;
	[tilespmem:s0+$0x0] =	vst.add.f32.msk $0xffff, v23;
	v23 =	vadd.s32 $0x2, v9  }
0x61c: {  	(erf) = vpow2.f32 v25;
	v19 =	vmul.f32 v19, v15;
	v26 =	vld.idx.msk [tilespmem:v26+s2+$0x0], $0xffff  }
0x61d: {  	[tilespmem:s11+$0x0] =	vst.add.f32.msk $0xffff, v24;
	v20 =	vmul.f32 v20, v2;
	v21 =	vmul.f32 $1.442695020e+00, v21  }
0x61e: {  	s14 =	sor.u32 $0x80, s23;
	v22 =	vld.idx.msk [tilespmem:v22+s2+$0x0], $0xffff;
	v18 =	vmul.f32 v18, v8;
	v19 =	vmul.f32 $1.442695020e+00, v19  }
0x61f: {  	v12 =	vadd.s32 $0x3, v12;
	v17 =	vmul.f32 v17, v1;
	[tilespmem:s14+$0x0] =	vst.add.f32.msk $0xffff, v20;
	(erf) = vpow2.f32 v21  }
0x620: {  	v18 =	vmul.f32 $1.442695020e+00, v18;
	(erf) = vpow2.f32 v19;
	v19 =	vld.idx.msk [tilespmem:v23+s2+$0x0], $0xffff  }
0x621: {  	s16 =	sor.u32 $0x80, s21;
	v21 =	vadd.s32 $0x2, v6;
	v20 =	vmul.f32 v26, v10  }
0x622: {  	v11 =	vadd.s32 $0x3, v11;
	[tilespmem:s16+$0x0] =	vst.add.f32.msk $0xffff, v17;
	(erf) = vpow2.f32 v18  }
0x623: {  	v18 =	vmul.f32 v22, v3;
	[tilespmem:s4+$0x100] =	vst.add.f32.msk $0xffff, v20  }
0x624: {  	v12 =	vld.idx.msk [tilespmem:v12+s2+$0x0], $0xffff  }
0x625: {  	s8 =	sshll.u32 s20, $0x4;
	[tilespmem:s19+$0x100] =	vst.add.f32.msk $0xffff, v18;
	v17 =	vmul.f32 v19, v2  }
0x626: {  	s6 =	sshll.u32 s25, $0x4;
	s25 =	sor.u32 s8, s15;
	v19 =	vld.idx.msk [tilespmem:v21+s2+$0x0], $0xffff;
	v20 =	vpop (erf)  }
0x627: {  	s17 =	sshll.u32 s24, $0x4;
	v11 =	vld.idx.msk [tilespmem:v11+s2+$0x0], $0xffff;
	[tilespmem:s25+$0x0] =	vst v20  }
0x628: {  	s5 =	sor.u32 s17, s15;
	[tilespmem:s23+$0x100] =	vst.add.f32.msk $0xffff, v17;
	v18 =	vpop (erf)  }
0x629: {  	s18 =	sor.u32 s6, s15;
	v20 =	vld.idx.msk [tilespmem:v7+s2+$0x0], $0xffff;
	v17 =	vpop (erf);
	v10 =	vmul.f32 v12, v10;
	[tilespmem:s5+$0x0] =	vst v18  }
0x62a: {  	s22 =	sshll.u32 s22, $0x4;
	v9 =	vadd.s32 $0x3, v9;
	v12 =	vld.idx.msk [tilespmem:v16+s2+$0x0], $0xffff;
	[tilespmem:s18+$0x0] =	vst v17  }
0x62b: {  	s24 =	sor.u32 s22, s15;
	v6 =	vadd.s32 $0x3, v6;
	v17 =	vmul.f32 v19, v1;
	v18 =	vpop (erf);
	[tilespmem:s4+$0x180] =	vst.add.f32.msk $0xffff, v10  }
0x62c: {  	v10 =	vld.idx.msk [tilespmem:v14+s2+$0x0], $0xffff;
	[tilespmem:s24+$0x0] =	vst v18  }
0x62d: {  	[tilespmem:s21+$0x100] =	vst.add.f32.msk $0xffff, v17;
	v17 =	vadd.s32 $0x1, v16  }
0x62e: {  	v18 =	vld.idx.msk [tilespmem:v13+s2+$0x0], $0xffff  }
0x62f: {  	s1 =	sadd.s32 $0xCD00, s1;
	v9 =	vld.idx.msk [tilespmem:v9+s2+$0x0], $0xffff;
	v19 =	vadd.s32 $0x1, v14;
	v12 =	vmul.f32 v12, v5  }
0x630: {  	s0 =	sor.u32 s17, s1;
	v6 =	vld.idx.msk [tilespmem:v6+s2+$0x0], $0xffff  }
0x631: {  	v10 =	vmul.f32 v10, v15;
	[tilespmem:s0+$0x0] =	vst.add.f32.msk $0xffff, v12;
	v12 =	vadd.s32 $0x1, v13  }
0x632: {  	s26 =	sor.u32 s6, s1;
	v17 =	vld.idx.msk [tilespmem:v17+s2+$0x0], $0xffff  }
0x633: {  	v21 =	vadd.s32 $0x1, v7;
	v18 =	vmul.f32 v18, v8;
	[tilespmem:s26+$0x0] =	vst.add.f32.msk $0xffff, v10  }
0x634: {  	s4 =	sor.u32 s22, s1;
	v10 =	vld.idx.msk [tilespmem:v19+s2+$0x0], $0xffff  }
0x635: {  	v19 =	vmul.f32 v20, v4;
	[tilespmem:s4+$0x0] =	vst.add.f32.msk $0xffff, v18;
	v18 =	vadd.s32 $0x2, v16  }
0x636: {  	s1 =	sor.u32 s8, s1;
	v12 =	vld.idx.msk [tilespmem:v12+s2+$0x0], $0xffff  }
0x637: {  	[tilespmem:s1+$0x0] =	vst.add.f32.msk $0xffff, v19;
	v19 =	vadd.s32 $0x2, v14;
	v17 =	vmul.f32 v17, v5  }
0x638: {  	s8 =	sor.u32 $0x80, s0;
	v20 =	vld.idx.msk [tilespmem:v21+s2+$0x0], $0xffff  }
0x639: {  	v10 =	vmul.f32 v10, v15;
	[tilespmem:s8+$0x0] =	vst.add.f32.msk $0xffff, v17;
	v17 =	vadd.s32 $0x2, v13  }
0x63a: {  	s9 =	sor.u32 $0x80, s26;
	v18 =	vld.idx.msk [tilespmem:v18+s2+$0x0], $0xffff  }
0x63b: {  	[tilespmem:s9+$0x0] =	vst.add.f32.msk $0xffff, v10;
	v10 =	vadd.s32 $0x2, v7;
	v12 =	vmul.f32 v12, v8  }
0x63c: {  	s11 =	sor.u32 $0x80, s4;
	v19 =	vld.idx.msk [tilespmem:v19+s2+$0x0], $0xffff  }
0x63d: {  	[tilespmem:s11+$0x0] =	vst.add.f32.msk $0xffff, v12;
	v12 =	vadd.s32 $0x3, v16;
	v16 =	vmul.f32 v20, v4  }
0x63e: {  	s12 =	sor.u32 $0x80, s1;
	v17 =	vld.idx.msk [tilespmem:v17+s2+$0x0], $0xffff  }
0x63f: {  	v14 =	vadd.s32 $0x3, v14;
	v18 =	vmul.f32 v18, v5;
	[tilespmem:s12+$0x0] =	vst.add.f32.msk $0xffff, v16  }
0x640: {  	v10 =	vld.idx.msk [tilespmem:v10+s2+$0x0], $0xffff  }
0x641: {  	v13 =	vadd.s32 $0x3, v13;
	v16 =	vmul.f32 v19, v15;
	[tilespmem:s0+$0x100] =	vst.add.f32.msk $0xffff, v18  }
0x642: {  	v12 =	vld.idx.msk [tilespmem:v12+s2+$0x0], $0xffff  }
0x643: {  	v7 =	vadd.s32 $0x3, v7;
	[tilespmem:s26+$0x100] =	vst.add.f32.msk $0xffff, v16;
	v17 =	vmul.f32 v17, v8  }
0x644: {  	v14 =	vld.idx.msk [tilespmem:v14+s2+$0x0], $0xffff  }
0x645: {  	[tilespmem:s4+$0x100] =	vst.add.f32.msk $0xffff, v17;
	v10 =	vmul.f32 v10, v4  }
0x646: {  	v13 =	vld.idx.msk [tilespmem:v13+s2+$0x0], $0xffff  }
0x647: {  	v3 =	vmul.f32 v11, v3;
	[tilespmem:s1+$0x100] =	vst.add.f32.msk $0xffff, v10  }
0x648: {  	v2 =	vmul.f32 v9, v2;
	v7 =	vld.idx.msk [tilespmem:v7+s2+$0x0], $0xffff  }
0x649: {  	[tilespmem:s19+$0x180] =	vst.add.f32.msk $0xffff, v3;
	v1 =	vmul.f32 v6, v1  }
0x64a: {  	[tilespmem:s23+$0x180] =	vst.add.f32.msk $0xffff, v2;
	v2 =	vmul.f32 v14, v15  }
0x64b: {  	[tilespmem:s21+$0x180] =	vst.add.f32.msk $0xffff, v1;
	v1 =	vmul.f32 v12, v5  }
0x64c: {  	[tilespmem:s26+$0x180] =	vst.add.f32.msk $0xffff, v2;
	v2 =	vmul.f32 v13, v8  }
0x64d: {  	[tilespmem:s0+$0x180] =	vst.add.f32.msk $0xffff, v1;
	v1 =	vmul.f32 v7, v4  }
0x64e: {  	[tilespmem:s4+$0x180] =	vst.add.f32.msk $0xffff, v2  }
0x64f: {  	s15 =	simm.s32 $0x8000;
	s16 =	simm.s32 $0x16D00;
	[tilespmem:s1+$0x180] =	vst.add.f32.msk $0xffff, v1  }
0x650: {  	s17 =	simm.s32 $0x5;
	s19 =	simm.s32 $0x0;
	s0 =	rddreg [dreg:$0x16]  }
0x651: {  	[hbm4b:s0+s29] =	stream.strided.scatter [tilespmem:s28], [sflag:$0x3], $0x5000, s30, s29, $0x38;
	[tilespmem:$0x1E900] =	vst v63  }
0x652: {  	s14 =	simm.s32 $0x400;
	s13 =	rddreg [dreg:$0x1a];
	s0 =	sand.u32 $0x4, s19  }
0x653: {  	[hbm4b:s13+s14] =	stream.strided.scatter [tilespmem:s16], [sflag:$0x5], $0x1400, s15, s14, $0x38;
	[tilespmem:$0x1E900] =	vst v63  }
0x654: {  	s20 =	smul.u32 $0xCD0, s0;
	s21 =	sor.u32 $0x1, s0;
	_ =	swait.ge [sflag:s7], $0x5000  }
0x655: {  	s23 =	sor.u32 $0x3, s0;
	s22 =	smul.u32 $0xCD0, s21;
	[sflag:s7] =	ssyncset.done $0x0  }
0x656: {  	s1 =	sor.u32 $0x2, s0;
	s9 =	smul.u32 $0xCD0, s23;
	[sflag:s7] =	ssyncadd.s32 $0xFFFFB000  }
0x657: {  	s26 =	simm.s32 $0x2;
	s25 =	smul.u32 $0xCD0, s1;
	_ =	swait.ge [sflag:s17], $0x1400  }
0x658: {  	s24 =	sadd.s32 $0x78, s20;
	s6 =	sadd.s32 $0x78, s22;
	[sflag:s17] =	ssyncset.done $0x0  }
0x659: {  	v1 =	vadd.s32 s24, v0;
	s9 =	sadd.s32 $0x78, s9;
	s18 =	rddreg [dreg:$0x17];
	[sflag:s17] =	ssyncadd.s32 $0xFFFFEC00  }
0x65a: {  	v2 =	vadd.s32 s6, v0;
	[tilespmem:s28], [sflag:$0x1] =	stream.strided.gather [hbm4b:s18+s29], $0x5000, s30, s29, $0x38;
	[tilespmem:$0x1E900] =	vst v63  }
0x65b: {  	s8 =	sadd.s32 $0x78, s25;
	v4 =	vadd.s32 s9, v0;
	_ =	swait.ge [sflag:s26], $0x5000  }
0x65c: {  	v5 =	vadd.s32 s8, v0;
	[sflag:s26] =	ssyncset.done $0x0  }
0x65d: {  	[sflag:s26] =	ssyncadd.s32 $0xFFFFB000  }
0x65e: {  	v3 =	vld.idx.msk [tilespmem:v1+s3+$0x0], $0xffff  }
0x65f: {  	v7 =	vld.idx.msk [tilespmem:v2+s3+$0x0], $0xffff  }
0x660: {  	v8 =	vld.idx.msk [tilespmem:v4+s3+$0x0], $0xffff  }
0x661: {  	v9 =	vld.idx.msk [tilespmem:v5+s3+$0x0], $0xffff;
	_ =	sdelay $0x1  }
0x662: {  	v6 =	vmul.u32 $0x5, v3  }
0x663: {  	v11 =	vmul.u32 $0x5, v7  }
0x664: {  	v12 =	vmul.u32 $0x5, v8;
	v7 =	vadd.s32 $0x4, v6  }
0x665: {  	v1 =	vld.idx.msk [tilespmem:v1+s10+$0x0], $0xffff;
	v9 =	vmul.u32 $0x5, v9;
	v8 =	vadd.s32 $0x4, v11  }
0x666: {  	v3 =	vld.idx.msk [tilespmem:v2+s10+$0x0], $0xffff;
	v13 =	vadd.s32 $0x4, v12  }
0x667: {  	v2 =	vld.idx.msk [tilespmem:v5+s10+$0x0], $0xffff;
	v5 =	vadd.s32 $0x4, v9  }
0x668: {  	v10 =	vld.idx.msk [tilespmem:v4+s10+$0x0], $0xffff  }
0x669: {  	v7 =	vld.idx.msk [tilespmem:v7+s2+$0x0], $0xffff  }
0x66a: {  	v8 =	vld.idx.msk [tilespmem:v8+s2+$0x0], $0xffff  }
0x66b: {  	v4 =	vld.idx.msk [tilespmem:v13+s2+$0x0], $0xffff  }
0x66c: {  	v5 =	vld.idx.msk [tilespmem:v5+s2+$0x0], $0xffff;
	_ =	sdelay $0x1  }
0x66d: {  	s26 =	simm.s32 $0x4;
	v7 =	vmul.f32 v7, v1  }
0x66e: {  	s20 =	sand.u32 $0x4, s26;
	v8 =	vmul.f32 v8, v3  }
0x66f: {  	s11 =	smul.u32 $0xCD0, s20;
	v4 =	vmul.f32 v4, v10;
	v7 =	vmul.f32 $1.442695020e+00, v7  }
0x670: {  	s25 =	sor.u32 $0x3, s20;
	v5 =	vmul.f32 v5, v2;
	v8 =	vmul.f32 $1.442695020e+00, v8  }
0x671: {  	s18 =	smul.u32 $0xCD0, s25;
	s6 =	sadd.s32 $0x78, s11;
	v4 =	vmul.f32 $1.442695020e+00, v4;
	(erf) = vpow2.f32 v7  }
0x672: {  	s24 =	sor.u32 $0x1, s20;
	v7 =	vadd.s32 s6, v0;
	(erf) = vpow2.f32 v8  }
0x673: {  	s12 =	smul.u32 $0xCD0, s24;
	s19 =	sadd.s32 $0x78, s18;
	(erf) = vpow2.f32 v4;
	v4 =	vmul.f32 $1.442695020e+00, v5  }
0x674: {  	v15 =	vadd.s32 s19, v0  }
0x675: {  	s13 =	sadd.s32 $0x78, s12;
	(erf) = vpow2.f32 v4  }
0x676: {  	v8 =	vadd.s32 s13, v0  }
0x677: {  	s14 =	simm.s32 $0x0;
	s17 =	simm.s32 $0x0;
	v14 =	vld.idx.msk [tilespmem:v7+s3+$0x0], $0xffff  }
0x678: {  	s16 =	sand.u32 $0x1C00, s14;
	s8 =	sand.u32 $0x380, s17;
	s22 =	sor.u32 $0x2, s20  }
0x679: {  	s15 =	smul.u32 $0xCD0, s22;
	v20 =	vld.idx.msk [tilespmem:v15+s3+$0x0], $0xffff;
	s6 =	sor.u32 s8, s16  }
0x67a: {  	s5 =	sshll.u32 s21, $0x4;
	s6 =	sadd.s32 $0x18100, s6;
	v4 =	vld.idx.msk [tilespmem:v7+s10+$0x0], $0xffff;
	v16 =	vpop (erf)  }
0x67b: {  	s4 =	sshll.u32 s23, $0x4;
	s9 =	sadd.s32 $0x78, s15;
	s21 =	sor.u32 s5, s6;
	v5 =	vld.idx.msk [tilespmem:v8+s10+$0x0], $0xffff;
	v7 =	vpop (erf)  }
0x67c: {  	s0 =	sshll.u32 s0, $0x4;
	s1 =	sshll.u32 s1, $0x4;
	v13 =	vadd.s32 s9, v0;
	s23 =	sor.u32 s4, s6;
	v17 =	vld.idx.msk [tilespmem:v8+s3+$0x0], $0xffff;
	[tilespmem:s21+$0x0] =	vst v7;
	v8 =	vpop (erf);
	v7 =	vmul.u32 $0x5, v14  }
0x67d: {  	s9 =	sor.u32 s1, s6;
	s6 =	sor.u32 s0, s6;
	v18 =	vld.idx.msk [tilespmem:v11+s2+$0x0], $0xffff;
	[tilespmem:s23+$0x0] =	vst v8  }
0x67e: {  	[tilespmem:s6+$0x0] =	vst v16;
	v8 =	vpop (erf);
	v14 =	vld.idx.msk [tilespmem:v12+s2+$0x0], $0xffff;
	v21 =	vadd.s32 $0x4, v7  }
0x67f: {  	v22 =	vld.idx.msk [tilespmem:v6+s2+$0x0], $0xffff;
	[tilespmem:s9+$0x0] =	vst v8  }
0x680: {  	s11 =	simm.s32 $0x0;
	v16 =	vld.idx.msk [tilespmem:v9+s2+$0x0], $0xffff  }
0x681: {  	s12 =	sand.u32 $0x3FFFFE00, s11;
	v23 =	vadd.s32 $0x1, v11;
	v19 =	vld.idx.msk [tilespmem:v13+s3+$0x0], $0xffff  }
0x682: {  	s13 =	sadd.s32 $0x11D00, s12;
	v8 =	vld.idx.msk [tilespmem:v13+s10+$0x0], $0xffff;
	v18 =	vmul.f32 v18, v3  }
0x683: {  	s19 =	sor.u32 s5, s13;
	v13 =	vmul.f32 v14, v10;
	v24 =	vld.idx.msk [tilespmem:v21+s2+$0x0], $0xffff  }
0x684: {  	v25 =	vadd.s32 $0x1, v12;
	v27 =	vadd.s32 $0x1, v9;
	s4 =	sor.u32 s4, s13;
	[tilespmem:s19+$0x0] =	vst.add.f32.msk $0xffff, v18  }
0x685: {  	v21 =	vmul.f32 v22, v1;
	v14 =	vmul.f32 v16, v2;
	[tilespmem:s4+$0x0] =	vst.add.f32.msk $0xffff, v13;
	v16 =	vmul.u32 $0x5, v17  }
0x686: {  	s21 =	sor.u32 s0, s13;
	v18 =	vadd.s32 $0x1, v6;
	v26 =	vld.idx.msk [tilespmem:v23+s2+$0x0], $0xffff  }
0x687: {  	s23 =	sor.u32 s1, s13;
	[tilespmem:s21+$0x0] =	vst.add.f32.msk $0xffff, v21;
	v21 =	vadd.s32 $0x4, v16  }
0x688: {  	s14 =	simm.s32 $0x40;
	s15 =	simm.s32 $0x40;
	[tilespmem:s23+$0x0] =	vst.add.f32.msk $0xffff, v14;
	v14 =	vmul.u32 $0x5, v20  }
0x689: {  	s17 =	sand.u32 $0x380, s15;
	s16 =	sand.u32 $0x1C00, s14;
	v13 =	vmul.u32 $0x5, v19;
	v23 =	vld.idx.msk [tilespmem:v25+s2+$0x0], $0xffff  }
0x68a: {  	s18 =	simm.s32 $0x100;
	s11 =	sor.u32 $0x80, s19;
	s0 =	sor.u32 s17, s16;
	v22 =	vadd.s32 $0x2, v11;
	v20 =	vld.idx.msk [tilespmem:v27+s2+$0x0], $0xffff;
	v19 =	vadd.s32 $0x4, v14  }
0x68b: {  	s15 =	sadd.s32 $0x18100, s0;
	s1 =	sand.u32 $0x3FFFFE00, s18;
	s0 =	simm.s32 $0x80;
	v25 =	vmul.f32 v24, v4;
	v17 =	vld.idx.msk [tilespmem:v18+s2+$0x0], $0xffff;
	v18 =	vadd.s32 $0x4, v13;
	v24 =	vmul.f32 v26, v3  }
.LBB2_16:
0x68c: {  	s26 =	sadd.s32 $0x4, s26;
	s6 =	sand.u32 $0x1C00, s0;
	v21 =	vld.idx.msk [tilespmem:v21+s2+$0x0], $0xffff;
	s8 =	sor.u32 $0x80, s4  }
0x68d: {  	s5 =	sshrl.u32 s26, $0x3;
	s14 =	sand.u32 $0x4, s26;
	s9 =	sshll.u32 s26, $0x4;
	v25 =	vmul.f32 $1.442695020e+00, v25;
	[tilespmem:s11+$0x0] =	vst.add.f32.msk $0xffff, v24  }
0x68e: {  	s13 =	smul.u32 $0xCD0, s14;
	s11 =	sor.u32 $0x1, s14;
	s12 =	sor.u32 $0x3, s14;
	v24 =	vld.idx.msk [tilespmem:v15+s10+$0x0], $0xffff;
	v15 =	vadd.s32 $0x2, v12  }
0x68f: {  	s16 =	sadd.s32 $0x78, s5;
	s5 =	sor.u32 $0x2, s14;
	s17 =	smul.u32 $0xCD0, s11;
	v19 =	vld.idx.msk [tilespmem:v19+s2+$0x0], $0xffff;
	(erf) = vpow2.f32 v25  }
0x690: {  	s9 =	sand.u32 $0x380, s9;
	s18 =	smul.u32 $0xCD0, s12;
	v25 =	vadd.s32 $0x2, v9;
	v23 =	vmul.f32 v23, v10;
	s13 =	sadd.s32 s13, s16;
	v22 =	vld.idx.msk [tilespmem:v22+s2+$0x0], $0xffff  }
0x691: {  	s6 =	sor.u32 s9, s6;
	v20 =	vmul.f32 v20, v2;
	v26 =	vadd.s32 s13, v0;
	s9 =	sadd.s32 s17, s16;
	s17 =	smul.u32 $0xCD0, s5;
	v18 =	vld.idx.msk [tilespmem:v18+s2+$0x0], $0xffff  }
0x692: {  	s13 =	sadd.s32 $0x18100, s6;
	s6 =	sshll.u32 s26, $0x6;
	s18 =	sadd.s32 s18, s16;
	v21 =	vmul.f32 v21, v5;
	v27 =	vadd.s32 s9, v0;
	[tilespmem:s8+$0x0] =	vst.add.f32.msk $0xffff, v23  }
0x693: {  	s9 =	sand.u32 $0x3FFFFE00, s6;
	s8 =	sor.u32 $0x80, s23;
	s6 =	sadd.s32 s17, s16;
	v23 =	vld.idx.msk [tilespmem:v15+s2+$0x0], $0xffff  }
0x694: {  	p0 =	slt.u32 s26, $0x13C;
	v21 =	vmul.f32 $1.442695020e+00, v21;
	v28 =	vadd.s32 s6, v0;
	[tilespmem:s8+$0x0] =	vst.add.f32.msk $0xffff, v20  }
0x695: {  	v15 =	vadd.s32 s18, v0;
	v19 =	vmul.f32 v19, v24;
	v20 =	vadd.s32 $0x3, v11;
	v11 =	vmovc v16;
	v25 =	vld.idx.msk [tilespmem:v25+s2+$0x0], $0xffff  }
0x696: {  	v22 =	vmul.f32 v22, v3;
	v16 =	vld.idx.msk [tilespmem:v26+s3+$0x0], $0xffff  }
0x697: {  	v29 =	vadd.s32 $0x3, v12;
	v12 =	vmovc v14;
	v18 =	vmul.f32 v18, v8;
	v19 =	vmul.f32 $1.442695020e+00, v19;
	v26 =	vld.idx.msk [tilespmem:v26+s10+$0x0], $0xffff  }
0x698: {  	s6 =	sshll.u32 s20, $0x4;
	s20 =	smov.u32 s14;
	v14 =	vld.idx.msk [tilespmem:v27+s10+$0x0], $0xffff;
	v30 =	vpop (erf);
	(erf) = vpow2.f32 v21  }
0x699: {  	s8 =	sor.u32 s6, s15;
	(erf) = vpow2.f32 v19;
	[tilespmem:s19+$0x100] =	vst.add.f32.msk $0xffff, v22;
	v19 =	vmul.f32 v23, v10  }
0x69a: {  	v17 =	vmul.f32 v17, v1;
	v18 =	vmul.f32 $1.442695020e+00, v18;
	v21 =	vadd.s32 $0x2, v6;
	[tilespmem:s8+$0x0] =	vst v30;
	v20 =	vld.idx.msk [tilespmem:v20+s2+$0x0], $0xffff  }
0x69b: {  	v22 =	vmul.f32 v25, v2;
	[tilespmem:s4+$0x100] =	vst.add.f32.msk $0xffff, v19  }
0x69c: {  	(erf) = vpow2.f32 v18;
	v18 =	vld.idx.msk [tilespmem:v29+s2+$0x0], $0xffff  }
0x69d: {  	s8 =	sor.u32 $0x80, s21;
	v19 =	vld.idx.msk [tilespmem:v27+s3+$0x0], $0xffff  }
0x69e: {  	[tilespmem:s8+$0x0] =	vst.add.f32.msk $0xffff, v17;
	v17 =	vadd.s32 $0x3, v9;
	v9 =	vmov v13  }
0x69f: {  	v13 =	vld.idx.msk [tilespmem:v21+s2+$0x0], $0xffff  }
0x6a0: {  	v20 =	vmul.f32 v20, v3;
	v3 =	vmov v5;
	v5 =	vmov v14;
	v21 =	vld.idx.msk [tilespmem:v28+s3+$0x0], $0xffff  }
0x6a1: {  	s16 =	sadd.s32 $0x11D00, s1;
	s1 =	sshll.u32 s24, $0x4;
	s24 =	smov.u32 s11;
	v14 =	vld.idx.msk [tilespmem:v15+s3+$0x0], $0xffff;
	v23 =	vpop (erf)  }
0x6a2: {  	s17 =	sshll.u32 s25, $0x4;
	s14 =	sor.u32 s1, s16;
	s8 =	sor.u32 s1, s15;
	v18 =	vmul.f32 v18, v10;
	v10 =	vmov v24;
	v25 =	vpop (erf);
	[tilespmem:s23+$0x100] =	vst.add.f32.msk $0xffff, v22  }
0x6a3: {  	s25 =	smov.u32 s12;
	s11 =	sor.u32 $0x80, s14;
	v16 =	vmul.u32 $0x5, v16;
	s1 =	sor.u32 s17, s15;
	[tilespmem:s8+$0x0] =	vst v23;
	v17 =	vld.idx.msk [tilespmem:v17+s2+$0x0], $0xffff  }
0x6a4: {  	v23 =	vadd.s32 $0x3, v6;
	v6 =	vmov v7;
	v22 =	vld.idx.msk [tilespmem:v11+s2+$0x0], $0xffff;
	[tilespmem:s1+$0x0] =	vst v25;
	s1 =	smov.u32 s9  }
0x6a5: {  	v24 =	vadd.s32 $0x4, v16;
	v7 =	vmov v16;
	v13 =	vmul.f32 v13, v1;
	v25 =	vpop (erf);
	[tilespmem:s4+$0x180] =	vst.add.f32.msk $0xffff, v18  }
0x6a6: {  	[tilespmem:s19+$0x180] =	vst.add.f32.msk $0xffff, v20;
	s19 =	smov.u32 s14  }
0x6a7: {  	s8 =	sshll.u32 s22, $0x4;
	s22 =	smov.u32 s5;
	v20 =	vld.idx.msk [tilespmem:v12+s2+$0x0], $0xffff  }
0x6a8: {  	s4 =	sor.u32 s8, s15;
	s15 =	smov.u32 s13;
	[tilespmem:s21+$0x100] =	vst.add.f32.msk $0xffff, v13  }
0x6a9: {  	v14 =	vmul.u32 $0x5, v14;
	v13 =	vmul.u32 $0x5, v21;
	v17 =	vmul.f32 v17, v2;
	v2 =	vmovc v8;
	[tilespmem:s4+$0x0] =	vst v25;
	v23 =	vld.idx.msk [tilespmem:v23+s2+$0x0], $0xffff  }
0x6aa: {  	v22 =	vmul.f32 v22, v3;
	v25 =	vld.idx.msk [tilespmem:v9+s2+$0x0], $0xffff  }
0x6ab: {  	v16 =	vmul.u32 $0x5, v19;
	v19 =	vadd.s32 $0x4, v14;
	v18 =	vadd.s32 $0x4, v13;
	v8 =	vld.idx.msk [tilespmem:v28+s10+$0x0], $0xffff  }
0x6ac: {  	v28 =	vadd.s32 $0x1, v11;
	v27 =	vld.idx.msk [tilespmem:v6+s2+$0x0], $0xffff  }
0x6ad: {  	v21 =	vadd.s32 $0x4, v16;
	v20 =	vmul.f32 v20, v10;
	[tilespmem:s23+$0x180] =	vst.add.f32.msk $0xffff, v17  }
0x6ae: {  	[tilespmem:s19+$0x0] =	vst.add.f32.msk $0xffff, v22  }
0x6af: {  	s4 =	sor.u32 s17, s16;
	v17 =	vmul.f32 v23, v1;
	v1 =	vmov v4;
	v4 =	vmov v26;
	v22 =	vld.idx.msk [tilespmem:v24+s2+$0x0], $0xffff  }
0x6b0: {  	v23 =	vadd.s32 $0x1, v6;
	v24 =	vmul.f32 v25, v2;
	[tilespmem:s4+$0x0] =	vst.add.f32.msk $0xffff, v20  }
0x6b1: {  	s23 =	sor.u32 s8, s16;
	v25 =	vadd.s32 $0x1, v12;
	v20 =	vld.idx.msk [tilespmem:v28+s2+$0x0], $0xffff  }
0x6b2: {  	v26 =	vmul.f32 v27, v1;
	v27 =	vadd.s32 $0x1, v9;
	[tilespmem:s23+$0x0] =	vst.add.f32.msk $0xffff, v24  }
.Ltmp7:
0x6b3: {  	[tilespmem:s21+$0x180] =	vst.add.f32.msk $0xffff, v17;
	s21 =	sor.u32 s6, s16;
	(pc) =	sbr.rel @p0 .LBB2_16-.Ltmp7, $4  }
0x6b4: {  	[tilespmem:s21+$0x0] =	vst.add.f32.msk $0xffff, v26  }
0x6b5: {  	v17 =	vld.idx.msk [tilespmem:v23+s2+$0x0], $0xffff  }
0x6b6: {  	v23 =	vld.idx.msk [tilespmem:v25+s2+$0x0], $0xffff  }
0x6b7: {  	s0 =	sadd.s32 $0x40, s0;
	v25 =	vmul.f32 v22, v4;
	v24 =	vmul.f32 v20, v3;
	v22 =	vadd.s32 $0x2, v11;
	v20 =	vld.idx.msk [tilespmem:v27+s2+$0x0], $0xffff  }
0x6b8: {  	_ =	sdelay $0x3  }
0x6b9: {  	v21 =	vld.idx.msk [tilespmem:v21+s2+$0x0], $0xffff  }
0x6ba: {  	v15 =	vld.idx.msk [tilespmem:v15+s10+$0x0], $0xffff  }
0x6bb: {  	v26 =	vadd.s32 $0x2, v12;
	v19 =	vld.idx.msk [tilespmem:v19+s2+$0x0], $0xffff;
	_ =	sdelay $0x1  }
0x6bc: {  	v18 =	vld.idx.msk [tilespmem:v18+s2+$0x0], $0xffff;
	v23 =	vmul.f32 v23, v10  }
0x6bd: {  	s0 =	sor.u32 $0x80, s4;
	v25 =	vmul.f32 $1.442695020e+00, v25  }
0x6be: {  	v21 =	vmul.f32 v21, v5;
	[tilespmem:s0+$0x0] =	vst.add.f32.msk $0xffff, v23;
	v23 =	vadd.s32 $0x2, v9  }
0x6bf: {  	(erf) = vpow2.f32 v25;
	v19 =	vmul.f32 v19, v15;
	v26 =	vld.idx.msk [tilespmem:v26+s2+$0x0], $0xffff  }
0x6c0: {  	[tilespmem:s11+$0x0] =	vst.add.f32.msk $0xffff, v24;
	v20 =	vmul.f32 v20, v2;
	v21 =	vmul.f32 $1.442695020e+00, v21  }
0x6c1: {  	s14 =	sor.u32 $0x80, s23;
	v22 =	vld.idx.msk [tilespmem:v22+s2+$0x0], $0xffff;
	v18 =	vmul.f32 v18, v8;
	v19 =	vmul.f32 $1.442695020e+00, v19  }
0x6c2: {  	v12 =	vadd.s32 $0x3, v12;
	v17 =	vmul.f32 v17, v1;
	[tilespmem:s14+$0x0] =	vst.add.f32.msk $0xffff, v20;
	(erf) = vpow2.f32 v21  }
0x6c3: {  	v18 =	vmul.f32 $1.442695020e+00, v18;
	(erf) = vpow2.f32 v19;
	v19 =	vld.idx.msk [tilespmem:v23+s2+$0x0], $0xffff  }
0x6c4: {  	s16 =	sor.u32 $0x80, s21;
	v21 =	vadd.s32 $0x2, v6;
	v20 =	vmul.f32 v26, v10  }
0x6c5: {  	v11 =	vadd.s32 $0x3, v11;
	[tilespmem:s16+$0x0] =	vst.add.f32.msk $0xffff, v17;
	(erf) = vpow2.f32 v18  }
0x6c6: {  	v18 =	vmul.f32 v22, v3;
	[tilespmem:s4+$0x100] =	vst.add.f32.msk $0xffff, v20  }
0x6c7: {  	v12 =	vld.idx.msk [tilespmem:v12+s2+$0x0], $0xffff  }
0x6c8: {  	s8 =	sshll.u32 s20, $0x4;
	[tilespmem:s19+$0x100] =	vst.add.f32.msk $0xffff, v18;
	v17 =	vmul.f32 v19, v2  }
0x6c9: {  	s6 =	sshll.u32 s25, $0x4;
	s25 =	sor.u32 s8, s15;
	v19 =	vld.idx.msk [tilespmem:v21+s2+$0x0], $0xffff;
	v20 =	vpop (erf)  }
0x6ca: {  	s17 =	sshll.u32 s24, $0x4;
	v11 =	vld.idx.msk [tilespmem:v11+s2+$0x0], $0xffff;
	[tilespmem:s25+$0x0] =	vst v20  }
0x6cb: {  	s5 =	sor.u32 s17, s15;
	[tilespmem:s23+$0x100] =	vst.add.f32.msk $0xffff, v17;
	v18 =	vpop (erf)  }
0x6cc: {  	s18 =	sor.u32 s6, s15;
	v20 =	vld.idx.msk [tilespmem:v7+s2+$0x0], $0xffff;
	v17 =	vpop (erf);
	v10 =	vmul.f32 v12, v10;
	[tilespmem:s5+$0x0] =	vst v18  }
0x6cd: {  	s22 =	sshll.u32 s22, $0x4;
	v9 =	vadd.s32 $0x3, v9;
	v12 =	vld.idx.msk [tilespmem:v16+s2+$0x0], $0xffff;
	[tilespmem:s18+$0x0] =	vst v17  }
0x6ce: {  	s24 =	sor.u32 s22, s15;
	v6 =	vadd.s32 $0x3, v6;
	v17 =	vmul.f32 v19, v1;
	v18 =	vpop (erf);
	[tilespmem:s4+$0x180] =	vst.add.f32.msk $0xffff, v10  }
0x6cf: {  	v10 =	vld.idx.msk [tilespmem:v14+s2+$0x0], $0xffff;
	[tilespmem:s24+$0x0] =	vst v18  }
0x6d0: {  	[tilespmem:s21+$0x100] =	vst.add.f32.msk $0xffff, v17;
	v17 =	vadd.s32 $0x1, v16  }
0x6d1: {  	v18 =	vld.idx.msk [tilespmem:v13+s2+$0x0], $0xffff  }
0x6d2: {  	s1 =	sadd.s32 $0x11D00, s1;
	v9 =	vld.idx.msk [tilespmem:v9+s2+$0x0], $0xffff;
	v19 =	vadd.s32 $0x1, v14;
	v12 =	vmul.f32 v12, v5  }
0x6d3: {  	s0 =	sor.u32 s17, s1;
	v6 =	vld.idx.msk [tilespmem:v6+s2+$0x0], $0xffff  }
0x6d4: {  	v10 =	vmul.f32 v10, v15;
	[tilespmem:s0+$0x0] =	vst.add.f32.msk $0xffff, v12;
	v12 =	vadd.s32 $0x1, v13  }
0x6d5: {  	s26 =	sor.u32 s6, s1;
	v17 =	vld.idx.msk [tilespmem:v17+s2+$0x0], $0xffff  }
0x6d6: {  	v21 =	vadd.s32 $0x1, v7;
	v18 =	vmul.f32 v18, v8;
	[tilespmem:s26+$0x0] =	vst.add.f32.msk $0xffff, v10  }
0x6d7: {  	s4 =	sor.u32 s22, s1;
	v10 =	vld.idx.msk [tilespmem:v19+s2+$0x0], $0xffff  }
0x6d8: {  	v19 =	vmul.f32 v20, v4;
	[tilespmem:s4+$0x0] =	vst.add.f32.msk $0xffff, v18;
	v18 =	vadd.s32 $0x2, v16  }
0x6d9: {  	s1 =	sor.u32 s8, s1;
	v12 =	vld.idx.msk [tilespmem:v12+s2+$0x0], $0xffff  }
0x6da: {  	[tilespmem:s1+$0x0] =	vst.add.f32.msk $0xffff, v19;
	v19 =	vadd.s32 $0x2, v14;
	v17 =	vmul.f32 v17, v5  }
0x6db: {  	s8 =	sor.u32 $0x80, s0;
	v20 =	vld.idx.msk [tilespmem:v21+s2+$0x0], $0xffff  }
0x6dc: {  	v10 =	vmul.f32 v10, v15;
	[tilespmem:s8+$0x0] =	vst.add.f32.msk $0xffff, v17;
	v17 =	vadd.s32 $0x2, v13  }
0x6dd: {  	s9 =	sor.u32 $0x80, s26;
	v18 =	vld.idx.msk [tilespmem:v18+s2+$0x0], $0xffff  }
0x6de: {  	[tilespmem:s9+$0x0] =	vst.add.f32.msk $0xffff, v10;
	v10 =	vadd.s32 $0x2, v7;
	v12 =	vmul.f32 v12, v8  }
0x6df: {  	s11 =	sor.u32 $0x80, s4;
	v19 =	vld.idx.msk [tilespmem:v19+s2+$0x0], $0xffff  }
0x6e0: {  	[tilespmem:s11+$0x0] =	vst.add.f32.msk $0xffff, v12;
	v12 =	vadd.s32 $0x3, v16;
	v16 =	vmul.f32 v20, v4  }
0x6e1: {  	s12 =	sor.u32 $0x80, s1;
	v17 =	vld.idx.msk [tilespmem:v17+s2+$0x0], $0xffff  }
0x6e2: {  	v14 =	vadd.s32 $0x3, v14;
	v18 =	vmul.f32 v18, v5;
	[tilespmem:s12+$0x0] =	vst.add.f32.msk $0xffff, v16  }
0x6e3: {  	v10 =	vld.idx.msk [tilespmem:v10+s2+$0x0], $0xffff  }
0x6e4: {  	v13 =	vadd.s32 $0x3, v13;
	v16 =	vmul.f32 v19, v15;
	[tilespmem:s0+$0x100] =	vst.add.f32.msk $0xffff, v18  }
0x6e5: {  	v12 =	vld.idx.msk [tilespmem:v12+s2+$0x0], $0xffff  }
0x6e6: {  	v7 =	vadd.s32 $0x3, v7;
	[tilespmem:s26+$0x100] =	vst.add.f32.msk $0xffff, v16;
	v17 =	vmul.f32 v17, v8  }
0x6e7: {  	v14 =	vld.idx.msk [tilespmem:v14+s2+$0x0], $0xffff  }
0x6e8: {  	[tilespmem:s4+$0x100] =	vst.add.f32.msk $0xffff, v17;
	v10 =	vmul.f32 v10, v4  }
0x6e9: {  	v13 =	vld.idx.msk [tilespmem:v13+s2+$0x0], $0xffff  }
0x6ea: {  	v3 =	vmul.f32 v11, v3;
	[tilespmem:s1+$0x100] =	vst.add.f32.msk $0xffff, v10  }
0x6eb: {  	v2 =	vmul.f32 v9, v2;
	v7 =	vld.idx.msk [tilespmem:v7+s2+$0x0], $0xffff  }
0x6ec: {  	[tilespmem:s19+$0x180] =	vst.add.f32.msk $0xffff, v3;
	v1 =	vmul.f32 v6, v1  }
0x6ed: {  	[tilespmem:s23+$0x180] =	vst.add.f32.msk $0xffff, v2;
	v2 =	vmul.f32 v14, v15  }
0x6ee: {  	[tilespmem:s21+$0x180] =	vst.add.f32.msk $0xffff, v1;
	v1 =	vmul.f32 v12, v5  }
0x6ef: {  	[tilespmem:s26+$0x180] =	vst.add.f32.msk $0xffff, v2;
	v2 =	vmul.f32 v13, v8  }
0x6f0: {  	[tilespmem:s0+$0x180] =	vst.add.f32.msk $0xffff, v1;
	v1 =	vmul.f32 v7, v4  }
0x6f1: {  	[tilespmem:s4+$0x180] =	vst.add.f32.msk $0xffff, v2  }
0x6f2: {  	[tilespmem:s1+$0x180] =	vst.add.f32.msk $0xffff, v1  }
0x6f3: {  	s15 =	simm.s32 $0x8000;
	s17 =	simm.s32 $0x0;
	s0 =	rddreg [dreg:$0x18]  }
0x6f4: {  	[hbm4b:s0+s29] =	stream.strided.scatter [tilespmem:s31], [sflag:$0x4], $0x5000, s30, s29, $0x38;
	[tilespmem:$0x1E900] =	vst v63  }
0x6f5: {  	s16 =	simm.s32 $0x18100;
	s14 =	simm.s32 $0x400;
	s0 =	sand.u32 $0x4, s17  }
0x6f6: {  	s13 =	rddreg [dreg:$0x1c];
	s18 =	smul.u32 $0xCD0, s0;
	s5 =	sor.u32 $0x1, s0  }
0x6f7: {  	[hbm4b:s13+s14] =	stream.strided.scatter [tilespmem:s16], [sflag:$0x6], $0x1400, s15, s14, $0x38;
	[tilespmem:$0x1E900] =	vst v63  }
0x6f8: {  	s19 =	smul.u32 $0xCD0, s5  }
0x6f9: {  	s4 =	sor.u32 $0x3, s0;
	s20 =	sadd.s32 $0xA0, s18  }
0x6fa: {  	s21 =	sor.u32 $0x2, s0;
	s9 =	smul.u32 $0xCD0, s4;
	v1 =	vadd.s32 s20, v0;
	s6 =	sadd.s32 $0xA0, s19  }
0x6fb: {  	s25 =	simm.s32 $0x1;
	s24 =	smul.u32 $0xCD0, s21;
	v2 =	vadd.s32 s6, v0  }
0x6fc: {  	_ =	swait.ge [sflag:s25], $0x5000;
	s26 =	sadd.s32 $0xA0, s9  }
0x6fd: {  	[sflag:s25] =	ssyncset.done $0x0;
	s8 =	sadd.s32 $0xA0, s24;
	v6 =	vadd.s32 s26, v0  }
0x6fe: {  	[sflag:s25] =	ssyncadd.s32 $0xFFFFB000;
	v8 =	vadd.s32 s8, v0  }
0x6ff: {  	v3 =	vld.idx.msk [tilespmem:v1+s3+$0x0], $0xffff  }
0x700: {  	v5 =	vld.idx.msk [tilespmem:v2+s3+$0x0], $0xffff;
	_ =	sdelay $0x1  }
0x701: {  	v9 =	vld.idx.msk [tilespmem:v6+s3+$0x0], $0xffff  }
0x702: {  	v10 =	vld.idx.msk [tilespmem:v8+s3+$0x0], $0xffff  }
0x703: {  	v4 =	vmul.u32 $0x5, v3  }
0x704: {  	v7 =	vmul.u32 $0x5, v5  }
0x705: {  	v11 =	vadd.s32 $0x4, v4  }
0x706: {  	v12 =	vmul.u32 $0x5, v9;
	v9 =	vadd.s32 $0x4, v7  }
0x707: {  	v1 =	vld.idx.msk [tilespmem:v1+s10+$0x0], $0xffff;
	v5 =	vmul.u32 $0x5, v10  }
0x708: {  	v3 =	vld.idx.msk [tilespmem:v2+s10+$0x0], $0xffff;
	v10 =	vadd.s32 $0x4, v12  }
0x709: {  	v2 =	vld.idx.msk [tilespmem:v8+s10+$0x0], $0xffff;
	v8 =	vadd.s32 $0x4, v5  }
0x70a: {  	v11 =	vld.idx.msk [tilespmem:v11+s2+$0x0], $0xffff  }
0x70b: {  	v13 =	vld.idx.msk [tilespmem:v9+s2+$0x0], $0xffff  }
0x70c: {  	v9 =	vld.idx.msk [tilespmem:v6+s10+$0x0], $0xffff  }
0x70d: {  	v6 =	vld.idx.msk [tilespmem:v10+s2+$0x0], $0xffff  }
0x70e: {  	v8 =	vld.idx.msk [tilespmem:v8+s2+$0x0], $0xffff;
	_ =	sdelay $0x1  }
0x70f: {  	v10 =	vmul.f32 v11, v1  }
0x710: {  	s25 =	simm.s32 $0x4;
	v11 =	vmul.f32 v13, v3  }
0x711: {  	s22 =	sand.u32 $0x4, s25;
	v6 =	vmul.f32 v6, v9;
	v10 =	vmul.f32 $1.442695020e+00, v10  }
0x712: {  	s9 =	smul.u32 $0xCD0, s22;
	v8 =	vmul.f32 v8, v2;
	v11 =	vmul.f32 $1.442695020e+00, v11  }
0x713: {  	s24 =	sor.u32 $0x1, s22;
	v6 =	vmul.f32 $1.442695020e+00, v6;
	(erf) = vpow2.f32 v10  }
0x714: {  	s11 =	smul.u32 $0xCD0, s24;
	s6 =	sadd.s32 $0xA0, s9;
	(erf) = vpow2.f32 v11  }
0x715: {  	v10 =	vadd.s32 s6, v0;
	(erf) = vpow2.f32 v6;
	v6 =	vmul.f32 $1.442695020e+00, v8  }
0x716: {  	s0 =	sshll.u32 s0, $0x4;
	s12 =	sadd.s32 $0xA0, s11  }
0x717: {  	s13 =	simm.s32 $0x0;
	s16 =	simm.s32 $0x0;
	s26 =	sor.u32 $0x3, s22;
	v11 =	vadd.s32 s12, v0;
	(erf) = vpow2.f32 v6  }
0x718: {  	s15 =	sand.u32 $0x1C00, s13;
	s8 =	sand.u32 $0x380, s16;
	s17 =	smul.u32 $0xCD0, s26  }
0x719: {  	s5 =	sshll.u32 s5, $0x4;
	s4 =	sshll.u32 s4, $0x4;
	s6 =	sor.u32 s8, s15  }
0x71a: {  	s23 =	sor.u32 $0x2, s22;
	s18 =	sadd.s32 $0xA0, s17;
	s6 =	sadd.s32 $0x16D00, s6;
	v14 =	vld.idx.msk [tilespmem:v10+s3+$0x0], $0xffff  }
0x71b: {  	s21 =	sshll.u32 s21, $0x4;
	s14 =	smul.u32 $0xCD0, s23;
	v15 =	vadd.s32 s18, v0;
	s19 =	sor.u32 s5, s6;
	v6 =	vld.idx.msk [tilespmem:v10+s10+$0x0], $0xffff  }
0x71c: {  	s20 =	sor.u32 s4, s6;
	s1 =	sor.u32 s21, s6;
	s6 =	sor.u32 s0, s6;
	v8 =	vld.idx.msk [tilespmem:v11+s10+$0x0], $0xffff;
	v16 =	vpop (erf)  }
0x71d: {  	s9 =	sadd.s32 $0xA0, s14;
	v17 =	vld.idx.msk [tilespmem:v11+s3+$0x0], $0xffff;
	v10 =	vpop (erf);
	[tilespmem:s6+$0x0] =	vst v16  }
0x71e: {  	v13 =	vadd.s32 s9, v0;
	[tilespmem:s19+$0x0] =	vst v10;
	v22 =	vld.idx.msk [tilespmem:v4+s2+$0x0], $0xffff  }
0x71f: {  	v11 =	vpop (erf);
	v18 =	vld.idx.msk [tilespmem:v7+s2+$0x0], $0xffff  }
0x720: {  	v20 =	vld.idx.msk [tilespmem:v15+s3+$0x0], $0xffff;
	v10 =	vmul.u32 $0x5, v14;
	[tilespmem:s20+$0x0] =	vst v11;
	v11 =	vpop (erf)  }
0x721: {  	s11 =	simm.s32 $0x0;
	v14 =	vld.idx.msk [tilespmem:v12+s2+$0x0], $0xffff;
	[tilespmem:s1+$0x0] =	vst v11  }
0x722: {  	s12 =	sand.u32 $0x3FFFFE00, s11;
	v21 =	vadd.s32 $0x4, v10;
	v16 =	vld.idx.msk [tilespmem:v5+s2+$0x0], $0xffff  }
0x723: {  	v23 =	vadd.s32 $0x1, v7;
	v19 =	vld.idx.msk [tilespmem:v13+s3+$0x0], $0xffff;
	s13 =	sadd.s32 $0xCD00, s12;
	v22 =	vmul.f32 v22, v1  }
0x724: {  	s20 =	sor.u32 s0, s13;
	v11 =	vld.idx.msk [tilespmem:v13+s10+$0x0], $0xffff;
	v18 =	vmul.f32 v18, v3  }
0x725: {  	s19 =	sor.u32 s5, s13;
	[tilespmem:s20+$0x0] =	vst.add.f32.msk $0xffff, v22  }
0x726: {  	v27 =	vadd.s32 $0x1, v5;
	v13 =	vmul.f32 v14, v9;
	[tilespmem:s19+$0x0] =	vst.add.f32.msk $0xffff, v18  }
0x727: {  	v18 =	vld.idx.msk [tilespmem:v21+s2+$0x0], $0xffff;
	v21 =	vadd.s32 $0x1, v4;
	v14 =	vmul.f32 v16, v2;
	v16 =	vmul.u32 $0x5, v17  }
0x728: {  	v24 =	vadd.s32 $0x1, v12;
	s1 =	sor.u32 s4, s13;
	v26 =	vld.idx.msk [tilespmem:v23+s2+$0x0], $0xffff  }
0x729: {  	s21 =	sor.u32 s21, s13;
	[tilespmem:s1+$0x0] =	vst.add.f32.msk $0xffff, v13;
	v23 =	vadd.s32 $0x4, v16  }
0x72a: {  	s14 =	simm.s32 $0x40;
	s15 =	simm.s32 $0x40;
	v13 =	vmul.u32 $0x5, v19;
	[tilespmem:s21+$0x0] =	vst.add.f32.msk $0xffff, v14;
	v14 =	vmul.u32 $0x5, v20  }
0x72b: {  	s16 =	sand.u32 $0x1C00, s14;
	s18 =	simm.s32 $0x100;
	s17 =	sand.u32 $0x380, s15;
	v22 =	vld.idx.msk [tilespmem:v27+s2+$0x0], $0xffff  }
0x72c: {  	s6 =	sand.u32 $0x3FFFFE00, s18;
	s0 =	sor.u32 s17, s16;
	v19 =	vadd.s32 $0x4, v13;
	v17 =	vld.idx.msk [tilespmem:v21+s2+$0x0], $0xffff;
	v20 =	vadd.s32 $0x4, v14  }
0x72d: {  	s12 =	sor.u32 $0x80, s19;
	s4 =	sadd.s32 $0x16D00, s0;
	s0 =	simm.s32 $0x80;
	v21 =	vld.idx.msk [tilespmem:v24+s2+$0x0], $0xffff;
	v25 =	vmul.f32 v18, v6;
	v18 =	vadd.s32 $0x2, v7;
	v24 =	vmul.f32 v26, v3  }
.LBB2_18:
0x72e: {  	s25 =	sadd.s32 $0x4, s25;
	s8 =	sand.u32 $0x1C00, s0;
	v23 =	vld.idx.msk [tilespmem:v23+s2+$0x0], $0xffff;
	s9 =	sor.u32 $0x80, s1  }
0x72f: {  	s5 =	sshrl.u32 s25, $0x3;
	s14 =	sand.u32 $0x4, s25;
	s11 =	sshll.u32 s25, $0x4;
	v25 =	vmul.f32 $1.442695020e+00, v25;
	[tilespmem:s12+$0x0] =	vst.add.f32.msk $0xffff, v24  }
0x730: {  	s15 =	smul.u32 $0xCD0, s14;
	s12 =	sor.u32 $0x1, s14;
	s13 =	sor.u32 $0x3, s14;
	v24 =	vld.idx.msk [tilespmem:v15+s10+$0x0], $0xffff;
	v15 =	vadd.s32 $0x2, v12  }
0x731: {  	s16 =	sadd.s32 $0xA0, s5;
	s5 =	sor.u32 $0x2, s14;
	s17 =	smul.u32 $0xCD0, s12;
	v20 =	vld.idx.msk [tilespmem:v20+s2+$0x0], $0xffff;
	(erf) = vpow2.f32 v25  }
0x732: {  	s11 =	sand.u32 $0x380, s11;
	s18 =	smul.u32 $0xCD0, s13;
	v25 =	vadd.s32 $0x2, v5;
	v21 =	vmul.f32 v21, v9;
	s15 =	sadd.s32 s15, s16;
	v18 =	vld.idx.msk [tilespmem:v18+s2+$0x0], $0xffff  }
0x733: {  	s8 =	sor.u32 s11, s8;
	v22 =	vmul.f32 v22, v2;
	v26 =	vadd.s32 s15, v0;
	s11 =	sadd.s32 s17, s16;
	s17 =	smul.u32 $0xCD0, s5;
	v19 =	vld.idx.msk [tilespmem:v19+s2+$0x0], $0xffff  }
0x734: {  	s15 =	sadd.s32 $0x16D00, s8;
	s8 =	sshll.u32 s25, $0x6;
	v23 =	vmul.f32 v23, v8;
	v27 =	vadd.s32 s11, v0;
	s11 =	sadd.s32 s18, s16;
	[tilespmem:s9+$0x0] =	vst.add.f32.msk $0xffff, v21  }
0x735: {  	s9 =	sand.u32 $0x3FFFFE00, s8;
	s8 =	sadd.s32 s17, s16;
	s16 =	sor.u32 $0x80, s21;
	v21 =	vld.idx.msk [tilespmem:v15+s2+$0x0], $0xffff  }
0x736: {  	p0 =	slt.u32 s25, $0x13C;
	v23 =	vmul.f32 $1.442695020e+00, v23;
	v28 =	vadd.s32 s8, v0;
	[tilespmem:s16+$0x0] =	vst.add.f32.msk $0xffff, v22  }
0x737: {  	v15 =	vadd.s32 s11, v0;
	v20 =	vmul.f32 v20, v24;
	v22 =	vadd.s32 $0x3, v7;
	v7 =	vmovc v16;
	v25 =	vld.idx.msk [tilespmem:v25+s2+$0x0], $0xffff  }
0x738: {  	v18 =	vmul.f32 v18, v3;
	v16 =	vld.idx.msk [tilespmem:v26+s3+$0x0], $0xffff  }
0x739: {  	v29 =	vadd.s32 $0x3, v12;
	v12 =	vmovc v14;
	v19 =	vmul.f32 v19, v11;
	v20 =	vmul.f32 $1.442695020e+00, v20;
	v26 =	vld.idx.msk [tilespmem:v26+s10+$0x0], $0xffff  }
0x73a: {  	s11 =	sshll.u32 s22, $0x4;
	s22 =	smov.u32 s14;
	v14 =	vld.idx.msk [tilespmem:v27+s10+$0x0], $0xffff;
	v30 =	vpop (erf);
	(erf) = vpow2.f32 v23  }
0x73b: {  	s8 =	sor.u32 s11, s4;
	(erf) = vpow2.f32 v20;
	[tilespmem:s19+$0x100] =	vst.add.f32.msk $0xffff, v18;
	v18 =	vmul.f32 v21, v9  }
0x73c: {  	v17 =	vmul.f32 v17, v1;
	v19 =	vmul.f32 $1.442695020e+00, v19;
	v20 =	vadd.s32 $0x2, v4;
	[tilespmem:s8+$0x0] =	vst v30;
	v21 =	vld.idx.msk [tilespmem:v22+s2+$0x0], $0xffff  }
0x73d: {  	v22 =	vmul.f32 v25, v2;
	[tilespmem:s1+$0x100] =	vst.add.f32.msk $0xffff, v18  }
0x73e: {  	(erf) = vpow2.f32 v19;
	v18 =	vld.idx.msk [tilespmem:v29+s2+$0x0], $0xffff  }
0x73f: {  	s8 =	sor.u32 $0x80, s20;
	v19 =	vld.idx.msk [tilespmem:v27+s3+$0x0], $0xffff  }
0x740: {  	[tilespmem:s8+$0x0] =	vst.add.f32.msk $0xffff, v17;
	v17 =	vadd.s32 $0x3, v5;
	v5 =	vmov v13  }
0x741: {  	v13 =	vld.idx.msk [tilespmem:v20+s2+$0x0], $0xffff  }
0x742: {  	v21 =	vmul.f32 v21, v3;
	v3 =	vmov v8;
	v8 =	vmov v14;
	v20 =	vld.idx.msk [tilespmem:v28+s3+$0x0], $0xffff  }
0x743: {  	s16 =	sadd.s32 $0xCD00, s6;
	s6 =	sshll.u32 s24, $0x4;
	s24 =	smov.u32 s12;
	v14 =	vld.idx.msk [tilespmem:v15+s3+$0x0], $0xffff;
	v23 =	vpop (erf)  }
0x744: {  	s17 =	sshll.u32 s26, $0x4;
	s14 =	sor.u32 s6, s16;
	s8 =	sor.u32 s6, s4;
	v18 =	vmul.f32 v18, v9;
	v9 =	vmov v24;
	v25 =	vpop (erf);
	[tilespmem:s21+$0x100] =	vst.add.f32.msk $0xffff, v22  }
0x745: {  	s26 =	smov.u32 s13;
	s12 =	sor.u32 $0x80, s14;
	v16 =	vmul.u32 $0x5, v16;
	s6 =	sor.u32 s17, s4;
	[tilespmem:s8+$0x0] =	vst v23;
	v17 =	vld.idx.msk [tilespmem:v17+s2+$0x0], $0xffff  }
0x746: {  	v23 =	vadd.s32 $0x3, v4;
	v4 =	vmov v10;
	v22 =	vld.idx.msk [tilespmem:v7+s2+$0x0], $0xffff;
	[tilespmem:s6+$0x0] =	vst v25;
	s6 =	smov.u32 s9  }
0x747: {  	v24 =	vadd.s32 $0x4, v16;
	v10 =	vmov v16;
	v13 =	vmul.f32 v13, v1;
	v25 =	vpop (erf);
	[tilespmem:s1+$0x180] =	vst.add.f32.msk $0xffff, v18  }
0x748: {  	[tilespmem:s19+$0x180] =	vst.add.f32.msk $0xffff, v21;
	s19 =	smov.u32 s14  }
0x749: {  	s8 =	sshll.u32 s23, $0x4;
	s23 =	smov.u32 s5;
	v18 =	vld.idx.msk [tilespmem:v12+s2+$0x0], $0xffff  }
0x74a: {  	s1 =	sor.u32 s8, s4;
	s4 =	smov.u32 s15;
	[tilespmem:s20+$0x100] =	vst.add.f32.msk $0xffff, v13  }
0x74b: {  	v14 =	vmul.u32 $0x5, v14;
	v13 =	vmul.u32 $0x5, v20;
	v17 =	vmul.f32 v17, v2;
	v2 =	vmovc v11;
	[tilespmem:s1+$0x0] =	vst v25;
	v21 =	vld.idx.msk [tilespmem:v23+s2+$0x0], $0xffff  }
0x74c: {  	v22 =	vmul.f32 v22, v3;
	v25 =	vld.idx.msk [tilespmem:v5+s2+$0x0], $0xffff  }
0x74d: {  	v16 =	vmul.u32 $0x5, v19;
	v20 =	vadd.s32 $0x4, v14;
	v19 =	vadd.s32 $0x4, v13;
	v11 =	vld.idx.msk [tilespmem:v28+s10+$0x0], $0xffff  }
0x74e: {  	v28 =	vadd.s32 $0x1, v7;
	v27 =	vld.idx.msk [tilespmem:v4+s2+$0x0], $0xffff  }
0x74f: {  	v23 =	vadd.s32 $0x4, v16;
	v18 =	vmul.f32 v18, v9;
	[tilespmem:s21+$0x180] =	vst.add.f32.msk $0xffff, v17  }
0x750: {  	[tilespmem:s19+$0x0] =	vst.add.f32.msk $0xffff, v22  }
0x751: {  	s1 =	sor.u32 s17, s16;
	v17 =	vmul.f32 v21, v1;
	v1 =	vmov v6;
	v6 =	vmov v26;
	v22 =	vld.idx.msk [tilespmem:v24+s2+$0x0], $0xffff  }
0x752: {  	v21 =	vadd.s32 $0x1, v4;
	v24 =	vmul.f32 v25, v2;
	[tilespmem:s1+$0x0] =	vst.add.f32.msk $0xffff, v18  }
0x753: {  	s21 =	sor.u32 s8, s16;
	v25 =	vadd.s32 $0x1, v12;
	v18 =	vld.idx.msk [tilespmem:v28+s2+$0x0], $0xffff  }
0x754: {  	v26 =	vmul.f32 v27, v1;
	v27 =	vadd.s32 $0x1, v5;
	[tilespmem:s21+$0x0] =	vst.add.f32.msk $0xffff, v24  }
.Ltmp8:
0x755: {  	[tilespmem:s20+$0x180] =	vst.add.f32.msk $0xffff, v17;
	s20 =	sor.u32 s11, s16;
	(pc) =	sbr.rel @p0 .LBB2_18-.Ltmp8, $4  }
0x756: {  	[tilespmem:s20+$0x0] =	vst.add.f32.msk $0xffff, v26  }
0x757: {  	v17 =	vld.idx.msk [tilespmem:v21+s2+$0x0], $0xffff  }
0x758: {  	v21 =	vld.idx.msk [tilespmem:v25+s2+$0x0], $0xffff  }
0x759: {  	s0 =	sadd.s32 $0x40, s0;
	v25 =	vmul.f32 v22, v6;
	v24 =	vmul.f32 v18, v3;
	v18 =	vadd.s32 $0x2, v7;
	v22 =	vld.idx.msk [tilespmem:v27+s2+$0x0], $0xffff  }
0x75a: {  	_ =	sdelay $0x3  }
0x75b: {  	v23 =	vld.idx.msk [tilespmem:v23+s2+$0x0], $0xffff  }
0x75c: {  	v15 =	vld.idx.msk [tilespmem:v15+s10+$0x0], $0xffff  }
0x75d: {  	v20 =	vld.idx.msk [tilespmem:v20+s2+$0x0], $0xffff  }
0x75e: {  	v19 =	vld.idx.msk [tilespmem:v19+s2+$0x0], $0xffff  }
0x75f: {  	v44 =	vadd.s32 $0x2, v4;
	v25 =	vmul.f32 $1.442695020e+00, v25;
	[tilespmem:s12+$0x0] =	vst.add.f32.msk $0xffff, v24  }
0x760: {  	v17 =	vmul.f32 v17, v1;
	v18 =	vld.idx.msk [tilespmem:v18+s2+$0x0], $0xffff  }
0x761: {  	s18 =	sor.u32 $0x80, s20;
	v40 =	vadd.s32 $0x2, v5;
	(erf) = vpow2.f32 v25;
	v25 =	vmul.f32 v21, v9  }
0x762: {  	s0 =	sor.u32 $0x80, s1;
	[tilespmem:s18+$0x0] =	vst.add.f32.msk $0xffff, v17  }
0x763: {  	v7 =	vadd.s32 $0x3, v7;
	v26 =	vmul.f32 v22, v2;
	v23 =	vmul.f32 v23, v8;
	[tilespmem:s0+$0x0] =	vst.add.f32.msk $0xffff, v25  }
0x764: {  	v63 =	vadd.s32 $0x2, v12;
	s17 =	sor.u32 $0x80, s21;
	v20 =	vmul.f32 v20, v15;
	v19 =	vmul.f32 v19, v11;
	v51 =	vld.idx.msk [tilespmem:v44+s2+$0x0], $0xffff  }
0x765: {  	[tilespmem:s17+$0x0] =	vst.add.f32.msk $0xffff, v26;
	v23 =	vmul.f32 $1.442695020e+00, v23;
	v48 =	vmul.f32 v18, v3  }
0x766: {  	v20 =	vmul.f32 $1.442695020e+00, v20;
	v42 =	vld.idx.msk [tilespmem:v40+s2+$0x0], $0xffff  }
0x767: {  	v19 =	vmul.f32 $1.442695020e+00, v19;
	(erf) = vpow2.f32 v23;
	[tilespmem:s19+$0x100] =	vst.add.f32.msk $0xffff, v48  }
0x768: {  	(erf) = vpow2.f32 v20;
	v7 =	vld.idx.msk [tilespmem:v7+s2+$0x0], $0xffff  }
0x769: {  	s5 =	sshll.u32 s24, $0x4;
	s8 =	sshll.u32 s26, $0x4;
	v18 =	vmul.f32 v51, v1;
	(erf) = vpow2.f32 v19;
	v19 =	vld.idx.msk [tilespmem:v63+s2+$0x0], $0xffff  }
0x76a: {  	s9 =	sshll.u32 s23, $0x4;
	s11 =	sshll.u32 s22, $0x4;
	s24 =	sor.u32 s5, s4  }
0x76b: {  	s25 =	sor.u32 s8, s4;
	s26 =	sor.u32 s9, s4;
	s4 =	sor.u32 s11, s4;
	v27 =	vpop (erf);
	[tilespmem:s20+$0x100] =	vst.add.f32.msk $0xffff, v18  }
0x76c: {  	v55 =	vadd.s32 $0x3, v4;
	v52 =	vmul.f32 v42, v2;
	[tilespmem:s4+$0x0] =	vst v27  }
0x76d: {  	v34 =	vld.idx.msk [tilespmem:v10+s2+$0x0], $0xffff;
	v3 =	vmul.f32 v7, v3  }
0x76e: {  	v50 =	vadd.s32 $0x3, v5;
	[tilespmem:s21+$0x100] =	vst.add.f32.msk $0xffff, v52;
	v19 =	vmul.f32 v19, v9  }
0x76f: {  	[tilespmem:s19+$0x180] =	vst.add.f32.msk $0xffff, v3  }
0x770: {  	v30 =	vadd.s32 $0x3, v12;
	v28 =	vpop (erf);
	[tilespmem:s1+$0x100] =	vst.add.f32.msk $0xffff, v19  }
0x771: {  	v4 =	vld.idx.msk [tilespmem:v55+s2+$0x0], $0xffff;
	[tilespmem:s24+$0x0] =	vst v28  }
0x772: {  	v29 =	vpop (erf);
	v17 =	vld.idx.msk [tilespmem:v16+s2+$0x0], $0xffff  }
0x773: {  	v39 =	vadd.s32 $0x1, v10;
	v5 =	vld.idx.msk [tilespmem:v50+s2+$0x0], $0xffff;
	[tilespmem:s25+$0x0] =	vst v29  }
0x774: {  	s6 =	sadd.s32 $0xCD00, s6;
	v31 =	vpop (erf);
	v32 =	vld.idx.msk [tilespmem:v14+s2+$0x0], $0xffff  }
0x775: {  	v35 =	vadd.s32 $0x1, v16;
	s12 =	sor.u32 s5, s6;
	v12 =	vld.idx.msk [tilespmem:v30+s2+$0x0], $0xffff;
	v21 =	vmul.f32 v34, v6;
	[tilespmem:s26+$0x0] =	vst v31  }
0x776: {  	s13 =	sor.u32 s8, s6;
	s14 =	sor.u32 s9, s6;
	s6 =	sor.u32 s11, s6;
	v33 =	vld.idx.msk [tilespmem:v13+s2+$0x0], $0xffff  }
0x777: {  	v37 =	vadd.s32 $0x1, v14;
	[tilespmem:s6+$0x0] =	vst.add.f32.msk $0xffff, v21;
	v17 =	vmul.f32 v17, v8  }
0x778: {  	v21 =	vld.idx.msk [tilespmem:v39+s2+$0x0], $0xffff  }
0x779: {  	v38 =	vadd.s32 $0x1, v13;
	v36 =	vmul.f32 v32, v15;
	[tilespmem:s12+$0x0] =	vst.add.f32.msk $0xffff, v17  }
0x77a: {  	v23 =	vld.idx.msk [tilespmem:v35+s2+$0x0], $0xffff  }
0x77b: {  	v56 =	vadd.s32 $0x2, v10;
	v20 =	vmul.f32 v33, v11;
	[tilespmem:s13+$0x0] =	vst.add.f32.msk $0xffff, v36  }
0x77c: {  	v17 =	vld.idx.msk [tilespmem:v37+s2+$0x0], $0xffff  }
0x77d: {  	v49 =	vadd.s32 $0x2, v16;
	v47 =	vmul.f32 v21, v6;
	[tilespmem:s14+$0x0] =	vst.add.f32.msk $0xffff, v20  }
0x77e: {  	s18 =	sor.u32 $0x80, s6;
	v19 =	vld.idx.msk [tilespmem:v38+s2+$0x0], $0xffff  }
0x77f: {  	v53 =	vadd.s32 $0x2, v14;
	[tilespmem:s18+$0x0] =	vst.add.f32.msk $0xffff, v47;
	v43 =	vmul.f32 v23, v8  }
0x780: {  	s15 =	sor.u32 $0x80, s12;
	v59 =	vld.idx.msk [tilespmem:v56+s2+$0x0], $0xffff  }
0x781: {  	v54 =	vadd.s32 $0x2, v13;
	v45 =	vmul.f32 v17, v15;
	[tilespmem:s15+$0x0] =	vst.add.f32.msk $0xffff, v43  }
0x782: {  	s16 =	sor.u32 $0x80, s13;
	v17 =	vld.idx.msk [tilespmem:v49+s2+$0x0], $0xffff  }
0x783: {  	v61 =	vadd.s32 $0x3, v10;
	v46 =	vmul.f32 v19, v11;
	[tilespmem:s16+$0x0] =	vst.add.f32.msk $0xffff, v45  }
0x784: {  	s17 =	sor.u32 $0x80, s14;
	v41 =	vmul.f32 v12, v9;
	v12 =	vld.idx.msk [tilespmem:v53+s2+$0x0], $0xffff  }
0x785: {  	v57 =	vadd.s32 $0x3, v16;
	v62 =	vmul.f32 v59, v6;
	[tilespmem:s17+$0x0] =	vst.add.f32.msk $0xffff, v46  }
0x786: {  	v9 =	vld.idx.msk [tilespmem:v54+s2+$0x0], $0xffff  }
0x787: {  	v58 =	vadd.s32 $0x3, v14;
	[tilespmem:s6+$0x100] =	vst.add.f32.msk $0xffff, v62;
	v17 =	vmul.f32 v17, v8  }
0x788: {  	v63 =	vld.idx.msk [tilespmem:v61+s2+$0x0], $0xffff  }
0x789: {  	v60 =	vadd.s32 $0x3, v13;
	v12 =	vmul.f32 v12, v15;
	[tilespmem:s12+$0x100] =	vst.add.f32.msk $0xffff, v17  }
0x78a: {  	v16 =	vld.idx.msk [tilespmem:v57+s2+$0x0], $0xffff  }
0x78b: {  	v9 =	vmul.f32 v9, v11;
	[tilespmem:s13+$0x100] =	vst.add.f32.msk $0xffff, v12  }
0x78c: {  	v12 =	vld.idx.msk [tilespmem:v58+s2+$0x0], $0xffff  }
0x78d: {  	v1 =	vmul.f32 v4, v1;
	[tilespmem:s14+$0x100] =	vst.add.f32.msk $0xffff, v9  }
0x78e: {  	v2 =	vmul.f32 v5, v2;
	v13 =	vld.idx.msk [tilespmem:v60+s2+$0x0], $0xffff  }
0x78f: {  	[tilespmem:s20+$0x180] =	vst.add.f32.msk $0xffff, v1  }
0x790: {  	[tilespmem:s21+$0x180] =	vst.add.f32.msk $0xffff, v2;
	v1 =	vmul.f32 v16, v8  }
0x791: {  	[tilespmem:s1+$0x180] =	vst.add.f32.msk $0xffff, v41;
	v2 =	vmul.f32 v12, v15  }
0x792: {  	[tilespmem:s12+$0x180] =	vst.add.f32.msk $0xffff, v1;
	v1 =	vmul.f32 v63, v6  }
0x793: {  	[tilespmem:s13+$0x180] =	vst.add.f32.msk $0xffff, v2;
	v2 =	vmul.f32 v13, v11  }
0x794: {  	[tilespmem:s6+$0x180] =	vst.add.f32.msk $0xffff, v1  }
0x795: {  	[tilespmem:s14+$0x180] =	vst.add.f32.msk $0xffff, v2  }
0x796: {  	s22 =	simm.s32 $0x16D00;
	s20 =	simm.s32 $0x400;
	s0 =	rddreg [dreg:$0x19]  }
0x797: {  	[hbm4b:s0+s29] =	stream.strided.scatter [tilespmem:s28], [sflag:$0x3], $0x5000, s30, s29, $0x38;
	[tilespmem:$0x1E900] =	vst v63  }
0x798: {  	s21 =	simm.s32 $0x8000;
	s17 =	simm.s32 $0x4;
	s19 =	rddreg [dreg:$0x1d]  }
0x799: {  	[hbm4b:s19+s20] =	stream.strided.scatter [tilespmem:s22], [sflag:$0x5], $0x1400, s21, s20, $0x38;
	[tilespmem:$0x1E900] =	vst v63  }
0x79a: {  	_ =	swait.ge [sflag:s17], $0x5000  }
0x79b: {  	[sflag:s17] =	ssyncset.done $0x0  }
0x79c: {  	s23 =	simm.s32 $0x6;
	[sflag:s17] =	ssyncadd.s32 $0xFFFFB000  }
0x79d: {  	_ =	swait.ge [sflag:s23], $0x1400  }
0x79e: {  	[sflag:s23] =	ssyncset.done $0x0  }
0x79f: {  	[sflag:s23] =	ssyncadd.s32 $0xFFFFEC00  }
0x7a0: {  	_ =	swait.ge [sflag:s7], $0x5000  }
0x7a1: {  	[sflag:s7] =	ssyncset.done $0x0  }
0x7a2: {  	s24 =	simm.s32 $0x5;
	[sflag:s7] =	ssyncadd.s32 $0xFFFFB000  }
0x7a3: {  	_ =	swait.ge [sflag:s24], $0x1400  }
0x7a4: {  	s25 =	rddreg [dreg:$0x1e]  }
0x7a5: {  	s26 =	rddreg [dreg:$0x1b];
	s4 =	sadd.s32 $0x1, s25  }
0x7a6: {  	p0 =	sne.s32 s4, s26  }
.Ltmp9:
0x7a7: {  	_ = 	snop;
	(pc) =	sbr.rel @p0 .LBB2_1-.Ltmp9, $3  }
0x7a8: {  	_ =	sdelay $0x1  }
0x7a9: {  	s8 =	simm.s32 $0x1A900;
	[sflag:s24] =	ssyncset.done $0x0  }
0x7aa: {  	s16 =	simm.s32 $0x1C900;
	s14 =	rddreg [dreg:$0x7];
	[sflag:s24] =	ssyncadd.s32 $0xFFFFEC00  }
0x7ab: {  	_ =	sfence.sel $0x180000  }
0x7ac: {  	[bflag:$0x0] =	sbarrier.arrive $0xFFFF  }
0x7ad: {  	_ =	strace $0x90000047  }
0x7ae: {  	s0 =	stileid.u32;
	[bflag:$0x2] =	sbarrier.arrive $0xFFFF  }
0x7af: {  	p0 =	sne.s32 s0, $0x0;
	s0 =	rddreg [dreg:$0x5]  }
0x7b0: {  	s0 =	sadd.s32 @!p0 $0x100000, s0  }
0x7b1: {  	[sflag:s0] =	ssyncadd.tile.s32 @!p0 $0x1;
	_ =	shalt  }
.Lfunc_end2:
_tile_overlayer_lowered:
.L_overlay_start_2:
0x7b2: {  	(tag) =	ssettag $0x2  }
0x7b3: {  	s0 =	rddreg [dreg:$0x0];
	s2 =	stileid.u32  }
0x7b4: {  	s1 =	rddreg [dreg:$0x1];
	p0 =	sne.s32 s2, $0x0  }
0x7b5: {  	s3 =	rddreg [dreg:$0x2];
	[bflag:$0x3] =	sbarrier.arrive $0xFFFF;
	s2 =	simm.s32 @!p0 $0x1C07  }
0x7b6: {  	[timem:s3], [sflag:s2] =	dma.local @!p0 [hbm:s0], s1  }
0x7b7: {  	s0 =	simm.s32 @!p0 $0x7  }
0x7b8: {  	_ =	swait.ge @!p0 [sflag:s0], s1  }
0x7b9: {  	s1 =	ssub.s32 @!p0 $0x0, s1;
	[sflag:s0] =	ssyncset.done @!p0 $0x0  }
0x7ba: {  	[sflag:s0] =	ssyncadd.s32 @!p0 s1  }
0x7bb: {  	[bflag:$0x3] =	sbarrier.arrive $0xFFFF  }
0x7bc: {  	_ =	shalt  }

</sc_bundles>
